<compile_context>
chip_gen: v7x
topology: tpu7x:2x2x1
jax: 0.10.2.dev20260603
libtpu: 0.0.44.dev20260713+nightly
codegen_flags: <defaults>
</compile_context>

<pallas_src>
import functools
import jax
import jax.numpy as jnp
from jax import lax
from jax.experimental import pallas as pl
from jax.experimental.pallas import tpu as pltpu
from jax.experimental.pallas import tpu_sc as plsc

IN_F = 784
OUT_F = 128
NK = 20
NB = 512
NWORK = 32
RPW = NB // NWORK
NCH = IN_F // 16
UNR = 4

_FMAX = float(jnp.finfo(jnp.float32).max)
_FMIN = float(jnp.finfo(jnp.float32).min)


def _first(x):
    return x[0] if isinstance(x, (tuple, list)) else x


def _sortd(c):
    return _first(plsc.sort_key_val(c, c, descending=True))


def _sorta(c):
    return _first(plsc.sort_key_val(c, c))


def _merge1(st, c):
    A, B, A2, B2 = st
    sa = _sorta(c)
    hi = jnp.maximum(A, sa)
    lo = jnp.minimum(A, sa)
    A = _sortd(hi)
    B = _sortd(jnp.maximum(B, _sorta(lo)))
    lo2 = jnp.minimum(A2, sa)
    hi2 = jnp.maximum(A2, sa)
    A2 = _sortd(lo2)
    B2 = _sortd(jnp.minimum(B2, _sorta(hi2)))
    return A, B, A2, B2


def _merge2(st, c1, c2):
    A, B, A2, B2 = st
    sa1 = _sorta(c1)
    sd2 = _sortd(c2)
    hi = jnp.maximum(sa1, sd2)
    lo = jnp.minimum(sa1, sd2)
    Ha = _sorta(hi)
    La = _sorta(lo)
    u1 = jnp.maximum(A, La)
    u2 = jnp.maximum(B, Ha)
    A = _sortd(jnp.maximum(u1, u2))
    B = _sortd(jnp.minimum(u1, u2))
    w1 = jnp.minimum(B2, La)
    w2 = jnp.minimum(A2, Ha)
    B2 = _sortd(jnp.maximum(w1, w2))
    A2 = _sortd(jnp.minimum(w1, w2))
    return A, B, A2, B2


def _sc_corr(x_flat, w_flat):
    mesh = plsc.VectorSubcoreMesh(core_axis_name="c", subcore_axis_name="s")

    @functools.partial(
        pl.kernel, mesh=mesh,
        compiler_params=pltpu.CompilerParams(needs_layout_passes=False),
        out_type=jax.ShapeDtypeStruct((NB * OUT_F,), jnp.float32),
        scratch_types=[
            pltpu.VMEM((RPW * IN_F,), jnp.float32),
            pltpu.VMEM((OUT_F * IN_F,), jnp.float32),
            pltpu.VMEM((RPW * OUT_F,), jnp.float32),
        ],
    )
    def sck(x_hbm, w_hbm, out_hbm, xv, wv, cv):
        wid = lax.axis_index("s") * 2 + lax.axis_index("c")
        pltpu.sync_copy(x_hbm.at[pl.ds(wid * (RPW * IN_F), RPW * IN_F)], xv)
        pltpu.sync_copy(w_hbm, wv)

        lanes = lax.iota(jnp.int32, 16)
        four = jnp.int32(4)
        zero = jnp.zeros((16,), jnp.float32)

        def o_body(og, r):
            acc = zero
            for g in range(16 // UNR):
                o0 = og * 16 + g * UNR

                def j_body(j, st, o0=o0):
                    xs1 = xv[pl.ds(r * IN_F + j * 32, 16)]
                    xs2 = xv[pl.ds(r * IN_F + j * 32 + 16, 16)]
                    out = []
                    for u in range(UNR):
                        ws1 = wv[pl.ds((o0 + u) * IN_F + j * 32, 16)]
                        ws2 = wv[pl.ds((o0 + u) * IN_F + j * 32 + 16, 16)]
                        out.append(_merge2(st[u], xs1 * ws1, xs2 * ws2))
                    return tuple(out)

                init1 = (jnp.full((16,), _FMIN, jnp.float32),
                         jnp.full((16,), _FMIN, jnp.float32),
                         jnp.full((16,), _FMAX, jnp.float32),
                         jnp.full((16,), _FMAX, jnp.float32))
                st = lax.fori_loop(0, NCH // 2, j_body, (init1,) * UNR)
                xst = xv[pl.ds(r * IN_F + (NCH - 1) * 16, 16)]
                st = tuple(
                    _merge1(st[u],
                            xst * wv[pl.ds((o0 + u) * IN_F + (NCH - 1) * 16, 16)])
                    for u in range(UNR))

                for u in range(UNR):
                    A, B, A2, B2 = st[u]
                    top20 = jnp.sum(A) + jnp.sum(jnp.where(lanes < four, B, zero))
                    bot20 = jnp.sum(A2) + jnp.sum(jnp.where(lanes >= jnp.int32(12), B2, zero))
                    acc = jnp.where(lanes == jnp.int32(g * UNR + u),
                                    -(top20 + bot20), acc)
            cv[pl.ds(r * OUT_F + og * 16, 16)] = acc
            return r

        def r_body(r, _):
            lax.fori_loop(0, OUT_F // 16, o_body, r)
            return 0

        lax.fori_loop(0, RPW, r_body, 0)
        pltpu.sync_copy(cv, out_hbm.at[pl.ds(wid * (RPW * OUT_F), RPW * OUT_F)])

    return sck(x_flat, w_flat)


def _tc_body(x_ref, w_ref, b_ref, c_ref, o_ref):
    dot = jax.lax.dot_general(
        x_ref[...], w_ref[...], dimension_numbers=(((1,), (1,)), ((), ())),
        preferred_element_type=jnp.float32)
    o_ref[...] = dot + c_ref[...] + b_ref[...]


def kernel(x, W, b):
    corr = _sc_corr(x.reshape(-1), W.reshape(-1)).reshape(NB, OUT_F)
    b2 = b.reshape(1, OUT_F)
    return pl.pallas_call(
        _tc_body,
        out_shape=jax.ShapeDtypeStruct((NB, OUT_F), jnp.float32),
    )(x, W, b2, corr)

# --- scband reference (transcript-rebuilt; emitter-appended) ---
"""Pipeline reference for scband-fast-trunc-16045997818607 (READ-ONLY COPY).

The authoritative reference and input builder live on the scoring server;
editing this copy changes nothing except your own understanding.
"""

import jax, jax.numpy as jnp
import numpy as np

IN_FEATURES = 784
OUT_FEATURES = 128
K = 20
BATCH = 512

def setup_inputs(seed: int = 0) -> dict:
    key = jax.random.key(seed)
    k1, k2, k3 = jax.random.split(key, 3)
    k0 = float(np.sqrt(1.0 / IN_FEATURES))
    x = jax.random.normal(k1, (BATCH, IN_FEATURES), dtype=jnp.float32)
    # w = -1 * (-2*k0*rand(out,in) + k0)  (torch uniform[0,1))
    W = -1.0 * (-2.0 * k0 * jax.random.uniform(k2, (OUT_FEATURES, IN_FEATURES), dtype=jnp.float32) + k0)
    b = -1.0 * (-2.0 * k0 * jax.random.uniform(k3, (OUT_FEATURES,), dtype=jnp.float32) + k0)
    return {"x": x, "W": W, "b": b}

def reference(x, W, b):
    # x_vals = x.clone().detach()
    x_vals = jax.lax.stop_gradient(x)
    out = jnp.matmul(x, W.T)
    # temp: [B, out_features, in_features]
    temp = x_vals.reshape(-1, 1, IN_FEATURES) * W
    val_1, _ = jax.lax.top_k(temp, K)
    val_2, _ = jax.lax.top_k(-1.0 * temp, K)
    out = out - val_1.sum(axis=-1)
    out = out + val_2.sum(axis=-1)
    out = out + b
    return out

if __name__ == "__main__":
    import jax
    _d = setup_inputs()
    print(jax.jit(kernel)(*tuple(_d.values())))

</pallas_src>

<mosaic_0001>
#map = affine_map<(d0, d1) -> (0)>
module attributes {stable_mosaic.version = 14 : i64} {
  func.func @sck(%arg0: i32, %arg1: i32, %arg2: memref<401408xf32, #tpu.memory_space<hbm>>, %arg3: memref<100352xf32, #tpu.memory_space<hbm>>, %arg4: memref<65536xf32, #tpu.memory_space<hbm>>, %arg5: memref<12544xf32, #tpu.memory_space<vmem>>, %arg6: memref<100352xf32, #tpu.memory_space<vmem>>, %arg7: memref<2048xf32, #tpu.memory_space<vmem>>) attributes {dimension_semantics = [#tpu.dimension_semantics<core_parallel>, #tpu.dimension_semantics<subcore_parallel>], iteration_bounds = array<i64: 2, 16>, scalar_prefetch = 0 : i64, scratch_operands = 3 : i64, tpu.core_type = #tpu.core_type<sc_vector_subcore>, window_params = [{transform_indices = #map}, {transform_indices = #map}, {transform_indices = #map}]} {
    %mul3A = arith.constant 2 : i32
    %mul3A_0 = arith.muli %arg1, %mul3A : i32
    %add3A = arith.addi %mul3A_0, %arg0 : i32
    %mul3A_1 = arith.constant 12544 : i32
    %mul3A_2 = arith.muli %add3A, %mul3A_1 : i32
    "tpu.region"() ({
      %run_scoped3A = tpu.sem_alloc : memref<!tpu.dma_semaphore, #tpu.memory_space<semaphore_mem>>
      %dma_start3A = tpu.memref_slice %arg2[%mul3A_2] : memref<401408xf32, #tpu.memory_space<hbm>> -> memref<12544xf32, #tpu.memory_space<hbm>>
      %dma_start3A_13 = tpu.memref_slice %arg2[%mul3A_2] : memref<401408xf32, #tpu.memory_space<hbm>> -> memref<12544xf32, #tpu.memory_space<hbm>>
      tpu.enqueue_dma source(%dma_start3A_13 : memref<12544xf32, #tpu.memory_space<hbm>>) target(%arg5 : memref<12544xf32, #tpu.memory_space<vmem>>) target_semaphore(%run_scoped3A : memref<!tpu.dma_semaphore, #tpu.memory_space<semaphore_mem>>)
      %dma_wait3A = tpu.memref_slice %arg2[%mul3A_2] : memref<401408xf32, #tpu.memory_space<hbm>> -> memref<12544xf32, #tpu.memory_space<hbm>>
      %dma_wait3A_14 = tpu.memref_slice %arg2[%mul3A_2] : memref<401408xf32, #tpu.memory_space<hbm>> -> memref<12544xf32, #tpu.memory_space<hbm>>
      tpu.wait_dma2 semaphore(%run_scoped3A : memref<!tpu.dma_semaphore, #tpu.memory_space<semaphore_mem>>) src(%dma_wait3A_14 : memref<12544xf32, #tpu.memory_space<hbm>>) dst(%arg5 : memref<12544xf32, #tpu.memory_space<vmem>>)
      tpu.yield
    }) : () -> ()
    "tpu.region"() ({
      %run_scoped3A = tpu.sem_alloc : memref<!tpu.dma_semaphore, #tpu.memory_space<semaphore_mem>>
      tpu.enqueue_dma source(%arg3 : memref<100352xf32, #tpu.memory_space<hbm>>) target(%arg6 : memref<100352xf32, #tpu.memory_space<vmem>>) target_semaphore(%run_scoped3A : memref<!tpu.dma_semaphore, #tpu.memory_space<semaphore_mem>>)
      tpu.wait_dma2 semaphore(%run_scoped3A : memref<!tpu.dma_semaphore, #tpu.memory_space<semaphore_mem>>) src(%arg3 : memref<100352xf32, #tpu.memory_space<hbm>>) dst(%arg6 : memref<100352xf32, #tpu.memory_space<vmem>>)
      tpu.yield
    }) : () -> ()
    %iota3A = tpu.iota {dimensions = array<i32: 0>} : vector<16xi32>
    %broadcast_in_dim3A = arith.constant 0.000000e+00 : f32
    %broadcast_in_dim3A_3 = vector.broadcast %broadcast_in_dim3A : f32 to vector<16xf32>
    %scan3A = arith.constant 4 : i32
    %scan3A_4 = arith.constant 0 : i32
    %scan3A_5 = arith.constant 0 : i32
    %scan3A_6 = arith.constant 16 : i32
    %scan3A_7 = arith.addi %scan3A_5, %scan3A_6 : i32
    %scan3A_8 = arith.constant 1 : i32
    %scan3A_9 = scf.for %scan3A_13 = %scan3A_5 to %scan3A_7 step %scan3A_8 iter_args(%scan3A_14 = %scan3A_4) -> (i32)  : i32 {
      %scan3A_15 = arith.constant 0 : i32
      %scan3A_16 = arith.constant 8 : i32
      %scan3A_17 = arith.addi %scan3A_15, %scan3A_16 : i32
      %scan3A_18 = arith.constant 1 : i32
      scf.for %scan3A_21 = %scan3A_15 to %scan3A_17 step %scan3A_18  : i32 {
        %mul3A_22 = arith.constant 16 : i32
        %mul3A_23 = arith.muli %scan3A_21, %mul3A_22 : i32
        %add3A_24 = arith.constant 0 : i32
        %add3A_25 = arith.addi %mul3A_23, %add3A_24 : i32
        %broadcast_in_dim3A_26 = arith.constant -3.40282347E+38 : f32
        %broadcast_in_dim3A_27 = vector.broadcast %broadcast_in_dim3A_26 : f32 to vector<16xf32>
        %broadcast_in_dim3A_28 = arith.constant -3.40282347E+38 : f32
        %broadcast_in_dim3A_29 = vector.broadcast %broadcast_in_dim3A_28 : f32 to vector<16xf32>
        %broadcast_in_dim3A_30 = arith.constant 3.40282347E+38 : f32
        %broadcast_in_dim3A_31 = vector.broadcast %broadcast_in_dim3A_30 : f32 to vector<16xf32>
        %broadcast_in_dim3A_32 = arith.constant 3.40282347E+38 : f32
        %broadcast_in_dim3A_33 = vector.broadcast %broadcast_in_dim3A_32 : f32 to vector<16xf32>
        %scan3A_34 = arith.constant 0 : i32
        %scan3A_35 = arith.constant 24 : i32
        %scan3A_36 = arith.addi %scan3A_34, %scan3A_35 : i32
        %scan3A_37 = arith.constant 1 : i32
        %scan3A_38:16 = scf.for %scan3A_1330 = %scan3A_34 to %scan3A_36 step %scan3A_37 iter_args(%scan3A_1331 = %broadcast_in_dim3A_27, %scan3A_1332 = %broadcast_in_dim3A_29, %scan3A_1333 = %broadcast_in_dim3A_31, %scan3A_1334 = %broadcast_in_dim3A_33, %scan3A_1335 = %broadcast_in_dim3A_27, %scan3A_1336 = %broadcast_in_dim3A_29, %scan3A_1337 = %broadcast_in_dim3A_31, %scan3A_1338 = %broadcast_in_dim3A_33, %scan3A_1339 = %broadcast_in_dim3A_27, %scan3A_1340 = %broadcast_in_dim3A_29, %scan3A_1341 = %broadcast_in_dim3A_31, %scan3A_1342 = %broadcast_in_dim3A_33, %scan3A_1343 = %broadcast_in_dim3A_27, %scan3A_1344 = %broadcast_in_dim3A_29, %scan3A_1345 = %broadcast_in_dim3A_31, %scan3A_1346 = %broadcast_in_dim3A_33) -> (vector<16xf32>, vector<16xf32>, vector<16xf32>, vector<16xf32>, vector<16xf32>, vector<16xf32>, vector<16xf32>, vector<16xf32>, vector<16xf32>, vector<16xf32>, vector<16xf32>, vector<16xf32>, vector<16xf32>, vector<16xf32>, vector<16xf32>, vector<16xf32>)  : i32 {
          %mul3A_1347 = arith.constant 784 : i32
          %mul3A_1348 = arith.muli %scan3A_13, %mul3A_1347 : i32
          %mul3A_1349 = arith.constant 32 : i32
          %mul3A_1350 = arith.muli %scan3A_1330, %mul3A_1349 : i32
          %add3A_1351 = arith.addi %mul3A_1348, %mul3A_1350 : i32
          %get3A_1352 = arith.index_cast %add3A_1351 : i32 to index
          %get3A_1353 = tpu.vector_load %arg5[%get3A_1352] {strides = array<i32>} : memref<12544xf32, #tpu.memory_space<vmem>>, vector<16xf32>,
          %mul3A_1354 = arith.constant 784 : i32
          %mul3A_1355 = arith.muli %scan3A_13, %mul3A_1354 : i32
          %mul3A_1356 = arith.constant 32 : i32
          %mul3A_1357 = arith.muli %scan3A_1330, %mul3A_1356 : i32
          %add3A_1358 = arith.addi %mul3A_1355, %mul3A_1357 : i32
          %add3A_1359 = arith.constant 16 : i32
          %add3A_1360 = arith.addi %add3A_1358, %add3A_1359 : i32
          %get3A_1361 = arith.index_cast %add3A_1360 : i32 to index
          %get3A_1362 = tpu.vector_load %arg5[%get3A_1361] {strides = array<i32>} : memref<12544xf32, #tpu.memory_space<vmem>>, vector<16xf32>,
          %add3A_1363 = arith.constant 0 : i32
          %add3A_1364 = arith.addi %add3A_25, %add3A_1363 : i32
          %mul3A_1365 = arith.constant 784 : i32
          %mul3A_1366 = arith.muli %add3A_1364, %mul3A_1365 : i32
          %mul3A_1367 = arith.constant 32 : i32
          %mul3A_1368 = arith.muli %scan3A_1330, %mul3A_1367 : i32
          %add3A_1369 = arith.addi %mul3A_1366, %mul3A_1368 : i32
          %get3A_1370 = arith.index_cast %add3A_1369 : i32 to index
          %get3A_1371 = tpu.vector_load %arg6[%get3A_1370] {strides = array<i32>} : memref<100352xf32, #tpu.memory_space<vmem>>, vector<16xf32>,
          %add3A_1372 = arith.constant 0 : i32
          %add3A_1373 = arith.addi %add3A_25, %add3A_1372 : i32
          %mul3A_1374 = arith.constant 784 : i32
          %mul3A_1375 = arith.muli %add3A_1373, %mul3A_1374 : i32
          %mul3A_1376 = arith.constant 32 : i32
          %mul3A_1377 = arith.muli %scan3A_1330, %mul3A_1376 : i32
          %add3A_1378 = arith.addi %mul3A_1375, %mul3A_1377 : i32
          %add3A_1379 = arith.constant 16 : i32
          %add3A_1380 = arith.addi %add3A_1378, %add3A_1379 : i32
          %get3A_1381 = arith.index_cast %add3A_1380 : i32 to index
          %get3A_1382 = tpu.vector_load %arg6[%get3A_1381] {strides = array<i32>} : memref<100352xf32, #tpu.memory_space<vmem>>, vector<16xf32>,
          %mul3A_1383 = arith.mulf %get3A_1353, %get3A_1371 : vector<16xf32>
          %mul3A_1384 = arith.mulf %get3A_1362, %get3A_1382 : vector<16xf32>
          %masked_sort3A_1385 = arith.constant dense<true> : vector<16xi1>
          %masked_sort3A_1386, %masked_sort3A_1387, %masked_sort3A_1388 = tpu.sort %mul3A_1383, %mul3A_1383 masked %masked_sort3A_1385 : (vector<16xf32>, vector<16xf32>, vector<16xi1>) -> (vector<16xi1>, vector<16xf32>, vector<16xf32>)
          %masked_sort3A_1389 = arith.constant dense<true> : vector<16xi1>
          %masked_sort3A_1390, %masked_sort3A_1391, %masked_sort3A_1392 = tpu.sort %mul3A_1384, %mul3A_1384 masked %masked_sort3A_1389 {descending = true} : (vector<16xf32>, vector<16xf32>, vector<16xi1>) -> (vector<16xi1>, vector<16xf32>, vector<16xf32>)
          %max3A_1393 = arith.maximumf %masked_sort3A_1387, %masked_sort3A_1391 : vector<16xf32>
          %min3A_1394 = arith.minimumf %masked_sort3A_1387, %masked_sort3A_1391 : vector<16xf32>
          %masked_sort3A_1395 = arith.constant dense<true> : vector<16xi1>
          %masked_sort3A_1396, %masked_sort3A_1397, %masked_sort3A_1398 = tpu.sort %max3A_1393, %max3A_1393 masked %masked_sort3A_1395 : (vector<16xf32>, vector<16xf32>, vector<16xi1>) -> (vector<16xi1>, vector<16xf32>, vector<16xf32>)
          %masked_sort3A_1399 = arith.constant dense<true> : vector<16xi1>
          %masked_sort3A_1400, %masked_sort3A_1401, %masked_sort3A_1402 = tpu.sort %min3A_1394, %min3A_1394 masked %masked_sort3A_1399 : (vector<16xf32>, vector<16xf32>, vector<16xi1>) -> (vector<16xi1>, vector<16xf32>, vector<16xf32>)
          %max3A_1403 = arith.maximumf %scan3A_1331, %masked_sort3A_1401 : vector<16xf32>
          %max3A_1404 = arith.maximumf %scan3A_1332, %masked_sort3A_1397 : vector<16xf32>
          %max3A_1405 = arith.maximumf %max3A_1403, %max3A_1404 : vector<16xf32>
          %masked_sort3A_1406 = arith.constant dense<true> : vector<16xi1>
          %masked_sort3A_1407, %masked_sort3A_1408, %masked_sort3A_1409 = tpu.sort %max3A_1405, %max3A_1405 masked %masked_sort3A_1406 {descending = true} : (vector<16xf32>, vector<16xf32>, vector<16xi1>) -> (vector<16xi1>, vector<16xf32>, vector<16xf32>)
          %min3A_1410 = arith.minimumf %max3A_1403, %max3A_1404 : vector<16xf32>
          %masked_sort3A_1411 = arith.constant dense<true> : vector<16xi1>
          %masked_sort3A_1412, %masked_sort3A_1413, %masked_sort3A_1414 = tpu.sort %min3A_1410, %min3A_1410 masked %masked_sort3A_1411 {descending = true} : (vector<16xf32>, vector<16xf32>, vector<16xi1>) -> (vector<16xi1>, vector<16xf32>, vector<16xf32>)
          %min3A_1415 = arith.minimumf %scan3A_1334, %masked_sort3A_1401 : vector<16xf32>
          %min3A_1416 = arith.minimumf %scan3A_1333, %masked_sort3A_1397 : vector<16xf32>
          %max3A_1417 = arith.maximumf %min3A_1415, %min3A_1416 : vector<16xf32>
          %masked_sort3A_1418 = arith.constant dense<true> : vector<16xi1>
          %masked_sort3A_1419, %masked_sort3A_1420, %masked_sort3A_1421 = tpu.sort %max3A_1417, %max3A_1417 masked %masked_sort3A_1418 {descending = true} : (vector<16xf32>, vector<16xf32>, vector<16xi1>) -> (vector<16xi1>, vector<16xf32>, vector<16xf32>)
          %min3A_1422 = arith.minimumf %min3A_1415, %min3A_1416 : vector<16xf32>
          %masked_sort3A_1423 = arith.constant dense<true> : vector<16xi1>
          %masked_sort3A_1424, %masked_sort3A_1425, %masked_sort3A_1426 = tpu.sort %min3A_1422, %min3A_1422 masked %masked_sort3A_1423 {descending = true} : (vector<16xf32>, vector<16xf32>, vector<16xi1>) -> (vector<16xi1>, vector<16xf32>, vector<16xf32>)
          %add3A_1427 = arith.constant 1 : i32
          %add3A_1428 = arith.addi %add3A_25, %add3A_1427 : i32
          %mul3A_1429 = arith.constant 784 : i32
          %mul3A_1430 = arith.muli %add3A_1428, %mul3A_1429 : i32
          %mul3A_1431 = arith.constant 32 : i32
          %mul3A_1432 = arith.muli %scan3A_1330, %mul3A_1431 : i32
          %add3A_1433 = arith.addi %mul3A_1430, %mul3A_1432 : i32
          %get3A_1434 = arith.index_cast %add3A_1433 : i32 to index
          %get3A_1435 = tpu.vector_load %arg6[%get3A_1434] {strides = array<i32>} : memref<100352xf32, #tpu.memory_space<vmem>>, vector<16xf32>,
          %add3A_1436 = arith.constant 1 : i32
          %add3A_1437 = arith.addi %add3A_25, %add3A_1436 : i32
          %mul3A_1438 = arith.constant 784 : i32
          %mul3A_1439 = arith.muli %add3A_1437, %mul3A_1438 : i32
          %mul3A_1440 = arith.constant 32 : i32
          %mul3A_1441 = arith.muli %scan3A_1330, %mul3A_1440 : i32
          %add3A_1442 = arith.addi %mul3A_1439, %mul3A_1441 : i32
          %add3A_1443 = arith.constant 16 : i32
          %add3A_1444 = arith.addi %add3A_1442, %add3A_1443 : i32
          %get3A_1445 = arith.index_cast %add3A_1444 : i32 to index
          %get3A_1446 = tpu.vector_load %arg6[%get3A_1445] {strides = array<i32>} : memref<100352xf32, #tpu.memory_space<vmem>>, vector<16xf32>,
          %mul3A_1447 = arith.mulf %get3A_1353, %get3A_1435 : vector<16xf32>
          %mul3A_1448 = arith.mulf %get3A_1362, %get3A_1446 : vector<16xf32>
          %masked_sort3A_1449 = arith.constant dense<true> : vector<16xi1>
          %masked_sort3A_1450, %masked_sort3A_1451, %masked_sort3A_1452 = tpu.sort %mul3A_1447, %mul3A_1447 masked %masked_sort3A_1449 : (vector<16xf32>, vector<16xf32>, vector<16xi1>) -> (vector<16xi1>, vector<16xf32>, vector<16xf32>)
          %masked_sort3A_1453 = arith.constant dense<true> : vector<16xi1>
          %masked_sort3A_1454, %masked_sort3A_1455, %masked_sort3A_1456 = tpu.sort %mul3A_1448, %mul3A_1448 masked %masked_sort3A_1453 {descending = true} : (vector<16xf32>, vector<16xf32>, vector<16xi1>) -> (vector<16xi1>, vector<16xf32>, vector<16xf32>)
          %max3A_1457 = arith.maximumf %masked_sort3A_1451, %masked_sort3A_1455 : vector<16xf32>
          %min3A_1458 = arith.minimumf %masked_sort3A_1451, %masked_sort3A_1455 : vector<16xf32>
          %masked_sort3A_1459 = arith.constant dense<true> : vector<16xi1>
          %masked_sort3A_1460, %masked_sort3A_1461, %masked_sort3A_1462 = tpu.sort %max3A_1457, %max3A_1457 masked %masked_sort3A_1459 : (vector<16xf32>, vector<16xf32>, vector<16xi1>) -> (vector<16xi1>, vector<16xf32>, vector<16xf32>)
          %masked_sort3A_1463 = arith.constant dense<true> : vector<16xi1>
          %masked_sort3A_1464, %masked_sort3A_1465, %masked_sort3A_1466 = tpu.sort %min3A_1458, %min3A_1458 masked %masked_sort3A_1463 : (vector<16xf32>, vector<16xf32>, vector<16xi1>) -> (vector<16xi1>, vector<16xf32>, vector<16xf32>)
          %max3A_1467 = arith.maximumf %scan3A_1335, %masked_sort3A_1465 : vector<16xf32>
          %max3A_1468 = arith.maximumf %scan3A_1336, %masked_sort3A_1461 : vector<16xf32>
          %max3A_1469 = arith.maximumf %max3A_1467, %max3A_1468 : vector<16xf32>
          %masked_sort3A_1470 = arith.constant dense<true> : vector<16xi1>
          %masked_sort3A_1471, %masked_sort3A_1472, %masked_sort3A_1473 = tpu.sort %max3A_1469, %max3A_1469 masked %masked_sort3A_1470 {descending = true} : (vector<16xf32>, vector<16xf32>, vector<16xi1>) -> (vector<16xi1>, vector<16xf32>, vector<16xf32>)
          %min3A_1474 = arith.minimumf %max3A_1467, %max3A_1468 : vector<16xf32>
          %masked_sort3A_1475 = arith.constant dense<true> : vector<16xi1>
          %masked_sort3A_1476, %masked_sort3A_1477, %masked_sort3A_1478 = tpu.sort %min3A_1474, %min3A_1474 masked %masked_sort3A_1475 {descending = true} : (vector<16xf32>, vector<16xf32>, vector<16xi1>) -> (vector<16xi1>, vector<16xf32>, vector<16xf32>)
          %min3A_1479 = arith.minimumf %scan3A_1338, %masked_sort3A_1465 : vector<16xf32>
          %min3A_1480 = arith.minimumf %scan3A_1337, %masked_sort3A_1461 : vector<16xf32>
          %max3A_1481 = arith.maximumf %min3A_1479, %min3A_1480 : vector<16xf32>
          %masked_sort3A_1482 = arith.constant dense<true> : vector<16xi1>
          %masked_sort3A_1483, %masked_sort3A_1484, %masked_sort3A_1485 = tpu.sort %max3A_1481, %max3A_1481 masked %masked_sort3A_1482 {descending = true} : (vector<16xf32>, vector<16xf32>, vector<16xi1>) -> (vector<16xi1>, vector<16xf32>, vector<16xf32>)
          %min3A_1486 = arith.minimumf %min3A_1479, %min3A_1480 : vector<16xf32>
          %masked_sort3A_1487 = arith.constant dense<true> : vector<16xi1>
          %masked_sort3A_1488, %masked_sort3A_1489, %masked_sort3A_1490 = tpu.sort %min3A_1486, %min3A_1486 masked %masked_sort3A_1487 {descending = true} : (vector<16xf32>, vector<16xf32>, vector<16xi1>) -> (vector<16xi1>, vector<16xf32>, vector<16xf32>)
          %add3A_1491 = arith.constant 2 : i32
          %add3A_1492 = arith.addi %add3A_25, %add3A_1491 : i32
          %mul3A_1493 = arith.constant 784 : i32
          %mul3A_1494 = arith.muli %add3A_1492, %mul3A_1493 : i32
          %mul3A_1495 = arith.constant 32 : i32
          %mul3A_1496 = arith.muli %scan3A_1330, %mul3A_1495 : i32
          %add3A_1497 = arith.addi %mul3A_1494, %mul3A_1496 : i32
          %get3A_1498 = arith.index_cast %add3A_1497 : i32 to index
          %get3A_1499 = tpu.vector_load %arg6[%get3A_1498] {strides = array<i32>} : memref<100352xf32, #tpu.memory_space<vmem>>, vector<16xf32>,
          %add3A_1500 = arith.constant 2 : i32
          %add3A_1501 = arith.addi %add3A_25, %add3A_1500 : i32
          %mul3A_1502 = arith.constant 784 : i32
          %mul3A_1503 = arith.muli %add3A_1501, %mul3A_1502 : i32
          %mul3A_1504 = arith.constant 32 : i32
          %mul3A_1505 = arith.muli %scan3A_1330, %mul3A_1504 : i32
          %add3A_1506 = arith.addi %mul3A_1503, %mul3A_1505 : i32
          %add3A_1507 = arith.constant 16 : i32
          %add3A_1508 = arith.addi %add3A_1506, %add3A_1507 : i32
          %get3A_1509 = arith.index_cast %add3A_1508 : i32 to index
          %get3A_1510 = tpu.vector_load %arg6[%get3A_1509] {strides = array<i32>} : memref<100352xf32, #tpu.memory_space<vmem>>, vector<16xf32>,
          %mul3A_1511 = arith.mulf %get3A_1353, %get3A_1499 : vector<16xf32>
          %mul3A_1512 = arith.mulf %get3A_1362, %get3A_1510 : vector<16xf32>
          %masked_sort3A_1513 = arith.constant dense<true> : vector<16xi1>
          %masked_sort3A_1514, %masked_sort3A_1515, %masked_sort3A_1516 = tpu.sort %mul3A_1511, %mul3A_1511 masked %masked_sort3A_1513 : (vector<16xf32>, vector<16xf32>, vector<16xi1>) -> (vector<16xi1>, vector<16xf32>, vector<16xf32>)
          %masked_sort3A_1517 = arith.constant dense<true> : vector<16xi1>
          %masked_sort3A_1518, %masked_sort3A_1519, %masked_sort3A_1520 = tpu.sort %mul3A_1512, %mul3A_1512 masked %masked_sort3A_1517 {descending = true} : (vector<16xf32>, vector<16xf32>, vector<16xi1>) -> (vector<16xi1>, vector<16xf32>, vector<16xf32>)
          %max3A_1521 = arith.maximumf %masked_sort3A_1515, %masked_sort3A_1519 : vector<16xf32>
          %min3A_1522 = arith.minimumf %masked_sort3A_1515, %masked_sort3A_1519 : vector<16xf32>
          %masked_sort3A_1523 = arith.constant dense<true> : vector<16xi1>
          %masked_sort3A_1524, %masked_sort3A_1525, %masked_sort3A_1526 = tpu.sort %max3A_1521, %max3A_1521 masked %masked_sort3A_1523 : (vector<16xf32>, vector<16xf32>, vector<16xi1>) -> (vector<16xi1>, vector<16xf32>, vector<16xf32>)
          %masked_sort3A_1527 = arith.constant dense<true> : vector<16xi1>
          %masked_sort3A_1528, %masked_sort3A_1529, %masked_sort3A_1530 = tpu.sort %min3A_1522, %min3A_1522 masked %masked_sort3A_1527 : (vector<16xf32>, vector<16xf32>, vector<16xi1>) -> (vector<16xi1>, vector<16xf32>, vector<16xf32>)
          %max3A_1531 = arith.maximumf %scan3A_1339, %masked_sort3A_1529 : vector<16xf32>
          %max3A_1532 = arith.maximumf %scan3A_1340, %masked_sort3A_1525 : vector<16xf32>
          %max3A_1533 = arith.maximumf %max3A_1531, %max3A_1532 : vector<16xf32>
          %masked_sort3A_1534 = arith.constant dense<true> : vector<16xi1>
          %masked_sort3A_1535, %masked_sort3A_1536, %masked_sort3A_1537 = tpu.sort %max3A_1533, %max3A_1533 masked %masked_sort3A_1534 {descending = true} : (vector<16xf32>, vector<16xf32>, vector<16xi1>) -> (vector<16xi1>, vector<16xf32>, vector<16xf32>)
          %min3A_1538 = arith.minimumf %max3A_1531, %max3A_1532 : vector<16xf32>
          %masked_sort3A_1539 = arith.constant dense<true> : vector<16xi1>
          %masked_sort3A_1540, %masked_sort3A_1541, %masked_sort3A_1542 = tpu.sort %min3A_1538, %min3A_1538 masked %masked_sort3A_1539 {descending = true} : (vector<16xf32>, vector<16xf32>, vector<16xi1>) -> (vector<16xi1>, vector<16xf32>, vector<16xf32>)
          %min3A_1543 = arith.minimumf %scan3A_1342, %masked_sort3A_1529 : vector<16xf32>
          %min3A_1544 = arith.minimumf %scan3A_1341, %masked_sort3A_1525 : vector<16xf32>
          %max3A_1545 = arith.maximumf %min3A_1543, %min3A_1544 : vector<16xf32>
          %masked_sort3A_1546 = arith.constant dense<true> : vector<16xi1>
          %masked_sort3A_1547, %masked_sort3A_1548, %masked_sort3A_1549 = tpu.sort %max3A_1545, %max3A_1545 masked %masked_sort3A_1546 {descending = true} : (vector<16xf32>, vector<16xf32>, vector<16xi1>) -> (vector<16xi1>, vector<16xf32>, vector<16xf32>)
          %min3A_1550 = arith.minimumf %min3A_1543, %min3A_1544 : vector<16xf32>
          %masked_sort3A_1551 = arith.constant dense<true> : vector<16xi1>
          %masked_sort3A_1552, %masked_sort3A_1553, %masked_sort3A_1554 = tpu.sort %min3A_1550, %min3A_1550 masked %masked_sort3A_1551 {descending = true} : (vector<16xf32>, vector<16xf32>, vector<16xi1>) -> (vector<16xi1>, vector<16xf32>, vector<16xf32>)
          %add3A_1555 = arith.constant 3 : i32
          %add3A_1556 = arith.addi %add3A_25, %add3A_1555 : i32
          %mul3A_1557 = arith.constant 784 : i32
          %mul3A_1558 = arith.muli %add3A_1556, %mul3A_1557 : i32
          %mul3A_1559 = arith.constant 32 : i32
          %mul3A_1560 = arith.muli %scan3A_1330, %mul3A_1559 : i32
          %add3A_1561 = arith.addi %mul3A_1558, %mul3A_1560 : i32
          %get3A_1562 = arith.index_cast %add3A_1561 : i32 to index
          %get3A_1563 = tpu.vector_load %arg6[%get3A_1562] {strides = array<i32>} : memref<100352xf32, #tpu.memory_space<vmem>>, vector<16xf32>,
          %add3A_1564 = arith.constant 3 : i32
          %add3A_1565 = arith.addi %add3A_25, %add3A_1564 : i32
          %mul3A_1566 = arith.constant 784 : i32
          %mul3A_1567 = arith.muli %add3A_1565, %mul3A_1566 : i32
          %mul3A_1568 = arith.constant 32 : i32
          %mul3A_1569 = arith.muli %scan3A_1330, %mul3A_1568 : i32
          %add3A_1570 = arith.addi %mul3A_1567, %mul3A_1569 : i32
          %add3A_1571 = arith.constant 16 : i32
          %add3A_1572 = arith.addi %add3A_1570, %add3A_1571 : i32
          %get3A_1573 = arith.index_cast %add3A_1572 : i32 to index
          %get3A_1574 = tpu.vector_load %arg6[%get3A_1573] {strides = array<i32>} : memref<100352xf32, #tpu.memory_space<vmem>>, vector<16xf32>,
          %mul3A_1575 = arith.mulf %get3A_1353, %get3A_1563 : vector<16xf32>
          %mul3A_1576 = arith.mulf %get3A_1362, %get3A_1574 : vector<16xf32>
          %masked_sort3A_1577 = arith.constant dense<true> : vector<16xi1>
          %masked_sort3A_1578, %masked_sort3A_1579, %masked_sort3A_1580 = tpu.sort %mul3A_1575, %mul3A_1575 masked %masked_sort3A_1577 : (vector<16xf32>, vector<16xf32>, vector<16xi1>) -> (vector<16xi1>, vector<16xf32>, vector<16xf32>)
          %masked_sort3A_1581 = arith.constant dense<true> : vector<16xi1>
          %masked_sort3A_1582, %masked_sort3A_1583, %masked_sort3A_1584 = tpu.sort %mul3A_1576, %mul3A_1576 masked %masked_sort3A_1581 {descending = true} : (vector<16xf32>, vector<16xf32>, vector<16xi1>) -> (vector<16xi1>, vector<16xf32>, vector<16xf32>)
          %max3A_1585 = arith.maximumf %masked_sort3A_1579, %masked_sort3A_1583 : vector<16xf32>
          %min3A_1586 = arith.minimumf %masked_sort3A_1579, %masked_sort3A_1583 : vector<16xf32>
          %masked_sort3A_1587 = arith.constant dense<true> : vector<16xi1>
          %masked_sort3A_1588, %masked_sort3A_1589, %masked_sort3A_1590 = tpu.sort %max3A_1585, %max3A_1585 masked %masked_sort3A_1587 : (vector<16xf32>, vector<16xf32>, vector<16xi1>) -> (vector<16xi1>, vector<16xf32>, vector<16xf32>)
          %masked_sort3A_1591 = arith.constant dense<true> : vector<16xi1>
          %masked_sort3A_1592, %masked_sort3A_1593, %masked_sort3A_1594 = tpu.sort %min3A_1586, %min3A_1586 masked %masked_sort3A_1591 : (vector<16xf32>, vector<16xf32>, vector<16xi1>) -> (vector<16xi1>, vector<16xf32>, vector<16xf32>)
          %max3A_1595 = arith.maximumf %scan3A_1343, %masked_sort3A_1593 : vector<16xf32>
          %max3A_1596 = arith.maximumf %scan3A_1344, %masked_sort3A_1589 : vector<16xf32>
          %max3A_1597 = arith.maximumf %max3A_1595, %max3A_1596 : vector<16xf32>
          %masked_sort3A_1598 = arith.constant dense<true> : vector<16xi1>
          %masked_sort3A_1599, %masked_sort3A_1600, %masked_sort3A_1601 = tpu.sort %max3A_1597, %max3A_1597 masked %masked_sort3A_1598 {descending = true} : (vector<16xf32>, vector<16xf32>, vector<16xi1>) -> (vector<16xi1>, vector<16xf32>, vector<16xf32>)
          %min3A_1602 = arith.minimumf %max3A_1595, %max3A_1596 : vector<16xf32>
          %masked_sort3A_1603 = arith.constant dense<true> : vector<16xi1>
          %masked_sort3A_1604, %masked_sort3A_1605, %masked_sort3A_1606 = tpu.sort %min3A_1602, %min3A_1602 masked %masked_sort3A_1603 {descending = true} : (vector<16xf32>, vector<16xf32>, vector<16xi1>) -> (vector<16xi1>, vector<16xf32>, vector<16xf32>)
          %min3A_1607 = arith.minimumf %scan3A_1346, %masked_sort3A_1593 : vector<16xf32>
          %min3A_1608 = arith.minimumf %scan3A_1345, %masked_sort3A_1589 : vector<16xf32>
          %max3A_1609 = arith.maximumf %min3A_1607, %min3A_1608 : vector<16xf32>
          %masked_sort3A_1610 = arith.constant dense<true> : vector<16xi1>
          %masked_sort3A_1611, %masked_sort3A_1612, %masked_sort3A_1613 = tpu.sort %max3A_1609, %max3A_1609 masked %masked_sort3A_1610 {descending = true} : (vector<16xf32>, vector<16xf32>, vector<16xi1>) -> (vector<16xi1>, vector<16xf32>, vector<16xf32>)
          %min3A_1614 = arith.minimumf %min3A_1607, %min3A_1608 : vector<16xf32>
          %masked_sort3A_1615 = arith.constant dense<true> : vector<16xi1>
          %masked_sort3A_1616, %masked_sort3A_1617, %masked_sort3A_1618 = tpu.sort %min3A_1614, %min3A_1614 masked %masked_sort3A_1615 {descending = true} : (vector<16xf32>, vector<16xf32>, vector<16xi1>) -> (vector<16xi1>, vector<16xf32>, vector<16xf32>)
          scf.yield %masked_sort3A_1408, %masked_sort3A_1413, %masked_sort3A_1425, %masked_sort3A_1420, %masked_sort3A_1472, %masked_sort3A_1477, %masked_sort3A_1489, %masked_sort3A_1484, %masked_sort3A_1536, %masked_sort3A_1541, %masked_sort3A_1553, %masked_sort3A_1548, %masked_sort3A_1600, %masked_sort3A_1605, %masked_sort3A_1617, %masked_sort3A_1612 : vector<16xf32>, vector<16xf32>, vector<16xf32>, vector<16xf32>, vector<16xf32>, vector<16xf32>, vector<16xf32>, vector<16xf32>, vector<16xf32>, vector<16xf32>, vector<16xf32>, vector<16xf32>, vector<16xf32>, vector<16xf32>, vector<16xf32>, vector<16xf32>
        }
        %scan3A_39 = arith.constant 24 : i32
        %mul3A_40 = arith.constant 784 : i32
        %mul3A_41 = arith.muli %scan3A_13, %mul3A_40 : i32
        %add3A_42 = arith.constant 768 : i32
        %add3A_43 = arith.addi %mul3A_41, %add3A_42 : i32
        %get3A = arith.index_cast %add3A_43 : i32 to index
        %get3A_44 = tpu.vector_load %arg5[%get3A] {strides = array<i32>} : memref<12544xf32, #tpu.memory_space<vmem>>, vector<16xf32>,
        %add3A_45 = arith.constant 0 : i32
        %add3A_46 = arith.addi %add3A_25, %add3A_45 : i32
        %mul3A_47 = arith.constant 784 : i32
        %mul3A_48 = arith.muli %add3A_46, %mul3A_47 : i32
        %add3A_49 = arith.constant 768 : i32
        %add3A_50 = arith.addi %mul3A_48, %add3A_49 : i32
        %get3A_51 = arith.index_cast %add3A_50 : i32 to index
        %get3A_52 = tpu.vector_load %arg6[%get3A_51] {strides = array<i32>} : memref<100352xf32, #tpu.memory_space<vmem>>, vector<16xf32>,
        %mul3A_53 = arith.mulf %get3A_44, %get3A_52 : vector<16xf32>
        %masked_sort3A = arith.constant dense<true> : vector<16xi1>
        %masked_sort3A_54, %masked_sort3A_55, %masked_sort3A_56 = tpu.sort %mul3A_53, %mul3A_53 masked %masked_sort3A : (vector<16xf32>, vector<16xf32>, vector<16xi1>) -> (vector<16xi1>, vector<16xf32>, vector<16xf32>)
        %max3A = arith.maximumf %scan3A_38#0, %masked_sort3A_55 : vector<16xf32>
        %min3A = arith.minimumf %scan3A_38#0, %masked_sort3A_55 : vector<16xf32>
        %masked_sort3A_57 = arith.constant dense<true> : vector<16xi1>
        %masked_sort3A_58, %masked_sort3A_59, %masked_sort3A_60 = tpu.sort %max3A, %max3A masked %masked_sort3A_57 {descending = true} : (vector<16xf32>, vector<16xf32>, vector<16xi1>) -> (vector<16xi1>, vector<16xf32>, vector<16xf32>)
        %masked_sort3A_61 = arith.constant dense<true> : vector<16xi1>
        %masked_sort3A_62, %masked_sort3A_63, %masked_sort3A_64 = tpu.sort %min3A, %min3A masked %masked_sort3A_61 : (vector<16xf32>, vector<16xf32>, vector<16xi1>) -> (vector<16xi1>, vector<16xf32>, vector<16xf32>)
        %max3A_65 = arith.maximumf %scan3A_38#1, %masked_sort3A_63 : vector<16xf32>
        %masked_sort3A_66 = arith.constant dense<true> : vector<16xi1>
        %masked_sort3A_67, %masked_sort3A_68, %masked_sort3A_69 = tpu.sort %max3A_65, %max3A_65 masked %masked_sort3A_66 {descending = true} : (vector<16xf32>, vector<16xf32>, vector<16xi1>) -> (vector<16xi1>, vector<16xf32>, vector<16xf32>)
        %min3A_70 = arith.minimumf %scan3A_38#2, %masked_sort3A_55 : vector<16xf32>
        %max3A_71 = arith.maximumf %scan3A_38#2, %masked_sort3A_55 : vector<16xf32>
        %masked_sort3A_72 = arith.constant dense<true> : vector<16xi1>
        %masked_sort3A_73, %masked_sort3A_74, %masked_sort3A_75 = tpu.sort %min3A_70, %min3A_70 masked %masked_sort3A_72 {descending = true} : (vector<16xf32>, vector<16xf32>, vector<16xi1>) -> (vector<16xi1>, vector<16xf32>, vector<16xf32>)
        %masked_sort3A_76 = arith.constant dense<true> : vector<16xi1>
        %masked_sort3A_77, %masked_sort3A_78, %masked_sort3A_79 = tpu.sort %max3A_71, %max3A_71 masked %masked_sort3A_76 : (vector<16xf32>, vector<16xf32>, vector<16xi1>) -> (vector<16xi1>, vector<16xf32>, vector<16xf32>)
        %min3A_80 = arith.minimumf %scan3A_38#3, %masked_sort3A_78 : vector<16xf32>
        %masked_sort3A_81 = arith.constant dense<true> : vector<16xi1>
        %masked_sort3A_82, %masked_sort3A_83, %masked_sort3A_84 = tpu.sort %min3A_80, %min3A_80 masked %masked_sort3A_81 {descending = true} : (vector<16xf32>, vector<16xf32>, vector<16xi1>) -> (vector<16xi1>, vector<16xf32>, vector<16xf32>)
        %add3A_85 = arith.constant 1 : i32
        %add3A_86 = arith.addi %add3A_25, %add3A_85 : i32
        %mul3A_87 = arith.constant 784 : i32
        %mul3A_88 = arith.muli %add3A_86, %mul3A_87 : i32
        %add3A_89 = arith.constant 768 : i32
        %add3A_90 = arith.addi %mul3A_88, %add3A_89 : i32
        %get3A_91 = arith.index_cast %add3A_90 : i32 to index
        %get3A_92 = tpu.vector_load %arg6[%get3A_91] {strides = array<i32>} : memref<100352xf32, #tpu.memory_space<vmem>>, vector<16xf32>,
        %mul3A_93 = arith.mulf %get3A_44, %get3A_92 : vector<16xf32>
        %masked_sort3A_94 = arith.constant dense<true> : vector<16xi1>
        %masked_sort3A_95, %masked_sort3A_96, %masked_sort3A_97 = tpu.sort %mul3A_93, %mul3A_93 masked %masked_sort3A_94 : (vector<16xf32>, vector<16xf32>, vector<16xi1>) -> (vector<16xi1>, vector<16xf32>, vector<16xf32>)
        %max3A_98 = arith.maximumf %scan3A_38#4, %masked_sort3A_96 : vector<16xf32>
        %min3A_99 = arith.minimumf %scan3A_38#4, %masked_sort3A_96 : vector<16xf32>
        %masked_sort3A_100 = arith.constant dense<true> : vector<16xi1>
        %masked_sort3A_101, %masked_sort3A_102, %masked_sort3A_103 = tpu.sort %max3A_98, %max3A_98 masked %masked_sort3A_100 {descending = true} : (vector<16xf32>, vector<16xf32>, vector<16xi1>) -> (vector<16xi1>, vector<16xf32>, vector<16xf32>)
        %masked_sort3A_104 = arith.constant dense<true> : vector<16xi1>
        %masked_sort3A_105, %masked_sort3A_106, %masked_sort3A_107 = tpu.sort %min3A_99, %min3A_99 masked %masked_sort3A_104 : (vector<16xf32>, vector<16xf32>, vector<16xi1>) -> (vector<16xi1>, vector<16xf32>, vector<16xf32>)
        %max3A_108 = arith.maximumf %scan3A_38#5, %masked_sort3A_106 : vector<16xf32>
        %masked_sort3A_109 = arith.constant dense<true> : vector<16xi1>
        %masked_sort3A_110, %masked_sort3A_111, %masked_sort3A_112 = tpu.sort %max3A_108, %max3A_108 masked %masked_sort3A_109 {descending = true} : (vector<16xf32>, vector<16xf32>, vector<16xi1>) -> (vector<16xi1>, vector<16xf32>, vector<16xf32>)
        %min3A_113 = arith.minimumf %scan3A_38#6, %masked_sort3A_96 : vector<16xf32>
        %max3A_114 = arith.maximumf %scan3A_38#6, %masked_sort3A_96 : vector<16xf32>
        %masked_sort3A_115 = arith.constant dense<true> : vector<16xi1>
        %masked_sort3A_116, %masked_sort3A_117, %masked_sort3A_118 = tpu.sort %min3A_113, %min3A_113 masked %masked_sort3A_115 {descending = true} : (vector<16xf32>, vector<16xf32>, vector<16xi1>) -> (vector<16xi1>, vector<16xf32>, vector<16xf32>)
        %masked_sort3A_119 = arith.constant dense<true> : vector<16xi1>
        %masked_sort3A_120, %masked_sort3A_121, %masked_sort3A_122 = tpu.sort %max3A_114, %max3A_114 masked %masked_sort3A_119 : (vector<16xf32>, vector<16xf32>, vector<16xi1>) -> (vector<16xi1>, vector<16xf32>, vector<16xf32>)
        %min3A_123 = arith.minimumf %scan3A_38#7, %masked_sort3A_121 : vector<16xf32>
        %masked_sort3A_124 = arith.constant dense<true> : vector<16xi1>
        %masked_sort3A_125, %masked_sort3A_126, %masked_sort3A_127 = tpu.sort %min3A_123, %min3A_123 masked %masked_sort3A_124 {descending = true} : (vector<16xf32>, vector<16xf32>, vector<16xi1>) -> (vector<16xi1>, vector<16xf32>, vector<16xf32>)
        %add3A_128 = arith.constant 2 : i32
        %add3A_129 = arith.addi %add3A_25, %add3A_128 : i32
        %mul3A_130 = arith.constant 784 : i32
        %mul3A_131 = arith.muli %add3A_129, %mul3A_130 : i32
        %add3A_132 = arith.constant 768 : i32
        %add3A_133 = arith.addi %mul3A_131, %add3A_132 : i32
        %get3A_134 = arith.index_cast %add3A_133 : i32 to index
        %get3A_135 = tpu.vector_load %arg6[%get3A_134] {strides = array<i32>} : memref<100352xf32, #tpu.memory_space<vmem>>, vector<16xf32>,
        %mul3A_136 = arith.mulf %get3A_44, %get3A_135 : vector<16xf32>
        %masked_sort3A_137 = arith.constant dense<true> : vector<16xi1>
        %masked_sort3A_138, %masked_sort3A_139, %masked_sort3A_140 = tpu.sort %mul3A_136, %mul3A_136 masked %masked_sort3A_137 : (vector<16xf32>, vector<16xf32>, vector<16xi1>) -> (vector<16xi1>, vector<16xf32>, vector<16xf32>)
        %max3A_141 = arith.maximumf %scan3A_38#8, %masked_sort3A_139 : vector<16xf32>
        %min3A_142 = arith.minimumf %scan3A_38#8, %masked_sort3A_139 : vector<16xf32>
        %masked_sort3A_143 = arith.constant dense<true> : vector<16xi1>
        %masked_sort3A_144, %masked_sort3A_145, %masked_sort3A_146 = tpu.sort %max3A_141, %max3A_141 masked %masked_sort3A_143 {descending = true} : (vector<16xf32>, vector<16xf32>, vector<16xi1>) -> (vector<16xi1>, vector<16xf32>, vector<16xf32>)
        %masked_sort3A_147 = arith.constant dense<true> : vector<16xi1>
        %masked_sort3A_148, %masked_sort3A_149, %masked_sort3A_150 = tpu.sort %min3A_142, %min3A_142 masked %masked_sort3A_147 : (vector<16xf32>, vector<16xf32>, vector<16xi1>) -> (vector<16xi1>, vector<16xf32>, vector<16xf32>)
        %max3A_151 = arith.maximumf %scan3A_38#9, %masked_sort3A_149 : vector<16xf32>
        %masked_sort3A_152 = arith.constant dense<true> : vector<16xi1>
        %masked_sort3A_153, %masked_sort3A_154, %masked_sort3A_155 = tpu.sort %max3A_151, %max3A_151 masked %masked_sort3A_152 {descending = true} : (vector<16xf32>, vector<16xf32>, vector<16xi1>) -> (vector<16xi1>, vector<16xf32>, vector<16xf32>)
        %min3A_156 = arith.minimumf %scan3A_38#10, %masked_sort3A_139 : vector<16xf32>
        %max3A_157 = arith.maximumf %scan3A_38#10, %masked_sort3A_139 : vector<16xf32>
        %masked_sort3A_158 = arith.constant dense<true> : vector<16xi1>
        %masked_sort3A_159, %masked_sort3A_160, %masked_sort3A_161 = tpu.sort %min3A_156, %min3A_156 masked %masked_sort3A_158 {descending = true} : (vector<16xf32>, vector<16xf32>, vector<16xi1>) -> (vector<16xi1>, vector<16xf32>, vector<16xf32>)
        %masked_sort3A_162 = arith.constant dense<true> : vector<16xi1>
        %masked_sort3A_163, %masked_sort3A_164, %masked_sort3A_165 = tpu.sort %max3A_157, %max3A_157 masked %masked_sort3A_162 : (vector<16xf32>, vector<16xf32>, vector<16xi1>) -> (vector<16xi1>, vector<16xf32>, vector<16xf32>)
        %min3A_166 = arith.minimumf %scan3A_38#11, %masked_sort3A_164 : vector<16xf32>
        %masked_sort3A_167 = arith.constant dense<true> : vector<16xi1>
        %masked_sort3A_168, %masked_sort3A_169, %masked_sort3A_170 = tpu.sort %min3A_166, %min3A_166 masked %masked_sort3A_167 {descending = true} : (vector<16xf32>, vector<16xf32>, vector<16xi1>) -> (vector<16xi1>, vector<16xf32>, vector<16xf32>)
        %add3A_171 = arith.constant 3 : i32
        %add3A_172 = arith.addi %add3A_25, %add3A_171 : i32
        %mul3A_173 = arith.constant 784 : i32
        %mul3A_174 = arith.muli %add3A_172, %mul3A_173 : i32
        %add3A_175 = arith.constant 768 : i32
        %add3A_176 = arith.addi %mul3A_174, %add3A_175 : i32
        %get3A_177 = arith.index_cast %add3A_176 : i32 to index
        %get3A_178 = tpu.vector_load %arg6[%get3A_177] {strides = array<i32>} : memref<100352xf32, #tpu.memory_space<vmem>>, vector<16xf32>,
        %mul3A_179 = arith.mulf %get3A_44, %get3A_178 : vector<16xf32>
        %masked_sort3A_180 = arith.constant dense<true> : vector<16xi1>
        %masked_sort3A_181, %masked_sort3A_182, %masked_sort3A_183 = tpu.sort %mul3A_179, %mul3A_179 masked %masked_sort3A_180 : (vector<16xf32>, vector<16xf32>, vector<16xi1>) -> (vector<16xi1>, vector<16xf32>, vector<16xf32>)
        %max3A_184 = arith.maximumf %scan3A_38#12, %masked_sort3A_182 : vector<16xf32>
        %min3A_185 = arith.minimumf %scan3A_38#12, %masked_sort3A_182 : vector<16xf32>
        %masked_sort3A_186 = arith.constant dense<true> : vector<16xi1>
        %masked_sort3A_187, %masked_sort3A_188, %masked_sort3A_189 = tpu.sort %max3A_184, %max3A_184 masked %masked_sort3A_186 {descending = true} : (vector<16xf32>, vector<16xf32>, vector<16xi1>) -> (vector<16xi1>, vector<16xf32>, vector<16xf32>)
        %masked_sort3A_190 = arith.constant dense<true> : vector<16xi1>
        %masked_sort3A_191, %masked_sort3A_192, %masked_sort3A_193 = tpu.sort %min3A_185, %min3A_185 masked %masked_sort3A_190 : (vector<16xf32>, vector<16xf32>, vector<16xi1>) -> (vector<16xi1>, vector<16xf32>, vector<16xf32>)
        %max3A_194 = arith.maximumf %scan3A_38#13, %masked_sort3A_192 : vector<16xf32>
        %masked_sort3A_195 = arith.constant dense<true> : vector<16xi1>
        %masked_sort3A_196, %masked_sort3A_197, %masked_sort3A_198 = tpu.sort %max3A_194, %max3A_194 masked %masked_sort3A_195 {descending = true} : (vector<16xf32>, vector<16xf32>, vector<16xi1>) -> (vector<16xi1>, vector<16xf32>, vector<16xf32>)
        %min3A_199 = arith.minimumf %scan3A_38#14, %masked_sort3A_182 : vector<16xf32>
        %max3A_200 = arith.maximumf %scan3A_38#14, %masked_sort3A_182 : vector<16xf32>
        %masked_sort3A_201 = arith.constant dense<true> : vector<16xi1>
        %masked_sort3A_202, %masked_sort3A_203, %masked_sort3A_204 = tpu.sort %min3A_199, %min3A_199 masked %masked_sort3A_201 {descending = true} : (vector<16xf32>, vector<16xf32>, vector<16xi1>) -> (vector<16xi1>, vector<16xf32>, vector<16xf32>)
        %masked_sort3A_205 = arith.constant dense<true> : vector<16xi1>
        %masked_sort3A_206, %masked_sort3A_207, %masked_sort3A_208 = tpu.sort %max3A_200, %max3A_200 masked %masked_sort3A_205 : (vector<16xf32>, vector<16xf32>, vector<16xi1>) -> (vector<16xi1>, vector<16xf32>, vector<16xf32>)
        %min3A_209 = arith.minimumf %scan3A_38#15, %masked_sort3A_207 : vector<16xf32>
        %masked_sort3A_210 = arith.constant dense<true> : vector<16xi1>
        %masked_sort3A_211, %masked_sort3A_212, %masked_sort3A_213 = tpu.sort %min3A_209, %min3A_209 masked %masked_sort3A_210 {descending = true} : (vector<16xf32>, vector<16xf32>, vector<16xi1>) -> (vector<16xi1>, vector<16xf32>, vector<16xf32>)
        %reduce_sum3A = arith.constant true
        %reduce_sum3A_214 = vector.broadcast %reduce_sum3A : i1 to vector<16xi1>
        %reduce_sum3A_215 = tpu.scan <sum>, %masked_sort3A_59 masked %reduce_sum3A_214 : vector<16xf32>, vector<16xi1> -> vector<16xf32>
        %reduce_sum3A_216 = vector.extract %reduce_sum3A_215[15] : f32 from vector<16xf32>
        %lt3A = vector.broadcast %scan3A : i32 to vector<16xi32>
        %lt3A_217 = arith.cmpi slt, %iota3A, %lt3A : vector<16xi32>
        %select_n3A = arith.select %lt3A_217, %masked_sort3A_68, %broadcast_in_dim3A_3 : vector<16xi1>, vector<16xf32>
        %reduce_sum3A_218 = arith.constant true
        %reduce_sum3A_219 = vector.broadcast %reduce_sum3A_218 : i1 to vector<16xi1>
        %reduce_sum3A_220 = tpu.scan <sum>, %select_n3A masked %reduce_sum3A_219 : vector<16xf32>, vector<16xi1> -> vector<16xf32>
        %reduce_sum3A_221 = vector.extract %reduce_sum3A_220[15] : f32 from vector<16xf32>
        %add3A_222 = arith.addf %reduce_sum3A_216, %reduce_sum3A_221 : f32
        %reduce_sum3A_223 = arith.constant true
        %reduce_sum3A_224 = vector.broadcast %reduce_sum3A_223 : i1 to vector<16xi1>
        %reduce_sum3A_225 = tpu.scan <sum>, %masked_sort3A_74 masked %reduce_sum3A_224 : vector<16xf32>, vector<16xi1> -> vector<16xf32>
        %reduce_sum3A_226 = vector.extract %reduce_sum3A_225[15] : f32 from vector<16xf32>
        %ge3A = arith.constant 12 : i32
        %ge3A_227 = vector.broadcast %ge3A : i32 to vector<16xi32>
        %ge3A_228 = arith.cmpi sge, %iota3A, %ge3A_227 : vector<16xi32>
        %select_n3A_229 = arith.select %ge3A_228, %masked_sort3A_83, %broadcast_in_dim3A_3 : vector<16xi1>, vector<16xf32>
        %reduce_sum3A_230 = arith.constant true
        %reduce_sum3A_231 = vector.broadcast %reduce_sum3A_230 : i1 to vector<16xi1>
        %reduce_sum3A_232 = tpu.scan <sum>, %select_n3A_229 masked %reduce_sum3A_231 : vector<16xf32>, vector<16xi1> -> vector<16xf32>
        %reduce_sum3A_233 = vector.extract %reduce_sum3A_232[15] : f32 from vector<16xf32>
        %add3A_234 = arith.addf %reduce_sum3A_226, %reduce_sum3A_233 : f32
        %eq3A = arith.constant 0 : i32
        %eq3A_235 = vector.broadcast %eq3A : i32 to vector<16xi32>
        %eq3A_236 = arith.cmpi eq, %iota3A, %eq3A_235 : vector<16xi32>
        %add3A_237 = arith.addf %add3A_222, %add3A_234 : f32
        %neg3A = arith.constant 0.000000e+00 : f32
        %neg3A_238 = arith.subf %neg3A, %add3A_237 : f32
        %broadcast_in_dim3A_239 = vector.broadcast %neg3A_238 : f32 to vector<16xf32>
        %select_n3A_240 = arith.select %eq3A_236, %broadcast_in_dim3A_239, %broadcast_in_dim3A_3 : vector<16xi1>, vector<16xf32>
        %reduce_sum3A_241 = arith.constant true
        %reduce_sum3A_242 = vector.broadcast %reduce_sum3A_241 : i1 to vector<16xi1>
        %reduce_sum3A_243 = tpu.scan <sum>, %masked_sort3A_102 masked %reduce_sum3A_242 : vector<16xf32>, vector<16xi1> -> vector<16xf32>
        %reduce_sum3A_244 = vector.extract %reduce_sum3A_243[15] : f32 from vector<16xf32>
        %lt3A_245 = vector.broadcast %scan3A : i32 to vector<16xi32>
        %lt3A_246 = arith.cmpi slt, %iota3A, %lt3A_245 : vector<16xi32>
        %select_n3A_247 = arith.select %lt3A_246, %masked_sort3A_111, %broadcast_in_dim3A_3 : vector<16xi1>, vector<16xf32>
        %reduce_sum3A_248 = arith.constant true
        %reduce_sum3A_249 = vector.broadcast %reduce_sum3A_248 : i1 to vector<16xi1>
        %reduce_sum3A_250 = tpu.scan <sum>, %select_n3A_247 masked %reduce_sum3A_249 : vector<16xf32>, vector<16xi1> -> vector<16xf32>
        %reduce_sum3A_251 = vector.extract %reduce_sum3A_250[15] : f32 from vector<16xf32>
        %add3A_252 = arith.addf %reduce_sum3A_244, %reduce_sum3A_251 : f32
        %reduce_sum3A_253 = arith.constant true
        %reduce_sum3A_254 = vector.broadcast %reduce_sum3A_253 : i1 to vector<16xi1>
        %reduce_sum3A_255 = tpu.scan <sum>, %masked_sort3A_117 masked %reduce_sum3A_254 : vector<16xf32>, vector<16xi1> -> vector<16xf32>
        %reduce_sum3A_256 = vector.extract %reduce_sum3A_255[15] : f32 from vector<16xf32>
        %ge3A_257 = arith.constant 12 : i32
        %ge3A_258 = vector.broadcast %ge3A_257 : i32 to vector<16xi32>
        %ge3A_259 = arith.cmpi sge, %iota3A, %ge3A_258 : vector<16xi32>
        %select_n3A_260 = arith.select %ge3A_259, %masked_sort3A_126, %broadcast_in_dim3A_3 : vector<16xi1>, vector<16xf32>
        %reduce_sum3A_261 = arith.constant true
        %reduce_sum3A_262 = vector.broadcast %reduce_sum3A_261 : i1 to vector<16xi1>
        %reduce_sum3A_263 = tpu.scan <sum>, %select_n3A_260 masked %reduce_sum3A_262 : vector<16xf32>, vector<16xi1> -> vector<16xf32>
        %reduce_sum3A_264 = vector.extract %reduce_sum3A_263[15] : f32 from vector<16xf32>
        %add3A_265 = arith.addf %reduce_sum3A_256, %reduce_sum3A_264 : f32
        %eq3A_266 = arith.constant 1 : i32
        %eq3A_267 = vector.broadcast %eq3A_266 : i32 to vector<16xi32>
        %eq3A_268 = arith.cmpi eq, %iota3A, %eq3A_267 : vector<16xi32>
        %add3A_269 = arith.addf %add3A_252, %add3A_265 : f32
        %neg3A_270 = arith.constant 0.000000e+00 : f32
        %neg3A_271 = arith.subf %neg3A_270, %add3A_269 : f32
        %broadcast_in_dim3A_272 = vector.broadcast %neg3A_271 : f32 to vector<16xf32>
        %select_n3A_273 = arith.select %eq3A_268, %broadcast_in_dim3A_272, %select_n3A_240 : vector<16xi1>, vector<16xf32>
        %reduce_sum3A_274 = arith.constant true
        %reduce_sum3A_275 = vector.broadcast %reduce_sum3A_274 : i1 to vector<16xi1>
        %reduce_sum3A_276 = tpu.scan <sum>, %masked_sort3A_145 masked %reduce_sum3A_275 : vector<16xf32>, vector<16xi1> -> vector<16xf32>
        %reduce_sum3A_277 = vector.extract %reduce_sum3A_276[15] : f32 from vector<16xf32>
        %lt3A_278 = vector.broadcast %scan3A : i32 to vector<16xi32>
        %lt3A_279 = arith.cmpi slt, %iota3A, %lt3A_278 : vector<16xi32>
        %select_n3A_280 = arith.select %lt3A_279, %masked_sort3A_154, %broadcast_in_dim3A_3 : vector<16xi1>, vector<16xf32>
        %reduce_sum3A_281 = arith.constant true
        %reduce_sum3A_282 = vector.broadcast %reduce_sum3A_281 : i1 to vector<16xi1>
        %reduce_sum3A_283 = tpu.scan <sum>, %select_n3A_280 masked %reduce_sum3A_282 : vector<16xf32>, vector<16xi1> -> vector<16xf32>
        %reduce_sum3A_284 = vector.extract %reduce_sum3A_283[15] : f32 from vector<16xf32>
        %add3A_285 = arith.addf %reduce_sum3A_277, %reduce_sum3A_284 : f32
        %reduce_sum3A_286 = arith.constant true
        %reduce_sum3A_287 = vector.broadcast %reduce_sum3A_286 : i1 to vector<16xi1>
        %reduce_sum3A_288 = tpu.scan <sum>, %masked_sort3A_160 masked %reduce_sum3A_287 : vector<16xf32>, vector<16xi1> -> vector<16xf32>
        %reduce_sum3A_289 = vector.extract %reduce_sum3A_288[15] : f32 from vector<16xf32>
        %ge3A_290 = arith.constant 12 : i32
        %ge3A_291 = vector.broadcast %ge3A_290 : i32 to vector<16xi32>
        %ge3A_292 = arith.cmpi sge, %iota3A, %ge3A_291 : vector<16xi32>
        %select_n3A_293 = arith.select %ge3A_292, %masked_sort3A_169, %broadcast_in_dim3A_3 : vector<16xi1>, vector<16xf32>
        %reduce_sum3A_294 = arith.constant true
        %reduce_sum3A_295 = vector.broadcast %reduce_sum3A_294 : i1 to vector<16xi1>
        %reduce_sum3A_296 = tpu.scan <sum>, %select_n3A_293 masked %reduce_sum3A_295 : vector<16xf32>, vector<16xi1> -> vector<16xf32>
        %reduce_sum3A_297 = vector.extract %reduce_sum3A_296[15] : f32 from vector<16xf32>
        %add3A_298 = arith.addf %reduce_sum3A_289, %reduce_sum3A_297 : f32
        %eq3A_299 = arith.constant 2 : i32
        %eq3A_300 = vector.broadcast %eq3A_299 : i32 to vector<16xi32>
        %eq3A_301 = arith.cmpi eq, %iota3A, %eq3A_300 : vector<16xi32>
        %add3A_302 = arith.addf %add3A_285, %add3A_298 : f32
        %neg3A_303 = arith.constant 0.000000e+00 : f32
        %neg3A_304 = arith.subf %neg3A_303, %add3A_302 : f32
        %broadcast_in_dim3A_305 = vector.broadcast %neg3A_304 : f32 to vector<16xf32>
        %select_n3A_306 = arith.select %eq3A_301, %broadcast_in_dim3A_305, %select_n3A_273 : vector<16xi1>, vector<16xf32>
        %reduce_sum3A_307 = arith.constant true
        %reduce_sum3A_308 = vector.broadcast %reduce_sum3A_307 : i1 to vector<16xi1>
        %reduce_sum3A_309 = tpu.scan <sum>, %masked_sort3A_188 masked %reduce_sum3A_308 : vector<16xf32>, vector<16xi1> -> vector<16xf32>
        %reduce_sum3A_310 = vector.extract %reduce_sum3A_309[15] : f32 from vector<16xf32>
        %lt3A_311 = vector.broadcast %scan3A : i32 to vector<16xi32>
        %lt3A_312 = arith.cmpi slt, %iota3A, %lt3A_311 : vector<16xi32>
        %select_n3A_313 = arith.select %lt3A_312, %masked_sort3A_197, %broadcast_in_dim3A_3 : vector<16xi1>, vector<16xf32>
        %reduce_sum3A_314 = arith.constant true
        %reduce_sum3A_315 = vector.broadcast %reduce_sum3A_314 : i1 to vector<16xi1>
        %reduce_sum3A_316 = tpu.scan <sum>, %select_n3A_313 masked %reduce_sum3A_315 : vector<16xf32>, vector<16xi1> -> vector<16xf32>
        %reduce_sum3A_317 = vector.extract %reduce_sum3A_316[15] : f32 from vector<16xf32>
        %add3A_318 = arith.addf %reduce_sum3A_310, %reduce_sum3A_317 : f32
        %reduce_sum3A_319 = arith.constant true
        %reduce_sum3A_320 = vector.broadcast %reduce_sum3A_319 : i1 to vector<16xi1>
        %reduce_sum3A_321 = tpu.scan <sum>, %masked_sort3A_203 masked %reduce_sum3A_320 : vector<16xf32>, vector<16xi1> -> vector<16xf32>
        %reduce_sum3A_322 = vector.extract %reduce_sum3A_321[15] : f32 from vector<16xf32>
        %ge3A_323 = arith.constant 12 : i32
        %ge3A_324 = vector.broadcast %ge3A_323 : i32 to vector<16xi32>
        %ge3A_325 = arith.cmpi sge, %iota3A, %ge3A_324 : vector<16xi32>
        %select_n3A_326 = arith.select %ge3A_325, %masked_sort3A_212, %broadcast_in_dim3A_3 : vector<16xi1>, vector<16xf32>
        %reduce_sum3A_327 = arith.constant true
        %reduce_sum3A_328 = vector.broadcast %reduce_sum3A_327 : i1 to vector<16xi1>
        %reduce_sum3A_329 = tpu.scan <sum>, %select_n3A_326 masked %reduce_sum3A_328 : vector<16xf32>, vector<16xi1> -> vector<16xf32>
        %reduce_sum3A_330 = vector.extract %reduce_sum3A_329[15] : f32 from vector<16xf32>
        %add3A_331 = arith.addf %reduce_sum3A_322, %reduce_sum3A_330 : f32
        %eq3A_332 = arith.constant 3 : i32
        %eq3A_333 = vector.broadcast %eq3A_332 : i32 to vector<16xi32>
        %eq3A_334 = arith.cmpi eq, %iota3A, %eq3A_333 : vector<16xi32>
        %add3A_335 = arith.addf %add3A_318, %add3A_331 : f32
        %neg3A_336 = arith.constant 0.000000e+00 : f32
        %neg3A_337 = arith.subf %neg3A_336, %add3A_335 : f32
        %broadcast_in_dim3A_338 = vector.broadcast %neg3A_337 : f32 to vector<16xf32>
        %select_n3A_339 = arith.select %eq3A_334, %broadcast_in_dim3A_338, %select_n3A_306 : vector<16xi1>, vector<16xf32>
        %mul3A_340 = arith.constant 16 : i32
        %mul3A_341 = arith.muli %scan3A_21, %mul3A_340 : i32
        %add3A_342 = arith.constant 4 : i32
        %add3A_343 = arith.addi %mul3A_341, %add3A_342 : i32
        %broadcast_in_dim3A_344 = arith.constant -3.40282347E+38 : f32
        %broadcast_in_dim3A_345 = vector.broadcast %broadcast_in_dim3A_344 : f32 to vector<16xf32>
        %broadcast_in_dim3A_346 = arith.constant -3.40282347E+38 : f32
        %broadcast_in_dim3A_347 = vector.broadcast %broadcast_in_dim3A_346 : f32 to vector<16xf32>
        %broadcast_in_dim3A_348 = arith.constant 3.40282347E+38 : f32
        %broadcast_in_dim3A_349 = vector.broadcast %broadcast_in_dim3A_348 : f32 to vector<16xf32>
        %broadcast_in_dim3A_350 = arith.constant 3.40282347E+38 : f32
        %broadcast_in_dim3A_351 = vector.broadcast %broadcast_in_dim3A_350 : f32 to vector<16xf32>
        %scan3A_352 = arith.constant 0 : i32
        %scan3A_353 = arith.constant 24 : i32
        %scan3A_354 = arith.addi %scan3A_352, %scan3A_353 : i32
        %scan3A_355 = arith.constant 1 : i32
        %scan3A_356:16 = scf.for %scan3A_1330 = %scan3A_352 to %scan3A_354 step %scan3A_355 iter_args(%scan3A_1331 = %broadcast_in_dim3A_345, %scan3A_1332 = %broadcast_in_dim3A_347, %scan3A_1333 = %broadcast_in_dim3A_349, %scan3A_1334 = %broadcast_in_dim3A_351, %scan3A_1335 = %broadcast_in_dim3A_345, %scan3A_1336 = %broadcast_in_dim3A_347, %scan3A_1337 = %broadcast_in_dim3A_349, %scan3A_1338 = %broadcast_in_dim3A_351, %scan3A_1339 = %broadcast_in_dim3A_345, %scan3A_1340 = %broadcast_in_dim3A_347, %scan3A_1341 = %broadcast_in_dim3A_349, %scan3A_1342 = %broadcast_in_dim3A_351, %scan3A_1343 = %broadcast_in_dim3A_345, %scan3A_1344 = %broadcast_in_dim3A_347, %scan3A_1345 = %broadcast_in_dim3A_349, %scan3A_1346 = %broadcast_in_dim3A_351) -> (vector<16xf32>, vector<16xf32>, vector<16xf32>, vector<16xf32>, vector<16xf32>, vector<16xf32>, vector<16xf32>, vector<16xf32>, vector<16xf32>, vector<16xf32>, vector<16xf32>, vector<16xf32>, vector<16xf32>, vector<16xf32>, vector<16xf32>, vector<16xf32>)  : i32 {
          %mul3A_1347 = arith.constant 784 : i32
          %mul3A_1348 = arith.muli %scan3A_13, %mul3A_1347 : i32
          %mul3A_1349 = arith.constant 32 : i32
          %mul3A_1350 = arith.muli %scan3A_1330, %mul3A_1349 : i32
          %add3A_1351 = arith.addi %mul3A_1348, %mul3A_1350 : i32
          %get3A_1352 = arith.index_cast %add3A_1351 : i32 to index
          %get3A_1353 = tpu.vector_load %arg5[%get3A_1352] {strides = array<i32>} : memref<12544xf32, #tpu.memory_space<vmem>>, vector<16xf32>,
          %mul3A_1354 = arith.constant 784 : i32
          %mul3A_1355 = arith.muli %scan3A_13, %mul3A_1354 : i32
          %mul3A_1356 = arith.constant 32 : i32
          %mul3A_1357 = arith.muli %scan3A_1330, %mul3A_1356 : i32
          %add3A_1358 = arith.addi %mul3A_1355, %mul3A_1357 : i32
          %add3A_1359 = arith.constant 16 : i32
          %add3A_1360 = arith.addi %add3A_1358, %add3A_1359 : i32
          %get3A_1361 = arith.index_cast %add3A_1360 : i32 to index
          %get3A_1362 = tpu.vector_load %arg5[%get3A_1361] {strides = array<i32>} : memref<12544xf32, #tpu.memory_space<vmem>>, vector<16xf32>,
          %add3A_1363 = arith.constant 0 : i32
          %add3A_1364 = arith.addi %add3A_343, %add3A_1363 : i32
          %mul3A_1365 = arith.constant 784 : i32
          %mul3A_1366 = arith.muli %add3A_1364, %mul3A_1365 : i32
          %mul3A_1367 = arith.constant 32 : i32
          %mul3A_1368 = arith.muli %scan3A_1330, %mul3A_1367 : i32
          %add3A_1369 = arith.addi %mul3A_1366, %mul3A_1368 : i32
          %get3A_1370 = arith.index_cast %add3A_1369 : i32 to index
          %get3A_1371 = tpu.vector_load %arg6[%get3A_1370] {strides = array<i32>} : memref<100352xf32, #tpu.memory_space<vmem>>, vector<16xf32>,
          %add3A_1372 = arith.constant 0 : i32
          %add3A_1373 = arith.addi %add3A_343, %add3A_1372 : i32
          %mul3A_1374 = arith.constant 784 : i32
          %mul3A_1375 = arith.muli %add3A_1373, %mul3A_1374 : i32
          %mul3A_1376 = arith.constant 32 : i32
          %mul3A_1377 = arith.muli %scan3A_1330, %mul3A_1376 : i32
          %add3A_1378 = arith.addi %mul3A_1375, %mul3A_1377 : i32
          %add3A_1379 = arith.constant 16 : i32
          %add3A_1380 = arith.addi %add3A_1378, %add3A_1379 : i32
          %get3A_1381 = arith.index_cast %add3A_1380 : i32 to index
          %get3A_1382 = tpu.vector_load %arg6[%get3A_1381] {strides = array<i32>} : memref<100352xf32, #tpu.memory_space<vmem>>, vector<16xf32>,
          %mul3A_1383 = arith.mulf %get3A_1353, %get3A_1371 : vector<16xf32>
          %mul3A_1384 = arith.mulf %get3A_1362, %get3A_1382 : vector<16xf32>
          %masked_sort3A_1385 = arith.constant dense<true> : vector<16xi1>
          %masked_sort3A_1386, %masked_sort3A_1387, %masked_sort3A_1388 = tpu.sort %mul3A_1383, %mul3A_1383 masked %masked_sort3A_1385 : (vector<16xf32>, vector<16xf32>, vector<16xi1>) -> (vector<16xi1>, vector<16xf32>, vector<16xf32>)
          %masked_sort3A_1389 = arith.constant dense<true> : vector<16xi1>
          %masked_sort3A_1390, %masked_sort3A_1391, %masked_sort3A_1392 = tpu.sort %mul3A_1384, %mul3A_1384 masked %masked_sort3A_1389 {descending = true} : (vector<16xf32>, vector<16xf32>, vector<16xi1>) -> (vector<16xi1>, vector<16xf32>, vector<16xf32>)
          %max3A_1393 = arith.maximumf %masked_sort3A_1387, %masked_sort3A_1391 : vector<16xf32>
          %min3A_1394 = arith.minimumf %masked_sort3A_1387, %masked_sort3A_1391 : vector<16xf32>
          %masked_sort3A_1395 = arith.constant dense<true> : vector<16xi1>
          %masked_sort3A_1396, %masked_sort3A_1397, %masked_sort3A_1398 = tpu.sort %max3A_1393, %max3A_1393 masked %masked_sort3A_1395 : (vector<16xf32>, vector<16xf32>, vector<16xi1>) -> (vector<16xi1>, vector<16xf32>, vector<16xf32>)
          %masked_sort3A_1399 = arith.constant dense<true> : vector<16xi1>
          %masked_sort3A_1400, %masked_sort3A_1401, %masked_sort3A_1402 = tpu.sort %min3A_1394, %min3A_1394 masked %masked_sort3A_1399 : (vector<16xf32>, vector<16xf32>, vector<16xi1>) -> (vector<16xi1>, vector<16xf32>, vector<16xf32>)
          %max3A_1403 = arith.maximumf %scan3A_1331, %masked_sort3A_1401 : vector<16xf32>
          %max3A_1404 = arith.maximumf %scan3A_1332, %masked_sort3A_1397 : vector<16xf32>
          %max3A_1405 = arith.maximumf %max3A_1403, %max3A_1404 : vector<16xf32>
          %masked_sort3A_1406 = arith.constant dense<true> : vector<16xi1>
          %masked_sort3A_1407, %masked_sort3A_1408, %masked_sort3A_1409 = tpu.sort %max3A_1405, %max3A_1405 masked %masked_sort3A_1406 {descending = true} : (vector<16xf32>, vector<16xf32>, vector<16xi1>) -> (vector<16xi1>, vector<16xf32>, vector<16xf32>)
          %min3A_1410 = arith.minimumf %max3A_1403, %max3A_1404 : vector<16xf32>
          %masked_sort3A_1411 = arith.constant dense<true> : vector<16xi1>
          %masked_sort3A_1412, %masked_sort3A_1413, %masked_sort3A_1414 = tpu.sort %min3A_1410, %min3A_1410 masked %masked_sort3A_1411 {descending = true} : (vector<16xf32>, vector<16xf32>, vector<16xi1>) -> (vector<16xi1>, vector<16xf32>, vector<16xf32>)
          %min3A_1415 = arith.minimumf %scan3A_1334, %masked_sort3A_1401 : vector<16xf32>
          %min3A_1416 = arith.minimumf %scan3A_1333, %masked_sort3A_1397 : vector<16xf32>
          %max3A_1417 = arith.maximumf %min3A_1415, %min3A_1416 : vector<16xf32>
          %masked_sort3A_1418 = arith.constant dense<true> : vector<16xi1>
          %masked_sort3A_1419, %masked_sort3A_1420, %masked_sort3A_1421 = tpu.sort %max3A_1417, %max3A_1417 masked %masked_sort3A_1418 {descending = true} : (vector<16xf32>, vector<16xf32>, vector<16xi1>) -> (vector<16xi1>, vector<16xf32>, vector<16xf32>)
          %min3A_1422 = arith.minimumf %min3A_1415, %min3A_1416 : vector<16xf32>
          %masked_sort3A_1423 = arith.constant dense<true> : vector<16xi1>
          %masked_sort3A_1424, %masked_sort3A_1425, %masked_sort3A_1426 = tpu.sort %min3A_1422, %min3A_1422 masked %masked_sort3A_1423 {descending = true} : (vector<16xf32>, vector<16xf32>, vector<16xi1>) -> (vector<16xi1>, vector<16xf32>, vector<16xf32>)
          %add3A_1427 = arith.constant 1 : i32
          %add3A_1428 = arith.addi %add3A_343, %add3A_1427 : i32
          %mul3A_1429 = arith.constant 784 : i32
          %mul3A_1430 = arith.muli %add3A_1428, %mul3A_1429 : i32
          %mul3A_1431 = arith.constant 32 : i32
          %mul3A_1432 = arith.muli %scan3A_1330, %mul3A_1431 : i32
          %add3A_1433 = arith.addi %mul3A_1430, %mul3A_1432 : i32
          %get3A_1434 = arith.index_cast %add3A_1433 : i32 to index
          %get3A_1435 = tpu.vector_load %arg6[%get3A_1434] {strides = array<i32>} : memref<100352xf32, #tpu.memory_space<vmem>>, vector<16xf32>,
          %add3A_1436 = arith.constant 1 : i32
          %add3A_1437 = arith.addi %add3A_343, %add3A_1436 : i32
          %mul3A_1438 = arith.constant 784 : i32
          %mul3A_1439 = arith.muli %add3A_1437, %mul3A_1438 : i32
          %mul3A_1440 = arith.constant 32 : i32
          %mul3A_1441 = arith.muli %scan3A_1330, %mul3A_1440 : i32
          %add3A_1442 = arith.addi %mul3A_1439, %mul3A_1441 : i32
          %add3A_1443 = arith.constant 16 : i32
          %add3A_1444 = arith.addi %add3A_1442, %add3A_1443 : i32
          %get3A_1445 = arith.index_cast %add3A_1444 : i32 to index
          %get3A_1446 = tpu.vector_load %arg6[%get3A_1445] {strides = array<i32>} : memref<100352xf32, #tpu.memory_space<vmem>>, vector<16xf32>,
          %mul3A_1447 = arith.mulf %get3A_1353, %get3A_1435 : vector<16xf32>
          %mul3A_1448 = arith.mulf %get3A_1362, %get3A_1446 : vector<16xf32>
          %masked_sort3A_1449 = arith.constant dense<true> : vector<16xi1>
          %masked_sort3A_1450, %masked_sort3A_1451, %masked_sort3A_1452 = tpu.sort %mul3A_1447, %mul3A_1447 masked %masked_sort3A_1449 : (vector<16xf32>, vector<16xf32>, vector<16xi1>) -> (vector<16xi1>, vector<16xf32>, vector<16xf32>)
          %masked_sort3A_1453 = arith.constant dense<true> : vector<16xi1>
          %masked_sort3A_1454, %masked_sort3A_1455, %masked_sort3A_1456 = tpu.sort %mul3A_1448, %mul3A_1448 masked %masked_sort3A_1453 {descending = true} : (vector<16xf32>, vector<16xf32>, vector<16xi1>) -> (vector<16xi1>, vector<16xf32>, vector<16xf32>)
          %max3A_1457 = arith.maximumf %masked_sort3A_1451, %masked_sort3A_1455 : vector<16xf32>
          %min3A_1458 = arith.minimumf %masked_sort3A_1451, %masked_sort3A_1455 : vector<16xf32>
          %masked_sort3A_1459 = arith.constant dense<true> : vector<16xi1>
          %masked_sort3A_1460, %masked_sort3A_1461, %masked_sort3A_1462 = tpu.sort %max3A_1457, %max3A_1457 masked %masked_sort3A_1459 : (vector<16xf32>, vector<16xf32>, vector<16xi1>) -> (vector<16xi1>, vector<16xf32>, vector<16xf32>)
          %masked_sort3A_1463 = arith.constant dense<true> : vector<16xi1>
          %masked_sort3A_1464, %masked_sort3A_1465, %masked_sort3A_1466 = tpu.sort %min3A_1458, %min3A_1458 masked %masked_sort3A_1463 : (vector<16xf32>, vector<16xf32>, vector<16xi1>) -> (vector<16xi1>, vector<16xf32>, vector<16xf32>)
          %max3A_1467 = arith.maximumf %scan3A_1335, %masked_sort3A_1465 : vector<16xf32>
          %max3A_1468 = arith.maximumf %scan3A_1336, %masked_sort3A_1461 : vector<16xf32>
          %max3A_1469 = arith.maximumf %max3A_1467, %max3A_1468 : vector<16xf32>
          %masked_sort3A_1470 = arith.constant dense<true> : vector<16xi1>
          %masked_sort3A_1471, %masked_sort3A_1472, %masked_sort3A_1473 = tpu.sort %max3A_1469, %max3A_1469 masked %masked_sort3A_1470 {descending = true} : (vector<16xf32>, vector<16xf32>, vector<16xi1>) -> (vector<16xi1>, vector<16xf32>, vector<16xf32>)
          %min3A_1474 = arith.minimumf %max3A_1467, %max3A_1468 : vector<16xf32>
          %masked_sort3A_1475 = arith.constant dense<true> : vector<16xi1>
          %masked_sort3A_1476, %masked_sort3A_1477, %masked_sort3A_1478 = tpu.sort %min3A_1474, %min3A_1474 masked %masked_sort3A_1475 {descending = true} : (vector<16xf32>, vector<16xf32>, vector<16xi1>) -> (vector<16xi1>, vector<16xf32>, vector<16xf32>)
          %min3A_1479 = arith.minimumf %scan3A_1338, %masked_sort3A_1465 : vector<16xf32>
          %min3A_1480 = arith.minimumf %scan3A_1337, %masked_sort3A_1461 : vector<16xf32>
          %max3A_1481 = arith.maximumf %min3A_1479, %min3A_1480 : vector<16xf32>
          %masked_sort3A_1482 = arith.constant dense<true> : vector<16xi1>
          %masked_sort3A_1483, %masked_sort3A_1484, %masked_sort3A_1485 = tpu.sort %max3A_1481, %max3A_1481 masked %masked_sort3A_1482 {descending = true} : (vector<16xf32>, vector<16xf32>, vector<16xi1>) -> (vector<16xi1>, vector<16xf32>, vector<16xf32>)
          %min3A_1486 = arith.minimumf %min3A_1479, %min3A_1480 : vector<16xf32>
          %masked_sort3A_1487 = arith.constant dense<true> : vector<16xi1>
          %masked_sort3A_1488, %masked_sort3A_1489, %masked_sort3A_1490 = tpu.sort %min3A_1486, %min3A_1486 masked %masked_sort3A_1487 {descending = true} : (vector<16xf32>, vector<16xf32>, vector<16xi1>) -> (vector<16xi1>, vector<16xf32>, vector<16xf32>)
          %add3A_1491 = arith.constant 2 : i32
          %add3A_1492 = arith.addi %add3A_343, %add3A_1491 : i32
          %mul3A_1493 = arith.constant 784 : i32
          %mul3A_1494 = arith.muli %add3A_1492, %mul3A_1493 : i32
          %mul3A_1495 = arith.constant 32 : i32
          %mul3A_1496 = arith.muli %scan3A_1330, %mul3A_1495 : i32
          %add3A_1497 = arith.addi %mul3A_1494, %mul3A_1496 : i32
          %get3A_1498 = arith.index_cast %add3A_1497 : i32 to index
          %get3A_1499 = tpu.vector_load %arg6[%get3A_1498] {strides = array<i32>} : memref<100352xf32, #tpu.memory_space<vmem>>, vector<16xf32>,
          %add3A_1500 = arith.constant 2 : i32
          %add3A_1501 = arith.addi %add3A_343, %add3A_1500 : i32
          %mul3A_1502 = arith.constant 784 : i32
          %mul3A_1503 = arith.muli %add3A_1501, %mul3A_1502 : i32
          %mul3A_1504 = arith.constant 32 : i32
          %mul3A_1505 = arith.muli %scan3A_1330, %mul3A_1504 : i32
          %add3A_1506 = arith.addi %mul3A_1503, %mul3A_1505 : i32
          %add3A_1507 = arith.constant 16 : i32
          %add3A_1508 = arith.addi %add3A_1506, %add3A_1507 : i32
          %get3A_1509 = arith.index_cast %add3A_1508 : i32 to index
          %get3A_1510 = tpu.vector_load %arg6[%get3A_1509] {strides = array<i32>} : memref<100352xf32, #tpu.memory_space<vmem>>, vector<16xf32>,
          %mul3A_1511 = arith.mulf %get3A_1353, %get3A_1499 : vector<16xf32>
          %mul3A_1512 = arith.mulf %get3A_1362, %get3A_1510 : vector<16xf32>
          %masked_sort3A_1513 = arith.constant dense<true> : vector<16xi1>
          %masked_sort3A_1514, %masked_sort3A_1515, %masked_sort3A_1516 = tpu.sort %mul3A_1511, %mul3A_1511 masked %masked_sort3A_1513 : (vector<16xf32>, vector<16xf32>, vector<16xi1>) -> (vector<16xi1>, vector<16xf32>, vector<16xf32>)
          %masked_sort3A_1517 = arith.constant dense<true> : vector<16xi1>
          %masked_sort3A_1518, %masked_sort3A_1519, %masked_sort3A_1520 = tpu.sort %mul3A_1512, %mul3A_1512 masked %masked_sort3A_1517 {descending = true} : (vector<16xf32>, vector<16xf32>, vector<16xi1>) -> (vector<16xi1>, vector<16xf32>, vector<16xf32>)
          %max3A_1521 = arith.maximumf %masked_sort3A_1515, %masked_sort3A_1519 : vector<16xf32>
          %min3A_1522 = arith.minimumf %masked_sort3A_1515, %masked_sort3A_1519 : vector<16xf32>
          %masked_sort3A_1523 = arith.constant dense<true> : vector<16xi1>
          %masked_sort3A_1524, %masked_sort3A_1525, %masked_sort3A_1526 = tpu.sort %max3A_1521, %max3A_1521 masked %masked_sort3A_1523 : (vector<16xf32>, vector<16xf32>, vector<16xi1>) -> (vector<16xi1>, vector<16xf32>, vector<16xf32>)
          %masked_sort3A_1527 = arith.constant dense<true> : vector<16xi1>
          %masked_sort3A_1528, %masked_sort3A_1529, %masked_sort3A_1530 = tpu.sort %min3A_1522, %min3A_1522 masked %masked_sort3A_1527 : (vector<16xf32>, vector<16xf32>, vector<16xi1>) -> (vector<16xi1>, vector<16xf32>, vector<16xf32>)
          %max3A_1531 = arith.maximumf %scan3A_1339, %masked_sort3A_1529 : vector<16xf32>
          %max3A_1532 = arith.maximumf %scan3A_1340, %masked_sort3A_1525 : vector<16xf32>
          %max3A_1533 = arith.maximumf %max3A_1531, %max3A_1532 : vector<16xf32>
          %masked_sort3A_1534 = arith.constant dense<true> : vector<16xi1>
          %masked_sort3A_1535, %masked_sort3A_1536, %masked_sort3A_1537 = tpu.sort %max3A_1533, %max3A_1533 masked %masked_sort3A_1534 {descending = true} : (vector<16xf32>, vector<16xf32>, vector<16xi1>) -> (vector<16xi1>, vector<16xf32>, vector<16xf32>)
          %min3A_1538 = arith.minimumf %max3A_1531, %max3A_1532 : vector<16xf32>
          %masked_sort3A_1539 = arith.constant dense<true> : vector<16xi1>
          %masked_sort3A_1540, %masked_sort3A_1541, %masked_sort3A_1542 = tpu.sort %min3A_1538, %min3A_1538 masked %masked_sort3A_1539 {descending = true} : (vector<16xf32>, vector<16xf32>, vector<16xi1>) -> (vector<16xi1>, vector<16xf32>, vector<16xf32>)
          %min3A_1543 = arith.minimumf %scan3A_1342, %masked_sort3A_1529 : vector<16xf32>
          %min3A_1544 = arith.minimumf %scan3A_1341, %masked_sort3A_1525 : vector<16xf32>
          %max3A_1545 = arith.maximumf %min3A_1543, %min3A_1544 : vector<16xf32>
          %masked_sort3A_1546 = arith.constant dense<true> : vector<16xi1>
          %masked_sort3A_1547, %masked_sort3A_1548, %masked_sort3A_1549 = tpu.sort %max3A_1545, %max3A_1545 masked %masked_sort3A_1546 {descending = true} : (vector<16xf32>, vector<16xf32>, vector<16xi1>) -> (vector<16xi1>, vector<16xf32>, vector<16xf32>)
          %min3A_1550 = arith.minimumf %min3A_1543, %min3A_1544 : vector<16xf32>
          %masked_sort3A_1551 = arith.constant dense<true> : vector<16xi1>
          %masked_sort3A_1552, %masked_sort3A_1553, %masked_sort3A_1554 = tpu.sort %min3A_1550, %min3A_1550 masked %masked_sort3A_1551 {descending = true} : (vector<16xf32>, vector<16xf32>, vector<16xi1>) -> (vector<16xi1>, vector<16xf32>, vector<16xf32>)
          %add3A_1555 = arith.constant 3 : i32
          %add3A_1556 = arith.addi %add3A_343, %add3A_1555 : i32
          %mul3A_1557 = arith.constant 784 : i32
          %mul3A_1558 = arith.muli %add3A_1556, %mul3A_1557 : i32
          %mul3A_1559 = arith.constant 32 : i32
          %mul3A_1560 = arith.muli %scan3A_1330, %mul3A_1559 : i32
          %add3A_1561 = arith.addi %mul3A_1558, %mul3A_1560 : i32
          %get3A_1562 = arith.index_cast %add3A_1561 : i32 to index
          %get3A_1563 = tpu.vector_load %arg6[%get3A_1562] {strides = array<i32>} : memref<100352xf32, #tpu.memory_space<vmem>>, vector<16xf32>,
          %add3A_1564 = arith.constant 3 : i32
          %add3A_1565 = arith.addi %add3A_343, %add3A_1564 : i32
          %mul3A_1566 = arith.constant 784 : i32
          %mul3A_1567 = arith.muli %add3A_1565, %mul3A_1566 : i32
          %mul3A_1568 = arith.constant 32 : i32
          %mul3A_1569 = arith.muli %scan3A_1330, %mul3A_1568 : i32
          %add3A_1570 = arith.addi %mul3A_1567, %mul3A_1569 : i32
          %add3A_1571 = arith.constant 16 : i32
          %add3A_1572 = arith.addi %add3A_1570, %add3A_1571 : i32
          %get3A_1573 = arith.index_cast %add3A_1572 : i32 to index
          %get3A_1574 = tpu.vector_load %arg6[%get3A_1573] {strides = array<i32>} : memref<100352xf32, #tpu.memory_space<vmem>>, vector<16xf32>,
          %mul3A_1575 = arith.mulf %get3A_1353, %get3A_1563 : vector<16xf32>
          %mul3A_1576 = arith.mulf %get3A_1362, %get3A_1574 : vector<16xf32>
          %masked_sort3A_1577 = arith.constant dense<true> : vector<16xi1>
          %masked_sort3A_1578, %masked_sort3A_1579, %masked_sort3A_1580 = tpu.sort %mul3A_1575, %mul3A_1575 masked %masked_sort3A_1577 : (vector<16xf32>, vector<16xf32>, vector<16xi1>) -> (vector<16xi1>, vector<16xf32>, vector<16xf32>)
          %masked_sort3A_1581 = arith.constant dense<true> : vector<16xi1>
          %masked_sort3A_1582, %masked_sort3A_1583, %masked_sort3A_1584 = tpu.sort %mul3A_1576, %mul3A_1576 masked %masked_sort3A_1581 {descending = true} : (vector<16xf32>, vector<16xf32>, vector<16xi1>) -> (vector<16xi1>, vector<16xf32>, vector<16xf32>)
          %max3A_1585 = arith.maximumf %masked_sort3A_1579, %masked_sort3A_1583 : vector<16xf32>
          %min3A_1586 = arith.minimumf %masked_sort3A_1579, %masked_sort3A_1583 : vector<16xf32>
          %masked_sort3A_1587 = arith.constant dense<true> : vector<16xi1>
          %masked_sort3A_1588, %masked_sort3A_1589, %masked_sort3A_1590 = tpu.sort %max3A_1585, %max3A_1585 masked %masked_sort3A_1587 : (vector<16xf32>, vector<16xf32>, vector<16xi1>) -> (vector<16xi1>, vector<16xf32>, vector<16xf32>)
          %masked_sort3A_1591 = arith.constant dense<true> : vector<16xi1>
          %masked_sort3A_1592, %masked_sort3A_1593, %masked_sort3A_1594 = tpu.sort %min3A_1586, %min3A_1586 masked %masked_sort3A_1591 : (vector<16xf32>, vector<16xf32>, vector<16xi1>) -> (vector<16xi1>, vector<16xf32>, vector<16xf32>)
          %max3A_1595 = arith.maximumf %scan3A_1343, %masked_sort3A_1593 : vector<16xf32>
          %max3A_1596 = arith.maximumf %scan3A_1344, %masked_sort3A_1589 : vector<16xf32>
          %max3A_1597 = arith.maximumf %max3A_1595, %max3A_1596 : vector<16xf32>
          %masked_sort3A_1598 = arith.constant dense<true> : vector<16xi1>
          %masked_sort3A_1599, %masked_sort3A_1600, %masked_sort3A_1601 = tpu.sort %max3A_1597, %max3A_1597 masked %masked_sort3A_1598 {descending = true} : (vector<16xf32>, vector<16xf32>, vector<16xi1>) -> (vector<16xi1>, vector<16xf32>, vector<16xf32>)
          %min3A_1602 = arith.minimumf %max3A_1595, %max3A_1596 : vector<16xf32>
          %masked_sort3A_1603 = arith.constant dense<true> : vector<16xi1>
          %masked_sort3A_1604, %masked_sort3A_1605, %masked_sort3A_1606 = tpu.sort %min3A_1602, %min3A_1602 masked %masked_sort3A_1603 {descending = true} : (vector<16xf32>, vector<16xf32>, vector<16xi1>) -> (vector<16xi1>, vector<16xf32>, vector<16xf32>)
          %min3A_1607 = arith.minimumf %scan3A_1346, %masked_sort3A_1593 : vector<16xf32>
          %min3A_1608 = arith.minimumf %scan3A_1345, %masked_sort3A_1589 : vector<16xf32>
          %max3A_1609 = arith.maximumf %min3A_1607, %min3A_1608 : vector<16xf32>
          %masked_sort3A_1610 = arith.constant dense<true> : vector<16xi1>
          %masked_sort3A_1611, %masked_sort3A_1612, %masked_sort3A_1613 = tpu.sort %max3A_1609, %max3A_1609 masked %masked_sort3A_1610 {descending = true} : (vector<16xf32>, vector<16xf32>, vector<16xi1>) -> (vector<16xi1>, vector<16xf32>, vector<16xf32>)
          %min3A_1614 = arith.minimumf %min3A_1607, %min3A_1608 : vector<16xf32>
          %masked_sort3A_1615 = arith.constant dense<true> : vector<16xi1>
          %masked_sort3A_1616, %masked_sort3A_1617, %masked_sort3A_1618 = tpu.sort %min3A_1614, %min3A_1614 masked %masked_sort3A_1615 {descending = true} : (vector<16xf32>, vector<16xf32>, vector<16xi1>) -> (vector<16xi1>, vector<16xf32>, vector<16xf32>)
          scf.yield %masked_sort3A_1408, %masked_sort3A_1413, %masked_sort3A_1425, %masked_sort3A_1420, %masked_sort3A_1472, %masked_sort3A_1477, %masked_sort3A_1489, %masked_sort3A_1484, %masked_sort3A_1536, %masked_sort3A_1541, %masked_sort3A_1553, %masked_sort3A_1548, %masked_sort3A_1600, %masked_sort3A_1605, %masked_sort3A_1617, %masked_sort3A_1612 : vector<16xf32>, vector<16xf32>, vector<16xf32>, vector<16xf32>, vector<16xf32>, vector<16xf32>, vector<16xf32>, vector<16xf32>, vector<16xf32>, vector<16xf32>, vector<16xf32>, vector<16xf32>, vector<16xf32>, vector<16xf32>, vector<16xf32>, vector<16xf32>
        }
        %scan3A_357 = arith.constant 24 : i32
        %mul3A_358 = arith.constant 784 : i32
        %mul3A_359 = arith.muli %scan3A_13, %mul3A_358 : i32
        %add3A_360 = arith.constant 768 : i32
        %add3A_361 = arith.addi %mul3A_359, %add3A_360 : i32
        %get3A_362 = arith.index_cast %add3A_361 : i32 to index
        %get3A_363 = tpu.vector_load %arg5[%get3A_362] {strides = array<i32>} : memref<12544xf32, #tpu.memory_space<vmem>>, vector<16xf32>,
        %add3A_364 = arith.constant 0 : i32
        %add3A_365 = arith.addi %add3A_343, %add3A_364 : i32
        %mul3A_366 = arith.constant 784 : i32
        %mul3A_367 = arith.muli %add3A_365, %mul3A_366 : i32
        %add3A_368 = arith.constant 768 : i32
        %add3A_369 = arith.addi %mul3A_367, %add3A_368 : i32
        %get3A_370 = arith.index_cast %add3A_369 : i32 to index
        %get3A_371 = tpu.vector_load %arg6[%get3A_370] {strides = array<i32>} : memref<100352xf32, #tpu.memory_space<vmem>>, vector<16xf32>,
        %mul3A_372 = arith.mulf %get3A_363, %get3A_371 : vector<16xf32>
        %masked_sort3A_373 = arith.constant dense<true> : vector<16xi1>
        %masked_sort3A_374, %masked_sort3A_375, %masked_sort3A_376 = tpu.sort %mul3A_372, %mul3A_372 masked %masked_sort3A_373 : (vector<16xf32>, vector<16xf32>, vector<16xi1>) -> (vector<16xi1>, vector<16xf32>, vector<16xf32>)
        %max3A_377 = arith.maximumf %scan3A_356#0, %masked_sort3A_375 : vector<16xf32>
        %min3A_378 = arith.minimumf %scan3A_356#0, %masked_sort3A_375 : vector<16xf32>
        %masked_sort3A_379 = arith.constant dense<true> : vector<16xi1>
        %masked_sort3A_380, %masked_sort3A_381, %masked_sort3A_382 = tpu.sort %max3A_377, %max3A_377 masked %masked_sort3A_379 {descending = true} : (vector<16xf32>, vector<16xf32>, vector<16xi1>) -> (vector<16xi1>, vector<16xf32>, vector<16xf32>)
        %masked_sort3A_383 = arith.constant dense<true> : vector<16xi1>
        %masked_sort3A_384, %masked_sort3A_385, %masked_sort3A_386 = tpu.sort %min3A_378, %min3A_378 masked %masked_sort3A_383 : (vector<16xf32>, vector<16xf32>, vector<16xi1>) -> (vector<16xi1>, vector<16xf32>, vector<16xf32>)
        %max3A_387 = arith.maximumf %scan3A_356#1, %masked_sort3A_385 : vector<16xf32>
        %masked_sort3A_388 = arith.constant dense<true> : vector<16xi1>
        %masked_sort3A_389, %masked_sort3A_390, %masked_sort3A_391 = tpu.sort %max3A_387, %max3A_387 masked %masked_sort3A_388 {descending = true} : (vector<16xf32>, vector<16xf32>, vector<16xi1>) -> (vector<16xi1>, vector<16xf32>, vector<16xf32>)
        %min3A_392 = arith.minimumf %scan3A_356#2, %masked_sort3A_375 : vector<16xf32>
        %max3A_393 = arith.maximumf %scan3A_356#2, %masked_sort3A_375 : vector<16xf32>
        %masked_sort3A_394 = arith.constant dense<true> : vector<16xi1>
        %masked_sort3A_395, %masked_sort3A_396, %masked_sort3A_397 = tpu.sort %min3A_392, %min3A_392 masked %masked_sort3A_394 {descending = true} : (vector<16xf32>, vector<16xf32>, vector<16xi1>) -> (vector<16xi1>, vector<16xf32>, vector<16xf32>)
        %masked_sort3A_398 = arith.constant dense<true> : vector<16xi1>
        %masked_sort3A_399, %masked_sort3A_400, %masked_sort3A_401 = tpu.sort %max3A_393, %max3A_393 masked %masked_sort3A_398 : (vector<16xf32>, vector<16xf32>, vector<16xi1>) -> (vector<16xi1>, vector<16xf32>, vector<16xf32>)
        %min3A_402 = arith.minimumf %scan3A_356#3, %masked_sort3A_400 : vector<16xf32>
        %masked_sort3A_403 = arith.constant dense<true> : vector<16xi1>
        %masked_sort3A_404, %masked_sort3A_405, %masked_sort3A_406 = tpu.sort %min3A_402, %min3A_402 masked %masked_sort3A_403 {descending = true} : (vector<16xf32>, vector<16xf32>, vector<16xi1>) -> (vector<16xi1>, vector<16xf32>, vector<16xf32>)
        %add3A_407 = arith.constant 1 : i32
        %add3A_408 = arith.addi %add3A_343, %add3A_407 : i32
        %mul3A_409 = arith.constant 784 : i32
        %mul3A_410 = arith.muli %add3A_408, %mul3A_409 : i32
        %add3A_411 = arith.constant 768 : i32
        %add3A_412 = arith.addi %mul3A_410, %add3A_411 : i32
        %get3A_413 = arith.index_cast %add3A_412 : i32 to index
        %get3A_414 = tpu.vector_load %arg6[%get3A_413] {strides = array<i32>} : memref<100352xf32, #tpu.memory_space<vmem>>, vector<16xf32>,
        %mul3A_415 = arith.mulf %get3A_363, %get3A_414 : vector<16xf32>
        %masked_sort3A_416 = arith.constant dense<true> : vector<16xi1>
        %masked_sort3A_417, %masked_sort3A_418, %masked_sort3A_419 = tpu.sort %mul3A_415, %mul3A_415 masked %masked_sort3A_416 : (vector<16xf32>, vector<16xf32>, vector<16xi1>) -> (vector<16xi1>, vector<16xf32>, vector<16xf32>)
        %max3A_420 = arith.maximumf %scan3A_356#4, %masked_sort3A_418 : vector<16xf32>
        %min3A_421 = arith.minimumf %scan3A_356#4, %masked_sort3A_418 : vector<16xf32>
        %masked_sort3A_422 = arith.constant dense<true> : vector<16xi1>
        %masked_sort3A_423, %masked_sort3A_424, %masked_sort3A_425 = tpu.sort %max3A_420, %max3A_420 masked %masked_sort3A_422 {descending = true} : (vector<16xf32>, vector<16xf32>, vector<16xi1>) -> (vector<16xi1>, vector<16xf32>, vector<16xf32>)
        %masked_sort3A_426 = arith.constant dense<true> : vector<16xi1>
        %masked_sort3A_427, %masked_sort3A_428, %masked_sort3A_429 = tpu.sort %min3A_421, %min3A_421 masked %masked_sort3A_426 : (vector<16xf32>, vector<16xf32>, vector<16xi1>) -> (vector<16xi1>, vector<16xf32>, vector<16xf32>)
        %max3A_430 = arith.maximumf %scan3A_356#5, %masked_sort3A_428 : vector<16xf32>
        %masked_sort3A_431 = arith.constant dense<true> : vector<16xi1>
        %masked_sort3A_432, %masked_sort3A_433, %masked_sort3A_434 = tpu.sort %max3A_430, %max3A_430 masked %masked_sort3A_431 {descending = true} : (vector<16xf32>, vector<16xf32>, vector<16xi1>) -> (vector<16xi1>, vector<16xf32>, vector<16xf32>)
        %min3A_435 = arith.minimumf %scan3A_356#6, %masked_sort3A_418 : vector<16xf32>
        %max3A_436 = arith.maximumf %scan3A_356#6, %masked_sort3A_418 : vector<16xf32>
        %masked_sort3A_437 = arith.constant dense<true> : vector<16xi1>
        %masked_sort3A_438, %masked_sort3A_439, %masked_sort3A_440 = tpu.sort %min3A_435, %min3A_435 masked %masked_sort3A_437 {descending = true} : (vector<16xf32>, vector<16xf32>, vector<16xi1>) -> (vector<16xi1>, vector<16xf32>, vector<16xf32>)
        %masked_sort3A_441 = arith.constant dense<true> : vector<16xi1>
        %masked_sort3A_442, %masked_sort3A_443, %masked_sort3A_444 = tpu.sort %max3A_436, %max3A_436 masked %masked_sort3A_441 : (vector<16xf32>, vector<16xf32>, vector<16xi1>) -> (vector<16xi1>, vector<16xf32>, vector<16xf32>)
        %min3A_445 = arith.minimumf %scan3A_356#7, %masked_sort3A_443 : vector<16xf32>
        %masked_sort3A_446 = arith.constant dense<true> : vector<16xi1>
        %masked_sort3A_447, %masked_sort3A_448, %masked_sort3A_449 = tpu.sort %min3A_445, %min3A_445 masked %masked_sort3A_446 {descending = true} : (vector<16xf32>, vector<16xf32>, vector<16xi1>) -> (vector<16xi1>, vector<16xf32>, vector<16xf32>)
        %add3A_450 = arith.constant 2 : i32
        %add3A_451 = arith.addi %add3A_343, %add3A_450 : i32
        %mul3A_452 = arith.constant 784 : i32
        %mul3A_453 = arith.muli %add3A_451, %mul3A_452 : i32
        %add3A_454 = arith.constant 768 : i32
        %add3A_455 = arith.addi %mul3A_453, %add3A_454 : i32
        %get3A_456 = arith.index_cast %add3A_455 : i32 to index
        %get3A_457 = tpu.vector_load %arg6[%get3A_456] {strides = array<i32>} : memref<100352xf32, #tpu.memory_space<vmem>>, vector<16xf32>,
        %mul3A_458 = arith.mulf %get3A_363, %get3A_457 : vector<16xf32>
        %masked_sort3A_459 = arith.constant dense<true> : vector<16xi1>
        %masked_sort3A_460, %masked_sort3A_461, %masked_sort3A_462 = tpu.sort %mul3A_458, %mul3A_458 masked %masked_sort3A_459 : (vector<16xf32>, vector<16xf32>, vector<16xi1>) -> (vector<16xi1>, vector<16xf32>, vector<16xf32>)
        %max3A_463 = arith.maximumf %scan3A_356#8, %masked_sort3A_461 : vector<16xf32>
        %min3A_464 = arith.minimumf %scan3A_356#8, %masked_sort3A_461 : vector<16xf32>
        %masked_sort3A_465 = arith.constant dense<true> : vector<16xi1>
        %masked_sort3A_466, %masked_sort3A_467, %masked_sort3A_468 = tpu.sort %max3A_463, %max3A_463 masked %masked_sort3A_465 {descending = true} : (vector<16xf32>, vector<16xf32>, vector<16xi1>) -> (vector<16xi1>, vector<16xf32>, vector<16xf32>)
        %masked_sort3A_469 = arith.constant dense<true> : vector<16xi1>
        %masked_sort3A_470, %masked_sort3A_471, %masked_sort3A_472 = tpu.sort %min3A_464, %min3A_464 masked %masked_sort3A_469 : (vector<16xf32>, vector<16xf32>, vector<16xi1>) -> (vector<16xi1>, vector<16xf32>, vector<16xf32>)
        %max3A_473 = arith.maximumf %scan3A_356#9, %masked_sort3A_471 : vector<16xf32>
        %masked_sort3A_474 = arith.constant dense<true> : vector<16xi1>
        %masked_sort3A_475, %masked_sort3A_476, %masked_sort3A_477 = tpu.sort %max3A_473, %max3A_473 masked %masked_sort3A_474 {descending = true} : (vector<16xf32>, vector<16xf32>, vector<16xi1>) -> (vector<16xi1>, vector<16xf32>, vector<16xf32>)
        %min3A_478 = arith.minimumf %scan3A_356#10, %masked_sort3A_461 : vector<16xf32>
        %max3A_479 = arith.maximumf %scan3A_356#10, %masked_sort3A_461 : vector<16xf32>
        %masked_sort3A_480 = arith.constant dense<true> : vector<16xi1>
        %masked_sort3A_481, %masked_sort3A_482, %masked_sort3A_483 = tpu.sort %min3A_478, %min3A_478 masked %masked_sort3A_480 {descending = true} : (vector<16xf32>, vector<16xf32>, vector<16xi1>) -> (vector<16xi1>, vector<16xf32>, vector<16xf32>)
        %masked_sort3A_484 = arith.constant dense<true> : vector<16xi1>
        %masked_sort3A_485, %masked_sort3A_486, %masked_sort3A_487 = tpu.sort %max3A_479, %max3A_479 masked %masked_sort3A_484 : (vector<16xf32>, vector<16xf32>, vector<16xi1>) -> (vector<16xi1>, vector<16xf32>, vector<16xf32>)
        %min3A_488 = arith.minimumf %scan3A_356#11, %masked_sort3A_486 : vector<16xf32>
        %masked_sort3A_489 = arith.constant dense<true> : vector<16xi1>
        %masked_sort3A_490, %masked_sort3A_491, %masked_sort3A_492 = tpu.sort %min3A_488, %min3A_488 masked %masked_sort3A_489 {descending = true} : (vector<16xf32>, vector<16xf32>, vector<16xi1>) -> (vector<16xi1>, vector<16xf32>, vector<16xf32>)
        %add3A_493 = arith.constant 3 : i32
        %add3A_494 = arith.addi %add3A_343, %add3A_493 : i32
        %mul3A_495 = arith.constant 784 : i32
        %mul3A_496 = arith.muli %add3A_494, %mul3A_495 : i32
        %add3A_497 = arith.constant 768 : i32
        %add3A_498 = arith.addi %mul3A_496, %add3A_497 : i32
        %get3A_499 = arith.index_cast %add3A_498 : i32 to index
        %get3A_500 = tpu.vector_load %arg6[%get3A_499] {strides = array<i32>} : memref<100352xf32, #tpu.memory_space<vmem>>, vector<16xf32>,
        %mul3A_501 = arith.mulf %get3A_363, %get3A_500 : vector<16xf32>
        %masked_sort3A_502 = arith.constant dense<true> : vector<16xi1>
        %masked_sort3A_503, %masked_sort3A_504, %masked_sort3A_505 = tpu.sort %mul3A_501, %mul3A_501 masked %masked_sort3A_502 : (vector<16xf32>, vector<16xf32>, vector<16xi1>) -> (vector<16xi1>, vector<16xf32>, vector<16xf32>)
        %max3A_506 = arith.maximumf %scan3A_356#12, %masked_sort3A_504 : vector<16xf32>
        %min3A_507 = arith.minimumf %scan3A_356#12, %masked_sort3A_504 : vector<16xf32>
        %masked_sort3A_508 = arith.constant dense<true> : vector<16xi1>
        %masked_sort3A_509, %masked_sort3A_510, %masked_sort3A_511 = tpu.sort %max3A_506, %max3A_506 masked %masked_sort3A_508 {descending = true} : (vector<16xf32>, vector<16xf32>, vector<16xi1>) -> (vector<16xi1>, vector<16xf32>, vector<16xf32>)
        %masked_sort3A_512 = arith.constant dense<true> : vector<16xi1>
        %masked_sort3A_513, %masked_sort3A_514, %masked_sort3A_515 = tpu.sort %min3A_507, %min3A_507 masked %masked_sort3A_512 : (vector<16xf32>, vector<16xf32>, vector<16xi1>) -> (vector<16xi1>, vector<16xf32>, vector<16xf32>)
        %max3A_516 = arith.maximumf %scan3A_356#13, %masked_sort3A_514 : vector<16xf32>
        %masked_sort3A_517 = arith.constant dense<true> : vector<16xi1>
        %masked_sort3A_518, %masked_sort3A_519, %masked_sort3A_520 = tpu.sort %max3A_516, %max3A_516 masked %masked_sort3A_517 {descending = true} : (vector<16xf32>, vector<16xf32>, vector<16xi1>) -> (vector<16xi1>, vector<16xf32>, vector<16xf32>)
        %min3A_521 = arith.minimumf %scan3A_356#14, %masked_sort3A_504 : vector<16xf32>
        %max3A_522 = arith.maximumf %scan3A_356#14, %masked_sort3A_504 : vector<16xf32>
        %masked_sort3A_523 = arith.constant dense<true> : vector<16xi1>
        %masked_sort3A_524, %masked_sort3A_525, %masked_sort3A_526 = tpu.sort %min3A_521, %min3A_521 masked %masked_sort3A_523 {descending = true} : (vector<16xf32>, vector<16xf32>, vector<16xi1>) -> (vector<16xi1>, vector<16xf32>, vector<16xf32>)
        %masked_sort3A_527 = arith.constant dense<true> : vector<16xi1>
        %masked_sort3A_528, %masked_sort3A_529, %masked_sort3A_530 = tpu.sort %max3A_522, %max3A_522 masked %masked_sort3A_527 : (vector<16xf32>, vector<16xf32>, vector<16xi1>) -> (vector<16xi1>, vector<16xf32>, vector<16xf32>)
        %min3A_531 = arith.minimumf %scan3A_356#15, %masked_sort3A_529 : vector<16xf32>
        %masked_sort3A_532 = arith.constant dense<true> : vector<16xi1>
        %masked_sort3A_533, %masked_sort3A_534, %masked_sort3A_535 = tpu.sort %min3A_531, %min3A_531 masked %masked_sort3A_532 {descending = true} : (vector<16xf32>, vector<16xf32>, vector<16xi1>) -> (vector<16xi1>, vector<16xf32>, vector<16xf32>)
        %reduce_sum3A_536 = arith.constant true
        %reduce_sum3A_537 = vector.broadcast %reduce_sum3A_536 : i1 to vector<16xi1>
        %reduce_sum3A_538 = tpu.scan <sum>, %masked_sort3A_381 masked %reduce_sum3A_537 : vector<16xf32>, vector<16xi1> -> vector<16xf32>
        %reduce_sum3A_539 = vector.extract %reduce_sum3A_538[15] : f32 from vector<16xf32>
        %lt3A_540 = vector.broadcast %scan3A : i32 to vector<16xi32>
        %lt3A_541 = arith.cmpi slt, %iota3A, %lt3A_540 : vector<16xi32>
        %select_n3A_542 = arith.select %lt3A_541, %masked_sort3A_390, %broadcast_in_dim3A_3 : vector<16xi1>, vector<16xf32>
        %reduce_sum3A_543 = arith.constant true
        %reduce_sum3A_544 = vector.broadcast %reduce_sum3A_543 : i1 to vector<16xi1>
        %reduce_sum3A_545 = tpu.scan <sum>, %select_n3A_542 masked %reduce_sum3A_544 : vector<16xf32>, vector<16xi1> -> vector<16xf32>
        %reduce_sum3A_546 = vector.extract %reduce_sum3A_545[15] : f32 from vector<16xf32>
        %add3A_547 = arith.addf %reduce_sum3A_539, %reduce_sum3A_546 : f32
        %reduce_sum3A_548 = arith.constant true
        %reduce_sum3A_549 = vector.broadcast %reduce_sum3A_548 : i1 to vector<16xi1>
        %reduce_sum3A_550 = tpu.scan <sum>, %masked_sort3A_396 masked %reduce_sum3A_549 : vector<16xf32>, vector<16xi1> -> vector<16xf32>
        %reduce_sum3A_551 = vector.extract %reduce_sum3A_550[15] : f32 from vector<16xf32>
        %ge3A_552 = arith.constant 12 : i32
        %ge3A_553 = vector.broadcast %ge3A_552 : i32 to vector<16xi32>
        %ge3A_554 = arith.cmpi sge, %iota3A, %ge3A_553 : vector<16xi32>
        %select_n3A_555 = arith.select %ge3A_554, %masked_sort3A_405, %broadcast_in_dim3A_3 : vector<16xi1>, vector<16xf32>
        %reduce_sum3A_556 = arith.constant true
        %reduce_sum3A_557 = vector.broadcast %reduce_sum3A_556 : i1 to vector<16xi1>
        %reduce_sum3A_558 = tpu.scan <sum>, %select_n3A_555 masked %reduce_sum3A_557 : vector<16xf32>, vector<16xi1> -> vector<16xf32>
        %reduce_sum3A_559 = vector.extract %reduce_sum3A_558[15] : f32 from vector<16xf32>
        %add3A_560 = arith.addf %reduce_sum3A_551, %reduce_sum3A_559 : f32
        %eq3A_561 = arith.constant 4 : i32
        %eq3A_562 = vector.broadcast %eq3A_561 : i32 to vector<16xi32>
        %eq3A_563 = arith.cmpi eq, %iota3A, %eq3A_562 : vector<16xi32>
        %add3A_564 = arith.addf %add3A_547, %add3A_560 : f32
        %neg3A_565 = arith.constant 0.000000e+00 : f32
        %neg3A_566 = arith.subf %neg3A_565, %add3A_564 : f32
        %broadcast_in_dim3A_567 = vector.broadcast %neg3A_566 : f32 to vector<16xf32>
        %select_n3A_568 = arith.select %eq3A_563, %broadcast_in_dim3A_567, %select_n3A_339 : vector<16xi1>, vector<16xf32>
        %reduce_sum3A_569 = arith.constant true
        %reduce_sum3A_570 = vector.broadcast %reduce_sum3A_569 : i1 to vector<16xi1>
        %reduce_sum3A_571 = tpu.scan <sum>, %masked_sort3A_424 masked %reduce_sum3A_570 : vector<16xf32>, vector<16xi1> -> vector<16xf32>
        %reduce_sum3A_572 = vector.extract %reduce_sum3A_571[15] : f32 from vector<16xf32>
        %lt3A_573 = vector.broadcast %scan3A : i32 to vector<16xi32>
        %lt3A_574 = arith.cmpi slt, %iota3A, %lt3A_573 : vector<16xi32>
        %select_n3A_575 = arith.select %lt3A_574, %masked_sort3A_433, %broadcast_in_dim3A_3 : vector<16xi1>, vector<16xf32>
        %reduce_sum3A_576 = arith.constant true
        %reduce_sum3A_577 = vector.broadcast %reduce_sum3A_576 : i1 to vector<16xi1>
        %reduce_sum3A_578 = tpu.scan <sum>, %select_n3A_575 masked %reduce_sum3A_577 : vector<16xf32>, vector<16xi1> -> vector<16xf32>
        %reduce_sum3A_579 = vector.extract %reduce_sum3A_578[15] : f32 from vector<16xf32>
        %add3A_580 = arith.addf %reduce_sum3A_572, %reduce_sum3A_579 : f32
        %reduce_sum3A_581 = arith.constant true
        %reduce_sum3A_582 = vector.broadcast %reduce_sum3A_581 : i1 to vector<16xi1>
        %reduce_sum3A_583 = tpu.scan <sum>, %masked_sort3A_439 masked %reduce_sum3A_582 : vector<16xf32>, vector<16xi1> -> vector<16xf32>
        %reduce_sum3A_584 = vector.extract %reduce_sum3A_583[15] : f32 from vector<16xf32>
        %ge3A_585 = arith.constant 12 : i32
        %ge3A_586 = vector.broadcast %ge3A_585 : i32 to vector<16xi32>
        %ge3A_587 = arith.cmpi sge, %iota3A, %ge3A_586 : vector<16xi32>
        %select_n3A_588 = arith.select %ge3A_587, %masked_sort3A_448, %broadcast_in_dim3A_3 : vector<16xi1>, vector<16xf32>
        %reduce_sum3A_589 = arith.constant true
        %reduce_sum3A_590 = vector.broadcast %reduce_sum3A_589 : i1 to vector<16xi1>
        %reduce_sum3A_591 = tpu.scan <sum>, %select_n3A_588 masked %reduce_sum3A_590 : vector<16xf32>, vector<16xi1> -> vector<16xf32>
        %reduce_sum3A_592 = vector.extract %reduce_sum3A_591[15] : f32 from vector<16xf32>
        %add3A_593 = arith.addf %reduce_sum3A_584, %reduce_sum3A_592 : f32
        %eq3A_594 = arith.constant 5 : i32
        %eq3A_595 = vector.broadcast %eq3A_594 : i32 to vector<16xi32>
        %eq3A_596 = arith.cmpi eq, %iota3A, %eq3A_595 : vector<16xi32>
        %add3A_597 = arith.addf %add3A_580, %add3A_593 : f32
        %neg3A_598 = arith.constant 0.000000e+00 : f32
        %neg3A_599 = arith.subf %neg3A_598, %add3A_597 : f32
        %broadcast_in_dim3A_600 = vector.broadcast %neg3A_599 : f32 to vector<16xf32>
        %select_n3A_601 = arith.select %eq3A_596, %broadcast_in_dim3A_600, %select_n3A_568 : vector<16xi1>, vector<16xf32>
        %reduce_sum3A_602 = arith.constant true
        %reduce_sum3A_603 = vector.broadcast %reduce_sum3A_602 : i1 to vector<16xi1>
        %reduce_sum3A_604 = tpu.scan <sum>, %masked_sort3A_467 masked %reduce_sum3A_603 : vector<16xf32>, vector<16xi1> -> vector<16xf32>
        %reduce_sum3A_605 = vector.extract %reduce_sum3A_604[15] : f32 from vector<16xf32>
        %lt3A_606 = vector.broadcast %scan3A : i32 to vector<16xi32>
        %lt3A_607 = arith.cmpi slt, %iota3A, %lt3A_606 : vector<16xi32>
        %select_n3A_608 = arith.select %lt3A_607, %masked_sort3A_476, %broadcast_in_dim3A_3 : vector<16xi1>, vector<16xf32>
        %reduce_sum3A_609 = arith.constant true
        %reduce_sum3A_610 = vector.broadcast %reduce_sum3A_609 : i1 to vector<16xi1>
        %reduce_sum3A_611 = tpu.scan <sum>, %select_n3A_608 masked %reduce_sum3A_610 : vector<16xf32>, vector<16xi1> -> vector<16xf32>
        %reduce_sum3A_612 = vector.extract %reduce_sum3A_611[15] : f32 from vector<16xf32>
        %add3A_613 = arith.addf %reduce_sum3A_605, %reduce_sum3A_612 : f32
        %reduce_sum3A_614 = arith.constant true
        %reduce_sum3A_615 = vector.broadcast %reduce_sum3A_614 : i1 to vector<16xi1>
        %reduce_sum3A_616 = tpu.scan <sum>, %masked_sort3A_482 masked %reduce_sum3A_615 : vector<16xf32>, vector<16xi1> -> vector<16xf32>
        %reduce_sum3A_617 = vector.extract %reduce_sum3A_616[15] : f32 from vector<16xf32>
        %ge3A_618 = arith.constant 12 : i32
        %ge3A_619 = vector.broadcast %ge3A_618 : i32 to vector<16xi32>
        %ge3A_620 = arith.cmpi sge, %iota3A, %ge3A_619 : vector<16xi32>
        %select_n3A_621 = arith.select %ge3A_620, %masked_sort3A_491, %broadcast_in_dim3A_3 : vector<16xi1>, vector<16xf32>
        %reduce_sum3A_622 = arith.constant true
        %reduce_sum3A_623 = vector.broadcast %reduce_sum3A_622 : i1 to vector<16xi1>
        %reduce_sum3A_624 = tpu.scan <sum>, %select_n3A_621 masked %reduce_sum3A_623 : vector<16xf32>, vector<16xi1> -> vector<16xf32>
        %reduce_sum3A_625 = vector.extract %reduce_sum3A_624[15] : f32 from vector<16xf32>
        %add3A_626 = arith.addf %reduce_sum3A_617, %reduce_sum3A_625 : f32
        %eq3A_627 = arith.constant 6 : i32
        %eq3A_628 = vector.broadcast %eq3A_627 : i32 to vector<16xi32>
        %eq3A_629 = arith.cmpi eq, %iota3A, %eq3A_628 : vector<16xi32>
        %add3A_630 = arith.addf %add3A_613, %add3A_626 : f32
        %neg3A_631 = arith.constant 0.000000e+00 : f32
        %neg3A_632 = arith.subf %neg3A_631, %add3A_630 : f32
        %broadcast_in_dim3A_633 = vector.broadcast %neg3A_632 : f32 to vector<16xf32>
        %select_n3A_634 = arith.select %eq3A_629, %broadcast_in_dim3A_633, %select_n3A_601 : vector<16xi1>, vector<16xf32>
        %reduce_sum3A_635 = arith.constant true
        %reduce_sum3A_636 = vector.broadcast %reduce_sum3A_635 : i1 to vector<16xi1>
        %reduce_sum3A_637 = tpu.scan <sum>, %masked_sort3A_510 masked %reduce_sum3A_636 : vector<16xf32>, vector<16xi1> -> vector<16xf32>
        %reduce_sum3A_638 = vector.extract %reduce_sum3A_637[15] : f32 from vector<16xf32>
        %lt3A_639 = vector.broadcast %scan3A : i32 to vector<16xi32>
        %lt3A_640 = arith.cmpi slt, %iota3A, %lt3A_639 : vector<16xi32>
        %select_n3A_641 = arith.select %lt3A_640, %masked_sort3A_519, %broadcast_in_dim3A_3 : vector<16xi1>, vector<16xf32>
        %reduce_sum3A_642 = arith.constant true
        %reduce_sum3A_643 = vector.broadcast %reduce_sum3A_642 : i1 to vector<16xi1>
        %reduce_sum3A_644 = tpu.scan <sum>, %select_n3A_641 masked %reduce_sum3A_643 : vector<16xf32>, vector<16xi1> -> vector<16xf32>
        %reduce_sum3A_645 = vector.extract %reduce_sum3A_644[15] : f32 from vector<16xf32>
        %add3A_646 = arith.addf %reduce_sum3A_638, %reduce_sum3A_645 : f32
        %reduce_sum3A_647 = arith.constant true
        %reduce_sum3A_648 = vector.broadcast %reduce_sum3A_647 : i1 to vector<16xi1>
        %reduce_sum3A_649 = tpu.scan <sum>, %masked_sort3A_525 masked %reduce_sum3A_648 : vector<16xf32>, vector<16xi1> -> vector<16xf32>
        %reduce_sum3A_650 = vector.extract %reduce_sum3A_649[15] : f32 from vector<16xf32>
        %ge3A_651 = arith.constant 12 : i32
        %ge3A_652 = vector.broadcast %ge3A_651 : i32 to vector<16xi32>
        %ge3A_653 = arith.cmpi sge, %iota3A, %ge3A_652 : vector<16xi32>
        %select_n3A_654 = arith.select %ge3A_653, %masked_sort3A_534, %broadcast_in_dim3A_3 : vector<16xi1>, vector<16xf32>
        %reduce_sum3A_655 = arith.constant true
        %reduce_sum3A_656 = vector.broadcast %reduce_sum3A_655 : i1 to vector<16xi1>
        %reduce_sum3A_657 = tpu.scan <sum>, %select_n3A_654 masked %reduce_sum3A_656 : vector<16xf32>, vector<16xi1> -> vector<16xf32>
        %reduce_sum3A_658 = vector.extract %reduce_sum3A_657[15] : f32 from vector<16xf32>
        %add3A_659 = arith.addf %reduce_sum3A_650, %reduce_sum3A_658 : f32
        %eq3A_660 = arith.constant 7 : i32
        %eq3A_661 = vector.broadcast %eq3A_660 : i32 to vector<16xi32>
        %eq3A_662 = arith.cmpi eq, %iota3A, %eq3A_661 : vector<16xi32>
        %add3A_663 = arith.addf %add3A_646, %add3A_659 : f32
        %neg3A_664 = arith.constant 0.000000e+00 : f32
        %neg3A_665 = arith.subf %neg3A_664, %add3A_663 : f32
        %broadcast_in_dim3A_666 = vector.broadcast %neg3A_665 : f32 to vector<16xf32>
        %select_n3A_667 = arith.select %eq3A_662, %broadcast_in_dim3A_666, %select_n3A_634 : vector<16xi1>, vector<16xf32>
        %mul3A_668 = arith.constant 16 : i32
        %mul3A_669 = arith.muli %scan3A_21, %mul3A_668 : i32
        %add3A_670 = arith.constant 8 : i32
        %add3A_671 = arith.addi %mul3A_669, %add3A_670 : i32
        %broadcast_in_dim3A_672 = arith.constant -3.40282347E+38 : f32
        %broadcast_in_dim3A_673 = vector.broadcast %broadcast_in_dim3A_672 : f32 to vector<16xf32>
        %broadcast_in_dim3A_674 = arith.constant -3.40282347E+38 : f32
        %broadcast_in_dim3A_675 = vector.broadcast %broadcast_in_dim3A_674 : f32 to vector<16xf32>
        %broadcast_in_dim3A_676 = arith.constant 3.40282347E+38 : f32
        %broadcast_in_dim3A_677 = vector.broadcast %broadcast_in_dim3A_676 : f32 to vector<16xf32>
        %broadcast_in_dim3A_678 = arith.constant 3.40282347E+38 : f32
        %broadcast_in_dim3A_679 = vector.broadcast %broadcast_in_dim3A_678 : f32 to vector<16xf32>
        %scan3A_680 = arith.constant 0 : i32
        %scan3A_681 = arith.constant 24 : i32
        %scan3A_682 = arith.addi %scan3A_680, %scan3A_681 : i32
        %scan3A_683 = arith.constant 1 : i32
        %scan3A_684:16 = scf.for %scan3A_1330 = %scan3A_680 to %scan3A_682 step %scan3A_683 iter_args(%scan3A_1331 = %broadcast_in_dim3A_673, %scan3A_1332 = %broadcast_in_dim3A_675, %scan3A_1333 = %broadcast_in_dim3A_677, %scan3A_1334 = %broadcast_in_dim3A_679, %scan3A_1335 = %broadcast_in_dim3A_673, %scan3A_1336 = %broadcast_in_dim3A_675, %scan3A_1337 = %broadcast_in_dim3A_677, %scan3A_1338 = %broadcast_in_dim3A_679, %scan3A_1339 = %broadcast_in_dim3A_673, %scan3A_1340 = %broadcast_in_dim3A_675, %scan3A_1341 = %broadcast_in_dim3A_677, %scan3A_1342 = %broadcast_in_dim3A_679, %scan3A_1343 = %broadcast_in_dim3A_673, %scan3A_1344 = %broadcast_in_dim3A_675, %scan3A_1345 = %broadcast_in_dim3A_677, %scan3A_1346 = %broadcast_in_dim3A_679) -> (vector<16xf32>, vector<16xf32>, vector<16xf32>, vector<16xf32>, vector<16xf32>, vector<16xf32>, vector<16xf32>, vector<16xf32>, vector<16xf32>, vector<16xf32>, vector<16xf32>, vector<16xf32>, vector<16xf32>, vector<16xf32>, vector<16xf32>, vector<16xf32>)  : i32 {
          %mul3A_1347 = arith.constant 784 : i32
          %mul3A_1348 = arith.muli %scan3A_13, %mul3A_1347 : i32
          %mul3A_1349 = arith.constant 32 : i32
          %mul3A_1350 = arith.muli %scan3A_1330, %mul3A_1349 : i32
          %add3A_1351 = arith.addi %mul3A_1348, %mul3A_1350 : i32
          %get3A_1352 = arith.index_cast %add3A_1351 : i32 to index
          %get3A_1353 = tpu.vector_load %arg5[%get3A_1352] {strides = array<i32>} : memref<12544xf32, #tpu.memory_space<vmem>>, vector<16xf32>,
          %mul3A_1354 = arith.constant 784 : i32
          %mul3A_1355 = arith.muli %scan3A_13, %mul3A_1354 : i32
          %mul3A_1356 = arith.constant 32 : i32
          %mul3A_1357 = arith.muli %scan3A_1330, %mul3A_1356 : i32
          %add3A_1358 = arith.addi %mul3A_1355, %mul3A_1357 : i32
          %add3A_1359 = arith.constant 16 : i32
          %add3A_1360 = arith.addi %add3A_1358, %add3A_1359 : i32
          %get3A_1361 = arith.index_cast %add3A_1360 : i32 to index
          %get3A_1362 = tpu.vector_load %arg5[%get3A_1361] {strides = array<i32>} : memref<12544xf32, #tpu.memory_space<vmem>>, vector<16xf32>,
          %add3A_1363 = arith.constant 0 : i32
          %add3A_1364 = arith.addi %add3A_671, %add3A_1363 : i32
          %mul3A_1365 = arith.constant 784 : i32
          %mul3A_1366 = arith.muli %add3A_1364, %mul3A_1365 : i32
          %mul3A_1367 = arith.constant 32 : i32
          %mul3A_1368 = arith.muli %scan3A_1330, %mul3A_1367 : i32
          %add3A_1369 = arith.addi %mul3A_1366, %mul3A_1368 : i32
          %get3A_1370 = arith.index_cast %add3A_1369 : i32 to index
          %get3A_1371 = tpu.vector_load %arg6[%get3A_1370] {strides = array<i32>} : memref<100352xf32, #tpu.memory_space<vmem>>, vector<16xf32>,
          %add3A_1372 = arith.constant 0 : i32
          %add3A_1373 = arith.addi %add3A_671, %add3A_1372 : i32
          %mul3A_1374 = arith.constant 784 : i32
          %mul3A_1375 = arith.muli %add3A_1373, %mul3A_1374 : i32
          %mul3A_1376 = arith.constant 32 : i32
          %mul3A_1377 = arith.muli %scan3A_1330, %mul3A_1376 : i32
          %add3A_1378 = arith.addi %mul3A_1375, %mul3A_1377 : i32
          %add3A_1379 = arith.constant 16 : i32
          %add3A_1380 = arith.addi %add3A_1378, %add3A_1379 : i32
          %get3A_1381 = arith.index_cast %add3A_1380 : i32 to index
          %get3A_1382 = tpu.vector_load %arg6[%get3A_1381] {strides = array<i32>} : memref<100352xf32, #tpu.memory_space<vmem>>, vector<16xf32>,
          %mul3A_1383 = arith.mulf %get3A_1353, %get3A_1371 : vector<16xf32>
          %mul3A_1384 = arith.mulf %get3A_1362, %get3A_1382 : vector<16xf32>
          %masked_sort3A_1385 = arith.constant dense<true> : vector<16xi1>
          %masked_sort3A_1386, %masked_sort3A_1387, %masked_sort3A_1388 = tpu.sort %mul3A_1383, %mul3A_1383 masked %masked_sort3A_1385 : (vector<16xf32>, vector<16xf32>, vector<16xi1>) -> (vector<16xi1>, vector<16xf32>, vector<16xf32>)
          %masked_sort3A_1389 = arith.constant dense<true> : vector<16xi1>
          %masked_sort3A_1390, %masked_sort3A_1391, %masked_sort3A_1392 = tpu.sort %mul3A_1384, %mul3A_1384 masked %masked_sort3A_1389 {descending = true} : (vector<16xf32>, vector<16xf32>, vector<16xi1>) -> (vector<16xi1>, vector<16xf32>, vector<16xf32>)
          %max3A_1393 = arith.maximumf %masked_sort3A_1387, %masked_sort3A_1391 : vector<16xf32>
          %min3A_1394 = arith.minimumf %masked_sort3A_1387, %masked_sort3A_1391 : vector<16xf32>
          %masked_sort3A_1395 = arith.constant dense<true> : vector<16xi1>
          %masked_sort3A_1396, %masked_sort3A_1397, %masked_sort3A_1398 = tpu.sort %max3A_1393, %max3A_1393 masked %masked_sort3A_1395 : (vector<16xf32>, vector<16xf32>, vector<16xi1>) -> (vector<16xi1>, vector<16xf32>, vector<16xf32>)
          %masked_sort3A_1399 = arith.constant dense<true> : vector<16xi1>
          %masked_sort3A_1400, %masked_sort3A_1401, %masked_sort3A_1402 = tpu.sort %min3A_1394, %min3A_1394 masked %masked_sort3A_1399 : (vector<16xf32>, vector<16xf32>, vector<16xi1>) -> (vector<16xi1>, vector<16xf32>, vector<16xf32>)
          %max3A_1403 = arith.maximumf %scan3A_1331, %masked_sort3A_1401 : vector<16xf32>
          %max3A_1404 = arith.maximumf %scan3A_1332, %masked_sort3A_1397 : vector<16xf32>
          %max3A_1405 = arith.maximumf %max3A_1403, %max3A_1404 : vector<16xf32>
          %masked_sort3A_1406 = arith.constant dense<true> : vector<16xi1>
          %masked_sort3A_1407, %masked_sort3A_1408, %masked_sort3A_1409 = tpu.sort %max3A_1405, %max3A_1405 masked %masked_sort3A_1406 {descending = true} : (vector<16xf32>, vector<16xf32>, vector<16xi1>) -> (vector<16xi1>, vector<16xf32>, vector<16xf32>)
          %min3A_1410 = arith.minimumf %max3A_1403, %max3A_1404 : vector<16xf32>
          %masked_sort3A_1411 = arith.constant dense<true> : vector<16xi1>
          %masked_sort3A_1412, %masked_sort3A_1413, %masked_sort3A_1414 = tpu.sort %min3A_1410, %min3A_1410 masked %masked_sort3A_1411 {descending = true} : (vector<16xf32>, vector<16xf32>, vector<16xi1>) -> (vector<16xi1>, vector<16xf32>, vector<16xf32>)
          %min3A_1415 = arith.minimumf %scan3A_1334, %masked_sort3A_1401 : vector<16xf32>
          %min3A_1416 = arith.minimumf %scan3A_1333, %masked_sort3A_1397 : vector<16xf32>
          %max3A_1417 = arith.maximumf %min3A_1415, %min3A_1416 : vector<16xf32>
          %masked_sort3A_1418 = arith.constant dense<true> : vector<16xi1>
          %masked_sort3A_1419, %masked_sort3A_1420, %masked_sort3A_1421 = tpu.sort %max3A_1417, %max3A_1417 masked %masked_sort3A_1418 {descending = true} : (vector<16xf32>, vector<16xf32>, vector<16xi1>) -> (vector<16xi1>, vector<16xf32>, vector<16xf32>)
          %min3A_1422 = arith.minimumf %min3A_1415, %min3A_1416 : vector<16xf32>
          %masked_sort3A_1423 = arith.constant dense<true> : vector<16xi1>
          %masked_sort3A_1424, %masked_sort3A_1425, %masked_sort3A_1426 = tpu.sort %min3A_1422, %min3A_1422 masked %masked_sort3A_1423 {descending = true} : (vector<16xf32>, vector<16xf32>, vector<16xi1>) -> (vector<16xi1>, vector<16xf32>, vector<16xf32>)
          %add3A_1427 = arith.constant 1 : i32
          %add3A_1428 = arith.addi %add3A_671, %add3A_1427 : i32
          %mul3A_1429 = arith.constant 784 : i32
          %mul3A_1430 = arith.muli %add3A_1428, %mul3A_1429 : i32
          %mul3A_1431 = arith.constant 32 : i32
          %mul3A_1432 = arith.muli %scan3A_1330, %mul3A_1431 : i32
          %add3A_1433 = arith.addi %mul3A_1430, %mul3A_1432 : i32
          %get3A_1434 = arith.index_cast %add3A_1433 : i32 to index
          %get3A_1435 = tpu.vector_load %arg6[%get3A_1434] {strides = array<i32>} : memref<100352xf32, #tpu.memory_space<vmem>>, vector<16xf32>,
          %add3A_1436 = arith.constant 1 : i32
          %add3A_1437 = arith.addi %add3A_671, %add3A_1436 : i32
          %mul3A_1438 = arith.constant 784 : i32
          %mul3A_1439 = arith.muli %add3A_1437, %mul3A_1438 : i32
          %mul3A_1440 = arith.constant 32 : i32
          %mul3A_1441 = arith.muli %scan3A_1330, %mul3A_1440 : i32
          %add3A_1442 = arith.addi %mul3A_1439, %mul3A_1441 : i32
          %add3A_1443 = arith.constant 16 : i32
          %add3A_1444 = arith.addi %add3A_1442, %add3A_1443 : i32
          %get3A_1445 = arith.index_cast %add3A_1444 : i32 to index
          %get3A_1446 = tpu.vector_load %arg6[%get3A_1445] {strides = array<i32>} : memref<100352xf32, #tpu.memory_space<vmem>>, vector<16xf32>,
          %mul3A_1447 = arith.mulf %get3A_1353, %get3A_1435 : vector<16xf32>
          %mul3A_1448 = arith.mulf %get3A_1362, %get3A_1446 : vector<16xf32>
          %masked_sort3A_1449 = arith.constant dense<true> : vector<16xi1>
          %masked_sort3A_1450, %masked_sort3A_1451, %masked_sort3A_1452 = tpu.sort %mul3A_1447, %mul3A_1447 masked %masked_sort3A_1449 : (vector<16xf32>, vector<16xf32>, vector<16xi1>) -> (vector<16xi1>, vector<16xf32>, vector<16xf32>)
          %masked_sort3A_1453 = arith.constant dense<true> : vector<16xi1>
          %masked_sort3A_1454, %masked_sort3A_1455, %masked_sort3A_1456 = tpu.sort %mul3A_1448, %mul3A_1448 masked %masked_sort3A_1453 {descending = true} : (vector<16xf32>, vector<16xf32>, vector<16xi1>) -> (vector<16xi1>, vector<16xf32>, vector<16xf32>)
          %max3A_1457 = arith.maximumf %masked_sort3A_1451, %masked_sort3A_1455 : vector<16xf32>
          %min3A_1458 = arith.minimumf %masked_sort3A_1451, %masked_sort3A_1455 : vector<16xf32>
          %masked_sort3A_1459 = arith.constant dense<true> : vector<16xi1>
          %masked_sort3A_1460, %masked_sort3A_1461, %masked_sort3A_1462 = tpu.sort %max3A_1457, %max3A_1457 masked %masked_sort3A_1459 : (vector<16xf32>, vector<16xf32>, vector<16xi1>) -> (vector<16xi1>, vector<16xf32>, vector<16xf32>)
          %masked_sort3A_1463 = arith.constant dense<true> : vector<16xi1>
          %masked_sort3A_1464, %masked_sort3A_1465, %masked_sort3A_1466 = tpu.sort %min3A_1458, %min3A_1458 masked %masked_sort3A_1463 : (vector<16xf32>, vector<16xf32>, vector<16xi1>) -> (vector<16xi1>, vector<16xf32>, vector<16xf32>)
          %max3A_1467 = arith.maximumf %scan3A_1335, %masked_sort3A_1465 : vector<16xf32>
          %max3A_1468 = arith.maximumf %scan3A_1336, %masked_sort3A_1461 : vector<16xf32>
          %max3A_1469 = arith.maximumf %max3A_1467, %max3A_1468 : vector<16xf32>
          %masked_sort3A_1470 = arith.constant dense<true> : vector<16xi1>
          %masked_sort3A_1471, %masked_sort3A_1472, %masked_sort3A_1473 = tpu.sort %max3A_1469, %max3A_1469 masked %masked_sort3A_1470 {descending = true} : (vector<16xf32>, vector<16xf32>, vector<16xi1>) -> (vector<16xi1>, vector<16xf32>, vector<16xf32>)
          %min3A_1474 = arith.minimumf %max3A_1467, %max3A_1468 : vector<16xf32>
          %masked_sort3A_1475 = arith.constant dense<true> : vector<16xi1>
          %masked_sort3A_1476, %masked_sort3A_1477, %masked_sort3A_1478 = tpu.sort %min3A_1474, %min3A_1474 masked %masked_sort3A_1475 {descending = true} : (vector<16xf32>, vector<16xf32>, vector<16xi1>) -> (vector<16xi1>, vector<16xf32>, vector<16xf32>)
          %min3A_1479 = arith.minimumf %scan3A_1338, %masked_sort3A_1465 : vector<16xf32>
          %min3A_1480 = arith.minimumf %scan3A_1337, %masked_sort3A_1461 : vector<16xf32>
          %max3A_1481 = arith.maximumf %min3A_1479, %min3A_1480 : vector<16xf32>
          %masked_sort3A_1482 = arith.constant dense<true> : vector<16xi1>
          %masked_sort3A_1483, %masked_sort3A_1484, %masked_sort3A_1485 = tpu.sort %max3A_1481, %max3A_1481 masked %masked_sort3A_1482 {descending = true} : (vector<16xf32>, vector<16xf32>, vector<16xi1>) -> (vector<16xi1>, vector<16xf32>, vector<16xf32>)
          %min3A_1486 = arith.minimumf %min3A_1479, %min3A_1480 : vector<16xf32>
          %masked_sort3A_1487 = arith.constant dense<true> : vector<16xi1>
          %masked_sort3A_1488, %masked_sort3A_1489, %masked_sort3A_1490 = tpu.sort %min3A_1486, %min3A_1486 masked %masked_sort3A_1487 {descending = true} : (vector<16xf32>, vector<16xf32>, vector<16xi1>) -> (vector<16xi1>, vector<16xf32>, vector<16xf32>)
          %add3A_1491 = arith.constant 2 : i32
          %add3A_1492 = arith.addi %add3A_671, %add3A_1491 : i32
          %mul3A_1493 = arith.constant 784 : i32
          %mul3A_1494 = arith.muli %add3A_1492, %mul3A_1493 : i32
          %mul3A_1495 = arith.constant 32 : i32
          %mul3A_1496 = arith.muli %scan3A_1330, %mul3A_1495 : i32
          %add3A_1497 = arith.addi %mul3A_1494, %mul3A_1496 : i32
          %get3A_1498 = arith.index_cast %add3A_1497 : i32 to index
          %get3A_1499 = tpu.vector_load %arg6[%get3A_1498] {strides = array<i32>} : memref<100352xf32, #tpu.memory_space<vmem>>, vector<16xf32>,
          %add3A_1500 = arith.constant 2 : i32
          %add3A_1501 = arith.addi %add3A_671, %add3A_1500 : i32
          %mul3A_1502 = arith.constant 784 : i32
          %mul3A_1503 = arith.muli %add3A_1501, %mul3A_1502 : i32
          %mul3A_1504 = arith.constant 32 : i32
          %mul3A_1505 = arith.muli %scan3A_1330, %mul3A_1504 : i32
          %add3A_1506 = arith.addi %mul3A_1503, %mul3A_1505 : i32
          %add3A_1507 = arith.constant 16 : i32
          %add3A_1508 = arith.addi %add3A_1506, %add3A_1507 : i32
          %get3A_1509 = arith.index_cast %add3A_1508 : i32 to index
          %get3A_1510 = tpu.vector_load %arg6[%get3A_1509] {strides = array<i32>} : memref<100352xf32, #tpu.memory_space<vmem>>, vector<16xf32>,
          %mul3A_1511 = arith.mulf %get3A_1353, %get3A_1499 : vector<16xf32>
          %mul3A_1512 = arith.mulf %get3A_1362, %get3A_1510 : vector<16xf32>
          %masked_sort3A_1513 = arith.constant dense<true> : vector<16xi1>
          %masked_sort3A_1514, %masked_sort3A_1515, %masked_sort3A_1516 = tpu.sort %mul3A_1511, %mul3A_1511 masked %masked_sort3A_1513 : (vector<16xf32>, vector<16xf32>, vector<16xi1>) -> (vector<16xi1>, vector<16xf32>, vector<16xf32>)
          %masked_sort3A_1517 = arith.constant dense<true> : vector<16xi1>
          %masked_sort3A_1518, %masked_sort3A_1519, %masked_sort3A_1520 = tpu.sort %mul3A_1512, %mul3A_1512 masked %masked_sort3A_1517 {descending = true} : (vector<16xf32>, vector<16xf32>, vector<16xi1>) -> (vector<16xi1>, vector<16xf32>, vector<16xf32>)
          %max3A_1521 = arith.maximumf %masked_sort3A_1515, %masked_sort3A_1519 : vector<16xf32>
          %min3A_1522 = arith.minimumf %masked_sort3A_1515, %masked_sort3A_1519 : vector<16xf32>
          %masked_sort3A_1523 = arith.constant dense<true> : vector<16xi1>
          %masked_sort3A_1524, %masked_sort3A_1525, %masked_sort3A_1526 = tpu.sort %max3A_1521, %max3A_1521 masked %masked_sort3A_1523 : (vector<16xf32>, vector<16xf32>, vector<16xi1>) -> (vector<16xi1>, vector<16xf32>, vector<16xf32>)
          %masked_sort3A_1527 = arith.constant dense<true> : vector<16xi1>
          %masked_sort3A_1528, %masked_sort3A_1529, %masked_sort3A_1530 = tpu.sort %min3A_1522, %min3A_1522 masked %masked_sort3A_1527 : (vector<16xf32>, vector<16xf32>, vector<16xi1>) -> (vector<16xi1>, vector<16xf32>, vector<16xf32>)
          %max3A_1531 = arith.maximumf %scan3A_1339, %masked_sort3A_1529 : vector<16xf32>
          %max3A_1532 = arith.maximumf %scan3A_1340, %masked_sort3A_1525 : vector<16xf32>
          %max3A_1533 = arith.maximumf %max3A_1531, %max3A_1532 : vector<16xf32>
          %masked_sort3A_1534 = arith.constant dense<true> : vector<16xi1>
          %masked_sort3A_1535, %masked_sort3A_1536, %masked_sort3A_1537 = tpu.sort %max3A_1533, %max3A_1533 masked %masked_sort3A_1534 {descending = true} : (vector<16xf32>, vector<16xf32>, vector<16xi1>) -> (vector<16xi1>, vector<16xf32>, vector<16xf32>)
          %min3A_1538 = arith.minimumf %max3A_1531, %max3A_1532 : vector<16xf32>
          %masked_sort3A_1539 = arith.constant dense<true> : vector<16xi1>
          %masked_sort3A_1540, %masked_sort3A_1541, %masked_sort3A_1542 = tpu.sort %min3A_1538, %min3A_1538 masked %masked_sort3A_1539 {descending = true} : (vector<16xf32>, vector<16xf32>, vector<16xi1>) -> (vector<16xi1>, vector<16xf32>, vector<16xf32>)
          %min3A_1543 = arith.minimumf %scan3A_1342, %masked_sort3A_1529 : vector<16xf32>
          %min3A_1544 = arith.minimumf %scan3A_1341, %masked_sort3A_1525 : vector<16xf32>
          %max3A_1545 = arith.maximumf %min3A_1543, %min3A_1544 : vector<16xf32>
          %masked_sort3A_1546 = arith.constant dense<true> : vector<16xi1>
          %masked_sort3A_1547, %masked_sort3A_1548, %masked_sort3A_1549 = tpu.sort %max3A_1545, %max3A_1545 masked %masked_sort3A_1546 {descending = true} : (vector<16xf32>, vector<16xf32>, vector<16xi1>) -> (vector<16xi1>, vector<16xf32>, vector<16xf32>)
          %min3A_1550 = arith.minimumf %min3A_1543, %min3A_1544 : vector<16xf32>
          %masked_sort3A_1551 = arith.constant dense<true> : vector<16xi1>
          %masked_sort3A_1552, %masked_sort3A_1553, %masked_sort3A_1554 = tpu.sort %min3A_1550, %min3A_1550 masked %masked_sort3A_1551 {descending = true} : (vector<16xf32>, vector<16xf32>, vector<16xi1>) -> (vector<16xi1>, vector<16xf32>, vector<16xf32>)
          %add3A_1555 = arith.constant 3 : i32
          %add3A_1556 = arith.addi %add3A_671, %add3A_1555 : i32
          %mul3A_1557 = arith.constant 784 : i32
          %mul3A_1558 = arith.muli %add3A_1556, %mul3A_1557 : i32
          %mul3A_1559 = arith.constant 32 : i32
          %mul3A_1560 = arith.muli %scan3A_1330, %mul3A_1559 : i32
          %add3A_1561 = arith.addi %mul3A_1558, %mul3A_1560 : i32
          %get3A_1562 = arith.index_cast %add3A_1561 : i32 to index
          %get3A_1563 = tpu.vector_load %arg6[%get3A_1562] {strides = array<i32>} : memref<100352xf32, #tpu.memory_space<vmem>>, vector<16xf32>,
          %add3A_1564 = arith.constant 3 : i32
          %add3A_1565 = arith.addi %add3A_671, %add3A_1564 : i32
          %mul3A_1566 = arith.constant 784 : i32
          %mul3A_1567 = arith.muli %add3A_1565, %mul3A_1566 : i32
          %mul3A_1568 = arith.constant 32 : i32
          %mul3A_1569 = arith.muli %scan3A_1330, %mul3A_1568 : i32
          %add3A_1570 = arith.addi %mul3A_1567, %mul3A_1569 : i32
          %add3A_1571 = arith.constant 16 : i32
          %add3A_1572 = arith.addi %add3A_1570, %add3A_1571 : i32
          %get3A_1573 = arith.index_cast %add3A_1572 : i32 to index
          %get3A_1574 = tpu.vector_load %arg6[%get3A_1573] {strides = array<i32>} : memref<100352xf32, #tpu.memory_space<vmem>>, vector<16xf32>,
          %mul3A_1575 = arith.mulf %get3A_1353, %get3A_1563 : vector<16xf32>
          %mul3A_1576 = arith.mulf %get3A_1362, %get3A_1574 : vector<16xf32>
          %masked_sort3A_1577 = arith.constant dense<true> : vector<16xi1>
          %masked_sort3A_1578, %masked_sort3A_1579, %masked_sort3A_1580 = tpu.sort %mul3A_1575, %mul3A_1575 masked %masked_sort3A_1577 : (vector<16xf32>, vector<16xf32>, vector<16xi1>) -> (vector<16xi1>, vector<16xf32>, vector<16xf32>)
          %masked_sort3A_1581 = arith.constant dense<true> : vector<16xi1>
          %masked_sort3A_1582, %masked_sort3A_1583, %masked_sort3A_1584 = tpu.sort %mul3A_1576, %mul3A_1576 masked %masked_sort3A_1581 {descending = true} : (vector<16xf32>, vector<16xf32>, vector<16xi1>) -> (vector<16xi1>, vector<16xf32>, vector<16xf32>)
          %max3A_1585 = arith.maximumf %masked_sort3A_1579, %masked_sort3A_1583 : vector<16xf32>
          %min3A_1586 = arith.minimumf %masked_sort3A_1579, %masked_sort3A_1583 : vector<16xf32>
          %masked_sort3A_1587 = arith.constant dense<true> : vector<16xi1>
          %masked_sort3A_1588, %masked_sort3A_1589, %masked_sort3A_1590 = tpu.sort %max3A_1585, %max3A_1585 masked %masked_sort3A_1587 : (vector<16xf32>, vector<16xf32>, vector<16xi1>) -> (vector<16xi1>, vector<16xf32>, vector<16xf32>)
          %masked_sort3A_1591 = arith.constant dense<true> : vector<16xi1>
          %masked_sort3A_1592, %masked_sort3A_1593, %masked_sort3A_1594 = tpu.sort %min3A_1586, %min3A_1586 masked %masked_sort3A_1591 : (vector<16xf32>, vector<16xf32>, vector<16xi1>) -> (vector<16xi1>, vector<16xf32>, vector<16xf32>)
          %max3A_1595 = arith.maximumf %scan3A_1343, %masked_sort3A_1593 : vector<16xf32>
          %max3A_1596 = arith.maximumf %scan3A_1344, %masked_sort3A_1589 : vector<16xf32>
          %max3A_1597 = arith.maximumf %max3A_1595, %max3A_1596 : vector<16xf32>
          %masked_sort3A_1598 = arith.constant dense<true> : vector<16xi1>
          %masked_sort3A_1599, %masked_sort3A_1600, %masked_sort3A_1601 = tpu.sort %max3A_1597, %max3A_1597 masked %masked_sort3A_1598 {descending = true} : (vector<16xf32>, vector<16xf32>, vector<16xi1>) -> (vector<16xi1>, vector<16xf32>, vector<16xf32>)
          %min3A_1602 = arith.minimumf %max3A_1595, %max3A_1596 : vector<16xf32>
          %masked_sort3A_1603 = arith.constant dense<true> : vector<16xi1>
          %masked_sort3A_1604, %masked_sort3A_1605, %masked_sort3A_1606 = tpu.sort %min3A_1602, %min3A_1602 masked %masked_sort3A_1603 {descending = true} : (vector<16xf32>, vector<16xf32>, vector<16xi1>) -> (vector<16xi1>, vector<16xf32>, vector<16xf32>)
          %min3A_1607 = arith.minimumf %scan3A_1346, %masked_sort3A_1593 : vector<16xf32>
          %min3A_1608 = arith.minimumf %scan3A_1345, %masked_sort3A_1589 : vector<16xf32>
          %max3A_1609 = arith.maximumf %min3A_1607, %min3A_1608 : vector<16xf32>
          %masked_sort3A_1610 = arith.constant dense<true> : vector<16xi1>
          %masked_sort3A_1611, %masked_sort3A_1612, %masked_sort3A_1613 = tpu.sort %max3A_1609, %max3A_1609 masked %masked_sort3A_1610 {descending = true} : (vector<16xf32>, vector<16xf32>, vector<16xi1>) -> (vector<16xi1>, vector<16xf32>, vector<16xf32>)
          %min3A_1614 = arith.minimumf %min3A_1607, %min3A_1608 : vector<16xf32>
          %masked_sort3A_1615 = arith.constant dense<true> : vector<16xi1>
          %masked_sort3A_1616, %masked_sort3A_1617, %masked_sort3A_1618 = tpu.sort %min3A_1614, %min3A_1614 masked %masked_sort3A_1615 {descending = true} : (vector<16xf32>, vector<16xf32>, vector<16xi1>) -> (vector<16xi1>, vector<16xf32>, vector<16xf32>)
          scf.yield %masked_sort3A_1408, %masked_sort3A_1413, %masked_sort3A_1425, %masked_sort3A_1420, %masked_sort3A_1472, %masked_sort3A_1477, %masked_sort3A_1489, %masked_sort3A_1484, %masked_sort3A_1536, %masked_sort3A_1541, %masked_sort3A_1553, %masked_sort3A_1548, %masked_sort3A_1600, %masked_sort3A_1605, %masked_sort3A_1617, %masked_sort3A_1612 : vector<16xf32>, vector<16xf32>, vector<16xf32>, vector<16xf32>, vector<16xf32>, vector<16xf32>, vector<16xf32>, vector<16xf32>, vector<16xf32>, vector<16xf32>, vector<16xf32>, vector<16xf32>, vector<16xf32>, vector<16xf32>, vector<16xf32>, vector<16xf32>
        }
        %scan3A_685 = arith.constant 24 : i32
        %mul3A_686 = arith.constant 784 : i32
        %mul3A_687 = arith.muli %scan3A_13, %mul3A_686 : i32
        %add3A_688 = arith.constant 768 : i32
        %add3A_689 = arith.addi %mul3A_687, %add3A_688 : i32
        %get3A_690 = arith.index_cast %add3A_689 : i32 to index
        %get3A_691 = tpu.vector_load %arg5[%get3A_690] {strides = array<i32>} : memref<12544xf32, #tpu.memory_space<vmem>>, vector<16xf32>,
        %add3A_692 = arith.constant 0 : i32
        %add3A_693 = arith.addi %add3A_671, %add3A_692 : i32
        %mul3A_694 = arith.constant 784 : i32
        %mul3A_695 = arith.muli %add3A_693, %mul3A_694 : i32
        %add3A_696 = arith.constant 768 : i32
        %add3A_697 = arith.addi %mul3A_695, %add3A_696 : i32
        %get3A_698 = arith.index_cast %add3A_697 : i32 to index
        %get3A_699 = tpu.vector_load %arg6[%get3A_698] {strides = array<i32>} : memref<100352xf32, #tpu.memory_space<vmem>>, vector<16xf32>,
        %mul3A_700 = arith.mulf %get3A_691, %get3A_699 : vector<16xf32>
        %masked_sort3A_701 = arith.constant dense<true> : vector<16xi1>
        %masked_sort3A_702, %masked_sort3A_703, %masked_sort3A_704 = tpu.sort %mul3A_700, %mul3A_700 masked %masked_sort3A_701 : (vector<16xf32>, vector<16xf32>, vector<16xi1>) -> (vector<16xi1>, vector<16xf32>, vector<16xf32>)
        %max3A_705 = arith.maximumf %scan3A_684#0, %masked_sort3A_703 : vector<16xf32>
        %min3A_706 = arith.minimumf %scan3A_684#0, %masked_sort3A_703 : vector<16xf32>
        %masked_sort3A_707 = arith.constant dense<true> : vector<16xi1>
        %masked_sort3A_708, %masked_sort3A_709, %masked_sort3A_710 = tpu.sort %max3A_705, %max3A_705 masked %masked_sort3A_707 {descending = true} : (vector<16xf32>, vector<16xf32>, vector<16xi1>) -> (vector<16xi1>, vector<16xf32>, vector<16xf32>)
        %masked_sort3A_711 = arith.constant dense<true> : vector<16xi1>
        %masked_sort3A_712, %masked_sort3A_713, %masked_sort3A_714 = tpu.sort %min3A_706, %min3A_706 masked %masked_sort3A_711 : (vector<16xf32>, vector<16xf32>, vector<16xi1>) -> (vector<16xi1>, vector<16xf32>, vector<16xf32>)
        %max3A_715 = arith.maximumf %scan3A_684#1, %masked_sort3A_713 : vector<16xf32>
        %masked_sort3A_716 = arith.constant dense<true> : vector<16xi1>
        %masked_sort3A_717, %masked_sort3A_718, %masked_sort3A_719 = tpu.sort %max3A_715, %max3A_715 masked %masked_sort3A_716 {descending = true} : (vector<16xf32>, vector<16xf32>, vector<16xi1>) -> (vector<16xi1>, vector<16xf32>, vector<16xf32>)
        %min3A_720 = arith.minimumf %scan3A_684#2, %masked_sort3A_703 : vector<16xf32>
        %max3A_721 = arith.maximumf %scan3A_684#2, %masked_sort3A_703 : vector<16xf32>
        %masked_sort3A_722 = arith.constant dense<true> : vector<16xi1>
        %masked_sort3A_723, %masked_sort3A_724, %masked_sort3A_725 = tpu.sort %min3A_720, %min3A_720 masked %masked_sort3A_722 {descending = true} : (vector<16xf32>, vector<16xf32>, vector<16xi1>) -> (vector<16xi1>, vector<16xf32>, vector<16xf32>)
        %masked_sort3A_726 = arith.constant dense<true> : vector<16xi1>
        %masked_sort3A_727, %masked_sort3A_728, %masked_sort3A_729 = tpu.sort %max3A_721, %max3A_721 masked %masked_sort3A_726 : (vector<16xf32>, vector<16xf32>, vector<16xi1>) -> (vector<16xi1>, vector<16xf32>, vector<16xf32>)
        %min3A_730 = arith.minimumf %scan3A_684#3, %masked_sort3A_728 : vector<16xf32>
        %masked_sort3A_731 = arith.constant dense<true> : vector<16xi1>
        %masked_sort3A_732, %masked_sort3A_733, %masked_sort3A_734 = tpu.sort %min3A_730, %min3A_730 masked %masked_sort3A_731 {descending = true} : (vector<16xf32>, vector<16xf32>, vector<16xi1>) -> (vector<16xi1>, vector<16xf32>, vector<16xf32>)
        %add3A_735 = arith.constant 1 : i32
        %add3A_736 = arith.addi %add3A_671, %add3A_735 : i32
        %mul3A_737 = arith.constant 784 : i32
        %mul3A_738 = arith.muli %add3A_736, %mul3A_737 : i32
        %add3A_739 = arith.constant 768 : i32
        %add3A_740 = arith.addi %mul3A_738, %add3A_739 : i32
        %get3A_741 = arith.index_cast %add3A_740 : i32 to index
        %get3A_742 = tpu.vector_load %arg6[%get3A_741] {strides = array<i32>} : memref<100352xf32, #tpu.memory_space<vmem>>, vector<16xf32>,
        %mul3A_743 = arith.mulf %get3A_691, %get3A_742 : vector<16xf32>
        %masked_sort3A_744 = arith.constant dense<true> : vector<16xi1>
        %masked_sort3A_745, %masked_sort3A_746, %masked_sort3A_747 = tpu.sort %mul3A_743, %mul3A_743 masked %masked_sort3A_744 : (vector<16xf32>, vector<16xf32>, vector<16xi1>) -> (vector<16xi1>, vector<16xf32>, vector<16xf32>)
        %max3A_748 = arith.maximumf %scan3A_684#4, %masked_sort3A_746 : vector<16xf32>
        %min3A_749 = arith.minimumf %scan3A_684#4, %masked_sort3A_746 : vector<16xf32>
        %masked_sort3A_750 = arith.constant dense<true> : vector<16xi1>
        %masked_sort3A_751, %masked_sort3A_752, %masked_sort3A_753 = tpu.sort %max3A_748, %max3A_748 masked %masked_sort3A_750 {descending = true} : (vector<16xf32>, vector<16xf32>, vector<16xi1>) -> (vector<16xi1>, vector<16xf32>, vector<16xf32>)
        %masked_sort3A_754 = arith.constant dense<true> : vector<16xi1>
        %masked_sort3A_755, %masked_sort3A_756, %masked_sort3A_757 = tpu.sort %min3A_749, %min3A_749 masked %masked_sort3A_754 : (vector<16xf32>, vector<16xf32>, vector<16xi1>) -> (vector<16xi1>, vector<16xf32>, vector<16xf32>)
        %max3A_758 = arith.maximumf %scan3A_684#5, %masked_sort3A_756 : vector<16xf32>
        %masked_sort3A_759 = arith.constant dense<true> : vector<16xi1>
        %masked_sort3A_760, %masked_sort3A_761, %masked_sort3A_762 = tpu.sort %max3A_758, %max3A_758 masked %masked_sort3A_759 {descending = true} : (vector<16xf32>, vector<16xf32>, vector<16xi1>) -> (vector<16xi1>, vector<16xf32>, vector<16xf32>)
        %min3A_763 = arith.minimumf %scan3A_684#6, %masked_sort3A_746 : vector<16xf32>
        %max3A_764 = arith.maximumf %scan3A_684#6, %masked_sort3A_746 : vector<16xf32>
        %masked_sort3A_765 = arith.constant dense<true> : vector<16xi1>
        %masked_sort3A_766, %masked_sort3A_767, %masked_sort3A_768 = tpu.sort %min3A_763, %min3A_763 masked %masked_sort3A_765 {descending = true} : (vector<16xf32>, vector<16xf32>, vector<16xi1>) -> (vector<16xi1>, vector<16xf32>, vector<16xf32>)
        %masked_sort3A_769 = arith.constant dense<true> : vector<16xi1>
        %masked_sort3A_770, %masked_sort3A_771, %masked_sort3A_772 = tpu.sort %max3A_764, %max3A_764 masked %masked_sort3A_769 : (vector<16xf32>, vector<16xf32>, vector<16xi1>) -> (vector<16xi1>, vector<16xf32>, vector<16xf32>)
        %min3A_773 = arith.minimumf %scan3A_684#7, %masked_sort3A_771 : vector<16xf32>
        %masked_sort3A_774 = arith.constant dense<true> : vector<16xi1>
        %masked_sort3A_775, %masked_sort3A_776, %masked_sort3A_777 = tpu.sort %min3A_773, %min3A_773 masked %masked_sort3A_774 {descending = true} : (vector<16xf32>, vector<16xf32>, vector<16xi1>) -> (vector<16xi1>, vector<16xf32>, vector<16xf32>)
        %add3A_778 = arith.constant 2 : i32
        %add3A_779 = arith.addi %add3A_671, %add3A_778 : i32
        %mul3A_780 = arith.constant 784 : i32
        %mul3A_781 = arith.muli %add3A_779, %mul3A_780 : i32
        %add3A_782 = arith.constant 768 : i32
        %add3A_783 = arith.addi %mul3A_781, %add3A_782 : i32
        %get3A_784 = arith.index_cast %add3A_783 : i32 to index
        %get3A_785 = tpu.vector_load %arg6[%get3A_784] {strides = array<i32>} : memref<100352xf32, #tpu.memory_space<vmem>>, vector<16xf32>,
        %mul3A_786 = arith.mulf %get3A_691, %get3A_785 : vector<16xf32>
        %masked_sort3A_787 = arith.constant dense<true> : vector<16xi1>
        %masked_sort3A_788, %masked_sort3A_789, %masked_sort3A_790 = tpu.sort %mul3A_786, %mul3A_786 masked %masked_sort3A_787 : (vector<16xf32>, vector<16xf32>, vector<16xi1>) -> (vector<16xi1>, vector<16xf32>, vector<16xf32>)
        %max3A_791 = arith.maximumf %scan3A_684#8, %masked_sort3A_789 : vector<16xf32>
        %min3A_792 = arith.minimumf %scan3A_684#8, %masked_sort3A_789 : vector<16xf32>
        %masked_sort3A_793 = arith.constant dense<true> : vector<16xi1>
        %masked_sort3A_794, %masked_sort3A_795, %masked_sort3A_796 = tpu.sort %max3A_791, %max3A_791 masked %masked_sort3A_793 {descending = true} : (vector<16xf32>, vector<16xf32>, vector<16xi1>) -> (vector<16xi1>, vector<16xf32>, vector<16xf32>)
        %masked_sort3A_797 = arith.constant dense<true> : vector<16xi1>
        %masked_sort3A_798, %masked_sort3A_799, %masked_sort3A_800 = tpu.sort %min3A_792, %min3A_792 masked %masked_sort3A_797 : (vector<16xf32>, vector<16xf32>, vector<16xi1>) -> (vector<16xi1>, vector<16xf32>, vector<16xf32>)
        %max3A_801 = arith.maximumf %scan3A_684#9, %masked_sort3A_799 : vector<16xf32>
        %masked_sort3A_802 = arith.constant dense<true> : vector<16xi1>
        %masked_sort3A_803, %masked_sort3A_804, %masked_sort3A_805 = tpu.sort %max3A_801, %max3A_801 masked %masked_sort3A_802 {descending = true} : (vector<16xf32>, vector<16xf32>, vector<16xi1>) -> (vector<16xi1>, vector<16xf32>, vector<16xf32>)
        %min3A_806 = arith.minimumf %scan3A_684#10, %masked_sort3A_789 : vector<16xf32>
        %max3A_807 = arith.maximumf %scan3A_684#10, %masked_sort3A_789 : vector<16xf32>
        %masked_sort3A_808 = arith.constant dense<true> : vector<16xi1>
        %masked_sort3A_809, %masked_sort3A_810, %masked_sort3A_811 = tpu.sort %min3A_806, %min3A_806 masked %masked_sort3A_808 {descending = true} : (vector<16xf32>, vector<16xf32>, vector<16xi1>) -> (vector<16xi1>, vector<16xf32>, vector<16xf32>)
        %masked_sort3A_812 = arith.constant dense<true> : vector<16xi1>
        %masked_sort3A_813, %masked_sort3A_814, %masked_sort3A_815 = tpu.sort %max3A_807, %max3A_807 masked %masked_sort3A_812 : (vector<16xf32>, vector<16xf32>, vector<16xi1>) -> (vector<16xi1>, vector<16xf32>, vector<16xf32>)
        %min3A_816 = arith.minimumf %scan3A_684#11, %masked_sort3A_814 : vector<16xf32>
        %masked_sort3A_817 = arith.constant dense<true> : vector<16xi1>
        %masked_sort3A_818, %masked_sort3A_819, %masked_sort3A_820 = tpu.sort %min3A_816, %min3A_816 masked %masked_sort3A_817 {descending = true} : (vector<16xf32>, vector<16xf32>, vector<16xi1>) -> (vector<16xi1>, vector<16xf32>, vector<16xf32>)
        %add3A_821 = arith.constant 3 : i32
        %add3A_822 = arith.addi %add3A_671, %add3A_821 : i32
        %mul3A_823 = arith.constant 784 : i32
        %mul3A_824 = arith.muli %add3A_822, %mul3A_823 : i32
        %add3A_825 = arith.constant 768 : i32
        %add3A_826 = arith.addi %mul3A_824, %add3A_825 : i32
        %get3A_827 = arith.index_cast %add3A_826 : i32 to index
        %get3A_828 = tpu.vector_load %arg6[%get3A_827] {strides = array<i32>} : memref<100352xf32, #tpu.memory_space<vmem>>, vector<16xf32>,
        %mul3A_829 = arith.mulf %get3A_691, %get3A_828 : vector<16xf32>
        %masked_sort3A_830 = arith.constant dense<true> : vector<16xi1>
        %masked_sort3A_831, %masked_sort3A_832, %masked_sort3A_833 = tpu.sort %mul3A_829, %mul3A_829 masked %masked_sort3A_830 : (vector<16xf32>, vector<16xf32>, vector<16xi1>) -> (vector<16xi1>, vector<16xf32>, vector<16xf32>)
        %max3A_834 = arith.maximumf %scan3A_684#12, %masked_sort3A_832 : vector<16xf32>
        %min3A_835 = arith.minimumf %scan3A_684#12, %masked_sort3A_832 : vector<16xf32>
        %masked_sort3A_836 = arith.constant dense<true> : vector<16xi1>
        %masked_sort3A_837, %masked_sort3A_838, %masked_sort3A_839 = tpu.sort %max3A_834, %max3A_834 masked %masked_sort3A_836 {descending = true} : (vector<16xf32>, vector<16xf32>, vector<16xi1>) -> (vector<16xi1>, vector<16xf32>, vector<16xf32>)
        %masked_sort3A_840 = arith.constant dense<true> : vector<16xi1>
        %masked_sort3A_841, %masked_sort3A_842, %masked_sort3A_843 = tpu.sort %min3A_835, %min3A_835 masked %masked_sort3A_840 : (vector<16xf32>, vector<16xf32>, vector<16xi1>) -> (vector<16xi1>, vector<16xf32>, vector<16xf32>)
        %max3A_844 = arith.maximumf %scan3A_684#13, %masked_sort3A_842 : vector<16xf32>
        %masked_sort3A_845 = arith.constant dense<true> : vector<16xi1>
        %masked_sort3A_846, %masked_sort3A_847, %masked_sort3A_848 = tpu.sort %max3A_844, %max3A_844 masked %masked_sort3A_845 {descending = true} : (vector<16xf32>, vector<16xf32>, vector<16xi1>) -> (vector<16xi1>, vector<16xf32>, vector<16xf32>)
        %min3A_849 = arith.minimumf %scan3A_684#14, %masked_sort3A_832 : vector<16xf32>
        %max3A_850 = arith.maximumf %scan3A_684#14, %masked_sort3A_832 : vector<16xf32>
        %masked_sort3A_851 = arith.constant dense<true> : vector<16xi1>
        %masked_sort3A_852, %masked_sort3A_853, %masked_sort3A_854 = tpu.sort %min3A_849, %min3A_849 masked %masked_sort3A_851 {descending = true} : (vector<16xf32>, vector<16xf32>, vector<16xi1>) -> (vector<16xi1>, vector<16xf32>, vector<16xf32>)
        %masked_sort3A_855 = arith.constant dense<true> : vector<16xi1>
        %masked_sort3A_856, %masked_sort3A_857, %masked_sort3A_858 = tpu.sort %max3A_850, %max3A_850 masked %masked_sort3A_855 : (vector<16xf32>, vector<16xf32>, vector<16xi1>) -> (vector<16xi1>, vector<16xf32>, vector<16xf32>)
        %min3A_859 = arith.minimumf %scan3A_684#15, %masked_sort3A_857 : vector<16xf32>
        %masked_sort3A_860 = arith.constant dense<true> : vector<16xi1>
        %masked_sort3A_861, %masked_sort3A_862, %masked_sort3A_863 = tpu.sort %min3A_859, %min3A_859 masked %masked_sort3A_860 {descending = true} : (vector<16xf32>, vector<16xf32>, vector<16xi1>) -> (vector<16xi1>, vector<16xf32>, vector<16xf32>)
        %reduce_sum3A_864 = arith.constant true
        %reduce_sum3A_865 = vector.broadcast %reduce_sum3A_864 : i1 to vector<16xi1>
        %reduce_sum3A_866 = tpu.scan <sum>, %masked_sort3A_709 masked %reduce_sum3A_865 : vector<16xf32>, vector<16xi1> -> vector<16xf32>
        %reduce_sum3A_867 = vector.extract %reduce_sum3A_866[15] : f32 from vector<16xf32>
        %lt3A_868 = vector.broadcast %scan3A : i32 to vector<16xi32>
        %lt3A_869 = arith.cmpi slt, %iota3A, %lt3A_868 : vector<16xi32>
        %select_n3A_870 = arith.select %lt3A_869, %masked_sort3A_718, %broadcast_in_dim3A_3 : vector<16xi1>, vector<16xf32>
        %reduce_sum3A_871 = arith.constant true
        %reduce_sum3A_872 = vector.broadcast %reduce_sum3A_871 : i1 to vector<16xi1>
        %reduce_sum3A_873 = tpu.scan <sum>, %select_n3A_870 masked %reduce_sum3A_872 : vector<16xf32>, vector<16xi1> -> vector<16xf32>
        %reduce_sum3A_874 = vector.extract %reduce_sum3A_873[15] : f32 from vector<16xf32>
        %add3A_875 = arith.addf %reduce_sum3A_867, %reduce_sum3A_874 : f32
        %reduce_sum3A_876 = arith.constant true
        %reduce_sum3A_877 = vector.broadcast %reduce_sum3A_876 : i1 to vector<16xi1>
        %reduce_sum3A_878 = tpu.scan <sum>, %masked_sort3A_724 masked %reduce_sum3A_877 : vector<16xf32>, vector<16xi1> -> vector<16xf32>
        %reduce_sum3A_879 = vector.extract %reduce_sum3A_878[15] : f32 from vector<16xf32>
        %ge3A_880 = arith.constant 12 : i32
        %ge3A_881 = vector.broadcast %ge3A_880 : i32 to vector<16xi32>
        %ge3A_882 = arith.cmpi sge, %iota3A, %ge3A_881 : vector<16xi32>
        %select_n3A_883 = arith.select %ge3A_882, %masked_sort3A_733, %broadcast_in_dim3A_3 : vector<16xi1>, vector<16xf32>
        %reduce_sum3A_884 = arith.constant true
        %reduce_sum3A_885 = vector.broadcast %reduce_sum3A_884 : i1 to vector<16xi1>
        %reduce_sum3A_886 = tpu.scan <sum>, %select_n3A_883 masked %reduce_sum3A_885 : vector<16xf32>, vector<16xi1> -> vector<16xf32>
        %reduce_sum3A_887 = vector.extract %reduce_sum3A_886[15] : f32 from vector<16xf32>
        %add3A_888 = arith.addf %reduce_sum3A_879, %reduce_sum3A_887 : f32
        %eq3A_889 = arith.constant 8 : i32
        %eq3A_890 = vector.broadcast %eq3A_889 : i32 to vector<16xi32>
        %eq3A_891 = arith.cmpi eq, %iota3A, %eq3A_890 : vector<16xi32>
        %add3A_892 = arith.addf %add3A_875, %add3A_888 : f32
        %neg3A_893 = arith.constant 0.000000e+00 : f32
        %neg3A_894 = arith.subf %neg3A_893, %add3A_892 : f32
        %broadcast_in_dim3A_895 = vector.broadcast %neg3A_894 : f32 to vector<16xf32>
        %select_n3A_896 = arith.select %eq3A_891, %broadcast_in_dim3A_895, %select_n3A_667 : vector<16xi1>, vector<16xf32>
        %reduce_sum3A_897 = arith.constant true
        %reduce_sum3A_898 = vector.broadcast %reduce_sum3A_897 : i1 to vector<16xi1>
        %reduce_sum3A_899 = tpu.scan <sum>, %masked_sort3A_752 masked %reduce_sum3A_898 : vector<16xf32>, vector<16xi1> -> vector<16xf32>
        %reduce_sum3A_900 = vector.extract %reduce_sum3A_899[15] : f32 from vector<16xf32>
        %lt3A_901 = vector.broadcast %scan3A : i32 to vector<16xi32>
        %lt3A_902 = arith.cmpi slt, %iota3A, %lt3A_901 : vector<16xi32>
        %select_n3A_903 = arith.select %lt3A_902, %masked_sort3A_761, %broadcast_in_dim3A_3 : vector<16xi1>, vector<16xf32>
        %reduce_sum3A_904 = arith.constant true
        %reduce_sum3A_905 = vector.broadcast %reduce_sum3A_904 : i1 to vector<16xi1>
        %reduce_sum3A_906 = tpu.scan <sum>, %select_n3A_903 masked %reduce_sum3A_905 : vector<16xf32>, vector<16xi1> -> vector<16xf32>
        %reduce_sum3A_907 = vector.extract %reduce_sum3A_906[15] : f32 from vector<16xf32>
        %add3A_908 = arith.addf %reduce_sum3A_900, %reduce_sum3A_907 : f32
        %reduce_sum3A_909 = arith.constant true
        %reduce_sum3A_910 = vector.broadcast %reduce_sum3A_909 : i1 to vector<16xi1>
        %reduce_sum3A_911 = tpu.scan <sum>, %masked_sort3A_767 masked %reduce_sum3A_910 : vector<16xf32>, vector<16xi1> -> vector<16xf32>
        %reduce_sum3A_912 = vector.extract %reduce_sum3A_911[15] : f32 from vector<16xf32>
        %ge3A_913 = arith.constant 12 : i32
        %ge3A_914 = vector.broadcast %ge3A_913 : i32 to vector<16xi32>
        %ge3A_915 = arith.cmpi sge, %iota3A, %ge3A_914 : vector<16xi32>
        %select_n3A_916 = arith.select %ge3A_915, %masked_sort3A_776, %broadcast_in_dim3A_3 : vector<16xi1>, vector<16xf32>
        %reduce_sum3A_917 = arith.constant true
        %reduce_sum3A_918 = vector.broadcast %reduce_sum3A_917 : i1 to vector<16xi1>
        %reduce_sum3A_919 = tpu.scan <sum>, %select_n3A_916 masked %reduce_sum3A_918 : vector<16xf32>, vector<16xi1> -> vector<16xf32>
        %reduce_sum3A_920 = vector.extract %reduce_sum3A_919[15] : f32 from vector<16xf32>
        %add3A_921 = arith.addf %reduce_sum3A_912, %reduce_sum3A_920 : f32
        %eq3A_922 = arith.constant 9 : i32
        %eq3A_923 = vector.broadcast %eq3A_922 : i32 to vector<16xi32>
        %eq3A_924 = arith.cmpi eq, %iota3A, %eq3A_923 : vector<16xi32>
        %add3A_925 = arith.addf %add3A_908, %add3A_921 : f32
        %neg3A_926 = arith.constant 0.000000e+00 : f32
        %neg3A_927 = arith.subf %neg3A_926, %add3A_925 : f32
        %broadcast_in_dim3A_928 = vector.broadcast %neg3A_927 : f32 to vector<16xf32>
        %select_n3A_929 = arith.select %eq3A_924, %broadcast_in_dim3A_928, %select_n3A_896 : vector<16xi1>, vector<16xf32>
        %reduce_sum3A_930 = arith.constant true
        %reduce_sum3A_931 = vector.broadcast %reduce_sum3A_930 : i1 to vector<16xi1>
        %reduce_sum3A_932 = tpu.scan <sum>, %masked_sort3A_795 masked %reduce_sum3A_931 : vector<16xf32>, vector<16xi1> -> vector<16xf32>
        %reduce_sum3A_933 = vector.extract %reduce_sum3A_932[15] : f32 from vector<16xf32>
        %lt3A_934 = vector.broadcast %scan3A : i32 to vector<16xi32>
        %lt3A_935 = arith.cmpi slt, %iota3A, %lt3A_934 : vector<16xi32>
        %select_n3A_936 = arith.select %lt3A_935, %masked_sort3A_804, %broadcast_in_dim3A_3 : vector<16xi1>, vector<16xf32>
        %reduce_sum3A_937 = arith.constant true
        %reduce_sum3A_938 = vector.broadcast %reduce_sum3A_937 : i1 to vector<16xi1>
        %reduce_sum3A_939 = tpu.scan <sum>, %select_n3A_936 masked %reduce_sum3A_938 : vector<16xf32>, vector<16xi1> -> vector<16xf32>
        %reduce_sum3A_940 = vector.extract %reduce_sum3A_939[15] : f32 from vector<16xf32>
        %add3A_941 = arith.addf %reduce_sum3A_933, %reduce_sum3A_940 : f32
        %reduce_sum3A_942 = arith.constant true
        %reduce_sum3A_943 = vector.broadcast %reduce_sum3A_942 : i1 to vector<16xi1>
        %reduce_sum3A_944 = tpu.scan <sum>, %masked_sort3A_810 masked %reduce_sum3A_943 : vector<16xf32>, vector<16xi1> -> vector<16xf32>
        %reduce_sum3A_945 = vector.extract %reduce_sum3A_944[15] : f32 from vector<16xf32>
        %ge3A_946 = arith.constant 12 : i32
        %ge3A_947 = vector.broadcast %ge3A_946 : i32 to vector<16xi32>
        %ge3A_948 = arith.cmpi sge, %iota3A, %ge3A_947 : vector<16xi32>
        %select_n3A_949 = arith.select %ge3A_948, %masked_sort3A_819, %broadcast_in_dim3A_3 : vector<16xi1>, vector<16xf32>
        %reduce_sum3A_950 = arith.constant true
        %reduce_sum3A_951 = vector.broadcast %reduce_sum3A_950 : i1 to vector<16xi1>
        %reduce_sum3A_952 = tpu.scan <sum>, %select_n3A_949 masked %reduce_sum3A_951 : vector<16xf32>, vector<16xi1> -> vector<16xf32>
        %reduce_sum3A_953 = vector.extract %reduce_sum3A_952[15] : f32 from vector<16xf32>
        %add3A_954 = arith.addf %reduce_sum3A_945, %reduce_sum3A_953 : f32
        %eq3A_955 = arith.constant 10 : i32
        %eq3A_956 = vector.broadcast %eq3A_955 : i32 to vector<16xi32>
        %eq3A_957 = arith.cmpi eq, %iota3A, %eq3A_956 : vector<16xi32>
        %add3A_958 = arith.addf %add3A_941, %add3A_954 : f32
        %neg3A_959 = arith.constant 0.000000e+00 : f32
        %neg3A_960 = arith.subf %neg3A_959, %add3A_958 : f32
        %broadcast_in_dim3A_961 = vector.broadcast %neg3A_960 : f32 to vector<16xf32>
        %select_n3A_962 = arith.select %eq3A_957, %broadcast_in_dim3A_961, %select_n3A_929 : vector<16xi1>, vector<16xf32>
        %reduce_sum3A_963 = arith.constant true
        %reduce_sum3A_964 = vector.broadcast %reduce_sum3A_963 : i1 to vector<16xi1>
        %reduce_sum3A_965 = tpu.scan <sum>, %masked_sort3A_838 masked %reduce_sum3A_964 : vector<16xf32>, vector<16xi1> -> vector<16xf32>
        %reduce_sum3A_966 = vector.extract %reduce_sum3A_965[15] : f32 from vector<16xf32>
        %lt3A_967 = vector.broadcast %scan3A : i32 to vector<16xi32>
        %lt3A_968 = arith.cmpi slt, %iota3A, %lt3A_967 : vector<16xi32>
        %select_n3A_969 = arith.select %lt3A_968, %masked_sort3A_847, %broadcast_in_dim3A_3 : vector<16xi1>, vector<16xf32>
        %reduce_sum3A_970 = arith.constant true
        %reduce_sum3A_971 = vector.broadcast %reduce_sum3A_970 : i1 to vector<16xi1>
        %reduce_sum3A_972 = tpu.scan <sum>, %select_n3A_969 masked %reduce_sum3A_971 : vector<16xf32>, vector<16xi1> -> vector<16xf32>
        %reduce_sum3A_973 = vector.extract %reduce_sum3A_972[15] : f32 from vector<16xf32>
        %add3A_974 = arith.addf %reduce_sum3A_966, %reduce_sum3A_973 : f32
        %reduce_sum3A_975 = arith.constant true
        %reduce_sum3A_976 = vector.broadcast %reduce_sum3A_975 : i1 to vector<16xi1>
        %reduce_sum3A_977 = tpu.scan <sum>, %masked_sort3A_853 masked %reduce_sum3A_976 : vector<16xf32>, vector<16xi1> -> vector<16xf32>
        %reduce_sum3A_978 = vector.extract %reduce_sum3A_977[15] : f32 from vector<16xf32>
        %ge3A_979 = arith.constant 12 : i32
        %ge3A_980 = vector.broadcast %ge3A_979 : i32 to vector<16xi32>
        %ge3A_981 = arith.cmpi sge, %iota3A, %ge3A_980 : vector<16xi32>
        %select_n3A_982 = arith.select %ge3A_981, %masked_sort3A_862, %broadcast_in_dim3A_3 : vector<16xi1>, vector<16xf32>
        %reduce_sum3A_983 = arith.constant true
        %reduce_sum3A_984 = vector.broadcast %reduce_sum3A_983 : i1 to vector<16xi1>
        %reduce_sum3A_985 = tpu.scan <sum>, %select_n3A_982 masked %reduce_sum3A_984 : vector<16xf32>, vector<16xi1> -> vector<16xf32>
        %reduce_sum3A_986 = vector.extract %reduce_sum3A_985[15] : f32 from vector<16xf32>
        %add3A_987 = arith.addf %reduce_sum3A_978, %reduce_sum3A_986 : f32
        %eq3A_988 = arith.constant 11 : i32
        %eq3A_989 = vector.broadcast %eq3A_988 : i32 to vector<16xi32>
        %eq3A_990 = arith.cmpi eq, %iota3A, %eq3A_989 : vector<16xi32>
        %add3A_991 = arith.addf %add3A_974, %add3A_987 : f32
        %neg3A_992 = arith.constant 0.000000e+00 : f32
        %neg3A_993 = arith.subf %neg3A_992, %add3A_991 : f32
        %broadcast_in_dim3A_994 = vector.broadcast %neg3A_993 : f32 to vector<16xf32>
        %select_n3A_995 = arith.select %eq3A_990, %broadcast_in_dim3A_994, %select_n3A_962 : vector<16xi1>, vector<16xf32>
        %mul3A_996 = arith.constant 16 : i32
        %mul3A_997 = arith.muli %scan3A_21, %mul3A_996 : i32
        %add3A_998 = arith.constant 12 : i32
        %add3A_999 = arith.addi %mul3A_997, %add3A_998 : i32
        %broadcast_in_dim3A_1000 = arith.constant -3.40282347E+38 : f32
        %broadcast_in_dim3A_1001 = vector.broadcast %broadcast_in_dim3A_1000 : f32 to vector<16xf32>
        %broadcast_in_dim3A_1002 = arith.constant -3.40282347E+38 : f32
        %broadcast_in_dim3A_1003 = vector.broadcast %broadcast_in_dim3A_1002 : f32 to vector<16xf32>
        %broadcast_in_dim3A_1004 = arith.constant 3.40282347E+38 : f32
        %broadcast_in_dim3A_1005 = vector.broadcast %broadcast_in_dim3A_1004 : f32 to vector<16xf32>
        %broadcast_in_dim3A_1006 = arith.constant 3.40282347E+38 : f32
        %broadcast_in_dim3A_1007 = vector.broadcast %broadcast_in_dim3A_1006 : f32 to vector<16xf32>
        %scan3A_1008 = arith.constant 0 : i32
        %scan3A_1009 = arith.constant 24 : i32
        %scan3A_1010 = arith.addi %scan3A_1008, %scan3A_1009 : i32
        %scan3A_1011 = arith.constant 1 : i32
        %scan3A_1012:16 = scf.for %scan3A_1330 = %scan3A_1008 to %scan3A_1010 step %scan3A_1011 iter_args(%scan3A_1331 = %broadcast_in_dim3A_1001, %scan3A_1332 = %broadcast_in_dim3A_1003, %scan3A_1333 = %broadcast_in_dim3A_1005, %scan3A_1334 = %broadcast_in_dim3A_1007, %scan3A_1335 = %broadcast_in_dim3A_1001, %scan3A_1336 = %broadcast_in_dim3A_1003, %scan3A_1337 = %broadcast_in_dim3A_1005, %scan3A_1338 = %broadcast_in_dim3A_1007, %scan3A_1339 = %broadcast_in_dim3A_1001, %scan3A_1340 = %broadcast_in_dim3A_1003, %scan3A_1341 = %broadcast_in_dim3A_1005, %scan3A_1342 = %broadcast_in_dim3A_1007, %scan3A_1343 = %broadcast_in_dim3A_1001, %scan3A_1344 = %broadcast_in_dim3A_1003, %scan3A_1345 = %broadcast_in_dim3A_1005, %scan3A_1346 = %broadcast_in_dim3A_1007) -> (vector<16xf32>, vector<16xf32>, vector<16xf32>, vector<16xf32>, vector<16xf32>, vector<16xf32>, vector<16xf32>, vector<16xf32>, vector<16xf32>, vector<16xf32>, vector<16xf32>, vector<16xf32>, vector<16xf32>, vector<16xf32>, vector<16xf32>, vector<16xf32>)  : i32 {
          %mul3A_1347 = arith.constant 784 : i32
          %mul3A_1348 = arith.muli %scan3A_13, %mul3A_1347 : i32
          %mul3A_1349 = arith.constant 32 : i32
          %mul3A_1350 = arith.muli %scan3A_1330, %mul3A_1349 : i32
          %add3A_1351 = arith.addi %mul3A_1348, %mul3A_1350 : i32
          %get3A_1352 = arith.index_cast %add3A_1351 : i32 to index
          %get3A_1353 = tpu.vector_load %arg5[%get3A_1352] {strides = array<i32>} : memref<12544xf32, #tpu.memory_space<vmem>>, vector<16xf32>,
          %mul3A_1354 = arith.constant 784 : i32
          %mul3A_1355 = arith.muli %scan3A_13, %mul3A_1354 : i32
          %mul3A_1356 = arith.constant 32 : i32
          %mul3A_1357 = arith.muli %scan3A_1330, %mul3A_1356 : i32
          %add3A_1358 = arith.addi %mul3A_1355, %mul3A_1357 : i32
          %add3A_1359 = arith.constant 16 : i32
          %add3A_1360 = arith.addi %add3A_1358, %add3A_1359 : i32
          %get3A_1361 = arith.index_cast %add3A_1360 : i32 to index
          %get3A_1362 = tpu.vector_load %arg5[%get3A_1361] {strides = array<i32>} : memref<12544xf32, #tpu.memory_space<vmem>>, vector<16xf32>,
          %add3A_1363 = arith.constant 0 : i32
          %add3A_1364 = arith.addi %add3A_999, %add3A_1363 : i32
          %mul3A_1365 = arith.constant 784 : i32
          %mul3A_1366 = arith.muli %add3A_1364, %mul3A_1365 : i32
          %mul3A_1367 = arith.constant 32 : i32
          %mul3A_1368 = arith.muli %scan3A_1330, %mul3A_1367 : i32
          %add3A_1369 = arith.addi %mul3A_1366, %mul3A_1368 : i32
          %get3A_1370 = arith.index_cast %add3A_1369 : i32 to index
          %get3A_1371 = tpu.vector_load %arg6[%get3A_1370] {strides = array<i32>} : memref<100352xf32, #tpu.memory_space<vmem>>, vector<16xf32>,
          %add3A_1372 = arith.constant 0 : i32
          %add3A_1373 = arith.addi %add3A_999, %add3A_1372 : i32
          %mul3A_1374 = arith.constant 784 : i32
          %mul3A_1375 = arith.muli %add3A_1373, %mul3A_1374 : i32
          %mul3A_1376 = arith.constant 32 : i32
          %mul3A_1377 = arith.muli %scan3A_1330, %mul3A_1376 : i32
          %add3A_1378 = arith.addi %mul3A_1375, %mul3A_1377 : i32
          %add3A_1379 = arith.constant 16 : i32
          %add3A_1380 = arith.addi %add3A_1378, %add3A_1379 : i32
          %get3A_1381 = arith.index_cast %add3A_1380 : i32 to index
          %get3A_1382 = tpu.vector_load %arg6[%get3A_1381] {strides = array<i32>} : memref<100352xf32, #tpu.memory_space<vmem>>, vector<16xf32>,
          %mul3A_1383 = arith.mulf %get3A_1353, %get3A_1371 : vector<16xf32>
          %mul3A_1384 = arith.mulf %get3A_1362, %get3A_1382 : vector<16xf32>
          %masked_sort3A_1385 = arith.constant dense<true> : vector<16xi1>
          %masked_sort3A_1386, %masked_sort3A_1387, %masked_sort3A_1388 = tpu.sort %mul3A_1383, %mul3A_1383 masked %masked_sort3A_1385 : (vector<16xf32>, vector<16xf32>, vector<16xi1>) -> (vector<16xi1>, vector<16xf32>, vector<16xf32>)
          %masked_sort3A_1389 = arith.constant dense<true> : vector<16xi1>
          %masked_sort3A_1390, %masked_sort3A_1391, %masked_sort3A_1392 = tpu.sort %mul3A_1384, %mul3A_1384 masked %masked_sort3A_1389 {descending = true} : (vector<16xf32>, vector<16xf32>, vector<16xi1>) -> (vector<16xi1>, vector<16xf32>, vector<16xf32>)
          %max3A_1393 = arith.maximumf %masked_sort3A_1387, %masked_sort3A_1391 : vector<16xf32>
          %min3A_1394 = arith.minimumf %masked_sort3A_1387, %masked_sort3A_1391 : vector<16xf32>
          %masked_sort3A_1395 = arith.constant dense<true> : vector<16xi1>
          %masked_sort3A_1396, %masked_sort3A_1397, %masked_sort3A_1398 = tpu.sort %max3A_1393, %max3A_1393 masked %masked_sort3A_1395 : (vector<16xf32>, vector<16xf32>, vector<16xi1>) -> (vector<16xi1>, vector<16xf32>, vector<16xf32>)
          %masked_sort3A_1399 = arith.constant dense<true> : vector<16xi1>
          %masked_sort3A_1400, %masked_sort3A_1401, %masked_sort3A_1402 = tpu.sort %min3A_1394, %min3A_1394 masked %masked_sort3A_1399 : (vector<16xf32>, vector<16xf32>, vector<16xi1>) -> (vector<16xi1>, vector<16xf32>, vector<16xf32>)
          %max3A_1403 = arith.maximumf %scan3A_1331, %masked_sort3A_1401 : vector<16xf32>
          %max3A_1404 = arith.maximumf %scan3A_1332, %masked_sort3A_1397 : vector<16xf32>
          %max3A_1405 = arith.maximumf %max3A_1403, %max3A_1404 : vector<16xf32>
          %masked_sort3A_1406 = arith.constant dense<true> : vector<16xi1>
          %masked_sort3A_1407, %masked_sort3A_1408, %masked_sort3A_1409 = tpu.sort %max3A_1405, %max3A_1405 masked %masked_sort3A_1406 {descending = true} : (vector<16xf32>, vector<16xf32>, vector<16xi1>) -> (vector<16xi1>, vector<16xf32>, vector<16xf32>)
          %min3A_1410 = arith.minimumf %max3A_1403, %max3A_1404 : vector<16xf32>
          %masked_sort3A_1411 = arith.constant dense<true> : vector<16xi1>
          %masked_sort3A_1412, %masked_sort3A_1413, %masked_sort3A_1414 = tpu.sort %min3A_1410, %min3A_1410 masked %masked_sort3A_1411 {descending = true} : (vector<16xf32>, vector<16xf32>, vector<16xi1>) -> (vector<16xi1>, vector<16xf32>, vector<16xf32>)
          %min3A_1415 = arith.minimumf %scan3A_1334, %masked_sort3A_1401 : vector<16xf32>
          %min3A_1416 = arith.minimumf %scan3A_1333, %masked_sort3A_1397 : vector<16xf32>
          %max3A_1417 = arith.maximumf %min3A_1415, %min3A_1416 : vector<16xf32>
          %masked_sort3A_1418 = arith.constant dense<true> : vector<16xi1>
          %masked_sort3A_1419, %masked_sort3A_1420, %masked_sort3A_1421 = tpu.sort %max3A_1417, %max3A_1417 masked %masked_sort3A_1418 {descending = true} : (vector<16xf32>, vector<16xf32>, vector<16xi1>) -> (vector<16xi1>, vector<16xf32>, vector<16xf32>)
          %min3A_1422 = arith.minimumf %min3A_1415, %min3A_1416 : vector<16xf32>
          %masked_sort3A_1423 = arith.constant dense<true> : vector<16xi1>
          %masked_sort3A_1424, %masked_sort3A_1425, %masked_sort3A_1426 = tpu.sort %min3A_1422, %min3A_1422 masked %masked_sort3A_1423 {descending = true} : (vector<16xf32>, vector<16xf32>, vector<16xi1>) -> (vector<16xi1>, vector<16xf32>, vector<16xf32>)
          %add3A_1427 = arith.constant 1 : i32
          %add3A_1428 = arith.addi %add3A_999, %add3A_1427 : i32
          %mul3A_1429 = arith.constant 784 : i32
          %mul3A_1430 = arith.muli %add3A_1428, %mul3A_1429 : i32
          %mul3A_1431 = arith.constant 32 : i32
          %mul3A_1432 = arith.muli %scan3A_1330, %mul3A_1431 : i32
          %add3A_1433 = arith.addi %mul3A_1430, %mul3A_1432 : i32
          %get3A_1434 = arith.index_cast %add3A_1433 : i32 to index
          %get3A_1435 = tpu.vector_load %arg6[%get3A_1434] {strides = array<i32>} : memref<100352xf32, #tpu.memory_space<vmem>>, vector<16xf32>,
          %add3A_1436 = arith.constant 1 : i32
          %add3A_1437 = arith.addi %add3A_999, %add3A_1436 : i32
          %mul3A_1438 = arith.constant 784 : i32
          %mul3A_1439 = arith.muli %add3A_1437, %mul3A_1438 : i32
          %mul3A_1440 = arith.constant 32 : i32
          %mul3A_1441 = arith.muli %scan3A_1330, %mul3A_1440 : i32
          %add3A_1442 = arith.addi %mul3A_1439, %mul3A_1441 : i32
          %add3A_1443 = arith.constant 16 : i32
          %add3A_1444 = arith.addi %add3A_1442, %add3A_1443 : i32
          %get3A_1445 = arith.index_cast %add3A_1444 : i32 to index
          %get3A_1446 = tpu.vector_load %arg6[%get3A_1445] {strides = array<i32>} : memref<100352xf32, #tpu.memory_space<vmem>>, vector<16xf32>,
          %mul3A_1447 = arith.mulf %get3A_1353, %get3A_1435 : vector<16xf32>
          %mul3A_1448 = arith.mulf %get3A_1362, %get3A_1446 : vector<16xf32>
          %masked_sort3A_1449 = arith.constant dense<true> : vector<16xi1>
          %masked_sort3A_1450, %masked_sort3A_1451, %masked_sort3A_1452 = tpu.sort %mul3A_1447, %mul3A_1447 masked %masked_sort3A_1449 : (vector<16xf32>, vector<16xf32>, vector<16xi1>) -> (vector<16xi1>, vector<16xf32>, vector<16xf32>)
          %masked_sort3A_1453 = arith.constant dense<true> : vector<16xi1>
          %masked_sort3A_1454, %masked_sort3A_1455, %masked_sort3A_1456 = tpu.sort %mul3A_1448, %mul3A_1448 masked %masked_sort3A_1453 {descending = true} : (vector<16xf32>, vector<16xf32>, vector<16xi1>) -> (vector<16xi1>, vector<16xf32>, vector<16xf32>)
          %max3A_1457 = arith.maximumf %masked_sort3A_1451, %masked_sort3A_1455 : vector<16xf32>
          %min3A_1458 = arith.minimumf %masked_sort3A_1451, %masked_sort3A_1455 : vector<16xf32>
          %masked_sort3A_1459 = arith.constant dense<true> : vector<16xi1>
          %masked_sort3A_1460, %masked_sort3A_1461, %masked_sort3A_1462 = tpu.sort %max3A_1457, %max3A_1457 masked %masked_sort3A_1459 : (vector<16xf32>, vector<16xf32>, vector<16xi1>) -> (vector<16xi1>, vector<16xf32>, vector<16xf32>)
          %masked_sort3A_1463 = arith.constant dense<true> : vector<16xi1>
          %masked_sort3A_1464, %masked_sort3A_1465, %masked_sort3A_1466 = tpu.sort %min3A_1458, %min3A_1458 masked %masked_sort3A_1463 : (vector<16xf32>, vector<16xf32>, vector<16xi1>) -> (vector<16xi1>, vector<16xf32>, vector<16xf32>)
          %max3A_1467 = arith.maximumf %scan3A_1335, %masked_sort3A_1465 : vector<16xf32>
          %max3A_1468 = arith.maximumf %scan3A_1336, %masked_sort3A_1461 : vector<16xf32>
          %max3A_1469 = arith.maximumf %max3A_1467, %max3A_1468 : vector<16xf32>
          %masked_sort3A_1470 = arith.constant dense<true> : vector<16xi1>
          %masked_sort3A_1471, %masked_sort3A_1472, %masked_sort3A_1473 = tpu.sort %max3A_1469, %max3A_1469 masked %masked_sort3A_1470 {descending = true} : (vector<16xf32>, vector<16xf32>, vector<16xi1>) -> (vector<16xi1>, vector<16xf32>, vector<16xf32>)
          %min3A_1474 = arith.minimumf %max3A_1467, %max3A_1468 : vector<16xf32>
          %masked_sort3A_1475 = arith.constant dense<true> : vector<16xi1>
          %masked_sort3A_1476, %masked_sort3A_1477, %masked_sort3A_1478 = tpu.sort %min3A_1474, %min3A_1474 masked %masked_sort3A_1475 {descending = true} : (vector<16xf32>, vector<16xf32>, vector<16xi1>) -> (vector<16xi1>, vector<16xf32>, vector<16xf32>)
          %min3A_1479 = arith.minimumf %scan3A_1338, %masked_sort3A_1465 : vector<16xf32>
          %min3A_1480 = arith.minimumf %scan3A_1337, %masked_sort3A_1461 : vector<16xf32>
          %max3A_1481 = arith.maximumf %min3A_1479, %min3A_1480 : vector<16xf32>
          %masked_sort3A_1482 = arith.constant dense<true> : vector<16xi1>
          %masked_sort3A_1483, %masked_sort3A_1484, %masked_sort3A_1485 = tpu.sort %max3A_1481, %max3A_1481 masked %masked_sort3A_1482 {descending = true} : (vector<16xf32>, vector<16xf32>, vector<16xi1>) -> (vector<16xi1>, vector<16xf32>, vector<16xf32>)
          %min3A_1486 = arith.minimumf %min3A_1479, %min3A_1480 : vector<16xf32>
          %masked_sort3A_1487 = arith.constant dense<true> : vector<16xi1>
          %masked_sort3A_1488, %masked_sort3A_1489, %masked_sort3A_1490 = tpu.sort %min3A_1486, %min3A_1486 masked %masked_sort3A_1487 {descending = true} : (vector<16xf32>, vector<16xf32>, vector<16xi1>) -> (vector<16xi1>, vector<16xf32>, vector<16xf32>)
          %add3A_1491 = arith.constant 2 : i32
          %add3A_1492 = arith.addi %add3A_999, %add3A_1491 : i32
          %mul3A_1493 = arith.constant 784 : i32
          %mul3A_1494 = arith.muli %add3A_1492, %mul3A_1493 : i32
          %mul3A_1495 = arith.constant 32 : i32
          %mul3A_1496 = arith.muli %scan3A_1330, %mul3A_1495 : i32
          %add3A_1497 = arith.addi %mul3A_1494, %mul3A_1496 : i32
          %get3A_1498 = arith.index_cast %add3A_1497 : i32 to index
          %get3A_1499 = tpu.vector_load %arg6[%get3A_1498] {strides = array<i32>} : memref<100352xf32, #tpu.memory_space<vmem>>, vector<16xf32>,
          %add3A_1500 = arith.constant 2 : i32
          %add3A_1501 = arith.addi %add3A_999, %add3A_1500 : i32
          %mul3A_1502 = arith.constant 784 : i32
          %mul3A_1503 = arith.muli %add3A_1501, %mul3A_1502 : i32
          %mul3A_1504 = arith.constant 32 : i32
          %mul3A_1505 = arith.muli %scan3A_1330, %mul3A_1504 : i32
          %add3A_1506 = arith.addi %mul3A_1503, %mul3A_1505 : i32
          %add3A_1507 = arith.constant 16 : i32
          %add3A_1508 = arith.addi %add3A_1506, %add3A_1507 : i32
          %get3A_1509 = arith.index_cast %add3A_1508 : i32 to index
          %get3A_1510 = tpu.vector_load %arg6[%get3A_1509] {strides = array<i32>} : memref<100352xf32, #tpu.memory_space<vmem>>, vector<16xf32>,
          %mul3A_1511 = arith.mulf %get3A_1353, %get3A_1499 : vector<16xf32>
          %mul3A_1512 = arith.mulf %get3A_1362, %get3A_1510 : vector<16xf32>
          %masked_sort3A_1513 = arith.constant dense<true> : vector<16xi1>
          %masked_sort3A_1514, %masked_sort3A_1515, %masked_sort3A_1516 = tpu.sort %mul3A_1511, %mul3A_1511 masked %masked_sort3A_1513 : (vector<16xf32>, vector<16xf32>, vector<16xi1>) -> (vector<16xi1>, vector<16xf32>, vector<16xf32>)
          %masked_sort3A_1517 = arith.constant dense<true> : vector<16xi1>
          %masked_sort3A_1518, %masked_sort3A_1519, %masked_sort3A_1520 = tpu.sort %mul3A_1512, %mul3A_1512 masked %masked_sort3A_1517 {descending = true} : (vector<16xf32>, vector<16xf32>, vector<16xi1>) -> (vector<16xi1>, vector<16xf32>, vector<16xf32>)
          %max3A_1521 = arith.maximumf %masked_sort3A_1515, %masked_sort3A_1519 : vector<16xf32>
          %min3A_1522 = arith.minimumf %masked_sort3A_1515, %masked_sort3A_1519 : vector<16xf32>
          %masked_sort3A_1523 = arith.constant dense<true> : vector<16xi1>
          %masked_sort3A_1524, %masked_sort3A_1525, %masked_sort3A_1526 = tpu.sort %max3A_1521, %max3A_1521 masked %masked_sort3A_1523 : (vector<16xf32>, vector<16xf32>, vector<16xi1>) -> (vector<16xi1>, vector<16xf32>, vector<16xf32>)
          %masked_sort3A_1527 = arith.constant dense<true> : vector<16xi1>
          %masked_sort3A_1528, %masked_sort3A_1529, %masked_sort3A_1530 = tpu.sort %min3A_1522, %min3A_1522 masked %masked_sort3A_1527 : (vector<16xf32>, vector<16xf32>, vector<16xi1>) -> (vector<16xi1>, vector<16xf32>, vector<16xf32>)
          %max3A_1531 = arith.maximumf %scan3A_1339, %masked_sort3A_1529 : vector<16xf32>
          %max3A_1532 = arith.maximumf %scan3A_1340, %masked_sort3A_1525 : vector<16xf32>
          %max3A_1533 = arith.maximumf %max3A_1531, %max3A_1532 : vector<16xf32>
          %masked_sort3A_1534 = arith.constant dense<true> : vector<16xi1>
          %masked_sort3A_1535, %masked_sort3A_1536, %masked_sort3A_1537 = tpu.sort %max3A_1533, %max3A_1533 masked %masked_sort3A_1534 {descending = true} : (vector<16xf32>, vector<16xf32>, vector<16xi1>) -> (vector<16xi1>, vector<16xf32>, vector<16xf32>)
          %min3A_1538 = arith.minimumf %max3A_1531, %max3A_1532 : vector<16xf32>
          %masked_sort3A_1539 = arith.constant dense<true> : vector<16xi1>
          %masked_sort3A_1540, %masked_sort3A_1541, %masked_sort3A_1542 = tpu.sort %min3A_1538, %min3A_1538 masked %masked_sort3A_1539 {descending = true} : (vector<16xf32>, vector<16xf32>, vector<16xi1>) -> (vector<16xi1>, vector<16xf32>, vector<16xf32>)
          %min3A_1543 = arith.minimumf %scan3A_1342, %masked_sort3A_1529 : vector<16xf32>
          %min3A_1544 = arith.minimumf %scan3A_1341, %masked_sort3A_1525 : vector<16xf32>
          %max3A_1545 = arith.maximumf %min3A_1543, %min3A_1544 : vector<16xf32>
          %masked_sort3A_1546 = arith.constant dense<true> : vector<16xi1>
          %masked_sort3A_1547, %masked_sort3A_1548, %masked_sort3A_1549 = tpu.sort %max3A_1545, %max3A_1545 masked %masked_sort3A_1546 {descending = true} : (vector<16xf32>, vector<16xf32>, vector<16xi1>) -> (vector<16xi1>, vector<16xf32>, vector<16xf32>)
          %min3A_1550 = arith.minimumf %min3A_1543, %min3A_1544 : vector<16xf32>
          %masked_sort3A_1551 = arith.constant dense<true> : vector<16xi1>
          %masked_sort3A_1552, %masked_sort3A_1553, %masked_sort3A_1554 = tpu.sort %min3A_1550, %min3A_1550 masked %masked_sort3A_1551 {descending = true} : (vector<16xf32>, vector<16xf32>, vector<16xi1>) -> (vector<16xi1>, vector<16xf32>, vector<16xf32>)
          %add3A_1555 = arith.constant 3 : i32
          %add3A_1556 = arith.addi %add3A_999, %add3A_1555 : i32
          %mul3A_1557 = arith.constant 784 : i32
          %mul3A_1558 = arith.muli %add3A_1556, %mul3A_1557 : i32
          %mul3A_1559 = arith.constant 32 : i32
          %mul3A_1560 = arith.muli %scan3A_1330, %mul3A_1559 : i32
          %add3A_1561 = arith.addi %mul3A_1558, %mul3A_1560 : i32
          %get3A_1562 = arith.index_cast %add3A_1561 : i32 to index
          %get3A_1563 = tpu.vector_load %arg6[%get3A_1562] {strides = array<i32>} : memref<100352xf32, #tpu.memory_space<vmem>>, vector<16xf32>,
          %add3A_1564 = arith.constant 3 : i32
          %add3A_1565 = arith.addi %add3A_999, %add3A_1564 : i32
          %mul3A_1566 = arith.constant 784 : i32
          %mul3A_1567 = arith.muli %add3A_1565, %mul3A_1566 : i32
          %mul3A_1568 = arith.constant 32 : i32
          %mul3A_1569 = arith.muli %scan3A_1330, %mul3A_1568 : i32
          %add3A_1570 = arith.addi %mul3A_1567, %mul3A_1569 : i32
          %add3A_1571 = arith.constant 16 : i32
          %add3A_1572 = arith.addi %add3A_1570, %add3A_1571 : i32
          %get3A_1573 = arith.index_cast %add3A_1572 : i32 to index
          %get3A_1574 = tpu.vector_load %arg6[%get3A_1573] {strides = array<i32>} : memref<100352xf32, #tpu.memory_space<vmem>>, vector<16xf32>,
          %mul3A_1575 = arith.mulf %get3A_1353, %get3A_1563 : vector<16xf32>
          %mul3A_1576 = arith.mulf %get3A_1362, %get3A_1574 : vector<16xf32>
          %masked_sort3A_1577 = arith.constant dense<true> : vector<16xi1>
          %masked_sort3A_1578, %masked_sort3A_1579, %masked_sort3A_1580 = tpu.sort %mul3A_1575, %mul3A_1575 masked %masked_sort3A_1577 : (vector<16xf32>, vector<16xf32>, vector<16xi1>) -> (vector<16xi1>, vector<16xf32>, vector<16xf32>)
          %masked_sort3A_1581 = arith.constant dense<true> : vector<16xi1>
          %masked_sort3A_1582, %masked_sort3A_1583, %masked_sort3A_1584 = tpu.sort %mul3A_1576, %mul3A_1576 masked %masked_sort3A_1581 {descending = true} : (vector<16xf32>, vector<16xf32>, vector<16xi1>) -> (vector<16xi1>, vector<16xf32>, vector<16xf32>)
          %max3A_1585 = arith.maximumf %masked_sort3A_1579, %masked_sort3A_1583 : vector<16xf32>
          %min3A_1586 = arith.minimumf %masked_sort3A_1579, %masked_sort3A_1583 : vector<16xf32>
          %masked_sort3A_1587 = arith.constant dense<true> : vector<16xi1>
          %masked_sort3A_1588, %masked_sort3A_1589, %masked_sort3A_1590 = tpu.sort %max3A_1585, %max3A_1585 masked %masked_sort3A_1587 : (vector<16xf32>, vector<16xf32>, vector<16xi1>) -> (vector<16xi1>, vector<16xf32>, vector<16xf32>)
          %masked_sort3A_1591 = arith.constant dense<true> : vector<16xi1>
          %masked_sort3A_1592, %masked_sort3A_1593, %masked_sort3A_1594 = tpu.sort %min3A_1586, %min3A_1586 masked %masked_sort3A_1591 : (vector<16xf32>, vector<16xf32>, vector<16xi1>) -> (vector<16xi1>, vector<16xf32>, vector<16xf32>)
          %max3A_1595 = arith.maximumf %scan3A_1343, %masked_sort3A_1593 : vector<16xf32>
          %max3A_1596 = arith.maximumf %scan3A_1344, %masked_sort3A_1589 : vector<16xf32>
          %max3A_1597 = arith.maximumf %max3A_1595, %max3A_1596 : vector<16xf32>
          %masked_sort3A_1598 = arith.constant dense<true> : vector<16xi1>
          %masked_sort3A_1599, %masked_sort3A_1600, %masked_sort3A_1601 = tpu.sort %max3A_1597, %max3A_1597 masked %masked_sort3A_1598 {descending = true} : (vector<16xf32>, vector<16xf32>, vector<16xi1>) -> (vector<16xi1>, vector<16xf32>, vector<16xf32>)
          %min3A_1602 = arith.minimumf %max3A_1595, %max3A_1596 : vector<16xf32>
          %masked_sort3A_1603 = arith.constant dense<true> : vector<16xi1>
          %masked_sort3A_1604, %masked_sort3A_1605, %masked_sort3A_1606 = tpu.sort %min3A_1602, %min3A_1602 masked %masked_sort3A_1603 {descending = true} : (vector<16xf32>, vector<16xf32>, vector<16xi1>) -> (vector<16xi1>, vector<16xf32>, vector<16xf32>)
          %min3A_1607 = arith.minimumf %scan3A_1346, %masked_sort3A_1593 : vector<16xf32>
          %min3A_1608 = arith.minimumf %scan3A_1345, %masked_sort3A_1589 : vector<16xf32>
          %max3A_1609 = arith.maximumf %min3A_1607, %min3A_1608 : vector<16xf32>
          %masked_sort3A_1610 = arith.constant dense<true> : vector<16xi1>
          %masked_sort3A_1611, %masked_sort3A_1612, %masked_sort3A_1613 = tpu.sort %max3A_1609, %max3A_1609 masked %masked_sort3A_1610 {descending = true} : (vector<16xf32>, vector<16xf32>, vector<16xi1>) -> (vector<16xi1>, vector<16xf32>, vector<16xf32>)
          %min3A_1614 = arith.minimumf %min3A_1607, %min3A_1608 : vector<16xf32>
          %masked_sort3A_1615 = arith.constant dense<true> : vector<16xi1>
          %masked_sort3A_1616, %masked_sort3A_1617, %masked_sort3A_1618 = tpu.sort %min3A_1614, %min3A_1614 masked %masked_sort3A_1615 {descending = true} : (vector<16xf32>, vector<16xf32>, vector<16xi1>) -> (vector<16xi1>, vector<16xf32>, vector<16xf32>)
          scf.yield %masked_sort3A_1408, %masked_sort3A_1413, %masked_sort3A_1425, %masked_sort3A_1420, %masked_sort3A_1472, %masked_sort3A_1477, %masked_sort3A_1489, %masked_sort3A_1484, %masked_sort3A_1536, %masked_sort3A_1541, %masked_sort3A_1553, %masked_sort3A_1548, %masked_sort3A_1600, %masked_sort3A_1605, %masked_sort3A_1617, %masked_sort3A_1612 : vector<16xf32>, vector<16xf32>, vector<16xf32>, vector<16xf32>, vector<16xf32>, vector<16xf32>, vector<16xf32>, vector<16xf32>, vector<16xf32>, vector<16xf32>, vector<16xf32>, vector<16xf32>, vector<16xf32>, vector<16xf32>, vector<16xf32>, vector<16xf32>
        }
        %scan3A_1013 = arith.constant 24 : i32
        %mul3A_1014 = arith.constant 784 : i32
        %mul3A_1015 = arith.muli %scan3A_13, %mul3A_1014 : i32
        %add3A_1016 = arith.constant 768 : i32
        %add3A_1017 = arith.addi %mul3A_1015, %add3A_1016 : i32
        %get3A_1018 = arith.index_cast %add3A_1017 : i32 to index
        %get3A_1019 = tpu.vector_load %arg5[%get3A_1018] {strides = array<i32>} : memref<12544xf32, #tpu.memory_space<vmem>>, vector<16xf32>,
        %add3A_1020 = arith.constant 0 : i32
        %add3A_1021 = arith.addi %add3A_999, %add3A_1020 : i32
        %mul3A_1022 = arith.constant 784 : i32
        %mul3A_1023 = arith.muli %add3A_1021, %mul3A_1022 : i32
        %add3A_1024 = arith.constant 768 : i32
        %add3A_1025 = arith.addi %mul3A_1023, %add3A_1024 : i32
        %get3A_1026 = arith.index_cast %add3A_1025 : i32 to index
        %get3A_1027 = tpu.vector_load %arg6[%get3A_1026] {strides = array<i32>} : memref<100352xf32, #tpu.memory_space<vmem>>, vector<16xf32>,
        %mul3A_1028 = arith.mulf %get3A_1019, %get3A_1027 : vector<16xf32>
        %masked_sort3A_1029 = arith.constant dense<true> : vector<16xi1>
        %masked_sort3A_1030, %masked_sort3A_1031, %masked_sort3A_1032 = tpu.sort %mul3A_1028, %mul3A_1028 masked %masked_sort3A_1029 : (vector<16xf32>, vector<16xf32>, vector<16xi1>) -> (vector<16xi1>, vector<16xf32>, vector<16xf32>)
        %max3A_1033 = arith.maximumf %scan3A_1012#0, %masked_sort3A_1031 : vector<16xf32>
        %min3A_1034 = arith.minimumf %scan3A_1012#0, %masked_sort3A_1031 : vector<16xf32>
        %masked_sort3A_1035 = arith.constant dense<true> : vector<16xi1>
        %masked_sort3A_1036, %masked_sort3A_1037, %masked_sort3A_1038 = tpu.sort %max3A_1033, %max3A_1033 masked %masked_sort3A_1035 {descending = true} : (vector<16xf32>, vector<16xf32>, vector<16xi1>) -> (vector<16xi1>, vector<16xf32>, vector<16xf32>)
        %masked_sort3A_1039 = arith.constant dense<true> : vector<16xi1>
        %masked_sort3A_1040, %masked_sort3A_1041, %masked_sort3A_1042 = tpu.sort %min3A_1034, %min3A_1034 masked %masked_sort3A_1039 : (vector<16xf32>, vector<16xf32>, vector<16xi1>) -> (vector<16xi1>, vector<16xf32>, vector<16xf32>)
        %max3A_1043 = arith.maximumf %scan3A_1012#1, %masked_sort3A_1041 : vector<16xf32>
        %masked_sort3A_1044 = arith.constant dense<true> : vector<16xi1>
        %masked_sort3A_1045, %masked_sort3A_1046, %masked_sort3A_1047 = tpu.sort %max3A_1043, %max3A_1043 masked %masked_sort3A_1044 {descending = true} : (vector<16xf32>, vector<16xf32>, vector<16xi1>) -> (vector<16xi1>, vector<16xf32>, vector<16xf32>)
        %min3A_1048 = arith.minimumf %scan3A_1012#2, %masked_sort3A_1031 : vector<16xf32>
        %max3A_1049 = arith.maximumf %scan3A_1012#2, %masked_sort3A_1031 : vector<16xf32>
        %masked_sort3A_1050 = arith.constant dense<true> : vector<16xi1>
        %masked_sort3A_1051, %masked_sort3A_1052, %masked_sort3A_1053 = tpu.sort %min3A_1048, %min3A_1048 masked %masked_sort3A_1050 {descending = true} : (vector<16xf32>, vector<16xf32>, vector<16xi1>) -> (vector<16xi1>, vector<16xf32>, vector<16xf32>)
        %masked_sort3A_1054 = arith.constant dense<true> : vector<16xi1>
        %masked_sort3A_1055, %masked_sort3A_1056, %masked_sort3A_1057 = tpu.sort %max3A_1049, %max3A_1049 masked %masked_sort3A_1054 : (vector<16xf32>, vector<16xf32>, vector<16xi1>) -> (vector<16xi1>, vector<16xf32>, vector<16xf32>)
        %min3A_1058 = arith.minimumf %scan3A_1012#3, %masked_sort3A_1056 : vector<16xf32>
        %masked_sort3A_1059 = arith.constant dense<true> : vector<16xi1>
        %masked_sort3A_1060, %masked_sort3A_1061, %masked_sort3A_1062 = tpu.sort %min3A_1058, %min3A_1058 masked %masked_sort3A_1059 {descending = true} : (vector<16xf32>, vector<16xf32>, vector<16xi1>) -> (vector<16xi1>, vector<16xf32>, vector<16xf32>)
        %add3A_1063 = arith.constant 1 : i32
        %add3A_1064 = arith.addi %add3A_999, %add3A_1063 : i32
        %mul3A_1065 = arith.constant 784 : i32
        %mul3A_1066 = arith.muli %add3A_1064, %mul3A_1065 : i32
        %add3A_1067 = arith.constant 768 : i32
        %add3A_1068 = arith.addi %mul3A_1066, %add3A_1067 : i32
        %get3A_1069 = arith.index_cast %add3A_1068 : i32 to index
        %get3A_1070 = tpu.vector_load %arg6[%get3A_1069] {strides = array<i32>} : memref<100352xf32, #tpu.memory_space<vmem>>, vector<16xf32>,
        %mul3A_1071 = arith.mulf %get3A_1019, %get3A_1070 : vector<16xf32>
        %masked_sort3A_1072 = arith.constant dense<true> : vector<16xi1>
        %masked_sort3A_1073, %masked_sort3A_1074, %masked_sort3A_1075 = tpu.sort %mul3A_1071, %mul3A_1071 masked %masked_sort3A_1072 : (vector<16xf32>, vector<16xf32>, vector<16xi1>) -> (vector<16xi1>, vector<16xf32>, vector<16xf32>)
        %max3A_1076 = arith.maximumf %scan3A_1012#4, %masked_sort3A_1074 : vector<16xf32>
        %min3A_1077 = arith.minimumf %scan3A_1012#4, %masked_sort3A_1074 : vector<16xf32>
        %masked_sort3A_1078 = arith.constant dense<true> : vector<16xi1>
        %masked_sort3A_1079, %masked_sort3A_1080, %masked_sort3A_1081 = tpu.sort %max3A_1076, %max3A_1076 masked %masked_sort3A_1078 {descending = true} : (vector<16xf32>, vector<16xf32>, vector<16xi1>) -> (vector<16xi1>, vector<16xf32>, vector<16xf32>)
        %masked_sort3A_1082 = arith.constant dense<true> : vector<16xi1>
        %masked_sort3A_1083, %masked_sort3A_1084, %masked_sort3A_1085 = tpu.sort %min3A_1077, %min3A_1077 masked %masked_sort3A_1082 : (vector<16xf32>, vector<16xf32>, vector<16xi1>) -> (vector<16xi1>, vector<16xf32>, vector<16xf32>)
        %max3A_1086 = arith.maximumf %scan3A_1012#5, %masked_sort3A_1084 : vector<16xf32>
        %masked_sort3A_1087 = arith.constant dense<true> : vector<16xi1>
        %masked_sort3A_1088, %masked_sort3A_1089, %masked_sort3A_1090 = tpu.sort %max3A_1086, %max3A_1086 masked %masked_sort3A_1087 {descending = true} : (vector<16xf32>, vector<16xf32>, vector<16xi1>) -> (vector<16xi1>, vector<16xf32>, vector<16xf32>)
        %min3A_1091 = arith.minimumf %scan3A_1012#6, %masked_sort3A_1074 : vector<16xf32>
        %max3A_1092 = arith.maximumf %scan3A_1012#6, %masked_sort3A_1074 : vector<16xf32>
        %masked_sort3A_1093 = arith.constant dense<true> : vector<16xi1>
        %masked_sort3A_1094, %masked_sort3A_1095, %masked_sort3A_1096 = tpu.sort %min3A_1091, %min3A_1091 masked %masked_sort3A_1093 {descending = true} : (vector<16xf32>, vector<16xf32>, vector<16xi1>) -> (vector<16xi1>, vector<16xf32>, vector<16xf32>)
        %masked_sort3A_1097 = arith.constant dense<true> : vector<16xi1>
        %masked_sort3A_1098, %masked_sort3A_1099, %masked_sort3A_1100 = tpu.sort %max3A_1092, %max3A_1092 masked %masked_sort3A_1097 : (vector<16xf32>, vector<16xf32>, vector<16xi1>) -> (vector<16xi1>, vector<16xf32>, vector<16xf32>)
        %min3A_1101 = arith.minimumf %scan3A_1012#7, %masked_sort3A_1099 : vector<16xf32>
        %masked_sort3A_1102 = arith.constant dense<true> : vector<16xi1>
        %masked_sort3A_1103, %masked_sort3A_1104, %masked_sort3A_1105 = tpu.sort %min3A_1101, %min3A_1101 masked %masked_sort3A_1102 {descending = true} : (vector<16xf32>, vector<16xf32>, vector<16xi1>) -> (vector<16xi1>, vector<16xf32>, vector<16xf32>)
        %add3A_1106 = arith.constant 2 : i32
        %add3A_1107 = arith.addi %add3A_999, %add3A_1106 : i32
        %mul3A_1108 = arith.constant 784 : i32
        %mul3A_1109 = arith.muli %add3A_1107, %mul3A_1108 : i32
        %add3A_1110 = arith.constant 768 : i32
        %add3A_1111 = arith.addi %mul3A_1109, %add3A_1110 : i32
        %get3A_1112 = arith.index_cast %add3A_1111 : i32 to index
        %get3A_1113 = tpu.vector_load %arg6[%get3A_1112] {strides = array<i32>} : memref<100352xf32, #tpu.memory_space<vmem>>, vector<16xf32>,
        %mul3A_1114 = arith.mulf %get3A_1019, %get3A_1113 : vector<16xf32>
        %masked_sort3A_1115 = arith.constant dense<true> : vector<16xi1>
        %masked_sort3A_1116, %masked_sort3A_1117, %masked_sort3A_1118 = tpu.sort %mul3A_1114, %mul3A_1114 masked %masked_sort3A_1115 : (vector<16xf32>, vector<16xf32>, vector<16xi1>) -> (vector<16xi1>, vector<16xf32>, vector<16xf32>)
        %max3A_1119 = arith.maximumf %scan3A_1012#8, %masked_sort3A_1117 : vector<16xf32>
        %min3A_1120 = arith.minimumf %scan3A_1012#8, %masked_sort3A_1117 : vector<16xf32>
        %masked_sort3A_1121 = arith.constant dense<true> : vector<16xi1>
        %masked_sort3A_1122, %masked_sort3A_1123, %masked_sort3A_1124 = tpu.sort %max3A_1119, %max3A_1119 masked %masked_sort3A_1121 {descending = true} : (vector<16xf32>, vector<16xf32>, vector<16xi1>) -> (vector<16xi1>, vector<16xf32>, vector<16xf32>)
        %masked_sort3A_1125 = arith.constant dense<true> : vector<16xi1>
        %masked_sort3A_1126, %masked_sort3A_1127, %masked_sort3A_1128 = tpu.sort %min3A_1120, %min3A_1120 masked %masked_sort3A_1125 : (vector<16xf32>, vector<16xf32>, vector<16xi1>) -> (vector<16xi1>, vector<16xf32>, vector<16xf32>)
        %max3A_1129 = arith.maximumf %scan3A_1012#9, %masked_sort3A_1127 : vector<16xf32>
        %masked_sort3A_1130 = arith.constant dense<true> : vector<16xi1>
        %masked_sort3A_1131, %masked_sort3A_1132, %masked_sort3A_1133 = tpu.sort %max3A_1129, %max3A_1129 masked %masked_sort3A_1130 {descending = true} : (vector<16xf32>, vector<16xf32>, vector<16xi1>) -> (vector<16xi1>, vector<16xf32>, vector<16xf32>)
        %min3A_1134 = arith.minimumf %scan3A_1012#10, %masked_sort3A_1117 : vector<16xf32>
        %max3A_1135 = arith.maximumf %scan3A_1012#10, %masked_sort3A_1117 : vector<16xf32>
        %masked_sort3A_1136 = arith.constant dense<true> : vector<16xi1>
        %masked_sort3A_1137, %masked_sort3A_1138, %masked_sort3A_1139 = tpu.sort %min3A_1134, %min3A_1134 masked %masked_sort3A_1136 {descending = true} : (vector<16xf32>, vector<16xf32>, vector<16xi1>) -> (vector<16xi1>, vector<16xf32>, vector<16xf32>)
        %masked_sort3A_1140 = arith.constant dense<true> : vector<16xi1>
        %masked_sort3A_1141, %masked_sort3A_1142, %masked_sort3A_1143 = tpu.sort %max3A_1135, %max3A_1135 masked %masked_sort3A_1140 : (vector<16xf32>, vector<16xf32>, vector<16xi1>) -> (vector<16xi1>, vector<16xf32>, vector<16xf32>)
        %min3A_1144 = arith.minimumf %scan3A_1012#11, %masked_sort3A_1142 : vector<16xf32>
        %masked_sort3A_1145 = arith.constant dense<true> : vector<16xi1>
        %masked_sort3A_1146, %masked_sort3A_1147, %masked_sort3A_1148 = tpu.sort %min3A_1144, %min3A_1144 masked %masked_sort3A_1145 {descending = true} : (vector<16xf32>, vector<16xf32>, vector<16xi1>) -> (vector<16xi1>, vector<16xf32>, vector<16xf32>)
        %add3A_1149 = arith.constant 3 : i32
        %add3A_1150 = arith.addi %add3A_999, %add3A_1149 : i32
        %mul3A_1151 = arith.constant 784 : i32
        %mul3A_1152 = arith.muli %add3A_1150, %mul3A_1151 : i32
        %add3A_1153 = arith.constant 768 : i32
        %add3A_1154 = arith.addi %mul3A_1152, %add3A_1153 : i32
        %get3A_1155 = arith.index_cast %add3A_1154 : i32 to index
        %get3A_1156 = tpu.vector_load %arg6[%get3A_1155] {strides = array<i32>} : memref<100352xf32, #tpu.memory_space<vmem>>, vector<16xf32>,
        %mul3A_1157 = arith.mulf %get3A_1019, %get3A_1156 : vector<16xf32>
        %masked_sort3A_1158 = arith.constant dense<true> : vector<16xi1>
        %masked_sort3A_1159, %masked_sort3A_1160, %masked_sort3A_1161 = tpu.sort %mul3A_1157, %mul3A_1157 masked %masked_sort3A_1158 : (vector<16xf32>, vector<16xf32>, vector<16xi1>) -> (vector<16xi1>, vector<16xf32>, vector<16xf32>)
        %max3A_1162 = arith.maximumf %scan3A_1012#12, %masked_sort3A_1160 : vector<16xf32>
        %min3A_1163 = arith.minimumf %scan3A_1012#12, %masked_sort3A_1160 : vector<16xf32>
        %masked_sort3A_1164 = arith.constant dense<true> : vector<16xi1>
        %masked_sort3A_1165, %masked_sort3A_1166, %masked_sort3A_1167 = tpu.sort %max3A_1162, %max3A_1162 masked %masked_sort3A_1164 {descending = true} : (vector<16xf32>, vector<16xf32>, vector<16xi1>) -> (vector<16xi1>, vector<16xf32>, vector<16xf32>)
        %masked_sort3A_1168 = arith.constant dense<true> : vector<16xi1>
        %masked_sort3A_1169, %masked_sort3A_1170, %masked_sort3A_1171 = tpu.sort %min3A_1163, %min3A_1163 masked %masked_sort3A_1168 : (vector<16xf32>, vector<16xf32>, vector<16xi1>) -> (vector<16xi1>, vector<16xf32>, vector<16xf32>)
        %max3A_1172 = arith.maximumf %scan3A_1012#13, %masked_sort3A_1170 : vector<16xf32>
        %masked_sort3A_1173 = arith.constant dense<true> : vector<16xi1>
        %masked_sort3A_1174, %masked_sort3A_1175, %masked_sort3A_1176 = tpu.sort %max3A_1172, %max3A_1172 masked %masked_sort3A_1173 {descending = true} : (vector<16xf32>, vector<16xf32>, vector<16xi1>) -> (vector<16xi1>, vector<16xf32>, vector<16xf32>)
        %min3A_1177 = arith.minimumf %scan3A_1012#14, %masked_sort3A_1160 : vector<16xf32>
        %max3A_1178 = arith.maximumf %scan3A_1012#14, %masked_sort3A_1160 : vector<16xf32>
        %masked_sort3A_1179 = arith.constant dense<true> : vector<16xi1>
        %masked_sort3A_1180, %masked_sort3A_1181, %masked_sort3A_1182 = tpu.sort %min3A_1177, %min3A_1177 masked %masked_sort3A_1179 {descending = true} : (vector<16xf32>, vector<16xf32>, vector<16xi1>) -> (vector<16xi1>, vector<16xf32>, vector<16xf32>)
        %masked_sort3A_1183 = arith.constant dense<true> : vector<16xi1>
        %masked_sort3A_1184, %masked_sort3A_1185, %masked_sort3A_1186 = tpu.sort %max3A_1178, %max3A_1178 masked %masked_sort3A_1183 : (vector<16xf32>, vector<16xf32>, vector<16xi1>) -> (vector<16xi1>, vector<16xf32>, vector<16xf32>)
        %min3A_1187 = arith.minimumf %scan3A_1012#15, %masked_sort3A_1185 : vector<16xf32>
        %masked_sort3A_1188 = arith.constant dense<true> : vector<16xi1>
        %masked_sort3A_1189, %masked_sort3A_1190, %masked_sort3A_1191 = tpu.sort %min3A_1187, %min3A_1187 masked %masked_sort3A_1188 {descending = true} : (vector<16xf32>, vector<16xf32>, vector<16xi1>) -> (vector<16xi1>, vector<16xf32>, vector<16xf32>)
        %reduce_sum3A_1192 = arith.constant true
        %reduce_sum3A_1193 = vector.broadcast %reduce_sum3A_1192 : i1 to vector<16xi1>
        %reduce_sum3A_1194 = tpu.scan <sum>, %masked_sort3A_1037 masked %reduce_sum3A_1193 : vector<16xf32>, vector<16xi1> -> vector<16xf32>
        %reduce_sum3A_1195 = vector.extract %reduce_sum3A_1194[15] : f32 from vector<16xf32>
        %lt3A_1196 = vector.broadcast %scan3A : i32 to vector<16xi32>
        %lt3A_1197 = arith.cmpi slt, %iota3A, %lt3A_1196 : vector<16xi32>
        %select_n3A_1198 = arith.select %lt3A_1197, %masked_sort3A_1046, %broadcast_in_dim3A_3 : vector<16xi1>, vector<16xf32>
        %reduce_sum3A_1199 = arith.constant true
        %reduce_sum3A_1200 = vector.broadcast %reduce_sum3A_1199 : i1 to vector<16xi1>
        %reduce_sum3A_1201 = tpu.scan <sum>, %select_n3A_1198 masked %reduce_sum3A_1200 : vector<16xf32>, vector<16xi1> -> vector<16xf32>
        %reduce_sum3A_1202 = vector.extract %reduce_sum3A_1201[15] : f32 from vector<16xf32>
        %add3A_1203 = arith.addf %reduce_sum3A_1195, %reduce_sum3A_1202 : f32
        %reduce_sum3A_1204 = arith.constant true
        %reduce_sum3A_1205 = vector.broadcast %reduce_sum3A_1204 : i1 to vector<16xi1>
        %reduce_sum3A_1206 = tpu.scan <sum>, %masked_sort3A_1052 masked %reduce_sum3A_1205 : vector<16xf32>, vector<16xi1> -> vector<16xf32>
        %reduce_sum3A_1207 = vector.extract %reduce_sum3A_1206[15] : f32 from vector<16xf32>
        %ge3A_1208 = arith.constant 12 : i32
        %ge3A_1209 = vector.broadcast %ge3A_1208 : i32 to vector<16xi32>
        %ge3A_1210 = arith.cmpi sge, %iota3A, %ge3A_1209 : vector<16xi32>
        %select_n3A_1211 = arith.select %ge3A_1210, %masked_sort3A_1061, %broadcast_in_dim3A_3 : vector<16xi1>, vector<16xf32>
        %reduce_sum3A_1212 = arith.constant true
        %reduce_sum3A_1213 = vector.broadcast %reduce_sum3A_1212 : i1 to vector<16xi1>
        %reduce_sum3A_1214 = tpu.scan <sum>, %select_n3A_1211 masked %reduce_sum3A_1213 : vector<16xf32>, vector<16xi1> -> vector<16xf32>
        %reduce_sum3A_1215 = vector.extract %reduce_sum3A_1214[15] : f32 from vector<16xf32>
        %add3A_1216 = arith.addf %reduce_sum3A_1207, %reduce_sum3A_1215 : f32
        %eq3A_1217 = arith.constant 12 : i32
        %eq3A_1218 = vector.broadcast %eq3A_1217 : i32 to vector<16xi32>
        %eq3A_1219 = arith.cmpi eq, %iota3A, %eq3A_1218 : vector<16xi32>
        %add3A_1220 = arith.addf %add3A_1203, %add3A_1216 : f32
        %neg3A_1221 = arith.constant 0.000000e+00 : f32
        %neg3A_1222 = arith.subf %neg3A_1221, %add3A_1220 : f32
        %broadcast_in_dim3A_1223 = vector.broadcast %neg3A_1222 : f32 to vector<16xf32>
        %select_n3A_1224 = arith.select %eq3A_1219, %broadcast_in_dim3A_1223, %select_n3A_995 : vector<16xi1>, vector<16xf32>
        %reduce_sum3A_1225 = arith.constant true
        %reduce_sum3A_1226 = vector.broadcast %reduce_sum3A_1225 : i1 to vector<16xi1>
        %reduce_sum3A_1227 = tpu.scan <sum>, %masked_sort3A_1080 masked %reduce_sum3A_1226 : vector<16xf32>, vector<16xi1> -> vector<16xf32>
        %reduce_sum3A_1228 = vector.extract %reduce_sum3A_1227[15] : f32 from vector<16xf32>
        %lt3A_1229 = vector.broadcast %scan3A : i32 to vector<16xi32>
        %lt3A_1230 = arith.cmpi slt, %iota3A, %lt3A_1229 : vector<16xi32>
        %select_n3A_1231 = arith.select %lt3A_1230, %masked_sort3A_1089, %broadcast_in_dim3A_3 : vector<16xi1>, vector<16xf32>
        %reduce_sum3A_1232 = arith.constant true
        %reduce_sum3A_1233 = vector.broadcast %reduce_sum3A_1232 : i1 to vector<16xi1>
        %reduce_sum3A_1234 = tpu.scan <sum>, %select_n3A_1231 masked %reduce_sum3A_1233 : vector<16xf32>, vector<16xi1> -> vector<16xf32>
        %reduce_sum3A_1235 = vector.extract %reduce_sum3A_1234[15] : f32 from vector<16xf32>
        %add3A_1236 = arith.addf %reduce_sum3A_1228, %reduce_sum3A_1235 : f32
        %reduce_sum3A_1237 = arith.constant true
        %reduce_sum3A_1238 = vector.broadcast %reduce_sum3A_1237 : i1 to vector<16xi1>
        %reduce_sum3A_1239 = tpu.scan <sum>, %masked_sort3A_1095 masked %reduce_sum3A_1238 : vector<16xf32>, vector<16xi1> -> vector<16xf32>
        %reduce_sum3A_1240 = vector.extract %reduce_sum3A_1239[15] : f32 from vector<16xf32>
        %ge3A_1241 = arith.constant 12 : i32
        %ge3A_1242 = vector.broadcast %ge3A_1241 : i32 to vector<16xi32>
        %ge3A_1243 = arith.cmpi sge, %iota3A, %ge3A_1242 : vector<16xi32>
        %select_n3A_1244 = arith.select %ge3A_1243, %masked_sort3A_1104, %broadcast_in_dim3A_3 : vector<16xi1>, vector<16xf32>
        %reduce_sum3A_1245 = arith.constant true
        %reduce_sum3A_1246 = vector.broadcast %reduce_sum3A_1245 : i1 to vector<16xi1>
        %reduce_sum3A_1247 = tpu.scan <sum>, %select_n3A_1244 masked %reduce_sum3A_1246 : vector<16xf32>, vector<16xi1> -> vector<16xf32>
        %reduce_sum3A_1248 = vector.extract %reduce_sum3A_1247[15] : f32 from vector<16xf32>
        %add3A_1249 = arith.addf %reduce_sum3A_1240, %reduce_sum3A_1248 : f32
        %eq3A_1250 = arith.constant 13 : i32
        %eq3A_1251 = vector.broadcast %eq3A_1250 : i32 to vector<16xi32>
        %eq3A_1252 = arith.cmpi eq, %iota3A, %eq3A_1251 : vector<16xi32>
        %add3A_1253 = arith.addf %add3A_1236, %add3A_1249 : f32
        %neg3A_1254 = arith.constant 0.000000e+00 : f32
        %neg3A_1255 = arith.subf %neg3A_1254, %add3A_1253 : f32
        %broadcast_in_dim3A_1256 = vector.broadcast %neg3A_1255 : f32 to vector<16xf32>
        %select_n3A_1257 = arith.select %eq3A_1252, %broadcast_in_dim3A_1256, %select_n3A_1224 : vector<16xi1>, vector<16xf32>
        %reduce_sum3A_1258 = arith.constant true
        %reduce_sum3A_1259 = vector.broadcast %reduce_sum3A_1258 : i1 to vector<16xi1>
        %reduce_sum3A_1260 = tpu.scan <sum>, %masked_sort3A_1123 masked %reduce_sum3A_1259 : vector<16xf32>, vector<16xi1> -> vector<16xf32>
        %reduce_sum3A_1261 = vector.extract %reduce_sum3A_1260[15] : f32 from vector<16xf32>
        %lt3A_1262 = vector.broadcast %scan3A : i32 to vector<16xi32>
        %lt3A_1263 = arith.cmpi slt, %iota3A, %lt3A_1262 : vector<16xi32>
        %select_n3A_1264 = arith.select %lt3A_1263, %masked_sort3A_1132, %broadcast_in_dim3A_3 : vector<16xi1>, vector<16xf32>
        %reduce_sum3A_1265 = arith.constant true
        %reduce_sum3A_1266 = vector.broadcast %reduce_sum3A_1265 : i1 to vector<16xi1>
        %reduce_sum3A_1267 = tpu.scan <sum>, %select_n3A_1264 masked %reduce_sum3A_1266 : vector<16xf32>, vector<16xi1> -> vector<16xf32>
        %reduce_sum3A_1268 = vector.extract %reduce_sum3A_1267[15] : f32 from vector<16xf32>
        %add3A_1269 = arith.addf %reduce_sum3A_1261, %reduce_sum3A_1268 : f32
        %reduce_sum3A_1270 = arith.constant true
        %reduce_sum3A_1271 = vector.broadcast %reduce_sum3A_1270 : i1 to vector<16xi1>
        %reduce_sum3A_1272 = tpu.scan <sum>, %masked_sort3A_1138 masked %reduce_sum3A_1271 : vector<16xf32>, vector<16xi1> -> vector<16xf32>
        %reduce_sum3A_1273 = vector.extract %reduce_sum3A_1272[15] : f32 from vector<16xf32>
        %ge3A_1274 = arith.constant 12 : i32
        %ge3A_1275 = vector.broadcast %ge3A_1274 : i32 to vector<16xi32>
        %ge3A_1276 = arith.cmpi sge, %iota3A, %ge3A_1275 : vector<16xi32>
        %select_n3A_1277 = arith.select %ge3A_1276, %masked_sort3A_1147, %broadcast_in_dim3A_3 : vector<16xi1>, vector<16xf32>
        %reduce_sum3A_1278 = arith.constant true
        %reduce_sum3A_1279 = vector.broadcast %reduce_sum3A_1278 : i1 to vector<16xi1>
        %reduce_sum3A_1280 = tpu.scan <sum>, %select_n3A_1277 masked %reduce_sum3A_1279 : vector<16xf32>, vector<16xi1> -> vector<16xf32>
        %reduce_sum3A_1281 = vector.extract %reduce_sum3A_1280[15] : f32 from vector<16xf32>
        %add3A_1282 = arith.addf %reduce_sum3A_1273, %reduce_sum3A_1281 : f32
        %eq3A_1283 = arith.constant 14 : i32
        %eq3A_1284 = vector.broadcast %eq3A_1283 : i32 to vector<16xi32>
        %eq3A_1285 = arith.cmpi eq, %iota3A, %eq3A_1284 : vector<16xi32>
        %add3A_1286 = arith.addf %add3A_1269, %add3A_1282 : f32
        %neg3A_1287 = arith.constant 0.000000e+00 : f32
        %neg3A_1288 = arith.subf %neg3A_1287, %add3A_1286 : f32
        %broadcast_in_dim3A_1289 = vector.broadcast %neg3A_1288 : f32 to vector<16xf32>
        %select_n3A_1290 = arith.select %eq3A_1285, %broadcast_in_dim3A_1289, %select_n3A_1257 : vector<16xi1>, vector<16xf32>
        %reduce_sum3A_1291 = arith.constant true
        %reduce_sum3A_1292 = vector.broadcast %reduce_sum3A_1291 : i1 to vector<16xi1>
        %reduce_sum3A_1293 = tpu.scan <sum>, %masked_sort3A_1166 masked %reduce_sum3A_1292 : vector<16xf32>, vector<16xi1> -> vector<16xf32>
        %reduce_sum3A_1294 = vector.extract %reduce_sum3A_1293[15] : f32 from vector<16xf32>
        %lt3A_1295 = vector.broadcast %scan3A : i32 to vector<16xi32>
        %lt3A_1296 = arith.cmpi slt, %iota3A, %lt3A_1295 : vector<16xi32>
        %select_n3A_1297 = arith.select %lt3A_1296, %masked_sort3A_1175, %broadcast_in_dim3A_3 : vector<16xi1>, vector<16xf32>
        %reduce_sum3A_1298 = arith.constant true
        %reduce_sum3A_1299 = vector.broadcast %reduce_sum3A_1298 : i1 to vector<16xi1>
        %reduce_sum3A_1300 = tpu.scan <sum>, %select_n3A_1297 masked %reduce_sum3A_1299 : vector<16xf32>, vector<16xi1> -> vector<16xf32>
        %reduce_sum3A_1301 = vector.extract %reduce_sum3A_1300[15] : f32 from vector<16xf32>
        %add3A_1302 = arith.addf %reduce_sum3A_1294, %reduce_sum3A_1301 : f32
        %reduce_sum3A_1303 = arith.constant true
        %reduce_sum3A_1304 = vector.broadcast %reduce_sum3A_1303 : i1 to vector<16xi1>
        %reduce_sum3A_1305 = tpu.scan <sum>, %masked_sort3A_1181 masked %reduce_sum3A_1304 : vector<16xf32>, vector<16xi1> -> vector<16xf32>
        %reduce_sum3A_1306 = vector.extract %reduce_sum3A_1305[15] : f32 from vector<16xf32>
        %ge3A_1307 = arith.constant 12 : i32
        %ge3A_1308 = vector.broadcast %ge3A_1307 : i32 to vector<16xi32>
        %ge3A_1309 = arith.cmpi sge, %iota3A, %ge3A_1308 : vector<16xi32>
        %select_n3A_1310 = arith.select %ge3A_1309, %masked_sort3A_1190, %broadcast_in_dim3A_3 : vector<16xi1>, vector<16xf32>
        %reduce_sum3A_1311 = arith.constant true
        %reduce_sum3A_1312 = vector.broadcast %reduce_sum3A_1311 : i1 to vector<16xi1>
        %reduce_sum3A_1313 = tpu.scan <sum>, %select_n3A_1310 masked %reduce_sum3A_1312 : vector<16xf32>, vector<16xi1> -> vector<16xf32>
        %reduce_sum3A_1314 = vector.extract %reduce_sum3A_1313[15] : f32 from vector<16xf32>
        %add3A_1315 = arith.addf %reduce_sum3A_1306, %reduce_sum3A_1314 : f32
        %eq3A_1316 = arith.constant 15 : i32
        %eq3A_1317 = vector.broadcast %eq3A_1316 : i32 to vector<16xi32>
        %eq3A_1318 = arith.cmpi eq, %iota3A, %eq3A_1317 : vector<16xi32>
        %add3A_1319 = arith.addf %add3A_1302, %add3A_1315 : f32
        %neg3A_1320 = arith.constant 0.000000e+00 : f32
        %neg3A_1321 = arith.subf %neg3A_1320, %add3A_1319 : f32
        %broadcast_in_dim3A_1322 = vector.broadcast %neg3A_1321 : f32 to vector<16xf32>
        %select_n3A_1323 = arith.select %eq3A_1318, %broadcast_in_dim3A_1322, %select_n3A_1290 : vector<16xi1>, vector<16xf32>
        %mul3A_1324 = arith.constant 128 : i32
        %mul3A_1325 = arith.muli %scan3A_13, %mul3A_1324 : i32
        %mul3A_1326 = arith.constant 16 : i32
        %mul3A_1327 = arith.muli %scan3A_21, %mul3A_1326 : i32
        %add3A_1328 = arith.addi %mul3A_1325, %mul3A_1327 : i32
        %swap3A = arith.index_cast %add3A_1328 : i32 to index
        %swap3A_1329 = tpu.vector_load %arg7[%swap3A] {strides = array<i32>} : memref<2048xf32, #tpu.memory_space<vmem>>, vector<16xf32>,
        tpu.vector_store %arg7[%swap3A], %select_n3A_1323 {strides = array<i32>} : memref<2048xf32, #tpu.memory_space<vmem>>, vector<16xf32>,
      }
      %scan3A_19 = arith.constant 8 : i32
      %scan3A_20 = arith.constant 0 : i32
      scf.yield %scan3A_20 : i32
    }
    %scan3A_10 = arith.constant 16 : i32
    %mul3A_11 = arith.constant 2048 : i32
    %mul3A_12 = arith.muli %add3A, %mul3A_11 : i32
    "tpu.region"() ({
      %run_scoped3A = tpu.sem_alloc : memref<!tpu.dma_semaphore, #tpu.memory_space<semaphore_mem>>
      %dma_start3A = tpu.memref_slice %arg4[%mul3A_12] : memref<65536xf32, #tpu.memory_space<hbm>> -> memref<2048xf32, #tpu.memory_space<hbm>>
      %dma_start3A_13 = tpu.memref_slice %arg4[%mul3A_12] : memref<65536xf32, #tpu.memory_space<hbm>> -> memref<2048xf32, #tpu.memory_space<hbm>>
      tpu.enqueue_dma source(%arg7 : memref<2048xf32, #tpu.memory_space<vmem>>) target(%dma_start3A_13 : memref<2048xf32, #tpu.memory_space<hbm>>) target_semaphore(%run_scoped3A : memref<!tpu.dma_semaphore, #tpu.memory_space<semaphore_mem>>)
      %dma_wait3A = tpu.memref_slice %arg4[%mul3A_12] : memref<65536xf32, #tpu.memory_space<hbm>> -> memref<2048xf32, #tpu.memory_space<hbm>>
      %dma_wait3A_14 = tpu.memref_slice %arg4[%mul3A_12] : memref<65536xf32, #tpu.memory_space<hbm>> -> memref<2048xf32, #tpu.memory_space<hbm>>
      tpu.wait_dma2 semaphore(%run_scoped3A : memref<!tpu.dma_semaphore, #tpu.memory_space<semaphore_mem>>) src(%arg7 : memref<2048xf32, #tpu.memory_space<vmem>>) dst(%dma_wait3A_14 : memref<2048xf32, #tpu.memory_space<hbm>>)
      tpu.yield
    }) : () -> ()
    return
  }
}

module attributes {stable_mosaic.version = 14 : i64} {
  func.func @_tc_body(%arg0: memref<512x784xf32, #tpu.memory_space<vmem>>, %arg1: memref<128x784xf32, #tpu.memory_space<vmem>>, %arg2: memref<1x128xf32, #tpu.memory_space<vmem>>, %arg3: memref<512x128xf32, #tpu.memory_space<vmem>>, %arg4: memref<512x128xf32, #tpu.memory_space<vmem>>) attributes {dimension_semantics = [], scalar_prefetch = 0 : i64, scratch_operands = 0 : i64, tpu.core_type = #tpu.core_type<tc>} {
    %get3A = arith.constant 0 : index
    %get3A_0 = arith.constant 0 : index
    %get3A_1 = vector.load %arg0[%get3A, %get3A_0] : memref<512x784xf32, #tpu.memory_space<vmem>>, vector<512x784xf32>
    %get3A_2 = arith.constant 0 : index
    %get3A_3 = arith.constant 0 : index
    %get3A_4 = vector.load %arg1[%get3A_2, %get3A_3] : memref<128x784xf32, #tpu.memory_space<vmem>>, vector<128x784xf32>
    %dot_general3A = arith.constant dense<0.000000e+00> : vector<512x128xf32>
    %dot_general3A_5 = tpu.matmul %get3A_1, %get3A_4, %dot_general3A {dimension_numbers = #tpu.dot_dimension_numbers<[1], [1], [0], [0], [0, 0, 1, 0], [], []>, transpose_lhs_hint = false} : vector<512x784xf32>, vector<128x784xf32>, vector<512x128xf32> -> vector<512x128xf32>
    %get3A_6 = arith.constant 0 : index
    %get3A_7 = arith.constant 0 : index
    %get3A_8 = vector.load %arg3[%get3A_6, %get3A_7] : memref<512x128xf32, #tpu.memory_space<vmem>>, vector<512x128xf32>
    %add3A = arith.addf %dot_general3A_5, %get3A_8 : vector<512x128xf32>
    %get3A_9 = arith.constant 0 : index
    %get3A_10 = arith.constant 0 : index
    %get3A_11 = vector.load %arg2[%get3A_9, %get3A_10] : memref<1x128xf32, #tpu.memory_space<vmem>>, vector<1x128xf32>
    %add3A_12 = vector.broadcast %get3A_11 : vector<1x128xf32> to vector<512x128xf32>
    %add3A_13 = arith.addf %add3A, %add3A_12 : vector<512x128xf32>
    %swap3A = arith.constant 0 : index
    %swap3A_14 = arith.constant 0 : index
    %swap3A_15 = vector.load %arg4[%swap3A, %swap3A_14] : memref<512x128xf32, #tpu.memory_space<vmem>>, vector<512x128xf32>
    tpu.vector_store %arg4[%swap3A, %swap3A_14], %add3A_13 {strides = array<i32>} : memref<512x128xf32, #tpu.memory_space<vmem>>, vector<512x128xf32>,
    return
  }
}

</mosaic_0001>

<sc_bundles>
// kernel: kernel.4.cloned.1.call-start
scs
__scs_entry_jumppad:
0x0: {  	(pc) =	sbr.rel $0x88, $3  }
0x1: {  	(tag) =	ssettag $0x0;
	lr =	simm.s32 $0x1  }
0x2: {  	[smem:$0x3F9E] =	sst lr;
	_ =	strace $0xD0000000  }
0x3: {  	_ = 	snop  }
0x4: {  	_ = 	snop  }
0x5: {  	_ = 	snop  }
0x6: {  	_ = 	snop  }
0x7: {  	_ = 	snop  }
__scs_overlays_trampoline_lowered:
0x8: {  	[smem:$0x3FAD] =	sst s0  }
0x9: {  	[smem:$0x3FAE] =	sst s1  }
0xa: {  	[smem:$0x3FAF] =	sst s2  }
0xb: {  	[smem:$0x3FB0] =	sst s3  }
0xc: {  	[smem:$0x3FB1] =	sst s4  }
0xd: {  	[smem:$0x3FB2] =	sst s5  }
0xe: {  	[smem:$0x3FB3] =	sst s6  }
0xf: {  	[smem:$0x3FB4] =	sst s7  }
0x10: {  	[smem:$0x3FB5] =	sst s8  }
0x11: {  	[smem:$0x3FB6] =	sst s9;
	s0 =	simm.s32 @!p0 $0x0  }
0x12: {  	s1 =	sld [smem:$0x3F9C];
	s0 =	simm.s32 @p0 $0x1  }
0x13: {  	[smem:$0x3FB7] =	sst s0;
	s0 =	simm.s32 @!p1 $0x0  }
0x14: {  	s2 =	sld [smem:$0x3F9B];
	s0 =	simm.s32 @p1 $0x1  }
0x15: {  	[smem:$0x3FB8] =	sst s0;
	s0 =	simm.s32 @!p2 $0x0  }
0x16: {  	s3 =	sld [smem:$0x3FDB];
	s0 =	simm.s32 @p2 $0x1  }
0x17: {  	s4 =	simm.s32 $0x1BF5;
	[smem:$0x3FBA] =	sst s0  }
0x18: {  	s0 =	sld [smem:$0x3F9D];
	_ =	swait.ge [sflag:s4], $0x0  }
0x19: {  	s7 =	sld [smem:$0x3F9E]  }
0x1a: {  	s8 =	sadd.s32 $0xFFFFE003, lr  }
0x1b: {  	s9 =	sadd.s32 $0xFFFFFEF7, lr;
	s5 =	simm.s32 $0xFFFFFFFF;
	p2 =	slt.u32 s8, $0xFFFFF086  }
0x1c: {  	p1 =	slt.u32 s9, $0xF7A;
	s5 =	simm.s32 @!p2 $0x0  }
0x1d: {  	s5 =	simm.s32 @p1 $0x1;
	p0 =	seq.s32 s7, s2  }
0x1e: {  	s7 =	smul.u32 @!p0 $0xF7A, s2;
	p2 =	seq.s32 @!p0 s5, $0x0  }
0x1f: {  	s9 =	smul.u32 $0xF7A, s1;
	s8 =	simm.s32 @!p0 $0x1BF5;
	p2 =	por !p2, p0  }
0x20: {  	[sflag:s8] =	ssyncset.s32 @!p0 $0xFFFFF086;
	s6 =	sadd.s32 @!p0 s3, s7;
	s7 =	simm.s32 @!p0 $0x108  }
0x21: {  	s3 =	sadd.s32 s3, s9;
	s6 =	sadd.s32 @!p0 $0x88, s6;
	s7 =	simm.s32 @p2 $0x1082  }
0x22: {  	[simem:s7], [sflag:s8] =	dma.local @!p0 [hbm:s6], $0xF7A  }
0x23: {  	s9 =	sor.u32 $0xD0000000, s2;
	s6 =	simm.s32 $0x108;
	_ =	swait.ge @!p0 [sflag:s8], $0x0  }
0x24: {  	s3 =	sadd.s32 $0x88, s3;
	s6 =	simm.s32 @!p1 $0x1082;
	[sflag:s4] =	ssyncset.s32 $0xFFFFF086  }
0x25: {  	[simem:s6], [sflag:s4] =	dma.local [hbm:s3], $0xF7A  }
0x26: {  	[smem:$0x3F9E] =	sst s1;
	(tag) =	ssettag s2;
	_ =	strace s9  }
0x27: {  	s1 =	sld [smem:$0x3FAE]  }
0x28: {  	s2 =	sld [smem:$0x3FAF]  }
0x29: {  	s4 =	sld [smem:$0x3FB1]  }
0x2a: {  	p0 =	seq.s32 s5, $0x0;
	s5 =	sld [smem:$0x3FB2]  }
0x2b: {  	s6 =	sld [smem:$0x3FB3]  }
0x2c: {  	s7 =	sld [smem:$0x3FB4]  }
0x2d: {  	s3 =	simm.s32 $0x108;
	s8 =	sld [smem:$0x3FB5]  }
0x2e: {  	s3 =	simm.s32 @!p0 $0x1082;
	s9 =	sld [smem:$0x3FB6]  }
0x2f: {  	lr =	sadd.s32 s0, s3;
	s0 =	sld [smem:$0x3FAD]  }
0x30: {  	s3 =	sld [smem:$0x3FB0]  }
0x31: {  	[smem:$0x3FB9] =	sst s10  }
0x32: {  	s10 =	sld [smem:$0x3FB7];
	_ =	sdelay $0x3  }
0x33: {  	p0 =	seq.s32 s10, $0x1;
	s10 =	sld [smem:$0x3FB9];
	_ =	sdelay $0x3  }
0x34: {  	[smem:$0x3FB9] =	sst s10  }
0x35: {  	s10 =	sld [smem:$0x3FB8];
	_ =	sdelay $0x3  }
0x36: {  	p1 =	seq.s32 s10, $0x1;
	s10 =	sld [smem:$0x3FB9];
	_ =	sdelay $0x3  }
0x37: {  	[smem:$0x3FB9] =	sst s10  }
0x38: {  	s10 =	sld [smem:$0x3FBA]  }
0x39: {  	_ = 	snop;
	(pc) =	sbr.ind lr, $3  }
0x3a: {  	_ = 	snop  }
0x3b: {  	_ = 	snop  }
0x3c: {  	p2 =	seq.s32 s10, $0x1;
	s10 =	sld [smem:$0x3FB9]  }
0x3d: {  	_ =	shalt  }
0x3e: {  	_ =	shalt  }
0x3f: {  	_ =	shalt  }
0x40: {  	_ =	shalt  }
0x41: {  	_ =	shalt  }
0x42: {  	_ =	shalt  }
0x43: {  	_ =	shalt  }
0x44: {  	_ =	shalt  }
0x45: {  	_ =	shalt  }
0x46: {  	_ =	shalt  }
0x47: {  	_ =	shalt  }
0x48: {  	_ =	shalt  }
0x49: {  	_ =	shalt  }
0x4a: {  	_ =	shalt  }
0x4b: {  	_ =	shalt  }
0x4c: {  	_ =	shalt  }
0x4d: {  	_ =	shalt  }
0x4e: {  	_ =	shalt  }
0x4f: {  	_ =	shalt  }
0x50: {  	_ =	shalt  }
0x51: {  	_ =	shalt  }
0x52: {  	_ =	shalt  }
0x53: {  	_ =	shalt  }
0x54: {  	_ =	shalt  }
0x55: {  	_ =	shalt  }
0x56: {  	_ =	shalt  }
0x57: {  	_ =	shalt  }
0x58: {  	_ =	shalt  }
0x59: {  	_ =	shalt  }
0x5a: {  	_ =	shalt  }
0x5b: {  	_ =	shalt  }
0x5c: {  	_ =	shalt  }
0x5d: {  	_ =	shalt  }
0x5e: {  	_ =	shalt  }
0x5f: {  	_ =	shalt  }
0x60: {  	_ =	shalt  }
0x61: {  	_ =	shalt  }
0x62: {  	_ =	shalt  }
0x63: {  	_ =	shalt  }
0x64: {  	_ =	shalt  }
0x65: {  	_ =	shalt  }
0x66: {  	_ =	shalt  }
0x67: {  	_ =	shalt  }
0x68: {  	_ =	shalt  }
0x69: {  	_ =	shalt  }
0x6a: {  	_ =	shalt  }
0x6b: {  	_ =	shalt  }
0x6c: {  	_ =	shalt  }
0x6d: {  	_ =	shalt  }
0x6e: {  	_ =	shalt  }
0x6f: {  	_ =	shalt  }
0x70: {  	_ =	shalt  }
0x71: {  	_ =	shalt  }
0x72: {  	_ =	shalt  }
0x73: {  	_ =	shalt  }
0x74: {  	_ =	shalt  }
0x75: {  	_ =	shalt  }
0x76: {  	_ =	shalt  }
0x77: {  	_ =	shalt  }
0x78: {  	_ =	shalt  }
0x79: {  	_ =	shalt  }
0x7a: {  	_ =	shalt  }
0x7b: {  	_ =	shalt  }
0x7c: {  	_ =	shalt  }
0x7d: {  	_ =	shalt  }
0x7e: {  	_ =	shalt  }
0x7f: {  	_ =	shalt  }
0x80: {  	_ =	shalt  }
0x81: {  	_ =	shalt  }
0x82: {  	_ =	shalt  }
0x83: {  	_ =	shalt  }
0x84: {  	_ =	shalt  }
0x85: {  	_ =	shalt  }
0x86: {  	_ =	shalt  }
0x87: {  	_ =	shalt  }
.Lfunc_end0:
.L_simem_size_0:
called_computation_lowered:
.L_overlay_start_0:
0x88: {  	s2 =	sld [smem:$0x3FD9]  }
0x89: {  	s3 =	sld [smem:$0x3FFE];
	_ =	sdelay $0x1  }
0x8a: {  	s1 =	srdreg.scid  }
0x8b: {  	s0 =	sand.u32 $0x1, s1  }
0x8c: {  	s17 =	sshll.u32 s0, $0xA;
	s2 =	sadd.s32 s3, s2  }
0x8d: {  	s2 =	sadd.s32 s2, s17  }
0x8e: {  	[smem:$0x3FC5] =	sst s2  }
0x8f: {  	_ = 	snop  }
0x90: {  	s2 =	sld [smem:$0x3FD0];
	(tm) =	ssettm $0x1  }
0x91: {  	s18 =	sld [smem:$0x3FFB];
	_ =	sdelay $0x3  }
0x92: {  	_ =	strace s18  }
0x93: {  	s3 =	sld [smem:$0x3FFC];
	_ =	sdelay $0x3  }
0x94: {  	_ =	strace s3  }
0x95: {  	s3 =	sld [smem:$0x3FFD];
	_ =	sdelay $0x3  }
0x96: {  	_ =	strace s3  }
0x97: {  	_ =	strace $0x8FFFFFFF  }
0x98: {  	s19 =	sld [smem:$0x3FDB];
	_ =	sdelay $0x1  }
0x99: {  	s4 =	simm.s32 $_scs_section_size  }
0x9a: {  	s5 =	simm.s32 $_size__tile_overlayer_lowered;
	s6 =	simm.s32 $_tile_overlayer_lowered  }
0x9b: {  	s22 =	simm.s32 $0x1BFF;
	s21 =	sshll.u32 s6, $0x1;
	s3 =	sadd.s32 s4, s19  }
0x9c: {  	s7 =	simm.s32 $0x0;
	s20 =	sshll.u32 s5, $0x1;
	s5 =	sadd.s32 s21, s3  }
0x9d: {  	[timem:s7], [sflag:s22] =	dma.local [hbm:s5], s20  }
0x9e: {  	_ =	swait.ge [sflag:s22], s20  }
0x9f: {  	s4 =	ssub.s32 $0x0, s20;
	[sflag:s22] =	ssyncset.done $0x0  }
0xa0: {  	[sflag:s22] =	ssyncadd.s32 s4;
	_ =	sdelay $0x1  }
0xa1: {  	s23 =	simm.s32 $0x1B8B  }
0xa2: {  	_ =	swait.ge [sflag:s23], $0x1  }
0xa3: {  	[sflag:s23] =	ssyncset.done $0x0  }
0xa4: {  	s25 =	simm.s32 $0x1B8E;
	s24 =	sld [smem:$0x3FFE];
	[sflag:s23] =	ssyncadd.s32 $0xFFFFFFFF  }
0xa5: {  	s26 =	simm.s32 $execute0_lowered;
	[smem:$0x3FD2] =	sst s25  }
0xa6: {  	s5 =	sshll.u32 s26, $0x1;
	_ =	strace $0x80000046;
	[dreg:$0x1] =	wrdreg $0xFFFFFFFF  }
0xa7: {  	s28 =	simm.s32 $_size_execute0_lowered;
	s3 =	sadd.s32 s3, s5;
	[dreg:$0x0] =	wrdreg $0x0  }
0xa8: {  	s5 =	sshll.u32 s28, $0x1;
	[dreg:$0x2] =	wrdreg s3  }
0xa9: {  	[dreg:$0x3] =	wrdreg s5  }
0xaa: {  	[dreg:$0x4] =	wrdreg $0xC0  }
0xab: {  	_ =	task [dreg:s7], $0x5FFFF  }
0xac: {  	[dreg:$0x1] =	wrdreg $0xFFFFFFFF  }
0xad: {  	[dreg:$0x0] =	wrdreg $0x60  }
0xae: {  	[dreg:$0x2] =	wrdreg s24  }
0xaf: {  	[dreg:$0x3] =	wrdreg s2  }
0xb0: {  	[dreg:$0x4] =	wrdreg $0x9  }
0xb1: {  	_ =	task.clear_ibuf [dreg:s7], $0x5FFFF;
	_ =	strace $0x90000046  }
0xb2: {  	s29 =	simm.s32 $0x9;
	_ =	strace $0x80000048  }
0xb3: {  	_ =	swait.ge [sflag:s29], $0x1  }
0xb4: {  	[sflag:s29] =	ssyncadd.s32 $0xFFFFFFFF  }
0xb5: {  	_ =	strace $0x90000048  }
0xb6: {  	_ =	sfence  }
0xb7: {  	s30 =	sld [smem:$0x0];
	_ =	sdelay $0x2  }
0xb8: {  	s31 =	sshll.u32 s1, $0xD;
	s1 =	sshrl.u32 s1, $0x2  }
0xb9: {  	s3 =	sand.u32 $0x4000, s31;
	s1 =	sadd.s32 s1, s30  }
0xba: {  	s0 =	sor.u32 s3, s0;
	s1 =	sshll.u32 s1, $0x11  }
0xbb: {  	s0 =	sor.u32 s1, s0  }
0xbc: {  	s0 =	sadd.s32 $0x8F2B, s0  }
0xbd: {  	[sflag:s0] =	ssyncadd.remote.s32 $0x1  }
0xbe: {  	_ =	sfence.sel $0xFFFF  }
0xbf: {  	[dreg:$0x0] =	wrdreg $0xFFFFFFFF;
	(pc) =	sbr.abs _section_cstart, $3  }
0xc0: {  	[dreg:$0x1] =	wrdreg $0xFFFFFFFF  }
0xc1: {  	_ =	task.clear_ibuf [dreg:s7], $0x2FFFF;
	_ =	strace $0x9FFFFFFF  }
0xc2: {  	(tm) =	ssettm $0x7FFFFFFF  }
0xc3: {  	_ =	shalt  }
tec
execute0_lowered:
.L_overlay_start_1:
0x0: {  	(tag) =	ssettag $0x1  }
0x1: {  	s1 =	srdreg.scid;
	s3 =	stileid.u32  }
0x2: {  	s1 =	sand.u32 $0x1, s1;
	s3 =	sshll.u32 s3, $0x1  }
0x3: {  	s0 =	rddreg [dreg:$0x0];
	s5 =	simm.s32 $0x0;
	s3 =	sor.u32 s1, s3  }
0x4: {  	[smem:$0x7FF] =	sst s5;
	s4 =	smul.u32 $0x620, s3  }
0x5: {  	s2 =	rddreg [dreg:$0x1];
	_ =	strace $0x80000047;
	s1 =	ssub.s32 $0x2, s1  }
0x6: {  	vm1 =	vcmask $0x704;
	vm2 =	vcmask $0xB08;
	vm3 =	vcmask $0xF0C;
	s29 =	sshrl.u32 s1, $0x1;
	s4 =	sadd.s32 s4, s0;
	s0 =	sadd.s32 $0xA00, s0  }
0x7: {  	vm4 =	vcmask $0x1310;
	vm5 =	vcmask $0x1714;
	vm6 =	vcmask $0x1B18;
	s31 =	sshll.u32 s3, $0x8;
	[dreg:$0x3] =	wrdreg s0;
	s30 =	sadd.s32 $0x3C00, s4  }
0x8: {  	vm7 =	vcmask $0x1F1C;
	vm8 =	vcmask $0x2320;
	vm9 =	vcmask $0x2724;
	s0 =	ssub.s32 s1, s29;
	s1 =	sadd.s32 s2, s31;
	[dreg:$0x4] =	wrdreg s30  }
0x9: {  	vm10 =	vcmask $0x2B28;
	vm11 =	vcmask $0x2F2C;
	vm12 =	vcmask $0x3330;
	[dreg:$0x5] =	wrdreg s1;
	s0 =	smax.u32 s0, $0x1  }
0xa: {  	vm13 =	vcmask $0x3734;
	vm14 =	vcmask $0x3B38;
	vm15 =	vmmov $0xfff;
	s2 =	simm.s32 $0x0;
	s1 =	simm.s32 $0x1;
	[dreg:$0x6] =	wrdreg s0  }
.LBB2_1:
0xb: {  	[dreg:$0x7] =	wrdreg s2  }
0xc: {  	s0 =	rddreg [dreg:$0x4]  }
0xd: {  	[tilespmem:s5], [sflag:$0x1] =	stream.linear.gather [hbm4b:s0+s5], $0x3100, $0x38;
	[tilespmem:$0x1C100] =	vst v63  }
0xe: {  	_ =	swait.ge [sflag:s1], $0x3100  }
0xf: {  	[sflag:s1] =	ssyncset.done $0x0  }
0x10: {  	s31 =	simm.s32 $0x3100;
	s30 =	rddreg [dreg:$0x3];
	[sflag:s1] =	ssyncadd.s32 $0xFFFFCF00  }
0x11: {  	[tilespmem:s31], [sflag:$0x1] =	stream.linear.gather [hbm4b:s30+s5], $0x18800, $0x38;
	[tilespmem:$0x1C100] =	vst v63  }
0x12: {  	_ =	swait.ge [sflag:s1], $0x18800  }
0x13: {  	s3 =	simm.s32 $0x10;
	[sflag:s1] =	ssyncset.done $0x0  }
0x14: {  	s2 =	simm.s32 $0x0;
	[sflag:s1] =	ssyncadd.s32 $0xFFFE7800;
	s1 =	simm.s32 $0x0  }
.LBB2_2:
0x15: {  	s0 =	smul.u32 $0x310, s1  }
0x16: {  	[dreg:$0xa] =	wrdreg s1;
	s30 =	sshll.u32 s1, $0x7;
	s16 =	simm.s32 $0x3720  }
0x17: {  	s4 =	simm.s32 $0x3D40;
	s31 =	sand.u32 $0x3FFFFF80, s30;
	s0 =	sand.u32 $0x3FF0, s0  }
0x18: {  	s18 =	simm.s32 $0x1880;
	[dreg:$0xb] =	wrdreg s0;
	s0 =	sadd.s32 $0x1B900, s31  }
0x19: {  	s19 =	simm.s32 $0x52C0;
	s5 =	simm.s32 $0x55C0;
	[dreg:$0x9] =	wrdreg s2;
	v1 =	vmov s0  }
0x1a: {  	v0 =	vmov s2;
	s21 =	simm.s32 $0x0;
	s22 =	simm.s32 $0x0;
	[dreg:$0x8] =	wrdreg s3;
	[tilespmem:$0x1FFF0] =	vst v1  }
.LBB2_3:
0x1b: {  	s0 =	sadd.s32 $0x0, s21;
	s1 =	simm.s32 $0x0  }
0x1c: {  	v1 =	vld [tilespmem:s16+$0xFFFFFCF0];
	s0 =	sand.u32 $0x3FF80, s0;
	s1 =	sand.u32 $0x60, s1  }
0x1d: {  	v2 =	vld [tilespmem:s3+$0x0];
	s0 =	sor.u32 s1, s0  }
0x1e: {  	v3 =	vld [tilespmem:s0+$0x3110]  }
0x1f: {  	v4 =	vld [tilespmem:s16+$0x320]  }
0x20: {  	v5 =	vld [tilespmem:s3+$0xFFFFFFF0]  }
0x21: {  	v6 =	vld [tilespmem:s16+$0x310]  }
0x22: {  	v7 =	vld [tilespmem:s0+$0x3100]  }
0x23: {  	v8 =	vld [tilespmem:s16+$0x10];
	v3 =	vmul.f32 v3, v2  }
0x24: {  	v4 =	vmul.f32 v4, v2  }
0x25: {  	v9 =	vld [tilespmem:s16+$0x0];
	v1 =	vmul.f32 v1, v5;
	(xrf1) =	vsort.dscd.msk.f32 $0xffff, v3, v3  }
0x26: {  	v3 =	vmul.f32 v6, v5;
	(xrf1) =	vsort.dscd.msk.f32 $0xffff, v4, v4  }
0x27: {  	v4 =	vmul.f32 v7, v5;
	(xrf1) =	vsort.ascd.msk.f32 $0xffff, v1, v1  }
0x28: {  	v1 =	vmul.f32 v8, v2;
	(xrf1) =	vsort.ascd.msk.f32 $0xffff, v3, v3  }
0x29: {  	(xrf1) =	vsort.ascd.msk.f32 $0xffff, v4, v4  }
0x2a: {  	v3 =	vmul.f32 v9, v5;
	(xrf1) =	vsort.dscd.msk.f32 $0xffff, v1, v1;
	v1 =	vld [tilespmem:s16+$0xFFFFFD00];
	_ =	sdelay $0x1  }
0x2b: {  	(xrf1) =	vsort.ascd.msk.f32 $0xffff, v3, v3;
	_ =	sdelay $0x2  }
0x2c: {  	v1 =	vmul.f32 v1, v2;
	_ =	sdelay $0x2  }
0x2d: {  	(xrf1) =	vsort.dscd.msk.f32 $0xffff, v1, v1  }
0x2e: {  	v1, _, _ =	vpop (xrf1)  }
0x2f: {  	v2, _, _ =	vpop (xrf1)  }
0x30: {  	v3, _, _ =	vpop (xrf1)  }
0x31: {  	v4, _, _ =	vpop (xrf1)  }
0x32: {  	v5 =	vmax.f32 v4, v2  }
0x33: {  	v6, _, _ =	vpop (xrf1);
	v2 =	vmin.f32 v4, v2;
	(xrf1) =	vsort.ascd.msk.f32 $0xffff, v5, v5  }
0x34: {  	s30 =	simm.s32 $0x20;
	s31 =	sadd.s32 $0x20, s16;
	s2 =	sadd.s32 $0x20, s21;
	v4, _, _ =	vpop (xrf1);
	(xrf1) =	vsort.ascd.msk.f32 $0xffff, v2, v2  }
0x35: {  	s25 =	sadd.s32 $0x20, s3;
	s2 =	sand.u32 $0x3FF80, s2;
	v10 =	vld [tilespmem:s31+$0x310];
	s1 =	sand.u32 $0x60, s30;
	v5 =	vmax.f32 v6, v1;
	v7, _, _ =	vpop (xrf1)  }
0x36: {  	s1 =	sor.u32 s1, s2;
	v8 =	vld [tilespmem:s25+$0x0];
	(xrf1) =	vsort.ascd.msk.f32 $0xffff, v5, v5;
	v5 =	vmax.f32 v7, v4  }
0x37: {  	v4 =	vmin.f32 v7, v4;
	(xrf1) =	vsort.ascd.msk.f32 $0xffff, v5, v5;
	v5 =	vld [tilespmem:s1+$0x3110]  }
0x38: {  	v7 =	vld [tilespmem:s31+$0x320];
	(xrf1) =	vsort.ascd.msk.f32 $0xffff, v4, v4  }
0x39: {  	v1 =	vmin.f32 v6, v1;
	v6 =	vld [tilespmem:s25+$0xFFFFFFF0]  }
0x3a: {  	v2 =	vld [tilespmem:s31+$0xFFFFFCF0]  }
0x3b: {  	v12 =	vld [tilespmem:s31+$0x10];
	v9, _, _ =	vpop (xrf1)  }
0x3c: {  	(xrf1) =	vsort.ascd.msk.f32 $0xffff, v1, v1;
	v1 =	vld [tilespmem:s1+$0x3100];
	v11 =	vmax.f32 v3, v9;
	v5 =	vmul.f32 v5, v8  }
0x3d: {  	v4 =	vld [tilespmem:s31+$0xFFFFFD00];
	v7 =	vmul.f32 v7, v8;
	(xrf1) =	vsort.ascd.msk.f32 $0xffff, v11, v11  }
0x3e: {  	v3 =	vmin.f32 v3, v9;
	v9 =	vld [tilespmem:s31+$0x0];
	(xrf1) =	vsort.dscd.msk.f32 $0xffff, v5, v5  }
0x3f: {  	v2 =	vmul.f32 v2, v6;
	(xrf1) =	vsort.ascd.msk.f32 $0xffff, v3, v3  }
0x40: {  	v5 =	vmul.f32 v10, v6;
	(xrf1) =	vsort.dscd.msk.f32 $0xffff, v7, v7  }
0x41: {  	v1 =	vmul.f32 v1, v6;
	(xrf1) =	vsort.ascd.msk.f32 $0xffff, v2, v2;
	v7, _, _ =	vpop (xrf1)  }
0x42: {  	v3 =	vimm.f32 $3.402823470e+38;
	v2 =	vmul.f32 v4, v8;
	v4 =	vmul.f32 v12, v8;
	v8, _, _ =	vpop (xrf1);
	(xrf1) =	vsort.ascd.msk.f32 $0xffff, v5, v5  }
0x43: {  	v9 =	vmul.f32 v9, v6;
	v5 =	vimm.f32 $-3.402823470e+38;
	v6 =	vmin.f32 v3, v8;
	(xrf1) =	vsort.ascd.msk.f32 $0xffff, v1, v1  }
0x44: {  	v11, _, _ =	vpop (xrf1);
	v1 =	vmax.f32 v5, v7;
	v7 =	vmin.f32 v3, v7;
	v8 =	vmax.f32 v5, v8  }
0x45: {  	v10, _, _ =	vpop (xrf1);
	(xrf1) =	vsort.dscd.msk.f32 $0xffff, v4, v4;
	v12 =	vmax.f32 v6, v7;
	v6 =	vmin.f32 v6, v7  }
0x46: {  	v14 =	vmax.f32 v5, v11;
	v4, _, _ =	vpop (xrf1);
	(xrf1) =	vsort.ascd.msk.f32 $0xffff, v9, v9;
	v9 =	vmax.f32 v5, v10  }
0x47: {  	v7 =	vmax.f32 v5, v4;
	(xrf1) =	vsort.dscd.msk.f32 $0xffff, v2, v2;
	v2 =	vmax.f32 v8, v1  }
0x48: {  	v13 =	vmax.f32 v7, v9;
	(xrf1) =	vsort.dscd.msk.f32 $0xffff, v2, v2;
	v2 =	vmin.f32 v3, v4  }
0x49: {  	v4 =	vmin.f32 v3, v10;
	v9 =	vmin.f32 v7, v9;
	(xrf1) =	vsort.dscd.msk.f32 $0xffff, v13, v13  }
0x4a: {  	v10, _, _ =	vpop (xrf1);
	v7 =	vmin.f32 v8, v1;
	v13 =	vmax.f32 v2, v4;
	(xrf1) =	vsort.dscd.msk.f32 $0xffff, v9, v9  }
0x4b: {  	v9 =	vmin.f32 v3, v10;
	v1, _, _ =	vpop (xrf1);
	(xrf1) =	vsort.dscd.msk.f32 $0xffff, v13, v13;
	v13 =	vmin.f32 v3, v11  }
0x4c: {  	v8 =	vmax.f32 v5, v10;
	v10, _, _ =	vpop (xrf1);
	v15 =	vmax.f32 v9, v13;
	(xrf1) =	vsort.dscd.msk.f32 $0xffff, v12, v12  }
0x4d: {  	v12 =	vmin.f32 v9, v13;
	v9 =	vmax.f32 v8, v14;
	v11, _, _ =	vpop (xrf1);
	(xrf1) =	vsort.dscd.msk.f32 $0xffff, v15, v15  }
0x4e: {  	s23 =	simm.s32 $0x40;
	s24 =	sadd.s32 $0x20, s31;
	s26 =	sadd.s32 $0x20, s25;
	v13 =	vmin.f32 v8, v14;
	v8 =	vimm.f32 $-3.402823470e+38;
	v14, _, _ =	vpop (xrf1);
	(xrf1) =	vsort.dscd.msk.f32 $0xffff, v9, v9;
	v9 =	vimm.f32 $3.402823470e+38  }
.LBB2_4:
0x4f: {  	s0 =	sadd.s32 s23, s21  }
0x50: {  	v15 =	vld [tilespmem:s24+$0xFFFFFCF0];
	p0 =	sne.s32 s23, $0x2E0;
	v16, _, _ =	vpop (xrf1);
	(xrf1) =	vsort.dscd.msk.f32 $0xffff, v12, v12;
	s1 =	smov.u32 s23;
	s23 =	sadd.s32 $0x20, s23  }
0x51: {  	v12 =	vld [tilespmem:s26+$0x0];
	s0 =	sand.u32 $0x3FF80, s0;
	s1 =	sand.u32 $0x60, s1;
	v17, _, _ =	vpop (xrf1);
	(xrf1) =	vsort.dscd.msk.f32 $0xffff, v13, v13  }
0x52: {  	s0 =	sor.u32 s1, s0;
	v13 =	vld [tilespmem:s24+$0xFFFFFD00];
	v18 =	vmax.f32 v17, v14;
	v14 =	vmin.f32 v17, v14;
	v17, _, _ =	vpop (xrf1);
	(xrf1) =	vsort.dscd.msk.f32 $0xffff, v6, v6  }
0x53: {  	v6 =	vld [tilespmem:s0+$0x3100];
	v21 =	vmax.f32 v17, v10;
	v10 =	vmin.f32 v17, v10;
	v17, _, _ =	vpop (xrf1);
	(xrf1) =	vsort.ascd.msk.f32 $0xffff, v18, v18  }
0x54: {  	v5 =	vmax.f32 v5, v11;
	v3 =	vmin.f32 v3, v11;
	v18 =	vld [tilespmem:s0+$0x3110];
	v20, _, _ =	vpop (xrf1);
	(xrf1) =	vsort.ascd.msk.f32 $0xffff, v14, v14  }
0x55: {  	v9 =	vmin.f32 v9, v1;
	v11 =	vld [tilespmem:s24+$0x320];
	v14 =	vmin.f32 v20, v17;
	(xrf1) =	vsort.ascd.msk.f32 $0xffff, v21, v21;
	v19, _, _ =	vpop (xrf1)  }
0x56: {  	v17 =	vmax.f32 v20, v17;
	v21 =	vmax.f32 v16, v19;
	v20, _, _ =	vpop (xrf1);
	(xrf1) =	vsort.dscd.msk.f32 $0xffff, v7, v7  }
0x57: {  	v7 =	vmul.f32 v13, v12;
	v13 =	vmin.f32 v16, v19;
	(xrf1) =	vsort.ascd.msk.f32 $0xffff, v17, v17;
	v16, _, _ =	vpop (xrf1)  }
0x58: {  	v1 =	vmax.f32 v8, v1;
	v2 =	vmin.f32 v2, v4;
	v17 =	vld [tilespmem:s24+$0x310];
	(xrf1) =	vsort.ascd.msk.f32 $0xffff, v14, v14;
	v4, _, _ =	vpop (xrf1)  }
0x59: {  	v8 =	vld [tilespmem:s26+$0xFFFFFFF0];
	v14 =	vmul.f32 v18, v12;
	v18 =	vmin.f32 v5, v1;
	v19, _, _ =	vpop (xrf1);
	(xrf1) =	vsort.dscd.msk.f32 $0xffff, v2, v2  }
0x5a: {  	v1 =	vmax.f32 v5, v1;
	v2 =	vld [tilespmem:s24+$0x10];
	v11 =	vmul.f32 v11, v12;
	(xrf1) =	vsort.ascd.msk.f32 $0xffff, v10, v10  }
0x5b: {  	v22 =	vmin.f32 v3, v9;
	v10 =	vmax.f32 v3, v9;
	v5 =	vld [tilespmem:s24+$0x0];
	(xrf1) =	vsort.ascd.msk.f32 $0xffff, v21, v21;
	v9, _, _ =	vpop (xrf1)  }
0x5c: {  	v21, _, _ =	vpop (xrf1);
	(xrf1) =	vsort.dscd.msk.f32 $0xffff, v22, v22  }
0x5d: {  	(xrf1) =	vsort.dscd.msk.f32 $0xffff, v14, v14;
	v3, _, _ =	vpop (xrf1)  }
0x5e: {  	v6 =	vmul.f32 v6, v8;
	v14 =	vmul.f32 v17, v8;
	v17, _, _ =	vpop (xrf1);
	(xrf1) =	vsort.dscd.msk.f32 $0xffff, v10, v10  }
0x5f: {  	v10 =	vmul.f32 v15, v8;
	v15, _, _ =	vpop (xrf1);
	(xrf1) =	vsort.dscd.msk.f32 $0xffff, v18, v18  }
0x60: {  	v2 =	vmul.f32 v2, v12;
	v5 =	vmul.f32 v5, v8;
	(xrf1) =	vsort.ascd.msk.f32 $0xffff, v13, v13;
	v8, _, _ =	vpop (xrf1)  }
0x61: {  	v12, _, _ =	vpop (xrf1);
	(xrf1) =	vsort.dscd.msk.f32 $0xffff, v1, v1  }
0x62: {  	(xrf1) =	vsort.dscd.msk.f32 $0xffff, v11, v11;
	v1, _, _ =	vpop (xrf1)  }
0x63: {  	(xrf1) =	vsort.ascd.msk.f32 $0xffff, v10, v10;
	v9 =	vmin.f32 v9, v1;
	v11, _, _ =	vpop (xrf1)  }
0x64: {  	(xrf1) =	vsort.ascd.msk.f32 $0xffff, v14, v14;
	v10, _, _ =	vpop (xrf1)  }
0x65: {  	(xrf1) =	vsort.ascd.msk.f32 $0xffff, v6, v6;
	v13 =	vmax.f32 v10, v12;
	v6 =	vmin.f32 v8, v12;
	v8, _, _ =	vpop (xrf1)  }
0x66: {  	(xrf1) =	vsort.dscd.msk.f32 $0xffff, v2, v2;
	v14 =	vmax.f32 v9, v6;
	v6 =	vmin.f32 v9, v6;
	v2, _, _ =	vpop (xrf1)  }
0x67: {  	v12 =	vmax.f32 v20, v1;
	(xrf1) =	vsort.ascd.msk.f32 $0xffff, v5, v5;
	v5 =	vmax.f32 v16, v2;
	v9, _, _ =	vpop (xrf1)  }
0x68: {  	v10 =	vmax.f32 v4, v8;
	v4 =	vmax.f32 v12, v13;
	(xrf1) =	vsort.dscd.msk.f32 $0xffff, v7, v7;
	v16, _, _ =	vpop (xrf1)  }
0x69: {  	v7 =	vmax.f32 v5, v10;
	v5 =	vmin.f32 v5, v10;
	v1, _, _ =	vpop (xrf1);
	(xrf1) =	vsort.dscd.msk.f32 $0xffff, v4, v4  }
0x6a: {  	v2 =	vmin.f32 v19, v2;
	v4 =	vmin.f32 v9, v8;
	(xrf1) =	vsort.dscd.msk.f32 $0xffff, v7, v7;
	v9, _, _ =	vpop (xrf1)  }
0x6b: {  	v18 =	vmax.f32 v2, v4;
	v7 =	vmin.f32 v12, v13;
	v10, _, _ =	vpop (xrf1);
	(xrf1) =	vsort.dscd.msk.f32 $0xffff, v5, v5  }
.Ltmp0:
0x6c: {  	v12 =	vmin.f32 v21, v16;
	v5 =	vmax.f32 v3, v16;
	(xrf1) =	vsort.dscd.msk.f32 $0xffff, v18, v18;
	v3, _, _ =	vpop (xrf1);
	(pc) =	sbr.rel @p0 .LBB2_4-.Ltmp0, $4  }
0x6d: {  	v13 =	vmax.f32 v15, v11;
	v16 =	vmin.f32 v17, v11;
	v8, _, _ =	vpop (xrf1)  }
0x6e: {  	v15 =	vmax.f32 v12, v16;
	v12 =	vmin.f32 v12, v16;
	v11, _, _ =	vpop (xrf1);
	(xrf1) =	vsort.dscd.msk.f32 $0xffff, v14, v14  }
0x6f: {  	v16 =	vmax.f32 v5, v13;
	v13 =	vmin.f32 v5, v13;
	(xrf1) =	vsort.dscd.msk.f32 $0xffff, v15, v15;
	v5, _, _ =	vpop (xrf1)  }
0x70: {  	s26 =	sadd.s32 $0x20, s26;
	s24 =	sadd.s32 $0x20, s24;
	v14, _, _ =	vpop (xrf1);
	(xrf1) =	vsort.dscd.msk.f32 $0xffff, v16, v16  }
0x71: {  	v15, _, _ =	vpop (xrf1);
	(xrf1) =	vsort.dscd.msk.f32 $0xffff, v12, v12  }
0x72: {  	v12, _, _ =	vpop (xrf1);
	(xrf1) =	vsort.dscd.msk.f32 $0xffff, v13, v13  }
0x73: {  	v13 =	vmax.f32 v12, v14;
	(xrf1) =	vsort.dscd.msk.f32 $0xffff, v6, v6;
	v6 =	vmin.f32 v12, v14;
	v12, _, _ =	vpop (xrf1)  }
0x74: {  	(xrf1) =	vsort.ascd.msk.f32 $0xffff, v13, v13;
	v13 =	vmax.f32 v12, v10  }
0x75: {  	v14, _, _ =	vpop (xrf1);
	(xrf1) =	vsort.ascd.msk.f32 $0xffff, v6, v6  }
0x76: {  	v6, _, _ =	vpop (xrf1);
	(xrf1) =	vsort.ascd.msk.f32 $0xffff, v13, v13  }
0x77: {  	v13, _, _ =	vpop (xrf1);
	v16 =	vmax.f32 v6, v14;
	(xrf1) =	vsort.dscd.msk.f32 $0xffff, v7, v7  }
0x78: {  	v6 =	vmin.f32 v6, v14;
	v7, _, _ =	vpop (xrf1);
	(xrf1) =	vsort.ascd.msk.f32 $0xffff, v16, v16  }
0x79: {  	v2 =	vmin.f32 v2, v4;
	v14, _, _ =	vpop (xrf1);
	(xrf1) =	vsort.ascd.msk.f32 $0xffff, v6, v6  }
0x7a: {  	v6 =	vmin.f32 v12, v10;
	v4, _, _ =	vpop (xrf1)  }
0x7b: {  	(xrf1) =	vsort.dscd.msk.f32 $0xffff, v2, v2;
	v10, _, _ =	vpop (xrf1)  }
0x7c: {  	v3 =	vmin.f32 v3, v11;
	v12 =	vmax.f32 v15, v13;
	v2, _, _ =	vpop (xrf1)  }
0x7d: {  	v9 =	vmin.f32 v9, v1;
	v5 =	vmax.f32 v5, v11;
	(xrf1) =	vsort.ascd.msk.f32 $0xffff, v6, v6;
	v6, _, _ =	vpop (xrf1)  }
0x7e: {  	v1 =	vmax.f32 v8, v1;
	v11 =	vmin.f32 v3, v9;
	v3 =	vmax.f32 v3, v9;
	v16, _, _ =	vpop (xrf1)  }
0x7f: {  	v9 =	vmin.f32 v5, v1;
	(xrf1) =	vsort.ascd.msk.f32 $0xffff, v12, v12;
	v12, _, _ =	vpop (xrf1)  }
0x80: {  	(xrf1) =	vsort.dscd.msk.f32 $0xffff, v11, v11;
	v11 =	vmin.f32 v15, v13;
	v8, _, _ =	vpop (xrf1)  }
0x81: {  	(xrf1) =	vsort.dscd.msk.f32 $0xffff, v3, v3;
	v3, _, _ =	vpop (xrf1)  }
0x82: {  	v1 =	vmax.f32 v5, v1;
	(xrf1) =	vsort.dscd.msk.f32 $0xffff, v9, v9;
	v9, _, _ =	vpop (xrf1)  }
0x83: {  	(xrf1) =	vsort.ascd.msk.f32 $0xffff, v11, v11;
	v11, _, _ =	vpop (xrf1)  }
0x84: {  	v5, _, _ =	vpop (xrf1)  }
0x85: {  	(xrf1) =	vsort.dscd.msk.f32 $0xffff, v1, v1;
	v1, _, _ =	vpop (xrf1)  }
0x86: {  	v3 =	vmin.f32 v3, v9;
	v13, _, _ =	vpop (xrf1)  }
0x87: {  	v2 =	vmin.f32 v2, v11;
	v7 =	vmax.f32 v7, v11;
	v9 =	vmax.f32 v1, v9;
	v1, _, _ =	vpop (xrf1)  }
0x88: {  	v4 =	vmax.f32 v4, v13;
	v11 =	vmax.f32 v14, v1;
	v14 =	vmax.f32 v7, v9  }
0x89: {  	v17, _, _ =	vpop (xrf1);
	v10 =	vmin.f32 v10, v1;
	v18 =	vmax.f32 v11, v4;
	(xrf1) =	vsort.dscd.msk.f32 $0xffff, v14, v14  }
0x8a: {  	v4 =	vmin.f32 v11, v4;
	v13 =	vmin.f32 v17, v13;
	(xrf1) =	vsort.dscd.msk.f32 $0xffff, v18, v18  }
0x8b: {  	v15 =	vmax.f32 v2, v3;
	v1 =	vmov s4;
	v14 =	vmax.f32 v10, v13;
	v11, _, _ =	vpop (xrf1);
	(xrf1) =	vsort.dscd.msk.f32 $0xffff, v4, v4  }
0x8c: {  	v4 =	vmax.f32 v16, v11;
	v6 =	vmin.f32 v6, v11;
	v11 =	vmin.f32 v12, v5  }
0x8d: {  	(xrf1) =	vsort.dscd.msk.f32 $0xffff, v14, v14;
	v5 =	vmax.f32 v8, v5;
	v8 =	vmax.f32 v6, v11  }
0x8e: {  	v12, _, _ =	vpop (xrf1);
	(xrf1) =	vsort.dscd.msk.f32 $0xffff, v15, v15  }
0x8f: {  	v14, _, _ =	vpop (xrf1);
	v15 =	vmax.f32 v4, v5;
	(xrf1) =	vsort.dscd.msk.f32 $0xffff, v8, v8  }
0x90: {  	s0 =	simm.s32 $0x0;
	v6 =	vmin.f32 v6, v11;
	v8, _, _ =	vpop (xrf1);
	(xrf1) =	vsort.dscd.msk.f32 $0xffff, v15, v15  }
0x91: {  	v4 =	vmin.f32 v4, v5;
	v5 =	vld.idx.msk [tilespmem:v1+s0+$0x10 ss:$0x1], $0xffff;
	(xrf1) =	vsort.dscd.msk.f32 $0xffff, v6, v6  }
0x92: {  	v2 =	vmin.f32 v2, v3;
	v11, _, _ =	vpop (xrf1);
	v6 =	vmin.f32 v7, v9;
	v7 =	vld.idx.msk [tilespmem:v0+s0+$0x0 ss:$0x1], $0xffff;
	(xrf1) =	vsort.dscd.msk.f32 $0xffff, v4, v4  }
0x93: {  	v9 =	vmin.f32 v14, v12;
	v3, _, _ =	vpop (xrf1);
	v4 =	vld.idx.msk [tilespmem:v1+s0+$0x0 ss:$0x1], $0xffff;
	(xrf1) =	vsort.dscd.msk.f32 $0xffff, v2, v2  }
0x94: {  	v2 =	vmin.f32 v8, v3;
	v8, _, _ =	vpop (xrf1);
	(xrf1) =	vsort.dscd.msk.f32 $0xffff, v6, v6;
	v6 =	vmin.f32 v10, v13;
	v13 =	vld.idx.msk [tilespmem:v0+s0+$0x10 ss:$0x1], $0xffff  }
0x95: {  	v8 =	vmax.f32 v8, v3;
	v3 =	vmin.f32 v2, v9;
	(xrf1) =	vsort.dscd.msk.f32 $0xffff, v6, v6;
	v6 =	vld.idx.msk [tilespmem:v1+s0+$0x930 ss:$0x1], $0xffff  }
0x96: {  	v10 =	vmax.f32 v11, v12;
	v2 =	vmax.f32 v2, v9;
	v9 =	vld.idx.msk [tilespmem:v1+s0+$0x630 ss:$0x1], $0xffff;
	(xrf1) =	vsort.dscd.msk.f32 $0xffff, v3, v3  }
0x97: {  	v11 =	vmin.f32 v8, v10;
	(xrf1) =	vsort.dscd.msk.f32 $0xffff, v2, v2;
	v2 =	vld.idx.msk [tilespmem:v1+s0+$0x940 ss:$0x1], $0xffff  }
0x98: {  	v8 =	vmax.f32 v8, v10;
	v3, _, _ =	vpop (xrf1);
	v4 =	vmul.f32 v4, v7;
	(xrf1) =	vsort.dscd.msk.f32 $0xffff, v11, v11  }
0x99: {  	[tilespmem:$0x1FF00] =	vst v3;
	v3, _, _ =	vpop (xrf1);
	(xrf1) =	vsort.dscd.msk.f32 $0xffff, v8, v8;
	v5 =	vmul.f32 v5, v13  }
0x9a: {  	[tilespmem:$0x1FF10] =	vst v3;
	v3, _, _ =	vpop (xrf1);
	v6 =	vmul.f32 v6, v7;
	(xrf1) =	vsort.ascd.msk.f32 $0xffff, v4, v4  }
0x9b: {  	[tilespmem:$0x1FF20] =	vst v3;
	v3, _, _ =	vpop (xrf1);
	v4 =	vmul.f32 v9, v13;
	(xrf1) =	vsort.dscd.msk.f32 $0xffff, v5, v5  }
0x9c: {  	[tilespmem:$0x1FF30] =	vst v3;
	v3, _, _ =	vpop (xrf1);
	v2 =	vmul.f32 v2, v13;
	(xrf1) =	vsort.ascd.msk.f32 $0xffff, v6, v6  }
0x9d: {  	[tilespmem:$0x1FF40] =	vst v3;
	v3, _, _ =	vpop (xrf1);
	(xrf1) =	vsort.dscd.msk.f32 $0xffff, v4, v4  }
0x9e: {  	v5 =	vld.idx.msk [tilespmem:v1+s0+$0x310 ss:$0x1], $0xffff;
	v17, _, _ =	vpop (xrf1);
	(xrf1) =	vsort.dscd.msk.f32 $0xffff, v2, v2  }
0x9f: {  	v4 =	vld.idx.msk [tilespmem:v1+s0+$0x320 ss:$0x1], $0xffff;
	v15, _, _ =	vpop (xrf1)  }
0xa0: {  	[tilespmem:$0x1FF50] =	vst v3;
	v2 =	vld.idx.msk [tilespmem:v1+s0+$0x620 ss:$0x1], $0xffff;
	v3, _, _ =	vpop (xrf1)  }
0xa1: {  	[tilespmem:$0x1FF60] =	vst v3;
	v3, _, _ =	vpop (xrf1)  }
0xa2: {  	[tilespmem:$0x1FF70] =	vst v3;
	v3, _, _ =	vpop (xrf1)  }
0xa3: {  	v5 =	vmul.f32 v5, v7;
	v10, _, _ =	vpop (xrf1)  }
0xa4: {  	v4 =	vmul.f32 v4, v13;
	v27, _, _ =	vpop (xrf1)  }
0xa5: {  	(xrf1) =	vsort.ascd.msk.f32 $0xffff, v5, v5;
	[tilespmem:$0x1FF80] =	vst v3;
	v2 =	vmul.f32 v2, v7;
	v3, _, _ =	vpop (xrf1)  }
0xa6: {  	s29 =	simm.s32 $0x20;
	(xrf1) =	vsort.dscd.msk.f32 $0xffff, v4, v4;
	[tilespmem:$0x1FF90] =	vst v3;
	v3, _, _ =	vpop (xrf1)  }
0xa7: {  	v11 =	vld.idx.msk [tilespmem:v0+s29+$0x10 ss:$0x1], $0xffff;
	(xrf1) =	vsort.ascd.msk.f32 $0xffff, v2, v2;
	v16, _, _ =	vpop (xrf1)  }
0xa8: {  	v8 =	vld.idx.msk [tilespmem:v0+s29+$0x0 ss:$0x1], $0xffff;
	v4, _, _ =	vpop (xrf1)  }
0xa9: {  	v5 =	vld.idx.msk [tilespmem:v1+s29+$0x0 ss:$0x1], $0xffff;
	v7, _, _ =	vpop (xrf1)  }
0xaa: {  	v2 =	vld.idx.msk [tilespmem:v1+s29+$0x10 ss:$0x1], $0xffff;
	v9, _, _ =	vpop (xrf1)  }
0xab: {  	v13 =	vld.idx.msk [tilespmem:v1+s29+$0x930 ss:$0x1], $0xffff;
	v14, _, _ =	vpop (xrf1)  }
0xac: {  	v19, _, _ =	vpop (xrf1)  }
0xad: {  	v20 =	vmax.f32 v9, v19  }
0xae: {  	v21 =	vld.idx.msk [tilespmem:v1+s29+$0x630 ss:$0x1], $0xffff;
	v5 =	vmul.f32 v5, v8;
	(xrf1) =	vsort.ascd.msk.f32 $0xffff, v20, v20;
	v20 =	vmax.f32 v4, v7  }
0xaf: {  	v2 =	vmul.f32 v2, v11;
	(xrf1) =	vsort.ascd.msk.f32 $0xffff, v20, v20  }
0xb0: {  	v13 =	vmul.f32 v13, v8;
	(xrf1) =	vsort.ascd.msk.f32 $0xffff, v5, v5  }
0xb1: {  	v20 =	vld.idx.msk [tilespmem:v1+s29+$0x940 ss:$0x1], $0xffff  }
0xb2: {  	(xrf1) =	vsort.dscd.msk.f32 $0xffff, v2, v2  }
0xb3: {  	v4 =	vmin.f32 v4, v7;
	v7 =	vld.idx.msk [tilespmem:v1+s29+$0x310 ss:$0x1], $0xffff;
	v5 =	vmul.f32 v21, v11;
	v2, _, _ =	vpop (xrf1);
	(xrf1) =	vsort.ascd.msk.f32 $0xffff, v13, v13  }
0xb4: {  	v13, _, _ =	vpop (xrf1);
	(xrf1) =	vsort.ascd.msk.f32 $0xffff, v4, v4  }
0xb5: {  	v4 =	vmin.f32 v9, v19;
	v9, _, _ =	vpop (xrf1);
	(xrf1) =	vsort.dscd.msk.f32 $0xffff, v5, v5  }
0xb6: {  	v5 =	vmul.f32 v20, v11;
	v19 =	vmax.f32 v9, v14;
	(xrf1) =	vsort.ascd.msk.f32 $0xffff, v4, v4;
	v4 =	vld.idx.msk [tilespmem:v1+s29+$0x320 ss:$0x1], $0xffff  }
0xb7: {  	(xrf1) =	vsort.ascd.msk.f32 $0xffff, v19, v19;
	v19 =	vld.idx.msk [tilespmem:v1+s29+$0x620 ss:$0x1], $0xffff  }
0xb8: {  	(xrf1) =	vsort.dscd.msk.f32 $0xffff, v5, v5;
	v5 =	vmul.f32 v7, v8;
	_ =	sdelay $0x1  }
0xb9: {  	(xrf1) =	vsort.ascd.msk.f32 $0xffff, v5, v5;
	v5 =	vmax.f32 v2, v13  }
0xba: {  	v2 =	vmin.f32 v2, v13;
	v4 =	vmul.f32 v4, v11;
	(xrf1) =	vsort.ascd.msk.f32 $0xffff, v5, v5  }
0xbb: {  	s30 =	simm.s32 $0x40;
	v5 =	vmul.f32 v19, v8;
	v7, _, _ =	vpop (xrf1);
	(xrf1) =	vsort.ascd.msk.f32 $0xffff, v2, v2  }
0xbc: {  	v22 =	vld.idx.msk [tilespmem:v0+s30+$0x10 ss:$0x1], $0xffff;
	v13, _, _ =	vpop (xrf1);
	(xrf1) =	vsort.dscd.msk.f32 $0xffff, v4, v4  }
0xbd: {  	v25 =	vld.idx.msk [tilespmem:v1+s30+$0x320 ss:$0x1], $0xffff;
	v2, _, _ =	vpop (xrf1);
	(xrf1) =	vsort.ascd.msk.f32 $0xffff, v5, v5  }
0xbe: {  	v26 =	vld.idx.msk [tilespmem:v1+s30+$0x630 ss:$0x1], $0xffff  }
0xbf: {  	v31 =	vld.idx.msk [tilespmem:v1+s30+$0x940 ss:$0x1], $0xffff;
	v8, _, _ =	vpop (xrf1)  }
0xc0: {  	v20 =	vld.idx.msk [tilespmem:v1+s30+$0x0 ss:$0x1], $0xffff;
	v19, _, _ =	vpop (xrf1)  }
0xc1: {  	v5 =	vmin.f32 v9, v14;
	v14 =	vld.idx.msk [tilespmem:v0+s30+$0x0 ss:$0x1], $0xffff;
	v28, _, _ =	vpop (xrf1)  }
0xc2: {  	s31 =	smul.u32 $0xC400, s22;
	v11 =	vld.idx.msk [tilespmem:v1+s30+$0x10 ss:$0x1], $0xffff;
	(xrf1) =	vsort.ascd.msk.f32 $0xffff, v5, v5;
	v21, _, _ =	vpop (xrf1)  }
0xc3: {  	v4 =	vld.idx.msk [tilespmem:v1+s30+$0x930 ss:$0x1], $0xffff;
	v23, _, _ =	vpop (xrf1)  }
0xc4: {  	s24 =	sshra.s32 s31, $0x2;
	v24 =	vld.idx.msk [tilespmem:v1+s30+$0x310 ss:$0x1], $0xffff;
	v5, _, _ =	vpop (xrf1)  }
0xc5: {  	v37 =	vmul.f32 v25, v22;
	[tilespmem:$0x1FFA0] =	vst v3;
	v3 =	vld [tilespmem:s24+$0x3400];
	v34 =	vmax.f32 v2, v8;
	v9, _, _ =	vpop (xrf1)  }
0xc6: {  	v32 =	vld.idx.msk [tilespmem:v1+s30+$0x620 ss:$0x1], $0xffff;
	v2 =	vmin.f32 v2, v8;
	v20 =	vmul.f32 v20, v14;
	v30 =	vmax.f32 v19, v9  }
0xc7: {  	v8 =	vmul.f32 v11, v22;
	v11 =	vmul.f32 v26, v22;
	(xrf1) =	vsort.ascd.msk.f32 $0xffff, v30, v30;
	v33, _, _ =	vpop (xrf1)  }
0xc8: {  	v29 =	vimm.f32 $-3.402823470e+38;
	v22 =	vmul.f32 v31, v22;
	v4 =	vmul.f32 v4, v14;
	v35, _, _ =	vpop (xrf1);
	(xrf1) =	vsort.ascd.msk.f32 $0xffff, v34, v34  }
0xc9: {  	v24 =	vmul.f32 v24, v14;
	v19 =	vmin.f32 v19, v9;
	v9 =	vimm.f32 $3.402823470e+38;
	v36, _, _ =	vpop (xrf1);
	(xrf1) =	vsort.ascd.msk.f32 $0xffff, v20, v20  }
0xca: {  	[tilespmem:$0x1FFB0] =	vst v3;
	v3 =	vld [tilespmem:s24+$0x3710];
	v30 =	vmax.f32 v29, v7;
	v63 =	vmin.f32 v9, v23;
	v20, _, _ =	vpop (xrf1);
	(xrf1) =	vsort.dscd.msk.f32 $0xffff, v8, v8  }
0xcb: {  	v31 =	vmin.f32 v9, v7;
	v8 =	vmul.f32 v32, v14;
	v14, _, _ =	vpop (xrf1);
	(xrf1) =	vsort.ascd.msk.f32 $0xffff, v4, v4  }
0xcc: {  	v25 =	vmin.f32 v9, v36;
	(xrf1) =	vsort.ascd.msk.f32 $0xffff, v2, v2;
	v2 =	vmin.f32 v9, v35  }
0xcd: {  	v34 =	vmax.f32 v29, v13;
	(xrf1) =	vsort.dscd.msk.f32 $0xffff, v11, v11;
	v26 =	vmax.f32 v25, v2  }
0xce: {  	v36 =	vmax.f32 v29, v36;
	v4 =	vmax.f32 v14, v21;
	(xrf1) =	vsort.dscd.msk.f32 $0xffff, v26, v26  }
0xcf: {  	[tilespmem:$0x1FFC0] =	vst v3;
	v3 =	vld [tilespmem:s24+$0x3A20];
	v11 =	vmin.f32 v14, v21;
	v14 =	vmax.f32 v29, v23;
	(xrf1) =	vsort.ascd.msk.f32 $0xffff, v19, v19  }
0xd0: {  	v38 =	vmax.f32 v33, v20;
	v7, _, _ =	vpop (xrf1);
	(xrf1) =	vsort.ascd.msk.f32 $0xffff, v4, v4;
	v4 =	vmax.f32 v14, v30  }
0xd1: {  	v33 =	vmin.f32 v33, v20;
	v23 =	vmax.f32 v29, v7;
	(xrf1) =	vsort.dscd.msk.f32 $0xffff, v4, v4  }
0xd2: {  	v19 =	vmin.f32 v9, v7;
	v7 =	vmin.f32 v14, v30;
	(xrf1) =	vsort.dscd.msk.f32 $0xffff, v22, v22  }
0xd3: {  	v20 =	vmin.f32 v63, v31;
	v4 =	vmax.f32 v63, v31;
	(xrf1) =	vsort.ascd.msk.f32 $0xffff, v24, v24  }
0xd4: {  	[tilespmem:$0x1FFD0] =	vst v3;
	v3 =	vld [tilespmem:s24+$0x3D30];
	v35 =	vmax.f32 v29, v35;
	v14 =	vmax.f32 v29, v5;
	(xrf1) =	vsort.dscd.msk.f32 $0xffff, v7, v7  }
0xd5: {  	v32 =	vmin.f32 v36, v35;
	v35 =	vmax.f32 v36, v35;
	v7, _, _ =	vpop (xrf1);
	(xrf1) =	vsort.dscd.msk.f32 $0xffff, v4, v4  }
0xd6: {  	v26 =	vmin.f32 v9, v13;
	v30 =	vmin.f32 v25, v2;
	v4, _, _ =	vpop (xrf1);
	(xrf1) =	vsort.dscd.msk.f32 $0xffff, v20, v20  }
0xd7: {  	v25 =	vmax.f32 v23, v14;
	v24 =	vmin.f32 v23, v14;
	v14, _, _ =	vpop (xrf1);
	(xrf1) =	vsort.ascd.msk.f32 $0xffff, v38, v38  }
0xd8: {  	s1 =	rddreg [dreg:$0xb];
	s6 =	sshll.u32 s22, $0x4;
	v31 =	vmin.f32 v9, v28;
	v23, _, _ =	vpop (xrf1);
	(xrf1) =	vsort.ascd.msk.f32 $0xffff, v33, v33;
	v33 =	vmax.f32 v29, v28  }
0xd9: {  	s28 =	simm.s32 $0x180;
	s26 =	sor.u32 $0x4, s6;
	[tilespmem:$0x1FFE0] =	vst v3;
	v2 =	vld [tilespmem:s1+$0x300];
	v20 =	vmin.f32 v31, v26;
	(xrf1) =	vsort.dscd.msk.f32 $0xffff, v37, v37;
	v28, _, _ =	vpop (xrf1);
	v29 =	vmax.f32 v33, v34  }
.LBB2_6:
0xda: {  	s0 =	sshra.s32 s28, $0x2;
	p0 =	sne.s32 s28, $0xB80;
	s28 =	sadd.s32 $0x80, s28;
	v13, _, _ =	vpop (xrf1);
	v26 =	vmax.f32 v31, v26;
	(xrf1) =	vsort.dscd.msk.f32 $0xffff, v30, v30  }
0xdb: {  	v33 =	vmin.f32 v33, v34;
	v5 =	vmin.f32 v9, v5;
	v30 =	vld.idx.msk [tilespmem:v1+s0+$0x930 ss:$0x1], $0xffff;
	v31, _, _ =	vpop (xrf1);
	(xrf1) =	vsort.dscd.msk.f32 $0xffff, v32, v32  }
0xdc: {  	v3 =	vmin.f32 v19, v5;
	v9 =	vld.idx.msk [tilespmem:v1+s0+$0x10 ss:$0x1], $0xffff;
	(xrf1) =	vsort.ascd.msk.f32 $0xffff, v8, v8;
	v8 =	vmax.f32 v19, v5;
	v19, _, _ =	vpop (xrf1)  }
0xdd: {  	v32 =	vld.idx.msk [tilespmem:v1+s0+$0x0 ss:$0x1], $0xffff;
	v34, _, _ =	vpop (xrf1);
	(xrf1) =	vsort.dscd.msk.f32 $0xffff, v3, v3  }
0xde: {  	v36 =	vld.idx.msk [tilespmem:v0+s0+$0x0 ss:$0x1], $0xffff;
	v5, _, _ =	vpop (xrf1);
	(xrf1) =	vsort.dscd.msk.f32 $0xffff, v35, v35  }
0xdf: {  	v35 =	vld.idx.msk [tilespmem:v0+s0+$0x10 ss:$0x1], $0xffff;
	(xrf1) =	vsort.ascd.msk.f32 $0xffff, v11, v11;
	v37, _, _ =	vpop (xrf1)  }
0xe0: {  	v11 =	vld.idx.msk [tilespmem:v1+s0+$0x310 ss:$0x1], $0xffff;
	v38, _, _ =	vpop (xrf1);
	(xrf1) =	vsort.dscd.msk.f32 $0xffff, v25, v25  }
0xe1: {  	v25 =	vld.idx.msk [tilespmem:v1+s0+$0x320 ss:$0x1], $0xffff;
	v3 =	vmax.f32 v28, v38;
	v28 =	vmin.f32 v28, v38;
	v38, _, _ =	vpop (xrf1);
	(xrf1) =	vsort.dscd.msk.f32 $0xffff, v8, v8  }
0xe2: {  	v8 =	vld.idx.msk [tilespmem:v1+s0+$0x630 ss:$0x1], $0xffff;
	(xrf1) =	vsort.ascd.msk.f32 $0xffff, v3, v3;
	v39, _, _ =	vpop (xrf1)  }
0xe3: {  	v40 =	vld.idx.msk [tilespmem:v1+s0+$0x940 ss:$0x1], $0xffff;
	v39 =	vmax.f32 v39, v7;
	(xrf1) =	vsort.dscd.msk.f32 $0xffff, v24, v24;
	v24, _, _ =	vpop (xrf1)  }
0xe4: {  	v42 =	vmax.f32 v14, v23;
	v30 =	vmul.f32 v30, v36;
	v41 =	vld.idx.msk [tilespmem:v1+s0+$0x620 ss:$0x1], $0xffff;
	(xrf1) =	vsort.dscd.msk.f32 $0xffff, v29, v29;
	v29, _, _ =	vpop (xrf1)  }
0xe5: {  	v14 =	vmin.f32 v14, v23;
	v32 =	vmul.f32 v32, v36;
	v23, _, _ =	vpop (xrf1);
	(xrf1) =	vsort.dscd.msk.f32 $0xffff, v20, v20  }
0xe6: {  	v24 =	vmin.f32 v24, v34;
	v20 =	vmul.f32 v11, v36;
	v43, _, _ =	vpop (xrf1);
	(xrf1) =	vsort.dscd.msk.f32 $0xffff, v33, v33  }
0xe7: {  	v44 =	vmul.f32 v25, v35;
	v25, _, _ =	vpop (xrf1);
	(xrf1) =	vsort.dscd.msk.f32 $0xffff, v26, v26  }
0xe8: {  	v3 =	vmul.f32 v9, v35;
	v11 =	vmul.f32 v8, v35;
	(xrf1) =	vsort.ascd.msk.f32 $0xffff, v42, v42;
	v26, _, _ =	vpop (xrf1)  }
0xe9: {  	v33 =	vmul.f32 v40, v35;
	(xrf1) =	vsort.ascd.msk.f32 $0xffff, v32, v32;
	v32, _, _ =	vpop (xrf1)  }
0xea: {  	v8 =	vmul.f32 v41, v36;
	v36 =	vmin.f32 v19, v43;
	(xrf1) =	vsort.dscd.msk.f32 $0xffff, v3, v3;
	v35, _, _ =	vpop (xrf1)  }
0xeb: {  	v40 =	vmax.f32 v32, v23;
	(xrf1) =	vsort.ascd.msk.f32 $0xffff, v30, v30;
	v19 =	vmax.f32 v35, v31;
	v9, _, _ =	vpop (xrf1)  }
0xec: {  	(xrf1) =	vsort.ascd.msk.f32 $0xffff, v14, v14;
	v14 =	vmin.f32 v26, v23;
	v23, _, _ =	vpop (xrf1)  }
0xed: {  	v29 =	vmin.f32 v29, v7;
	(xrf1) =	vsort.dscd.msk.f32 $0xffff, v11, v11;
	v26 =	vmax.f32 v36, v14;
	v30, _, _ =	vpop (xrf1)  }
0xee: {  	v11 =	vmin.f32 v35, v31;
	v35 =	vmax.f32 v23, v43;
	(xrf1) =	vsort.dscd.msk.f32 $0xffff, v26, v26;
	v7, _, _ =	vpop (xrf1)  }
0xef: {  	v3 =	vmax.f32 v37, v34;
	(xrf1) =	vsort.ascd.msk.f32 $0xffff, v28, v28;
	v23 =	vmax.f32 v7, v30;
	v28, _, _ =	vpop (xrf1)  }
0xf0: {  	v6 =	vmax.f32 v3, v39;
	(xrf1) =	vsort.ascd.msk.f32 $0xffff, v19, v19;
	v7, _, _ =	vpop (xrf1);
	v19 =	vmin.f32 v28, v30  }
0xf1: {  	v34 =	vmax.f32 v24, v29;
	v31 =	vmin.f32 v3, v39;
	(xrf1) =	vsort.dscd.msk.f32 $0xffff, v6, v6;
	v26, _, _ =	vpop (xrf1)  }
0xf2: {  	v30 =	vmin.f32 v36, v14;
	(xrf1) =	vsort.dscd.msk.f32 $0xffff, v33, v33;
	v14 =	vmax.f32 v26, v5;
	v28, _, _ =	vpop (xrf1)  }
0xf3: {  	v33 =	vmin.f32 v38, v25;
	(xrf1) =	vsort.ascd.msk.f32 $0xffff, v20, v20;
	v20 =	vmax.f32 v38, v25;
	v25, _, _ =	vpop (xrf1)  }
0xf4: {  	v32 =	vmin.f32 v35, v40;
	v26 =	vmin.f32 v25, v4;
	(xrf1) =	vsort.dscd.msk.f32 $0xffff, v31, v31;
	v36, _, _ =	vpop (xrf1)  }
.Ltmp1:
0xf5: {  	v29 =	vmin.f32 v24, v29;
	v25 =	vmax.f32 v23, v14;
	(xrf1) =	vsort.dscd.msk.f32 $0xffff, v34, v34;
	v24, _, _ =	vpop (xrf1);
	(pc) =	sbr.rel @p0 .LBB2_6-.Ltmp1, $4  }
0xf6: {  	v37, _, _ =	vpop (xrf1);
	v31 =	vmin.f32 v24, v13;
	v24 =	vmin.f32 v23, v14;
	(xrf1) =	vsort.dscd.msk.f32 $0xffff, v29, v29  }
0xf7: {  	v14, _, _ =	vpop (xrf1);
	(xrf1) =	vsort.ascd.msk.f32 $0xffff, v20, v20;
	v20 =	vmin.f32 v31, v26  }
0xf8: {  	v34 =	vmax.f32 v36, v4;
	v4 =	vmov v37;
	v23, _, _ =	vpop (xrf1);
	(xrf1) =	vsort.ascd.msk.f32 $0xffff, v33, v33;
	v33 =	vmax.f32 v28, v13  }
0xf9: {  	v35 =	vmax.f32 v35, v40;
	(xrf1) =	vsort.dscd.msk.f32 $0xffff, v44, v44;
	v28, _, _ =	vpop (xrf1);
	v29 =	vmax.f32 v33, v34  }
0xfa: {  	v1, _, _ =	vpop (xrf1);
	(xrf1) =	vsort.dscd.msk.f32 $0xffff, v30, v30  }
0xfb: {  	v5 =	vmin.f32 v9, v5;
	v13, _, _ =	vpop (xrf1);
	(xrf1) =	vsort.dscd.msk.f32 $0xffff, v32, v32  }
0xfc: {  	v9, _, _ =	vpop (xrf1);
	(xrf1) =	vsort.ascd.msk.f32 $0xffff, v8, v8;
	v8 =	vmin.f32 v19, v5;
	_ =	sdelay $0x1  }
0xfd: {  	v30, _, _ =	vpop (xrf1)  }
0xfe: {  	(xrf1) =	vsort.dscd.msk.f32 $0xffff, v8, v8;
	v8, _, _ =	vpop (xrf1)  }
0xff: {  	(xrf1) =	vsort.dscd.msk.f32 $0xffff, v35, v35;
	v61, _, _ =	vpop (xrf1)  }
0x100: {  	v5 =	vmax.f32 v19, v5;
	(xrf1) =	vsort.ascd.msk.f32 $0xffff, v11, v11;
	v11, _, _ =	vpop (xrf1)  }
0x101: {  	(xrf1) =	vsort.dscd.msk.f32 $0xffff, v25, v25;
	v25 =	vmax.f32 v28, v11  }
0x102: {  	v19, _, _ =	vpop (xrf1)  }
0x103: {  	(xrf1) =	vsort.dscd.msk.f32 $0xffff, v5, v5;
	v5, _, _ =	vpop (xrf1)  }
0x104: {  	(xrf1) =	vsort.ascd.msk.f32 $0xffff, v25, v25;
	v25, _, _ =	vpop (xrf1)  }
0x105: {  	(xrf1) =	vsort.dscd.msk.f32 $0xffff, v24, v24;
	v24, _, _ =	vpop (xrf1)  }
0x106: {  	(xrf1) =	vsort.dscd.msk.f32 $0xffff, v29, v29;
	v29, _, _ =	vpop (xrf1)  }
0x107: {  	v33 =	vmin.f32 v33, v34;
	(xrf1) =	vsort.dscd.msk.f32 $0xffff, v20, v20;
	v20, _, _ =	vpop (xrf1)  }
0x108: {  	v26 =	vmax.f32 v31, v26;
	(xrf1) =	vsort.dscd.msk.f32 $0xffff, v33, v33;
	v31, _, _ =	vpop (xrf1)  }
0x109: {  	v62 =	vmax.f32 v14, v23;
	v14 =	vmin.f32 v14, v23;
	(xrf1) =	vsort.dscd.msk.f32 $0xffff, v26, v26;
	v23, _, _ =	vpop (xrf1)  }
0x10a: {  	v9 =	vmin.f32 v9, v20;
	(xrf1) =	vsort.ascd.msk.f32 $0xffff, v62, v62;
	v23 =	vmin.f32 v23, v29  }
0x10b: {  	v11 =	vmin.f32 v28, v11;
	v26, _, _ =	vpop (xrf1);
	(xrf1) =	vsort.ascd.msk.f32 $0xffff, v14, v14;
	v14 =	vmax.f32 v9, v23  }
0x10c: {  	v5 =	vmax.f32 v5, v7;
	v25 =	vmin.f32 v25, v30;
	v28, _, _ =	vpop (xrf1);
	(xrf1) =	vsort.dscd.msk.f32 $0xffff, v14, v14  }
0x10d: {  	v14 =	vmax.f32 v28, v13;
	v63, _, _ =	vpop (xrf1);
	(xrf1) =	vsort.ascd.msk.f32 $0xffff, v11, v11;
	v11 =	vmax.f32 v61, v30  }
0x10e: {  	v30, _, _ =	vpop (xrf1);
	(xrf1) =	vsort.ascd.msk.f32 $0xffff, v14, v14;
	v14 =	vmax.f32 v11, v5;
	v5 =	vmin.f32 v11, v5  }
0x10f: {  	v7 =	vmin.f32 v24, v7;
	v24, _, _ =	vpop (xrf1);
	(xrf1) =	vsort.dscd.msk.f32 $0xffff, v14, v14  }
0x110: {  	v14 =	vmax.f32 v25, v7;
	v11, _, _ =	vpop (xrf1);
	(xrf1) =	vsort.dscd.msk.f32 $0xffff, v5, v5  }
0x111: {  	v7 =	vmin.f32 v25, v7;
	v5, _, _ =	vpop (xrf1);
	(xrf1) =	vsort.dscd.msk.f32 $0xffff, v14, v14;
	v14 =	vmax.f32 v26, v29  }
0x112: {  	v26 =	vmax.f32 v19, v31;
	v19 =	vmin.f32 v19, v31;
	v25, _, _ =	vpop (xrf1);
	(xrf1) =	vsort.dscd.msk.f32 $0xffff, v7, v7  }
0x113: {  	v7 =	vmax.f32 v30, v20;
	v20, _, _ =	vpop (xrf1);
	(xrf1) =	vsort.ascd.msk.f32 $0xffff, v26, v26  }
0x114: {  	v9 =	vmin.f32 v9, v23;
	v5 =	vmin.f32 v5, v24;
	v23, _, _ =	vpop (xrf1);
	(xrf1) =	vsort.ascd.msk.f32 $0xffff, v19, v19  }
0x115: {  	v26 =	vmin.f32 v7, v14;
	v19, _, _ =	vpop (xrf1);
	(xrf1) =	vsort.dscd.msk.f32 $0xffff, v9, v9;
	v9 =	vmin.f32 v63, v8  }
0x116: {  	v29, _, _ =	vpop (xrf1);
	(xrf1) =	vsort.dscd.msk.f32 $0xffff, v26, v26;
	v26 =	vmin.f32 v5, v9  }
0x117: {  	v13 =	vmin.f32 v28, v13;
	v7 =	vmax.f32 v7, v14;
	v28, _, _ =	vpop (xrf1);
	(xrf1) =	vsort.dscd.msk.f32 $0xffff, v26, v26  }
0x118: {  	v11 =	vmax.f32 v11, v24;
	v8 =	vmax.f32 v20, v8;
	v14, _, _ =	vpop (xrf1);
	(xrf1) =	vsort.dscd.msk.f32 $0xffff, v7, v7  }
0x119: {  	v5 =	vmax.f32 v5, v9;
	v7 =	vmax.f32 v11, v8;
	v20, _, _ =	vpop (xrf1);
	(xrf1) =	vsort.ascd.msk.f32 $0xffff, v13, v13  }
0x11a: {  	v9, _, _ =	vpop (xrf1);
	(xrf1) =	vsort.dscd.msk.f32 $0xffff, v7, v7;
	v7 =	vmin.f32 v19, v4;
	v4 =	vmax.f32 v29, v4  }
0x11b: {  	v13, _, _ =	vpop (xrf1);
	(xrf1) =	vsort.dscd.msk.f32 $0xffff, v5, v5;
	v5 =	vmin.f32 v11, v8;
	v8 =	vmax.f32 v23, v1  }
0x11c: {  	v1 =	vmin.f32 v28, v1;
	v11, _, _ =	vpop (xrf1);
	v19 =	vmax.f32 v8, v4;
	(xrf1) =	vsort.dscd.msk.f32 $0xffff, v5, v5  }
0x11d: {  	v5 =	vmin.f32 v1, v7;
	v23, _, _ =	vpop (xrf1);
	(xrf1) =	vsort.dscd.msk.f32 $0xffff, v19, v19  }
0x11e: {  	v24, _, _ =	vpop (xrf1);
	(xrf1) =	vsort.dscd.msk.f32 $0xffff, v5, v5  }
0x11f: {  	v4 =	vmin.f32 v8, v4;
	v19, _, _ =	vpop (xrf1)  }
0x120: {  	v1 =	vmax.f32 v1, v7;
	v5, _, _ =	vpop (xrf1)  }
0x121: {  	(xrf1) =	vsort.dscd.msk.f32 $0xffff, v4, v4;
	v7, _, _ =	vpop (xrf1)  }
0x122: {  	(xrf1) =	vsort.dscd.msk.f32 $0xffff, v1, v1;
	v4, _, _ =	vpop (xrf1)  }
0x123: {  	v23 =	vmax.f32 v23, v13;
	v1, _, _ =	vpop (xrf1)  }
0x124: {  	v24 =	vmax.f32 v24, v25;
	v9 =	vmin.f32 v9, v4;
	v8, _, _ =	vpop (xrf1);
	v1 =	vmin.f32 v1, v7  }
0x125: {  	v13 =	vmin.f32 v19, v13;
	v5 =	vmin.f32 v5, v25;
	v26, _, _ =	vpop (xrf1);
	v28 =	vmax.f32 v9, v1  }
0x126: {  	v19, _, _ =	vpop (xrf1);
	(xrf1) =	vsort.dscd.msk.f32 $0xffff, v28, v28;
	v28 =	vmax.f32 v23, v24;
	v23 =	vmin.f32 v23, v24  }
0x127: {  	v24 =	vmax.f32 v13, v5;
	v5 =	vmin.f32 v13, v5;
	v25, _, _ =	vpop (xrf1);
	(xrf1) =	vsort.dscd.msk.f32 $0xffff, v28, v28  }
0x128: {  	v7 =	vmax.f32 v8, v7;
	v4 =	vmax.f32 v19, v4;
	v8, _, _ =	vpop (xrf1);
	(xrf1) =	vsort.dscd.msk.f32 $0xffff, v23, v23  }
0x129: {  	v1 =	vmin.f32 v9, v1;
	v9 =	vmin.f32 v4, v7;
	v19, _, _ =	vpop (xrf1);
	(xrf1) =	vsort.dscd.msk.f32 $0xffff, v24, v24  }
0x12a: {  	v4 =	vmax.f32 v4, v7;
	v8 =	vmax.f32 v8, v25;
	(xrf1) =	vsort.dscd.msk.f32 $0xffff, v5, v5;
	v5, _, _ =	vpop (xrf1)  }
0x12b: {  	s0 =	simm.s32 $0x0;
	s1 =	sadd.s32 $0x0, s18;
	v13 =	vmin.f32 v19, v25;
	(xrf1) =	vsort.dscd.msk.f32 $0xffff, v1, v1;
	v1 =	vmin.f32 v26, v11;
	v19, _, _ =	vpop (xrf1)  }
0x12c: {  	s1 =	sand.u32 $0x3FF80, s1;
	s0 =	sand.u32 $0x60, s0;
	v5 =	vmax.f32 v5, v11;
	(xrf1) =	vsort.dscd.msk.f32 $0xffff, v9, v9;
	v9 =	vmin.f32 v13, v1;
	v11, _, _ =	vpop (xrf1)  }
0x12d: {  	s0 =	sor.u32 s0, s1;
	v7 =	vld [tilespmem:s19+$0xFFFFF9D0];
	(xrf1) =	vsort.dscd.msk.f32 $0xffff, v9, v9;
	v9 =	vmin.f32 v11, v14;
	v11 =	vmax.f32 v8, v5  }
0x12e: {  	v5 =	vmin.f32 v8, v5;
	v8 =	vld [tilespmem:s0+$0x3110];
	(xrf1) =	vsort.dscd.msk.f32 $0xffff, v4, v4  }
0x12f: {  	v1 =	vmax.f32 v13, v1;
	v23, _, _ =	vpop (xrf1);
	v4 =	vld [tilespmem:s3+$0x0];
	(xrf1) =	vsort.dscd.msk.f32 $0xffff, v11, v11  }
0x130: {  	v13 =	vmax.f32 v19, v20;
	v14 =	vmax.f32 v23, v14;
	v11, _, _ =	vpop (xrf1);
	(xrf1) =	vsort.dscd.msk.f32 $0xffff, v1, v1;
	v1 =	vld [tilespmem:s19+$0x0]  }
0x131: {  	v19 =	vmax.f32 v13, v14;
	v11 =	vmin.f32 v11, v20;
	(xrf1) =	vsort.dscd.msk.f32 $0xffff, v5, v5;
	v5 =	vld [tilespmem:s3+$0xFFFFFFF0]  }
0x132: {  	v20 =	vmin.f32 v11, v9;
	(xrf1) =	vsort.dscd.msk.f32 $0xffff, v19, v19;
	v19 =	vld [tilespmem:s19+$0xFFFFFFF0]  }
0x133: {  	v13 =	vmin.f32 v13, v14;
	(xrf1) =	vsort.dscd.msk.f32 $0xffff, v20, v20  }
0x134: {  	v14 =	vld [tilespmem:s0+$0x3100];
	v9 =	vmax.f32 v11, v9;
	v8 =	vmul.f32 v8, v4;
	v3, _, _ =	vpop (xrf1);
	(xrf1) =	vsort.dscd.msk.f32 $0xffff, v13, v13  }
0x135: {  	v11 =	vld [tilespmem:s19+$0xFFFFFCF0];
	[tilespmem:$0x1FE50] =	vst v3;
	v3, _, _ =	vpop (xrf1);
	(xrf1) =	vsort.dscd.msk.f32 $0xffff, v9, v9;
	v1 =	vmul.f32 v1, v4  }
0x136: {  	v9 =	vld [tilespmem:s19+$0xFFFFFCE0];
	[tilespmem:$0x1FE60] =	vst v3;
	v3, _, _ =	vpop (xrf1);
	(xrf1) =	vsort.dscd.msk.f32 $0xffff, v8, v8;
	v7 =	vmul.f32 v7, v5  }
0x137: {  	[tilespmem:$0x1FE70] =	vst v3;
	v3, _, _ =	vpop (xrf1);
	v8 =	vmul.f32 v19, v5;
	(xrf1) =	vsort.dscd.msk.f32 $0xffff, v1, v1  }
0x138: {  	v62, _, _ =	vpop (xrf1);
	(xrf1) =	vsort.ascd.msk.f32 $0xffff, v7, v7  }
0x139: {  	v1 =	vmul.f32 v14, v5;
	v32, _, _ =	vpop (xrf1);
	(xrf1) =	vsort.ascd.msk.f32 $0xffff, v8, v8  }
0x13a: {  	[tilespmem:$0x1FE80] =	vst v3;
	v7 =	vmul.f32 v11, v4;
	v3, _, _ =	vpop (xrf1)  }
0x13b: {  	v5 =	vmul.f32 v9, v5;
	(xrf1) =	vsort.ascd.msk.f32 $0xffff, v1, v1;
	v1 =	vld [tilespmem:s19+$0xFFFFF9E0];
	v28, _, _ =	vpop (xrf1)  }
0x13c: {  	(xrf1) =	vsort.dscd.msk.f32 $0xffff, v7, v7;
	v34, _, _ =	vpop (xrf1)  }
0x13d: {  	(xrf1) =	vsort.ascd.msk.f32 $0xffff, v5, v5;
	v31, _, _ =	vpop (xrf1)  }
0x13e: {  	[tilespmem:$0x1FE90] =	vst v3;
	v3, _, _ =	vpop (xrf1)  }
0x13f: {  	[tilespmem:$0x1FEA0] =	vst v3;
	v3, _, _ =	vpop (xrf1)  }
0x140: {  	v1 =	vmul.f32 v1, v4;
	v38, _, _ =	vpop (xrf1)  }
0x141: {  	v36, _, _ =	vpop (xrf1)  }
0x142: {  	[tilespmem:$0x1FEB0] =	vst v3;
	v3, _, _ =	vpop (xrf1)  }
0x143: {  	(xrf1) =	vsort.dscd.msk.f32 $0xffff, v1, v1;
	[tilespmem:$0x1FEC0] =	vst v3;
	v3, _, _ =	vpop (xrf1)  }
0x144: {  	v1, _, _ =	vpop (xrf1)  }
0x145: {  	v4, _, _ =	vpop (xrf1)  }
0x146: {  	v5, _, _ =	vpop (xrf1)  }
0x147: {  	v7, _, _ =	vpop (xrf1)  }
0x148: {  	v8 =	vmax.f32 v7, v4  }
0x149: {  	v9, _, _ =	vpop (xrf1);
	v4 =	vmin.f32 v7, v4;
	(xrf1) =	vsort.ascd.msk.f32 $0xffff, v8, v8  }
0x14a: {  	s23 =	simm.s32 $0x20;
	s2 =	sadd.s32 $0x20, s18;
	v7, _, _ =	vpop (xrf1);
	(xrf1) =	vsort.ascd.msk.f32 $0xffff, v4, v4  }
0x14b: {  	s30 =	sadd.s32 $0x20, s19;
	s2 =	sand.u32 $0x3FF80, s2;
	s1 =	sand.u32 $0x60, s23;
	v13 =	vld [tilespmem:s25+$0x0];
	v8 =	vmax.f32 v9, v1;
	v11, _, _ =	vpop (xrf1)  }
0x14c: {  	s1 =	sor.u32 s1, s2;
	v19 =	vld [tilespmem:s30+$0xFFFFFFF0];
	(xrf1) =	vsort.ascd.msk.f32 $0xffff, v8, v8;
	v8 =	vmax.f32 v11, v7  }
0x14d: {  	v7 =	vmin.f32 v11, v7;
	(xrf1) =	vsort.ascd.msk.f32 $0xffff, v8, v8;
	v8 =	vld [tilespmem:s1+$0x3110]  }
0x14e: {  	v11 =	vld [tilespmem:s30+$0x0];
	(xrf1) =	vsort.ascd.msk.f32 $0xffff, v7, v7  }
0x14f: {  	v1 =	vmin.f32 v9, v1;
	v9 =	vld [tilespmem:s25+$0xFFFFFFF0]  }
0x150: {  	v4 =	vld [tilespmem:s30+$0xFFFFF9D0]  }
0x151: {  	v7 =	vld [tilespmem:s30+$0xFFFFF9E0];
	(xrf1) =	vsort.ascd.msk.f32 $0xffff, v1, v1;
	v14, _, _ =	vpop (xrf1)  }
0x152: {  	v1 =	vld [tilespmem:s1+$0x3100];
	v20 =	vmax.f32 v5, v14;
	v8 =	vmul.f32 v8, v13  }
0x153: {  	v23 =	vld [tilespmem:s30+$0xFFFFFCF0];
	v11 =	vmul.f32 v11, v13;
	(xrf1) =	vsort.ascd.msk.f32 $0xffff, v20, v20  }
0x154: {  	v5 =	vmin.f32 v5, v14;
	(xrf1) =	vsort.dscd.msk.f32 $0xffff, v8, v8  }
0x155: {  	v4 =	vmul.f32 v4, v9;
	v14 =	vld [tilespmem:s30+$0xFFFFFCE0];
	(xrf1) =	vsort.ascd.msk.f32 $0xffff, v5, v5  }
0x156: {  	v5 =	vmul.f32 v19, v9;
	(xrf1) =	vsort.dscd.msk.f32 $0xffff, v11, v11  }
0x157: {  	v7 =	vmul.f32 v7, v13;
	v1 =	vmul.f32 v1, v9;
	(xrf1) =	vsort.ascd.msk.f32 $0xffff, v4, v4;
	v11, _, _ =	vpop (xrf1)  }
0x158: {  	v13 =	vmul.f32 v23, v13;
	v8 =	vimm.f32 $-3.402823470e+38;
	v4 =	vimm.f32 $3.402823470e+38;
	v19, _, _ =	vpop (xrf1);
	(xrf1) =	vsort.ascd.msk.f32 $0xffff, v5, v5  }
0x159: {  	[tilespmem:$0x1FED0] =	vst v3;
	v3 =	vld [tilespmem:s24+$0x4660];
	(xrf1) =	vsort.ascd.msk.f32 $0xffff, v1, v1;
	v1 =	vmax.f32 v8, v11;
	v11 =	vmin.f32 v4, v11  }
0x15a: {  	v5 =	vmul.f32 v14, v9;
	v9 =	vmin.f32 v4, v19;
	v14, _, _ =	vpop (xrf1);
	v19 =	vmax.f32 v8, v19  }
0x15b: {  	v20, _, _ =	vpop (xrf1);
	(xrf1) =	vsort.dscd.msk.f32 $0xffff, v13, v13;
	v13 =	vmax.f32 v9, v11;
	v9 =	vmin.f32 v9, v11  }
0x15c: {  	(xrf1) =	vsort.ascd.msk.f32 $0xffff, v5, v5;
	v24 =	vmax.f32 v8, v20;
	v5 =	vmax.f32 v19, v1;
	v11, _, _ =	vpop (xrf1)  }
0x15d: {  	(xrf1) =	vsort.dscd.msk.f32 $0xffff, v7, v7;
	v7 =	vmin.f32 v4, v20;
	v23 =	vmax.f32 v8, v11  }
0x15e: {  	[tilespmem:$0x1FEE0] =	vst v3;
	v3 =	vld [tilespmem:s24+$0x4970];
	(xrf1) =	vsort.dscd.msk.f32 $0xffff, v5, v5;
	v5 =	vmin.f32 v4, v11;
	v25 =	vmax.f32 v23, v24  }
0x15f: {  	v20, _, _ =	vpop (xrf1);
	v23 =	vmin.f32 v23, v24;
	v24 =	vmax.f32 v5, v7;
	(xrf1) =	vsort.dscd.msk.f32 $0xffff, v25, v25  }
0x160: {  	v25 =	vmax.f32 v8, v20;
	v20 =	vmin.f32 v4, v20;
	(xrf1) =	vsort.dscd.msk.f32 $0xffff, v23, v23  }
0x161: {  	s31 =	smul.u32 $0x310, s26;
	v11 =	vmin.f32 v19, v1;
	v1, _, _ =	vpop (xrf1);
	v23 =	vmin.f32 v4, v14;
	(xrf1) =	vsort.dscd.msk.f32 $0xffff, v24, v24  }
0x162: {  	v14 =	vmax.f32 v8, v14;
	v19, _, _ =	vpop (xrf1);
	v24 =	vmax.f32 v20, v23;
	(xrf1) =	vsort.dscd.msk.f32 $0xffff, v13, v13  }
0x163: {  	v41 =	vld [tilespmem:s24+$0x4350];
	s26 =	sor.u32 $0x8, s6;
	s1 =	sand.u32 $0x1FF00, s31;
	[tilespmem:$0x1FEF0] =	vst v3;
	v23 =	vmin.f32 v20, v23;
	v20, _, _ =	vpop (xrf1);
	v13 =	vmax.f32 v25, v14;
	(xrf1) =	vsort.dscd.msk.f32 $0xffff, v24, v24  }
0x164: {  	s28 =	simm.s32 $0x40;
	s29 =	sadd.s32 $0x20, s30;
	s25 =	sadd.s32 $0x20, s25;
	v42 =	vld [tilespmem:s1+$0x3440];
	v24 =	vmin.f32 v25, v14;
	v25, _, _ =	vpop (xrf1);
	v14 =	vimm.f32 $3.402823470e+38;
	(xrf1) =	vsort.dscd.msk.f32 $0xffff, v13, v13;
	v13 =	vimm.f32 $-3.402823470e+38  }
.LBB2_8:
0x165: {  	s0 =	sadd.s32 s28, s18  }
0x166: {  	v26 =	vld [tilespmem:s29+$0xFFFFF9D0];
	p0 =	sne.s32 s28, $0x2E0;
	v29, _, _ =	vpop (xrf1);
	(xrf1) =	vsort.dscd.msk.f32 $0xffff, v23, v23;
	s1 =	smov.u32 s28;
	s28 =	sadd.s32 $0x20, s28  }
0x167: {  	v23 =	vld [tilespmem:s25+$0x0];
	s0 =	sand.u32 $0x3FF80, s0;
	s1 =	sand.u32 $0x60, s1;
	v30, _, _ =	vpop (xrf1);
	(xrf1) =	vsort.dscd.msk.f32 $0xffff, v24, v24  }
0x168: {  	s0 =	sor.u32 s1, s0;
	v24 =	vld [tilespmem:s29+$0xFFFFF9E0];
	v33 =	vmax.f32 v30, v25;
	v25 =	vmin.f32 v30, v25;
	v30, _, _ =	vpop (xrf1);
	(xrf1) =	vsort.dscd.msk.f32 $0xffff, v9, v9  }
0x169: {  	v9 =	vld [tilespmem:s0+$0x3100];
	v3 =	vmax.f32 v30, v19;
	v19 =	vmin.f32 v30, v19;
	v30, _, _ =	vpop (xrf1);
	(xrf1) =	vsort.ascd.msk.f32 $0xffff, v33, v33  }
0x16a: {  	v8 =	vmax.f32 v8, v20;
	v4 =	vmin.f32 v4, v20;
	v33 =	vld [tilespmem:s0+$0x3110];
	v37, _, _ =	vpop (xrf1);
	(xrf1) =	vsort.ascd.msk.f32 $0xffff, v25, v25  }
0x16b: {  	v14 =	vmin.f32 v14, v1;
	v20 =	vld [tilespmem:s29+$0x0];
	v25 =	vmin.f32 v37, v30;
	(xrf1) =	vsort.ascd.msk.f32 $0xffff, v3, v3;
	v35, _, _ =	vpop (xrf1)  }
0x16c: {  	v30 =	vmax.f32 v37, v30;
	v39 =	vmax.f32 v29, v35;
	v37, _, _ =	vpop (xrf1);
	(xrf1) =	vsort.dscd.msk.f32 $0xffff, v11, v11  }
0x16d: {  	v11 =	vmul.f32 v24, v23;
	v24 =	vmin.f32 v29, v35;
	(xrf1) =	vsort.ascd.msk.f32 $0xffff, v30, v30;
	v29, _, _ =	vpop (xrf1)  }
0x16e: {  	v1 =	vmax.f32 v13, v1;
	v5 =	vmin.f32 v5, v7;
	v30 =	vld [tilespmem:s29+$0xFFFFFFF0];
	(xrf1) =	vsort.ascd.msk.f32 $0xffff, v25, v25;
	v7, _, _ =	vpop (xrf1)  }
0x16f: {  	v13 =	vld [tilespmem:s25+$0xFFFFFFF0];
	v25 =	vmul.f32 v33, v23;
	v33 =	vmin.f32 v8, v1;
	v35, _, _ =	vpop (xrf1);
	(xrf1) =	vsort.dscd.msk.f32 $0xffff, v5, v5  }
0x170: {  	v1 =	vmax.f32 v8, v1;
	v5 =	vld [tilespmem:s29+$0xFFFFFCF0];
	v20 =	vmul.f32 v20, v23;
	(xrf1) =	vsort.ascd.msk.f32 $0xffff, v19, v19  }
0x171: {  	v3 =	vmin.f32 v4, v14;
	v19 =	vmax.f32 v4, v14;
	v8 =	vld [tilespmem:s29+$0xFFFFFCE0];
	(xrf1) =	vsort.ascd.msk.f32 $0xffff, v39, v39;
	v14, _, _ =	vpop (xrf1)  }
0x172: {  	v39, _, _ =	vpop (xrf1);
	(xrf1) =	vsort.dscd.msk.f32 $0xffff, v3, v3  }
0x173: {  	(xrf1) =	vsort.dscd.msk.f32 $0xffff, v25, v25;
	v4, _, _ =	vpop (xrf1)  }
0x174: {  	v9 =	vmul.f32 v9, v13;
	v25 =	vmul.f32 v30, v13;
	v30, _, _ =	vpop (xrf1);
	(xrf1) =	vsort.dscd.msk.f32 $0xffff, v19, v19  }
0x175: {  	v19 =	vmul.f32 v26, v13;
	v26, _, _ =	vpop (xrf1);
	(xrf1) =	vsort.dscd.msk.f32 $0xffff, v33, v33  }
0x176: {  	v5 =	vmul.f32 v5, v23;
	v8 =	vmul.f32 v8, v13;
	(xrf1) =	vsort.ascd.msk.f32 $0xffff, v24, v24;
	v13, _, _ =	vpop (xrf1)  }
0x177: {  	v23, _, _ =	vpop (xrf1);
	(xrf1) =	vsort.dscd.msk.f32 $0xffff, v1, v1  }
0x178: {  	(xrf1) =	vsort.dscd.msk.f32 $0xffff, v20, v20;
	v1, _, _ =	vpop (xrf1)  }
0x179: {  	(xrf1) =	vsort.ascd.msk.f32 $0xffff, v19, v19;
	v14 =	vmin.f32 v14, v1;
	v20, _, _ =	vpop (xrf1)  }
0x17a: {  	(xrf1) =	vsort.ascd.msk.f32 $0xffff, v25, v25;
	v19, _, _ =	vpop (xrf1)  }
0x17b: {  	(xrf1) =	vsort.ascd.msk.f32 $0xffff, v9, v9;
	v24 =	vmax.f32 v19, v23;
	v9 =	vmin.f32 v13, v23;
	v13, _, _ =	vpop (xrf1)  }
0x17c: {  	(xrf1) =	vsort.dscd.msk.f32 $0xffff, v5, v5;
	v25 =	vmax.f32 v14, v9;
	v9 =	vmin.f32 v14, v9;
	v5, _, _ =	vpop (xrf1)  }
0x17d: {  	v23 =	vmax.f32 v37, v1;
	(xrf1) =	vsort.ascd.msk.f32 $0xffff, v8, v8;
	v8 =	vmax.f32 v29, v5;
	v14, _, _ =	vpop (xrf1)  }
0x17e: {  	v3 =	vmax.f32 v7, v13;
	v7 =	vmax.f32 v23, v24;
	(xrf1) =	vsort.dscd.msk.f32 $0xffff, v11, v11;
	v29, _, _ =	vpop (xrf1)  }
0x17f: {  	v11 =	vmax.f32 v8, v3;
	v8 =	vmin.f32 v8, v3;
	v1, _, _ =	vpop (xrf1);
	(xrf1) =	vsort.dscd.msk.f32 $0xffff, v7, v7  }
0x180: {  	v5 =	vmin.f32 v35, v5;
	v7 =	vmin.f32 v14, v13;
	(xrf1) =	vsort.dscd.msk.f32 $0xffff, v11, v11;
	v14, _, _ =	vpop (xrf1)  }
0x181: {  	v3 =	vmax.f32 v5, v7;
	v11 =	vmin.f32 v23, v24;
	v19, _, _ =	vpop (xrf1);
	(xrf1) =	vsort.dscd.msk.f32 $0xffff, v8, v8  }
.Ltmp2:
0x182: {  	v23 =	vmin.f32 v39, v29;
	v8 =	vmax.f32 v4, v29;
	(xrf1) =	vsort.dscd.msk.f32 $0xffff, v3, v3;
	v4, _, _ =	vpop (xrf1);
	(pc) =	sbr.rel @p0 .LBB2_8-.Ltmp2, $4  }
0x183: {  	v24 =	vmax.f32 v26, v20;
	v3 =	vmin.f32 v30, v20;
	v13, _, _ =	vpop (xrf1)  }
0x184: {  	v26 =	vmax.f32 v23, v3;
	v23 =	vmin.f32 v23, v3;
	v20, _, _ =	vpop (xrf1);
	(xrf1) =	vsort.dscd.msk.f32 $0xffff, v25, v25  }
0x185: {  	v29 =	vmax.f32 v8, v24;
	v24 =	vmin.f32 v8, v24;
	(xrf1) =	vsort.dscd.msk.f32 $0xffff, v26, v26;
	v8, _, _ =	vpop (xrf1)  }
0x186: {  	s25 =	sadd.s32 $0x20, s25;
	s29 =	sadd.s32 $0x20, s29;
	v25, _, _ =	vpop (xrf1);
	(xrf1) =	vsort.dscd.msk.f32 $0xffff, v29, v29  }
0x187: {  	v26, _, _ =	vpop (xrf1);
	(xrf1) =	vsort.dscd.msk.f32 $0xffff, v23, v23  }
0x188: {  	v23, _, _ =	vpop (xrf1);
	(xrf1) =	vsort.dscd.msk.f32 $0xffff, v24, v24  }
0x189: {  	v24 =	vmax.f32 v23, v25;
	(xrf1) =	vsort.dscd.msk.f32 $0xffff, v9, v9;
	v9 =	vmin.f32 v23, v25;
	v23, _, _ =	vpop (xrf1)  }
0x18a: {  	(xrf1) =	vsort.ascd.msk.f32 $0xffff, v24, v24;
	v24 =	vmax.f32 v23, v19  }
0x18b: {  	v25, _, _ =	vpop (xrf1);
	(xrf1) =	vsort.ascd.msk.f32 $0xffff, v9, v9  }
0x18c: {  	v9, _, _ =	vpop (xrf1);
	(xrf1) =	vsort.ascd.msk.f32 $0xffff, v24, v24  }
0x18d: {  	v24, _, _ =	vpop (xrf1);
	v29 =	vmax.f32 v9, v25;
	(xrf1) =	vsort.dscd.msk.f32 $0xffff, v11, v11  }
0x18e: {  	v9 =	vmin.f32 v9, v25;
	v11, _, _ =	vpop (xrf1);
	(xrf1) =	vsort.ascd.msk.f32 $0xffff, v29, v29  }
0x18f: {  	v5 =	vmin.f32 v5, v7;
	v25, _, _ =	vpop (xrf1);
	(xrf1) =	vsort.ascd.msk.f32 $0xffff, v9, v9  }
0x190: {  	v9 =	vmin.f32 v23, v19;
	v7, _, _ =	vpop (xrf1)  }
0x191: {  	(xrf1) =	vsort.dscd.msk.f32 $0xffff, v5, v5;
	v19, _, _ =	vpop (xrf1)  }
0x192: {  	v4 =	vmin.f32 v4, v20;
	v23 =	vmax.f32 v26, v24;
	v5, _, _ =	vpop (xrf1)  }
0x193: {  	v14 =	vmin.f32 v14, v1;
	v8 =	vmax.f32 v8, v20;
	(xrf1) =	vsort.ascd.msk.f32 $0xffff, v9, v9;
	v9, _, _ =	vpop (xrf1)  }
0x194: {  	v1 =	vmax.f32 v13, v1;
	v20 =	vmin.f32 v4, v14;
	v4 =	vmax.f32 v4, v14;
	v29, _, _ =	vpop (xrf1)  }
0x195: {  	v14 =	vmin.f32 v8, v1;
	(xrf1) =	vsort.ascd.msk.f32 $0xffff, v23, v23;
	v23, _, _ =	vpop (xrf1)  }
0x196: {  	(xrf1) =	vsort.dscd.msk.f32 $0xffff, v20, v20;
	v20 =	vmin.f32 v26, v24;
	v13, _, _ =	vpop (xrf1)  }
0x197: {  	(xrf1) =	vsort.dscd.msk.f32 $0xffff, v4, v4;
	v4, _, _ =	vpop (xrf1)  }
0x198: {  	v1 =	vmax.f32 v8, v1;
	(xrf1) =	vsort.dscd.msk.f32 $0xffff, v14, v14;
	v14, _, _ =	vpop (xrf1)  }
0x199: {  	(xrf1) =	vsort.ascd.msk.f32 $0xffff, v20, v20;
	v20, _, _ =	vpop (xrf1)  }
0x19a: {  	v8, _, _ =	vpop (xrf1)  }
0x19b: {  	(xrf1) =	vsort.dscd.msk.f32 $0xffff, v1, v1;
	v1, _, _ =	vpop (xrf1)  }
0x19c: {  	v4 =	vmin.f32 v4, v14;
	v24, _, _ =	vpop (xrf1)  }
0x19d: {  	v5 =	vmin.f32 v5, v20;
	v11 =	vmax.f32 v11, v20;
	v14 =	vmax.f32 v1, v14;
	v1, _, _ =	vpop (xrf1)  }
0x19e: {  	v7 =	vmax.f32 v7, v24;
	v20 =	vmax.f32 v25, v1;
	v25 =	vmax.f32 v11, v14  }
0x19f: {  	v30, _, _ =	vpop (xrf1);
	v19 =	vmin.f32 v19, v1;
	v33 =	vmax.f32 v20, v7;
	(xrf1) =	vsort.dscd.msk.f32 $0xffff, v25, v25  }
0x1a0: {  	v7 =	vmin.f32 v20, v7;
	v24 =	vmin.f32 v30, v24;
	(xrf1) =	vsort.dscd.msk.f32 $0xffff, v33, v33  }
0x1a1: {  	v26 =	vmax.f32 v5, v4;
	v1 =	vmov s5;
	v25 =	vmax.f32 v19, v24;
	v20, _, _ =	vpop (xrf1);
	(xrf1) =	vsort.dscd.msk.f32 $0xffff, v7, v7  }
0x1a2: {  	v7 =	vmax.f32 v29, v20;
	v9 =	vmin.f32 v9, v20;
	v20 =	vmin.f32 v23, v8  }
0x1a3: {  	(xrf1) =	vsort.dscd.msk.f32 $0xffff, v25, v25;
	v8 =	vmax.f32 v13, v8;
	v13 =	vmax.f32 v9, v20  }
0x1a4: {  	v23, _, _ =	vpop (xrf1);
	(xrf1) =	vsort.dscd.msk.f32 $0xffff, v26, v26  }
0x1a5: {  	v25, _, _ =	vpop (xrf1);
	v26 =	vmax.f32 v7, v8;
	(xrf1) =	vsort.dscd.msk.f32 $0xffff, v13, v13  }
0x1a6: {  	s0 =	simm.s32 $0x0;
	v9 =	vmin.f32 v9, v20;
	v13, _, _ =	vpop (xrf1);
	(xrf1) =	vsort.dscd.msk.f32 $0xffff, v26, v26  }
0x1a7: {  	v7 =	vmin.f32 v7, v8;
	v8 =	vld.idx.msk [tilespmem:v1+s0+$0x10 ss:$0x1], $0xffff;
	(xrf1) =	vsort.dscd.msk.f32 $0xffff, v9, v9  }
0x1a8: {  	v4 =	vmin.f32 v5, v4;
	v20, _, _ =	vpop (xrf1);
	v9 =	vmin.f32 v11, v14;
	v11 =	vld.idx.msk [tilespmem:v0+s0+$0x0 ss:$0x1], $0xffff;
	(xrf1) =	vsort.dscd.msk.f32 $0xffff, v7, v7  }
0x1a9: {  	v14 =	vmin.f32 v25, v23;
	v5, _, _ =	vpop (xrf1);
	v7 =	vld.idx.msk [tilespmem:v1+s0+$0x0 ss:$0x1], $0xffff;
	(xrf1) =	vsort.dscd.msk.f32 $0xffff, v4, v4  }
0x1aa: {  	v4 =	vmin.f32 v13, v5;
	v13, _, _ =	vpop (xrf1);
	(xrf1) =	vsort.dscd.msk.f32 $0xffff, v9, v9;
	v9 =	vmin.f32 v19, v24;
	v19 =	vld.idx.msk [tilespmem:v0+s0+$0x10 ss:$0x1], $0xffff  }
0x1ab: {  	v5 =	vmax.f32 v13, v5;
	v13 =	vld.idx.msk [tilespmem:v1+s0+$0x930 ss:$0x1], $0xffff;
	(xrf1) =	vsort.dscd.msk.f32 $0xffff, v9, v9;
	v9 =	vmin.f32 v4, v14  }
0x1ac: {  	v20 =	vmax.f32 v20, v23;
	v4 =	vmax.f32 v4, v14;
	(xrf1) =	vsort.dscd.msk.f32 $0xffff, v9, v9;
	v9 =	vld.idx.msk [tilespmem:v1+s0+$0x630 ss:$0x1], $0xffff  }
0x1ad: {  	v14 =	vmin.f32 v5, v20;
	(xrf1) =	vsort.dscd.msk.f32 $0xffff, v4, v4;
	v4 =	vld.idx.msk [tilespmem:v1+s0+$0x940 ss:$0x1], $0xffff  }
0x1ae: {  	v5 =	vmax.f32 v5, v20;
	v44, _, _ =	vpop (xrf1);
	v7 =	vmul.f32 v7, v11;
	(xrf1) =	vsort.dscd.msk.f32 $0xffff, v14, v14  }
0x1af: {  	v49, _, _ =	vpop (xrf1);
	(xrf1) =	vsort.dscd.msk.f32 $0xffff, v5, v5;
	v5 =	vmul.f32 v8, v19  }
0x1b0: {  	v3, _, _ =	vpop (xrf1);
	v8 =	vmul.f32 v13, v11;
	(xrf1) =	vsort.ascd.msk.f32 $0xffff, v7, v7  }
0x1b1: {  	[tilespmem:$0x1FDF0] =	vst v3;
	v3, _, _ =	vpop (xrf1);
	v7 =	vmul.f32 v9, v19;
	(xrf1) =	vsort.dscd.msk.f32 $0xffff, v5, v5  }
0x1b2: {  	[tilespmem:$0x1FE00] =	vst v3;
	v3, _, _ =	vpop (xrf1);
	v4 =	vmul.f32 v4, v19;
	(xrf1) =	vsort.ascd.msk.f32 $0xffff, v8, v8  }
0x1b3: {  	v53, _, _ =	vpop (xrf1);
	(xrf1) =	vsort.dscd.msk.f32 $0xffff, v7, v7  }
0x1b4: {  	v5 =	vld.idx.msk [tilespmem:v1+s0+$0x310 ss:$0x1], $0xffff;
	v57, _, _ =	vpop (xrf1);
	(xrf1) =	vsort.dscd.msk.f32 $0xffff, v4, v4  }
0x1b5: {  	v7 =	vld.idx.msk [tilespmem:v1+s0+$0x320 ss:$0x1], $0xffff;
	v55, _, _ =	vpop (xrf1)  }
0x1b6: {  	v4 =	vld.idx.msk [tilespmem:v1+s0+$0x620 ss:$0x1], $0xffff;
	v24, _, _ =	vpop (xrf1)  }
0x1b7: {  	v46, _, _ =	vpop (xrf1)  }
0x1b8: {  	[tilespmem:$0x1FE10] =	vst v3;
	v3, _, _ =	vpop (xrf1)  }
0x1b9: {  	v5 =	vmul.f32 v5, v11;
	v50, _, _ =	vpop (xrf1)  }
0x1ba: {  	v7 =	vmul.f32 v7, v19;
	v52, _, _ =	vpop (xrf1)  }
0x1bb: {  	(xrf1) =	vsort.ascd.msk.f32 $0xffff, v5, v5;
	[tilespmem:$0x1FE20] =	vst v3;
	v4 =	vmul.f32 v4, v11;
	v3, _, _ =	vpop (xrf1)  }
0x1bc: {  	s29 =	simm.s32 $0x20;
	(xrf1) =	vsort.dscd.msk.f32 $0xffff, v7, v7;
	v48, _, _ =	vpop (xrf1)  }
0x1bd: {  	v13 =	vld.idx.msk [tilespmem:v0+s29+$0x10 ss:$0x1], $0xffff;
	(xrf1) =	vsort.ascd.msk.f32 $0xffff, v4, v4;
	v56, _, _ =	vpop (xrf1)  }
0x1be: {  	v9 =	vld.idx.msk [tilespmem:v0+s29+$0x0 ss:$0x1], $0xffff;
	v5, _, _ =	vpop (xrf1)  }
0x1bf: {  	v7 =	vld.idx.msk [tilespmem:v1+s29+$0x0 ss:$0x1], $0xffff;
	v8, _, _ =	vpop (xrf1)  }
0x1c0: {  	v4 =	vld.idx.msk [tilespmem:v1+s29+$0x10 ss:$0x1], $0xffff;
	v11, _, _ =	vpop (xrf1)  }
0x1c1: {  	v14 =	vld.idx.msk [tilespmem:v1+s29+$0x930 ss:$0x1], $0xffff;
	v19, _, _ =	vpop (xrf1)  }
0x1c2: {  	v20, _, _ =	vpop (xrf1)  }
0x1c3: {  	v23 =	vmax.f32 v11, v20  }
0x1c4: {  	v25 =	vld.idx.msk [tilespmem:v1+s29+$0x630 ss:$0x1], $0xffff;
	v7 =	vmul.f32 v7, v9;
	(xrf1) =	vsort.ascd.msk.f32 $0xffff, v23, v23;
	v23 =	vmax.f32 v5, v8  }
0x1c5: {  	v4 =	vmul.f32 v4, v13;
	(xrf1) =	vsort.ascd.msk.f32 $0xffff, v23, v23  }
0x1c6: {  	v14 =	vmul.f32 v14, v9;
	(xrf1) =	vsort.ascd.msk.f32 $0xffff, v7, v7  }
0x1c7: {  	v23 =	vld.idx.msk [tilespmem:v1+s29+$0x940 ss:$0x1], $0xffff  }
0x1c8: {  	(xrf1) =	vsort.dscd.msk.f32 $0xffff, v4, v4  }
0x1c9: {  	v5 =	vmin.f32 v5, v8;
	v8 =	vld.idx.msk [tilespmem:v1+s29+$0x310 ss:$0x1], $0xffff;
	v7 =	vmul.f32 v25, v13;
	v4, _, _ =	vpop (xrf1);
	(xrf1) =	vsort.ascd.msk.f32 $0xffff, v14, v14  }
0x1ca: {  	v14, _, _ =	vpop (xrf1);
	(xrf1) =	vsort.ascd.msk.f32 $0xffff, v5, v5  }
0x1cb: {  	v5 =	vmin.f32 v11, v20;
	v11, _, _ =	vpop (xrf1);
	(xrf1) =	vsort.dscd.msk.f32 $0xffff, v7, v7  }
0x1cc: {  	v7 =	vmul.f32 v23, v13;
	v20 =	vmax.f32 v11, v19;
	(xrf1) =	vsort.ascd.msk.f32 $0xffff, v5, v5;
	v5 =	vld.idx.msk [tilespmem:v1+s29+$0x320 ss:$0x1], $0xffff  }
0x1cd: {  	(xrf1) =	vsort.ascd.msk.f32 $0xffff, v20, v20;
	v20 =	vld.idx.msk [tilespmem:v1+s29+$0x620 ss:$0x1], $0xffff  }
0x1ce: {  	(xrf1) =	vsort.dscd.msk.f32 $0xffff, v7, v7;
	v7 =	vmul.f32 v8, v9;
	_ =	sdelay $0x1  }
0x1cf: {  	(xrf1) =	vsort.ascd.msk.f32 $0xffff, v7, v7;
	v7 =	vmax.f32 v4, v14  }
0x1d0: {  	v4 =	vmin.f32 v4, v14;
	v5 =	vmul.f32 v5, v13;
	(xrf1) =	vsort.ascd.msk.f32 $0xffff, v7, v7  }
0x1d1: {  	v7 =	vmul.f32 v20, v9;
	v13, _, _ =	vpop (xrf1);
	(xrf1) =	vsort.ascd.msk.f32 $0xffff, v4, v4  }
0x1d2: {  	s30 =	simm.s32 $0x40;
	v33, _, _ =	vpop (xrf1);
	(xrf1) =	vsort.dscd.msk.f32 $0xffff, v5, v5  }
0x1d3: {  	v29 =	vld.idx.msk [tilespmem:v1+s30+$0x320 ss:$0x1], $0xffff;
	v4, _, _ =	vpop (xrf1);
	(xrf1) =	vsort.ascd.msk.f32 $0xffff, v7, v7  }
0x1d4: {  	v37 =	vld.idx.msk [tilespmem:v1+s30+$0x630 ss:$0x1], $0xffff  }
0x1d5: {  	v23 =	vld.idx.msk [tilespmem:v0+s30+$0x10 ss:$0x1], $0xffff;
	v7, _, _ =	vpop (xrf1)  }
0x1d6: {  	v20 =	vld.idx.msk [tilespmem:v1+s30+$0x0 ss:$0x1], $0xffff;
	v9, _, _ =	vpop (xrf1)  }
0x1d7: {  	v5 =	vmin.f32 v11, v19;
	v11 =	vld.idx.msk [tilespmem:v0+s30+$0x0 ss:$0x1], $0xffff;
	v35, _, _ =	vpop (xrf1)  }
0x1d8: {  	v8 =	vld.idx.msk [tilespmem:v1+s30+$0x930 ss:$0x1], $0xffff;
	(xrf1) =	vsort.ascd.msk.f32 $0xffff, v5, v5;
	v19, _, _ =	vpop (xrf1)  }
0x1d9: {  	v14 =	vld.idx.msk [tilespmem:v1+s30+$0x10 ss:$0x1], $0xffff;
	v25, _, _ =	vpop (xrf1)  }
0x1da: {  	v40 =	vld.idx.msk [tilespmem:v1+s30+$0x940 ss:$0x1], $0xffff;
	v5, _, _ =	vpop (xrf1)  }
0x1db: {  	v45 =	vimm.f32 $-3.402823470e+38;
	v26 =	vld.idx.msk [tilespmem:v1+s30+$0x310 ss:$0x1], $0xffff;
	v59 =	vmul.f32 v29, v23;
	v29 =	vmul.f32 v37, v23;
	v30, _, _ =	vpop (xrf1)  }
0x1dc: {  	v43 =	vld.idx.msk [tilespmem:v1+s30+$0x620 ss:$0x1], $0xffff;
	v61 =	vmax.f32 v45, v13;
	v20 =	vmul.f32 v20, v11;
	v39 =	vmax.f32 v9, v30  }
0x1dd: {  	v47 =	vmul.f32 v8, v11;
	v8 =	vmax.f32 v4, v7;
	(xrf1) =	vsort.ascd.msk.f32 $0xffff, v39, v39;
	v51, _, _ =	vpop (xrf1)  }
0x1de: {  	v14 =	vmul.f32 v14, v23;
	v4 =	vmin.f32 v4, v7;
	v7, _, _ =	vpop (xrf1);
	(xrf1) =	vsort.ascd.msk.f32 $0xffff, v8, v8  }
0x1df: {  	v23 =	vmul.f32 v40, v23;
	v30 =	vmin.f32 v9, v30;
	v9 =	vimm.f32 $3.402823470e+38;
	v58, _, _ =	vpop (xrf1);
	(xrf1) =	vsort.ascd.msk.f32 $0xffff, v20, v20  }
0x1e0: {  	v26 =	vmul.f32 v26, v11;
	v54 =	vmin.f32 v9, v25;
	v20, _, _ =	vpop (xrf1);
	(xrf1) =	vsort.dscd.msk.f32 $0xffff, v14, v14  }
0x1e1: {  	v13 =	vmin.f32 v9, v13;
	v8 =	vmul.f32 v43, v11;
	v11, _, _ =	vpop (xrf1);
	(xrf1) =	vsort.ascd.msk.f32 $0xffff, v47, v47  }
0x1e2: {  	v14 =	vmin.f32 v9, v58;
	(xrf1) =	vsort.ascd.msk.f32 $0xffff, v4, v4;
	v4 =	vmin.f32 v9, v7  }
0x1e3: {  	v47 =	vmax.f32 v45, v7;
	(xrf1) =	vsort.dscd.msk.f32 $0xffff, v29, v29;
	v7 =	vmax.f32 v14, v4  }
0x1e4: {  	v25 =	vmax.f32 v45, v25;
	v39 =	vmin.f32 v9, v35;
	(xrf1) =	vsort.dscd.msk.f32 $0xffff, v7, v7  }
0x1e5: {  	v58 =	vmax.f32 v45, v58;
	v63 =	vmax.f32 v11, v19;
	(xrf1) =	vsort.ascd.msk.f32 $0xffff, v30, v30  }
0x1e6: {  	v11 =	vmin.f32 v11, v19;
	v29 =	vmax.f32 v25, v61;
	v7, _, _ =	vpop (xrf1);
	(xrf1) =	vsort.ascd.msk.f32 $0xffff, v63, v63  }
0x1e7: {  	v40 =	vmin.f32 v58, v47;
	v43 =	vmax.f32 v45, v7;
	(xrf1) =	vsort.dscd.msk.f32 $0xffff, v29, v29  }
0x1e8: {  	v19 =	vmin.f32 v9, v7;
	v7 =	vmin.f32 v25, v61;
	(xrf1) =	vsort.dscd.msk.f32 $0xffff, v23, v23  }
0x1e9: {  	v47 =	vmax.f32 v58, v47;
	v37 =	vmin.f32 v14, v4;
	(xrf1) =	vsort.ascd.msk.f32 $0xffff, v26, v26  }
0x1ea: {  	[tilespmem:$0x1FE30] =	vst v3;
	v3 =	vld [tilespmem:s24+$0x55B0];
	v14 =	vmax.f32 v45, v5;
	v25 =	vmax.f32 v54, v13;
	(xrf1) =	vsort.dscd.msk.f32 $0xffff, v7, v7  }
0x1eb: {  	v30 =	vmin.f32 v9, v33;
	v13 =	vmin.f32 v54, v13;
	v7, _, _ =	vpop (xrf1);
	(xrf1) =	vsort.dscd.msk.f32 $0xffff, v25, v25  }
0x1ec: {  	s31 =	smul.u32 $0xC40, s26;
	v23 =	vmax.f32 v51, v20;
	v51 =	vmin.f32 v51, v20;
	v4, _, _ =	vpop (xrf1);
	(xrf1) =	vsort.dscd.msk.f32 $0xffff, v13, v13  }
0x1ed: {  	[dreg:$0xc] =	wrdreg s4;
	v60 =	vld [tilespmem:s24+$0x52A0];
	v29 =	vmax.f32 v43, v14;
	v25 =	vmin.f32 v43, v14;
	v14, _, _ =	vpop (xrf1);
	(xrf1) =	vsort.ascd.msk.f32 $0xffff, v23, v23  }
0x1ee: {  	[dreg:$0xd] =	wrdreg s5;
	s0 =	sshra.s32 s31, $0x2;
	v61 =	vld [tilespmem:s24+$0x4F90];
	v43 =	vmax.f32 v45, v35;
	v45 =	vmax.f32 v45, v33;
	v20, _, _ =	vpop (xrf1);
	(xrf1) =	vsort.ascd.msk.f32 $0xffff, v51, v51  }
0x1ef: {  	[dreg:$0xe] =	wrdreg s6;
	s25 =	sor.u32 $0xC, s6;
	s26 =	simm.s32 $0x180;
	[tilespmem:$0x1FE40] =	vst v3;
	v26 =	vld [tilespmem:s0+$0x3400];
	v35 =	vmax.f32 v43, v45;
	v23 =	vmin.f32 v39, v30;
	(xrf1) =	vsort.dscd.msk.f32 $0xffff, v59, v59;
	v33, _, _ =	vpop (xrf1)  }
.LBB2_10:
0x1f0: {  	s0 =	sshra.s32 s26, $0x2;
	p0 =	sne.s32 s26, $0xB80;
	s26 =	sadd.s32 $0x80, s26;
	v13, _, _ =	vpop (xrf1);
	v30 =	vmax.f32 v39, v30;
	(xrf1) =	vsort.dscd.msk.f32 $0xffff, v37, v37  }
0x1f1: {  	v43 =	vmin.f32 v43, v45;
	v5 =	vmin.f32 v9, v5;
	v37 =	vld.idx.msk [tilespmem:v1+s0+$0x930 ss:$0x1], $0xffff;
	v39, _, _ =	vpop (xrf1);
	(xrf1) =	vsort.dscd.msk.f32 $0xffff, v40, v40  }
0x1f2: {  	v3 =	vmin.f32 v19, v5;
	v9 =	vld.idx.msk [tilespmem:v1+s0+$0x10 ss:$0x1], $0xffff;
	(xrf1) =	vsort.ascd.msk.f32 $0xffff, v8, v8;
	v8 =	vmax.f32 v19, v5;
	v19, _, _ =	vpop (xrf1)  }
0x1f3: {  	v40 =	vld.idx.msk [tilespmem:v1+s0+$0x0 ss:$0x1], $0xffff;
	v45, _, _ =	vpop (xrf1);
	(xrf1) =	vsort.dscd.msk.f32 $0xffff, v3, v3  }
0x1f4: {  	v51 =	vld.idx.msk [tilespmem:v0+s0+$0x0 ss:$0x1], $0xffff;
	v5, _, _ =	vpop (xrf1);
	(xrf1) =	vsort.dscd.msk.f32 $0xffff, v47, v47  }
0x1f5: {  	v47 =	vld.idx.msk [tilespmem:v0+s0+$0x10 ss:$0x1], $0xffff;
	(xrf1) =	vsort.ascd.msk.f32 $0xffff, v11, v11;
	v54, _, _ =	vpop (xrf1)  }
0x1f6: {  	v11 =	vld.idx.msk [tilespmem:v1+s0+$0x310 ss:$0x1], $0xffff;
	v58, _, _ =	vpop (xrf1);
	(xrf1) =	vsort.dscd.msk.f32 $0xffff, v29, v29  }
0x1f7: {  	v29 =	vld.idx.msk [tilespmem:v1+s0+$0x320 ss:$0x1], $0xffff;
	v3 =	vmax.f32 v33, v58;
	v33 =	vmin.f32 v33, v58;
	v58, _, _ =	vpop (xrf1);
	(xrf1) =	vsort.dscd.msk.f32 $0xffff, v8, v8  }
0x1f8: {  	v8 =	vld.idx.msk [tilespmem:v1+s0+$0x630 ss:$0x1], $0xffff;
	(xrf1) =	vsort.ascd.msk.f32 $0xffff, v3, v3;
	v59, _, _ =	vpop (xrf1)  }
0x1f9: {  	v63 =	vld.idx.msk [tilespmem:v1+s0+$0x940 ss:$0x1], $0xffff;
	v59 =	vmax.f32 v59, v7;
	(xrf1) =	vsort.dscd.msk.f32 $0xffff, v25, v25;
	v25, _, _ =	vpop (xrf1)  }
0x1fa: {  	v21 =	vmax.f32 v14, v20;
	v37 =	vmul.f32 v37, v51;
	v18 =	vld.idx.msk [tilespmem:v1+s0+$0x620 ss:$0x1], $0xffff;
	(xrf1) =	vsort.dscd.msk.f32 $0xffff, v35, v35;
	v35, _, _ =	vpop (xrf1)  }
0x1fb: {  	v14 =	vmin.f32 v14, v20;
	v40 =	vmul.f32 v40, v51;
	v20, _, _ =	vpop (xrf1);
	(xrf1) =	vsort.dscd.msk.f32 $0xffff, v23, v23  }
0x1fc: {  	v25 =	vmin.f32 v25, v45;
	v23 =	vmul.f32 v11, v51;
	v22, _, _ =	vpop (xrf1);
	(xrf1) =	vsort.dscd.msk.f32 $0xffff, v43, v43  }
0x1fd: {  	v3 =	vmul.f32 v29, v47;
	v29, _, _ =	vpop (xrf1);
	(xrf1) =	vsort.dscd.msk.f32 $0xffff, v30, v30  }
0x1fe: {  	v6 =	vmul.f32 v9, v47;
	v11 =	vmul.f32 v8, v47;
	(xrf1) =	vsort.ascd.msk.f32 $0xffff, v21, v21;
	v21, _, _ =	vpop (xrf1)  }
0x1ff: {  	v30 =	vmul.f32 v63, v47;
	(xrf1) =	vsort.ascd.msk.f32 $0xffff, v40, v40;
	v40, _, _ =	vpop (xrf1)  }
0x200: {  	v43 =	vmin.f32 v19, v22;
	v8 =	vmul.f32 v18, v51;
	(xrf1) =	vsort.dscd.msk.f32 $0xffff, v6, v6;
	v18, _, _ =	vpop (xrf1)  }
0x201: {  	v47 =	vmax.f32 v40, v20;
	(xrf1) =	vsort.ascd.msk.f32 $0xffff, v37, v37;
	v19 =	vmax.f32 v18, v39;
	v9, _, _ =	vpop (xrf1)  }
0x202: {  	(xrf1) =	vsort.ascd.msk.f32 $0xffff, v14, v14;
	v14 =	vmin.f32 v21, v20;
	v20, _, _ =	vpop (xrf1)  }
0x203: {  	v35 =	vmin.f32 v35, v7;
	(xrf1) =	vsort.dscd.msk.f32 $0xffff, v11, v11;
	v21 =	vmax.f32 v43, v14;
	v37, _, _ =	vpop (xrf1)  }
0x204: {  	v11 =	vmin.f32 v18, v39;
	v18 =	vmax.f32 v20, v22;
	(xrf1) =	vsort.dscd.msk.f32 $0xffff, v21, v21;
	v7, _, _ =	vpop (xrf1)  }
0x205: {  	v21 =	vmax.f32 v54, v45;
	(xrf1) =	vsort.ascd.msk.f32 $0xffff, v33, v33;
	v20 =	vmax.f32 v7, v37;
	v22, _, _ =	vpop (xrf1)  }
0x206: {  	v6 =	vmax.f32 v21, v59;
	(xrf1) =	vsort.ascd.msk.f32 $0xffff, v19, v19;
	v7, _, _ =	vpop (xrf1);
	v19 =	vmin.f32 v22, v37  }
0x207: {  	v21 =	vmin.f32 v21, v59;
	v33 =	vmax.f32 v25, v35;
	(xrf1) =	vsort.dscd.msk.f32 $0xffff, v6, v6;
	v22, _, _ =	vpop (xrf1)  }
0x208: {  	v37 =	vmin.f32 v43, v14;
	(xrf1) =	vsort.dscd.msk.f32 $0xffff, v30, v30;
	v14 =	vmax.f32 v22, v5;
	v22, _, _ =	vpop (xrf1)  }
0x209: {  	v43 =	vmin.f32 v58, v29;
	(xrf1) =	vsort.ascd.msk.f32 $0xffff, v23, v23;
	v23 =	vmax.f32 v58, v29;
	v29, _, _ =	vpop (xrf1)  }
0x20a: {  	v40 =	vmin.f32 v18, v47;
	v30 =	vmin.f32 v29, v4;
	(xrf1) =	vsort.dscd.msk.f32 $0xffff, v21, v21;
	v21, _, _ =	vpop (xrf1)  }
.Ltmp3:
0x20b: {  	v35 =	vmin.f32 v25, v35;
	v29 =	vmax.f32 v20, v14;
	(xrf1) =	vsort.dscd.msk.f32 $0xffff, v33, v33;
	v25, _, _ =	vpop (xrf1);
	(pc) =	sbr.rel @p0 .LBB2_10-.Ltmp3, $4  }
0x20c: {  	v33, _, _ =	vpop (xrf1);
	v39 =	vmin.f32 v25, v13;
	v25 =	vmin.f32 v20, v14;
	(xrf1) =	vsort.dscd.msk.f32 $0xffff, v35, v35  }
0x20d: {  	v14, _, _ =	vpop (xrf1);
	(xrf1) =	vsort.ascd.msk.f32 $0xffff, v23, v23;
	v23 =	vmin.f32 v39, v30  }
0x20e: {  	v45 =	vmax.f32 v21, v4;
	v4 =	vmov v33;
	v20, _, _ =	vpop (xrf1);
	(xrf1) =	vsort.ascd.msk.f32 $0xffff, v43, v43;
	v43 =	vmax.f32 v22, v13  }
0x20f: {  	v47 =	vmax.f32 v18, v47;
	(xrf1) =	vsort.dscd.msk.f32 $0xffff, v3, v3;
	v33, _, _ =	vpop (xrf1);
	v35 =	vmax.f32 v43, v45  }
0x210: {  	(xrf1) =	vsort.dscd.msk.f32 $0xffff, v37, v37;
	v1, _, _ =	vpop (xrf1)  }
0x211: {  	v3, _, _ =	vpop (xrf1)  }
0x212: {  	v5 =	vmin.f32 v9, v5;
	(xrf1) =	vsort.dscd.msk.f32 $0xffff, v40, v40;
	v9, _, _ =	vpop (xrf1)  }
0x213: {  	v59 =	vmin.f32 v19, v5;
	(xrf1) =	vsort.ascd.msk.f32 $0xffff, v8, v8;
	v13, _, _ =	vpop (xrf1)  }
0x214: {  	(xrf1) =	vsort.dscd.msk.f32 $0xffff, v59, v59;
	v8, _, _ =	vpop (xrf1)  }
0x215: {  	(xrf1) =	vsort.dscd.msk.f32 $0xffff, v47, v47;
	v18, _, _ =	vpop (xrf1)  }
0x216: {  	(xrf1) =	vsort.ascd.msk.f32 $0xffff, v11, v11;
	v63, _, _ =	vpop (xrf1)  }
0x217: {  	v5 =	vmax.f32 v19, v5;
	(xrf1) =	vsort.dscd.msk.f32 $0xffff, v29, v29;
	v19, _, _ =	vpop (xrf1)  }
0x218: {  	(xrf1) =	vsort.dscd.msk.f32 $0xffff, v5, v5;
	v37 =	vmax.f32 v33, v63;
	v21, _, _ =	vpop (xrf1)  }
0x219: {  	(xrf1) =	vsort.ascd.msk.f32 $0xffff, v37, v37;
	v40, _, _ =	vpop (xrf1)  }
0x21a: {  	(xrf1) =	vsort.dscd.msk.f32 $0xffff, v25, v25;
	v22, _, _ =	vpop (xrf1)  }
0x21b: {  	(xrf1) =	vsort.dscd.msk.f32 $0xffff, v35, v35;
	v25, _, _ =	vpop (xrf1)  }
0x21c: {  	v47 =	vmin.f32 v43, v45;
	(xrf1) =	vsort.dscd.msk.f32 $0xffff, v23, v23;
	v23, _, _ =	vpop (xrf1)  }
0x21d: {  	v30 =	vmax.f32 v39, v30;
	v51 =	vmax.f32 v14, v20;
	(xrf1) =	vsort.dscd.msk.f32 $0xffff, v47, v47;
	v29, _, _ =	vpop (xrf1)  }
0x21e: {  	v54 =	vmin.f32 v14, v20;
	v11 =	vmin.f32 v33, v63;
	(xrf1) =	vsort.dscd.msk.f32 $0xffff, v30, v30;
	v58, _, _ =	vpop (xrf1)  }
0x21f: {  	v9 =	vmin.f32 v9, v23;
	(xrf1) =	vsort.ascd.msk.f32 $0xffff, v51, v51;
	v20 =	vmin.f32 v58, v25  }
0x220: {  	(xrf1) =	vsort.ascd.msk.f32 $0xffff, v54, v54;
	v59 =	vmax.f32 v9, v20  }
0x221: {  	v18 =	vmax.f32 v18, v13;
	v63, _, _ =	vpop (xrf1);
	(xrf1) =	vsort.dscd.msk.f32 $0xffff, v59, v59  }
0x222: {  	v21 =	vmax.f32 v21, v7;
	v5 =	vmin.f32 v40, v13;
	(xrf1) =	vsort.ascd.msk.f32 $0xffff, v11, v11;
	v11, _, _ =	vpop (xrf1)  }
0x223: {  	v40 =	vmax.f32 v18, v21;
	v18 =	vmin.f32 v18, v21;
	v12 =	vmax.f32 v11, v3;
	v37, _, _ =	vpop (xrf1)  }
0x224: {  	v43 =	vmin.f32 v22, v7;
	(xrf1) =	vsort.ascd.msk.f32 $0xffff, v12, v12;
	v39, _, _ =	vpop (xrf1)  }
0x225: {  	v22 =	vmax.f32 v5, v43;
	v5 =	vmin.f32 v5, v43;
	(xrf1) =	vsort.dscd.msk.f32 $0xffff, v40, v40;
	v21, _, _ =	vpop (xrf1)  }
0x226: {  	(xrf1) =	vsort.dscd.msk.f32 $0xffff, v18, v18;
	v18, _, _ =	vpop (xrf1)  }
0x227: {  	v47 =	vmax.f32 v19, v29;
	v19 =	vmin.f32 v19, v29;
	(xrf1) =	vsort.dscd.msk.f32 $0xffff, v22, v22;
	v45, _, _ =	vpop (xrf1)  }
0x228: {  	(xrf1) =	vsort.dscd.msk.f32 $0xffff, v5, v5;
	v5, _, _ =	vpop (xrf1)  }
0x229: {  	(xrf1) =	vsort.ascd.msk.f32 $0xffff, v47, v47;
	v51, _, _ =	vpop (xrf1)  }
0x22a: {  	v9 =	vmin.f32 v9, v20;
	(xrf1) =	vsort.ascd.msk.f32 $0xffff, v19, v19;
	v19, _, _ =	vpop (xrf1)  }
0x22b: {  	(xrf1) =	vsort.dscd.msk.f32 $0xffff, v9, v9;
	v54, _, _ =	vpop (xrf1)  }
0x22c: {  	v58, _, _ =	vpop (xrf1)  }
0x22d: {  	v59, _, _ =	vpop (xrf1)  }
0x22e: {  	v14 =	vmax.f32 v63, v25;
	v13 =	vmax.f32 v39, v23;
	v23, _, _ =	vpop (xrf1)  }
0x22f: {  	v63 =	vmin.f32 v37, v8;
	v12 =	vmin.f32 v13, v14;
	v7 =	vmin.f32 v45, v21;
	v33, _, _ =	vpop (xrf1)  }
0x230: {  	v3 =	vmin.f32 v11, v3;
	v37 =	vmin.f32 v7, v63;
	(xrf1) =	vsort.dscd.msk.f32 $0xffff, v12, v12;
	v39, _, _ =	vpop (xrf1)  }
0x231: {  	v40 =	vmax.f32 v13, v14;
	(xrf1) =	vsort.dscd.msk.f32 $0xffff, v37, v37;
	v43, _, _ =	vpop (xrf1)  }
0x232: {  	v45 =	vmax.f32 v18, v21;
	v8 =	vmax.f32 v51, v8;
	(xrf1) =	vsort.dscd.msk.f32 $0xffff, v40, v40;
	v11, _, _ =	vpop (xrf1)  }
0x233: {  	v7 =	vmax.f32 v7, v63;
	v18 =	vmax.f32 v45, v8;
	(xrf1) =	vsort.ascd.msk.f32 $0xffff, v3, v3;
	v3, _, _ =	vpop (xrf1)  }
0x234: {  	v8 =	vmin.f32 v45, v8;
	v9 =	vmin.f32 v54, v4;
	(xrf1) =	vsort.dscd.msk.f32 $0xffff, v18, v18;
	v47, _, _ =	vpop (xrf1)  }
0x235: {  	v54 =	vmax.f32 v19, v1;
	v51 =	vmax.f32 v58, v4;
	(xrf1) =	vsort.dscd.msk.f32 $0xffff, v7, v7;
	v58, _, _ =	vpop (xrf1)  }
0x236: {  	v1 =	vmin.f32 v59, v1;
	v59 =	vmax.f32 v54, v51;
	(xrf1) =	vsort.dscd.msk.f32 $0xffff, v8, v8;
	v63, _, _ =	vpop (xrf1)  }
0x237: {  	v12 =	vmin.f32 v1, v9;
	(xrf1) =	vsort.dscd.msk.f32 $0xffff, v59, v59;
	v25, _, _ =	vpop (xrf1)  }
0x238: {  	v4 =	vmin.f32 v54, v51;
	(xrf1) =	vsort.dscd.msk.f32 $0xffff, v12, v12;
	v29, _, _ =	vpop (xrf1)  }
0x239: {  	v1 =	vmax.f32 v1, v9;
	(xrf1) =	vsort.dscd.msk.f32 $0xffff, v4, v4;
	v30, _, _ =	vpop (xrf1)  }
0x23a: {  	(xrf1) =	vsort.dscd.msk.f32 $0xffff, v1, v1;
	v1 =	vmin.f32 v39, v29;
	v4 =	vmin.f32 v30, v25  }
0x23b: {  	v3 =	vmax.f32 v3, v43;
	v37 =	vmax.f32 v47, v5;
	v39 =	vmax.f32 v1, v4  }
0x23c: {  	v13 =	vmin.f32 v58, v43;
	v40 =	vmax.f32 v3, v37;
	(xrf1) =	vsort.dscd.msk.f32 $0xffff, v39, v39  }
0x23d: {  	v3 =	vmin.f32 v3, v37;
	v5 =	vmin.f32 v63, v5;
	(xrf1) =	vsort.dscd.msk.f32 $0xffff, v40, v40  }
0x23e: {  	(xrf1) =	vsort.dscd.msk.f32 $0xffff, v3, v3;
	v3 =	vmax.f32 v13, v5;
	_ =	sdelay $0x2  }
0x23f: {  	(xrf1) =	vsort.dscd.msk.f32 $0xffff, v3, v3;
	v3, _, _ =	vpop (xrf1)  }
0x240: {  	v43, _, _ =	vpop (xrf1)  }
0x241: {  	v45, _, _ =	vpop (xrf1)  }
0x242: {  	v5 =	vmin.f32 v13, v5;
	v47, _, _ =	vpop (xrf1)  }
0x243: {  	v1 =	vmin.f32 v1, v4;
	(xrf1) =	vsort.dscd.msk.f32 $0xffff, v5, v5;
	v51, _, _ =	vpop (xrf1)  }
0x244: {  	v3 =	vmax.f32 v3, v25;
	(xrf1) =	vsort.dscd.msk.f32 $0xffff, v1, v1;
	v7 =	vmax.f32 v45, v29;
	v54, _, _ =	vpop (xrf1)  }
0x245: {  	v5 =	vmin.f32 v43, v11;
	v59 =	vmin.f32 v7, v3;
	v4 =	vmin.f32 v54, v47  }
0x246: {  	v3 =	vmax.f32 v7, v3;
	(xrf1) =	vsort.dscd.msk.f32 $0xffff, v59, v59;
	v1, _, _ =	vpop (xrf1);
	v18 =	vmin.f32 v4, v5  }
0x247: {  	v9 =	vmax.f32 v51, v47;
	v58, _, _ =	vpop (xrf1);
	v1 =	vmax.f32 v1, v11;
	(xrf1) =	vsort.dscd.msk.f32 $0xffff, v18, v18  }
0x248: {  	v63, _, _ =	vpop (xrf1);
	(xrf1) =	vsort.dscd.msk.f32 $0xffff, v3, v3;
	v3 =	vmax.f32 v9, v1  }
0x249: {  	v19, _, _ =	vpop (xrf1)  }
0x24a: {  	v20, _, _ =	vpop (xrf1)  }
0x24b: {  	v4 =	vmax.f32 v4, v5;
	v1 =	vmin.f32 v9, v1;
	(xrf1) =	vsort.dscd.msk.f32 $0xffff, v3, v3;
	v3, _, _ =	vpop (xrf1)  }
0x24c: {  	v21 =	vmax.f32 v19, v23;
	(xrf1) =	vsort.dscd.msk.f32 $0xffff, v4, v4;
	[tilespmem:$0x1FD90] =	vst v3;
	v3 =	vmax.f32 v58, v33  }
0x24d: {  	(xrf1) =	vsort.dscd.msk.f32 $0xffff, v1, v1;
	v1 =	vmax.f32 v3, v21  }
0x24e: {  	v6, _, _ =	vpop (xrf1)  }
0x24f: {  	v22, _, _ =	vpop (xrf1)  }
0x250: {  	v23 =	vmin.f32 v63, v23;
	v25 =	vmin.f32 v20, v33;
	(xrf1) =	vsort.dscd.msk.f32 $0xffff, v1, v1;
	v1, _, _ =	vpop (xrf1)  }
0x251: {  	[tilespmem:$0x1FDE0] =	vst v1;
	v1 =	vmin.f32 v25, v23  }
0x252: {  	v3 =	vmin.f32 v3, v21;
	(xrf1) =	vsort.dscd.msk.f32 $0xffff, v1, v1  }
0x253: {  	v12, _, _ =	vpop (xrf1);
	(xrf1) =	vsort.dscd.msk.f32 $0xffff, v3, v3;
	v3 =	vld [tilespmem:$0x1FFB0];
	_ =	sdelay $0x4  }
0x254: {  	v1 =	vmax.f32 v25, v23;
	v3 =	vmul.f32 v3, v2  }
0x255: {  	(xrf1) =	vsort.dscd.msk.f32 $0xffff, v1, v1  }
0x256: {  	(xrf1) =	vsort.ascd.msk.f32 $0xffff, v3, v3;
	_ =	sdelay $0x2  }
0x257: {  	v14, _, _ =	vpop (xrf1)  }
0x258: {  	v20, _, _ =	vpop (xrf1)  }
0x259: {  	v8, _, _ =	vpop (xrf1)  }
0x25a: {  	v25, _, _ =	vpop (xrf1)  }
0x25b: {  	v13, _, _ =	vpop (xrf1)  }
0x25c: {  	v1, _, _ =	vpop (xrf1)  }
0x25d: {  	[tilespmem:$0x1FDC0] =	vst v1;
	v1, _, _ =	vpop (xrf1)  }
0x25e: {  	v39, _, _ =	vpop (xrf1)  }
0x25f: {  	v35, _, _ =	vpop (xrf1)  }
0x260: {  	v37, _, _ =	vpop (xrf1)  }
0x261: {  	v30, _, _ =	vpop (xrf1)  }
0x262: {  	[tilespmem:$0x1FDA0] =	vst v1;
	v1, _, _ =	vpop (xrf1)  }
0x263: {  	v3 =	vmax.f32 v17, v1  }
0x264: {  	(xrf1) =	vsort.dscd.msk.f32 $0xffff, v3, v3;
	v3 =	vmin.f32 v17, v1  }
0x265: {  	(xrf1) =	vsort.ascd.msk.f32 $0xffff, v3, v3;
	_ =	sdelay $0x9  }
0x266: {  	v29 =	vld [tilespmem:$0x1FF60];
	_ =	sdelay $0x2  }
0x267: {  	v3, _, _ =	vpop (xrf1)  }
0x268: {  	[tilespmem:$0x1FDB0] =	vst v3;
	v3, _, _ =	vpop (xrf1)  }
0x269: {  	v3 =	vmax.f32 v29, v3  }
0x26a: {  	(xrf1) =	vsort.dscd.msk.f32 $0xffff, v3, v3;
	v3 =	vmin.f32 v15, v1  }
0x26b: {  	v1 =	vmax.f32 v15, v1;
	(xrf1) =	vsort.dscd.msk.f32 $0xffff, v3, v3  }
0x26c: {  	(xrf1) =	vsort.ascd.msk.f32 $0xffff, v1, v1;
	_ =	sdelay $0x9  }
0x26d: {  	v3 =	vld [tilespmem:$0x1FF50];
	_ =	sdelay $0x1  }
0x26e: {  	v18, _, _ =	vpop (xrf1)  }
0x26f: {  	[tilespmem:$0x1FDD0] =	vst v22;
	v22, _, _ =	vpop (xrf1)  }
0x270: {  	v1, _, _ =	vpop (xrf1)  }
0x271: {  	v1 =	vmin.f32 v3, v1;
	v3 =	vld [tilespmem:$0x1FFC0];
	_ =	sdelay $0x4  }
0x272: {  	v3 =	vmul.f32 v3, v2  }
0x273: {  	(xrf1) =	vsort.dscd.msk.f32 $0xffff, v1, v1  }
0x274: {  	(xrf1) =	vsort.ascd.msk.f32 $0xffff, v3, v3;
	_ =	sdelay $0xc  }
0x275: {  	v21, _, _ =	vpop (xrf1)  }
0x276: {  	v1, _, _ =	vpop (xrf1)  }
0x277: {  	v3 =	vmax.f32 v16, v1  }
0x278: {  	(xrf1) =	vsort.dscd.msk.f32 $0xffff, v3, v3;
	v3 =	vmin.f32 v16, v1  }
0x279: {  	(xrf1) =	vsort.ascd.msk.f32 $0xffff, v3, v3;
	_ =	sdelay $0x9  }
0x27a: {  	v33 =	vld [tilespmem:$0x1FFA0];
	_ =	sdelay $0x2  }
0x27b: {  	v17, _, _ =	vpop (xrf1)  }
0x27c: {  	v3, _, _ =	vpop (xrf1)  }
0x27d: {  	v3 =	vmax.f32 v33, v3  }
0x27e: {  	(xrf1) =	vsort.dscd.msk.f32 $0xffff, v3, v3;
	_ =	sdelay $0x2  }
0x27f: {  	v3 =	vmin.f32 v27, v1  }
0x280: {  	v1 =	vmax.f32 v27, v1;
	(xrf1) =	vsort.dscd.msk.f32 $0xffff, v3, v3  }
0x281: {  	(xrf1) =	vsort.ascd.msk.f32 $0xffff, v1, v1;
	_ =	sdelay $0x8  }
0x282: {  	v19, _, _ =	vpop (xrf1)  }
0x283: {  	v3 =	vld [tilespmem:$0x1FF90];
	_ =	sdelay $0x2  }
0x284: {  	v16, _, _ =	vpop (xrf1)  }
0x285: {  	v1, _, _ =	vpop (xrf1)  }
0x286: {  	v1 =	vmin.f32 v3, v1;
	v3 =	vld [tilespmem:$0x1FFD0];
	_ =	sdelay $0x4  }
0x287: {  	v3 =	vmul.f32 v3, v2  }
0x288: {  	(xrf1) =	vsort.dscd.msk.f32 $0xffff, v1, v1  }
0x289: {  	(xrf1) =	vsort.ascd.msk.f32 $0xffff, v3, v3;
	_ =	sdelay $0x9  }
0x28a: {  	v40 =	vld [tilespmem:$0x1FF10];
	_ =	sdelay $0x2  }
0x28b: {  	v23, _, _ =	vpop (xrf1)  }
0x28c: {  	v1, _, _ =	vpop (xrf1)  }
0x28d: {  	v3 =	vmax.f32 v40, v1  }
0x28e: {  	(xrf1) =	vsort.dscd.msk.f32 $0xffff, v3, v3;
	v3 =	vmin.f32 v40, v1  }
0x28f: {  	(xrf1) =	vsort.ascd.msk.f32 $0xffff, v3, v3;
	_ =	sdelay $0x9  }
0x290: {  	v43 =	vld [tilespmem:$0x1FF20];
	_ =	sdelay $0x2  }
0x291: {  	v15, _, _ =	vpop (xrf1)  }
0x292: {  	v3, _, _ =	vpop (xrf1)  }
0x293: {  	v3 =	vmax.f32 v43, v3  }
0x294: {  	(xrf1) =	vsort.dscd.msk.f32 $0xffff, v3, v3;
	v3 =	vmin.f32 v10, v1  }
0x295: {  	v1 =	vmax.f32 v10, v1;
	(xrf1) =	vsort.dscd.msk.f32 $0xffff, v3, v3  }
0x296: {  	(xrf1) =	vsort.ascd.msk.f32 $0xffff, v1, v1;
	_ =	sdelay $0x9  }
0x297: {  	v3 =	vld [tilespmem:$0x1FF30];
	_ =	sdelay $0x1  }
0x298: {  	v27, _, _ =	vpop (xrf1)  }
0x299: {  	v11, _, _ =	vpop (xrf1)  }
0x29a: {  	v1, _, _ =	vpop (xrf1)  }
0x29b: {  	v1 =	vmin.f32 v3, v1;
	v3 =	vld [tilespmem:$0x1FFE0];
	_ =	sdelay $0x4  }
0x29c: {  	v3 =	vmul.f32 v3, v2  }
0x29d: {  	(xrf1) =	vsort.dscd.msk.f32 $0xffff, v1, v1  }
0x29e: {  	(xrf1) =	vsort.ascd.msk.f32 $0xffff, v3, v3;
	_ =	sdelay $0x9  }
0x29f: {  	v45 =	vld [tilespmem:$0x1FF00];
	_ =	sdelay $0x2  }
0x2a0: {  	v29, _, _ =	vpop (xrf1)  }
0x2a1: {  	v1, _, _ =	vpop (xrf1)  }
0x2a2: {  	v3 =	vmax.f32 v45, v1  }
0x2a3: {  	(xrf1) =	vsort.dscd.msk.f32 $0xffff, v3, v3;
	v3 =	vmin.f32 v45, v1  }
0x2a4: {  	(xrf1) =	vsort.ascd.msk.f32 $0xffff, v3, v3;
	_ =	sdelay $0x9  }
0x2a5: {  	v47 =	vld [tilespmem:$0x1FF80]  }
0x2a6: {  	v51 =	vld [tilespmem:$0x1FF70];
	_ =	sdelay $0x1  }
0x2a7: {  	v10, _, _ =	vpop (xrf1)  }
0x2a8: {  	v3, _, _ =	vpop (xrf1)  }
0x2a9: {  	v3 =	vmax.f32 v47, v3  }
0x2aa: {  	(xrf1) =	vsort.dscd.msk.f32 $0xffff, v3, v3;
	v3 =	vmin.f32 v51, v1  }
0x2ab: {  	v1 =	vmax.f32 v51, v1;
	(xrf1) =	vsort.dscd.msk.f32 $0xffff, v3, v3  }
0x2ac: {  	(xrf1) =	vsort.ascd.msk.f32 $0xffff, v1, v1;
	_ =	sdelay $0x9  }
0x2ad: {  	v3 =	vld [tilespmem:$0x1FF40];
	_ =	sdelay $0x1  }
0x2ae: {  	v33, _, _ =	vpop (xrf1)  }
0x2af: {  	v9, _, _ =	vpop (xrf1)  }
0x2b0: {  	v1, _, _ =	vpop (xrf1)  }
0x2b1: {  	v1 =	vmin.f32 v3, v1;
	v3 =	vmul.f32 v42, v2  }
0x2b2: {  	(xrf1) =	vsort.dscd.msk.f32 $0xffff, v1, v1  }
0x2b3: {  	(xrf1) =	vsort.ascd.msk.f32 $0xffff, v3, v3;
	_ =	sdelay $0xc  }
0x2b4: {  	v42, _, _ =	vpop (xrf1)  }
0x2b5: {  	v1, _, _ =	vpop (xrf1)  }
0x2b6: {  	v3 =	vmax.f32 v38, v1  }
0x2b7: {  	(xrf1) =	vsort.dscd.msk.f32 $0xffff, v3, v3;
	v3 =	vmin.f32 v38, v1  }
0x2b8: {  	(xrf1) =	vsort.ascd.msk.f32 $0xffff, v3, v3;
	_ =	sdelay $0x9  }
0x2b9: {  	v54 =	vld [tilespmem:$0x1FEC0];
	_ =	sdelay $0x2  }
0x2ba: {  	v38, _, _ =	vpop (xrf1)  }
0x2bb: {  	v3, _, _ =	vpop (xrf1)  }
0x2bc: {  	v3 =	vmax.f32 v54, v3  }
0x2bd: {  	(xrf1) =	vsort.dscd.msk.f32 $0xffff, v3, v3;
	v3 =	vmin.f32 v36, v1  }
0x2be: {  	v1 =	vmax.f32 v36, v1;
	(xrf1) =	vsort.dscd.msk.f32 $0xffff, v3, v3  }
0x2bf: {  	(xrf1) =	vsort.ascd.msk.f32 $0xffff, v1, v1;
	_ =	sdelay $0x9  }
0x2c0: {  	v3 =	vld [tilespmem:$0x1FED0];
	_ =	sdelay $0x1  }
0x2c1: {  	v40, _, _ =	vpop (xrf1)  }
0x2c2: {  	v36, _, _ =	vpop (xrf1)  }
0x2c3: {  	v1, _, _ =	vpop (xrf1)  }
0x2c4: {  	v1 =	vmin.f32 v3, v1;
	v3 =	vmul.f32 v41, v2  }
0x2c5: {  	(xrf1) =	vsort.dscd.msk.f32 $0xffff, v1, v1  }
0x2c6: {  	(xrf1) =	vsort.ascd.msk.f32 $0xffff, v3, v3;
	_ =	sdelay $0xc  }
0x2c7: {  	v41, _, _ =	vpop (xrf1)  }
0x2c8: {  	v1, _, _ =	vpop (xrf1)  }
0x2c9: {  	v3 =	vmax.f32 v34, v1  }
0x2ca: {  	(xrf1) =	vsort.dscd.msk.f32 $0xffff, v3, v3;
	v3 =	vmin.f32 v34, v1  }
0x2cb: {  	(xrf1) =	vsort.ascd.msk.f32 $0xffff, v3, v3;
	_ =	sdelay $0x9  }
0x2cc: {  	v58 =	vld [tilespmem:$0x1FE90];
	_ =	sdelay $0x2  }
0x2cd: {  	v34, _, _ =	vpop (xrf1)  }
0x2ce: {  	v3, _, _ =	vpop (xrf1)  }
0x2cf: {  	v3 =	vmax.f32 v58, v3  }
0x2d0: {  	(xrf1) =	vsort.dscd.msk.f32 $0xffff, v3, v3;
	v3 =	vmin.f32 v32, v1  }
0x2d1: {  	v1 =	vmax.f32 v32, v1;
	(xrf1) =	vsort.dscd.msk.f32 $0xffff, v3, v3  }
0x2d2: {  	(xrf1) =	vsort.ascd.msk.f32 $0xffff, v1, v1;
	_ =	sdelay $0x9  }
0x2d3: {  	v3 =	vld [tilespmem:$0x1FE50];
	_ =	sdelay $0x1  }
0x2d4: {  	v43, _, _ =	vpop (xrf1)  }
0x2d5: {  	v32, _, _ =	vpop (xrf1)  }
0x2d6: {  	v1, _, _ =	vpop (xrf1)  }
0x2d7: {  	v1 =	vmin.f32 v3, v1;
	v3 =	vld [tilespmem:$0x1FEE0];
	_ =	sdelay $0x4  }
0x2d8: {  	v3 =	vmul.f32 v3, v2  }
0x2d9: {  	(xrf1) =	vsort.dscd.msk.f32 $0xffff, v1, v1  }
0x2da: {  	(xrf1) =	vsort.ascd.msk.f32 $0xffff, v3, v3;
	_ =	sdelay $0xc  }
0x2db: {  	v45, _, _ =	vpop (xrf1)  }
0x2dc: {  	v1, _, _ =	vpop (xrf1)  }
0x2dd: {  	v3 =	vmax.f32 v31, v1  }
0x2de: {  	(xrf1) =	vsort.dscd.msk.f32 $0xffff, v3, v3;
	v3 =	vmin.f32 v31, v1  }
0x2df: {  	(xrf1) =	vsort.ascd.msk.f32 $0xffff, v3, v3;
	_ =	sdelay $0x9  }
0x2e0: {  	v59 =	vld [tilespmem:$0x1FEB0];
	_ =	sdelay $0x2  }
0x2e1: {  	v47, _, _ =	vpop (xrf1)  }
0x2e2: {  	v3, _, _ =	vpop (xrf1)  }
0x2e3: {  	v3 =	vmax.f32 v59, v3  }
0x2e4: {  	(xrf1) =	vsort.dscd.msk.f32 $0xffff, v3, v3;
	v3 =	vmin.f32 v28, v1  }
0x2e5: {  	v1 =	vmax.f32 v28, v1;
	(xrf1) =	vsort.dscd.msk.f32 $0xffff, v3, v3  }
0x2e6: {  	(xrf1) =	vsort.ascd.msk.f32 $0xffff, v1, v1;
	_ =	sdelay $0x9  }
0x2e7: {  	v3 =	vld [tilespmem:$0x1FEA0];
	_ =	sdelay $0x1  }
0x2e8: {  	v54, _, _ =	vpop (xrf1)  }
0x2e9: {  	v51, _, _ =	vpop (xrf1)  }
0x2ea: {  	v1, _, _ =	vpop (xrf1)  }
0x2eb: {  	v1 =	vmin.f32 v3, v1;
	v3 =	vld [tilespmem:$0x1FEF0];
	_ =	sdelay $0x4  }
0x2ec: {  	v3 =	vmul.f32 v3, v2  }
0x2ed: {  	(xrf1) =	vsort.dscd.msk.f32 $0xffff, v1, v1  }
0x2ee: {  	(xrf1) =	vsort.ascd.msk.f32 $0xffff, v3, v3;
	_ =	sdelay $0x9  }
0x2ef: {  	v63 =	vld [tilespmem:$0x1FE60];
	_ =	sdelay $0x2  }
0x2f0: {  	v58, _, _ =	vpop (xrf1)  }
0x2f1: {  	v1, _, _ =	vpop (xrf1)  }
0x2f2: {  	v3 =	vmax.f32 v63, v1  }
0x2f3: {  	(xrf1) =	vsort.dscd.msk.f32 $0xffff, v3, v3;
	v3 =	vmin.f32 v63, v1  }
0x2f4: {  	(xrf1) =	vsort.ascd.msk.f32 $0xffff, v3, v3;
	_ =	sdelay $0x9  }
0x2f5: {  	v28 =	vld [tilespmem:$0x1FE70];
	_ =	sdelay $0x2  }
0x2f6: {  	v59, _, _ =	vpop (xrf1)  }
0x2f7: {  	v3, _, _ =	vpop (xrf1)  }
0x2f8: {  	v3 =	vmax.f32 v28, v3  }
0x2f9: {  	(xrf1) =	vsort.dscd.msk.f32 $0xffff, v3, v3;
	v3 =	vmin.f32 v62, v1  }
0x2fa: {  	v1 =	vmax.f32 v62, v1;
	(xrf1) =	vsort.dscd.msk.f32 $0xffff, v3, v3  }
0x2fb: {  	(xrf1) =	vsort.ascd.msk.f32 $0xffff, v1, v1;
	_ =	sdelay $0x9  }
0x2fc: {  	v31 =	vld [tilespmem:$0x1FE80];
	_ =	sdelay $0x1  }
0x2fd: {  	v3, _, _ =	vpop (xrf1)  }
0x2fe: {  	v62, _, _ =	vpop (xrf1)  }
0x2ff: {  	v1, _, _ =	vpop (xrf1)  }
0x300: {  	v63 =	vmul.f32 v26, v2;
	v1 =	vmin.f32 v31, v1  }
0x301: {  	(xrf1) =	vsort.dscd.msk.f32 $0xffff, v1, v1  }
0x302: {  	(xrf1) =	vsort.ascd.msk.f32 $0xffff, v63, v63;
	_ =	sdelay $0xc  }
0x303: {  	v5, _, _ =	vpop (xrf1)  }
0x304: {  	v4, _, _ =	vpop (xrf1)  }
0x305: {  	v7 =	vmax.f32 v57, v4  }
0x306: {  	v28 =	vmin.f32 v57, v4;
	(xrf1) =	vsort.dscd.msk.f32 $0xffff, v7, v7  }
0x307: {  	(xrf1) =	vsort.ascd.msk.f32 $0xffff, v28, v28;
	_ =	sdelay $0xc  }
0x308: {  	v57, _, _ =	vpop (xrf1)  }
0x309: {  	v26, _, _ =	vpop (xrf1)  }
0x30a: {  	v24 =	vmax.f32 v24, v26  }
0x30b: {  	v31 =	vmin.f32 v55, v4;
	(xrf1) =	vsort.dscd.msk.f32 $0xffff, v24, v24  }
0x30c: {  	v4 =	vmax.f32 v55, v4;
	(xrf1) =	vsort.dscd.msk.f32 $0xffff, v31, v31  }
0x30d: {  	(xrf1) =	vsort.ascd.msk.f32 $0xffff, v4, v4;
	_ =	sdelay $0xb  }
0x30e: {  	v55, _, _ =	vpop (xrf1)  }
0x30f: {  	v24, _, _ =	vpop (xrf1)  }
0x310: {  	v4, _, _ =	vpop (xrf1)  }
0x311: {  	v61 =	vmul.f32 v61, v2;
	v4 =	vmin.f32 v53, v4  }
0x312: {  	(xrf1) =	vsort.dscd.msk.f32 $0xffff, v4, v4  }
0x313: {  	(xrf1) =	vsort.ascd.msk.f32 $0xffff, v61, v61;
	_ =	sdelay $0xc  }
0x314: {  	v31, _, _ =	vpop (xrf1)  }
0x315: {  	v63, _, _ =	vpop (xrf1)  }
0x316: {  	v7 =	vmax.f32 v56, v63  }
0x317: {  	v28 =	vmin.f32 v56, v63;
	(xrf1) =	vsort.dscd.msk.f32 $0xffff, v7, v7  }
0x318: {  	(xrf1) =	vsort.ascd.msk.f32 $0xffff, v28, v28;
	_ =	sdelay $0xc  }
0x319: {  	v26, _, _ =	vpop (xrf1)  }
0x31a: {  	v53, _, _ =	vpop (xrf1)  }
0x31b: {  	v28 =	vmax.f32 v48, v53  }
0x31c: {  	v56 =	vmin.f32 v52, v63;
	(xrf1) =	vsort.dscd.msk.f32 $0xffff, v28, v28  }
0x31d: {  	v4 =	vmax.f32 v52, v63;
	(xrf1) =	vsort.dscd.msk.f32 $0xffff, v56, v56  }
0x31e: {  	(xrf1) =	vsort.ascd.msk.f32 $0xffff, v4, v4;
	_ =	sdelay $0x9  }
0x31f: {  	v1 =	vld [tilespmem:$0x1FE30];
	_ =	sdelay $0x1  }
0x320: {  	v53, _, _ =	vpop (xrf1)  }
0x321: {  	v28, _, _ =	vpop (xrf1)  }
0x322: {  	v4, _, _ =	vpop (xrf1)  }
0x323: {  	v61 =	vmul.f32 v60, v2;
	v4 =	vmin.f32 v1, v4  }
0x324: {  	(xrf1) =	vsort.dscd.msk.f32 $0xffff, v4, v4  }
0x325: {  	(xrf1) =	vsort.ascd.msk.f32 $0xffff, v61, v61;
	_ =	sdelay $0xc  }
0x326: {  	v52, _, _ =	vpop (xrf1)  }
0x327: {  	v63, _, _ =	vpop (xrf1)  }
0x328: {  	v56 =	vmax.f32 v49, v63  }
0x329: {  	v60 =	vmin.f32 v49, v63;
	(xrf1) =	vsort.dscd.msk.f32 $0xffff, v56, v56  }
0x32a: {  	(xrf1) =	vsort.ascd.msk.f32 $0xffff, v60, v60;
	_ =	sdelay $0x9  }
0x32b: {  	v1 =	vld [tilespmem:$0x1FDF0];
	_ =	sdelay $0x2  }
0x32c: {  	v49, _, _ =	vpop (xrf1)  }
0x32d: {  	v48, _, _ =	vpop (xrf1)  }
0x32e: {  	v48 =	vmax.f32 v1, v48  }
0x32f: {  	v61 =	vmin.f32 v50, v63;
	(xrf1) =	vsort.dscd.msk.f32 $0xffff, v48, v48  }
0x330: {  	v4 =	vmax.f32 v50, v63;
	(xrf1) =	vsort.dscd.msk.f32 $0xffff, v61, v61  }
0x331: {  	(xrf1) =	vsort.ascd.msk.f32 $0xffff, v4, v4;
	_ =	sdelay $0x9  }
0x332: {  	v1 =	vld [tilespmem:$0x1FE00];
	_ =	sdelay $0x1  }
0x333: {  	v60, _, _ =	vpop (xrf1)  }
0x334: {  	v48, _, _ =	vpop (xrf1)  }
0x335: {  	v4, _, _ =	vpop (xrf1)  }
0x336: {  	v4 =	vmin.f32 v1, v4;
	v1 =	vld [tilespmem:$0x1FE40];
	_ =	sdelay $0x4  }
0x337: {  	v63 =	vmul.f32 v1, v2  }
0x338: {  	(xrf1) =	vsort.dscd.msk.f32 $0xffff, v4, v4  }
0x339: {  	(xrf1) =	vsort.ascd.msk.f32 $0xffff, v63, v63;
	_ =	sdelay $0xc  }
0x33a: {  	v56, _, _ =	vpop (xrf1)  }
0x33b: {  	v4, _, _ =	vpop (xrf1)  }
0x33c: {  	v7 =	vmax.f32 v44, v4  }
0x33d: {  	v61 =	vmin.f32 v44, v4;
	(xrf1) =	vsort.dscd.msk.f32 $0xffff, v7, v7  }
0x33e: {  	(xrf1) =	vsort.ascd.msk.f32 $0xffff, v61, v61;
	_ =	sdelay $0x9  }
0x33f: {  	v1 =	vld [tilespmem:$0x1FE20];
	_ =	sdelay $0x2  }
0x340: {  	v50, _, _ =	vpop (xrf1)  }
0x341: {  	v44, _, _ =	vpop (xrf1)  }
0x342: {  	v44 =	vmax.f32 v1, v44  }
0x343: {  	v63 =	vmin.f32 v46, v4;
	(xrf1) =	vsort.dscd.msk.f32 $0xffff, v44, v44  }
0x344: {  	v4 =	vmax.f32 v46, v4;
	(xrf1) =	vsort.dscd.msk.f32 $0xffff, v63, v63  }
0x345: {  	(xrf1) =	vsort.ascd.msk.f32 $0xffff, v4, v4;
	_ =	sdelay $0x6  }
0x346: {  	s0 =	smul.u32 $0x310, s25;
	_ =	sdelay $0x1  }
0x347: {  	s0 =	sand.u32 $0x1FF80, s0;
	v1 =	vld [tilespmem:$0x1FE10]  }
0x348: {  	v4 =	vld [tilespmem:s0+$0x3440];
	_ =	sdelay $0x1  }
0x349: {  	v61, _, _ =	vpop (xrf1)  }
0x34a: {  	v44, _, _ =	vpop (xrf1)  }
0x34b: {  	v7, _, _ =	vpop (xrf1)  }
0x34c: {  	v4 =	vmul.f32 v4, v2;
	v46 =	vmin.f32 v1, v7  }
0x34d: {  	(xrf1) =	vsort.dscd.msk.f32 $0xffff, v46, v46  }
0x34e: {  	(xrf1) =	vsort.ascd.msk.f32 $0xffff, v4, v4;
	_ =	sdelay $0xc  }
0x34f: {  	v46, _, _ =	vpop (xrf1)  }
0x350: {  	v4, _, _ =	vpop (xrf1)  }
0x351: {  	v63 =	vmax.f32 v39, v4  }
0x352: {  	(xrf1) =	vsort.dscd.msk.f32 $0xffff, v63, v63;
	v63 =	vmin.f32 v39, v4  }
0x353: {  	(xrf1) =	vsort.ascd.msk.f32 $0xffff, v63, v63;
	_ =	sdelay $0xc  }
0x354: {  	v39, _, _ =	vpop (xrf1)  }
0x355: {  	v7, _, _ =	vpop (xrf1)  }
0x356: {  	v7 =	vmax.f32 v37, v7  }
0x357: {  	v37 =	vmin.f32 v35, v4;
	(xrf1) =	vsort.dscd.msk.f32 $0xffff, v7, v7  }
0x358: {  	v4 =	vmax.f32 v35, v4;
	(xrf1) =	vsort.dscd.msk.f32 $0xffff, v37, v37  }
0x359: {  	(xrf1) =	vsort.ascd.msk.f32 $0xffff, v4, v4;
	_ =	sdelay $0x9  }
0x35a: {  	v4 =	vld [tilespmem:s24+$0x5BD0];
	_ =	sdelay $0x1  }
0x35b: {  	v37, _, _ =	vpop (xrf1)  }
0x35c: {  	v35, _, _ =	vpop (xrf1)  }
0x35d: {  	v63, _, _ =	vpop (xrf1)  }
0x35e: {  	v4 =	vmul.f32 v4, v2;
	v7 =	vmin.f32 v30, v63  }
0x35f: {  	(xrf1) =	vsort.dscd.msk.f32 $0xffff, v7, v7  }
0x360: {  	(xrf1) =	vsort.ascd.msk.f32 $0xffff, v4, v4;
	_ =	sdelay $0xc  }
0x361: {  	v30, _, _ =	vpop (xrf1)  }
0x362: {  	v4, _, _ =	vpop (xrf1)  }
0x363: {  	v63 =	vmax.f32 v25, v4  }
0x364: {  	(xrf1) =	vsort.dscd.msk.f32 $0xffff, v63, v63;
	v63 =	vmin.f32 v25, v4  }
0x365: {  	(xrf1) =	vsort.ascd.msk.f32 $0xffff, v63, v63;
	_ =	sdelay $0xc  }
0x366: {  	v25, _, _ =	vpop (xrf1)  }
0x367: {  	v7, _, _ =	vpop (xrf1)  }
0x368: {  	v7 =	vmax.f32 v20, v7  }
0x369: {  	v20 =	vmin.f32 v14, v4;
	(xrf1) =	vsort.dscd.msk.f32 $0xffff, v7, v7  }
0x36a: {  	v4 =	vmax.f32 v14, v4;
	(xrf1) =	vsort.dscd.msk.f32 $0xffff, v20, v20  }
0x36b: {  	(xrf1) =	vsort.ascd.msk.f32 $0xffff, v4, v4;
	_ =	sdelay $0x8  }
0x36c: {  	v1 =	vld [tilespmem:$0x1FD90]  }
0x36d: {  	v7 =	vld [tilespmem:s24+$0x5EE0];
	_ =	sdelay $0x1  }
0x36e: {  	v4, _, _ =	vpop (xrf1)  }
0x36f: {  	v14, _, _ =	vpop (xrf1)  }
0x370: {  	v63, _, _ =	vpop (xrf1)  }
0x371: {  	v7 =	vmul.f32 v7, v2;
	v20 =	vmin.f32 v1, v63  }
0x372: {  	(xrf1) =	vsort.dscd.msk.f32 $0xffff, v20, v20  }
0x373: {  	(xrf1) =	vsort.ascd.msk.f32 $0xffff, v7, v7;
	_ =	sdelay $0xc  }
0x374: {  	v20, _, _ =	vpop (xrf1)  }
0x375: {  	v1, _, _ =	vpop (xrf1)  }
0x376: {  	v63 =	vmax.f32 v13, v1  }
0x377: {  	v13 =	vmin.f32 v13, v1;
	(xrf1) =	vsort.dscd.msk.f32 $0xffff, v63, v63  }
0x378: {  	(xrf1) =	vsort.ascd.msk.f32 $0xffff, v13, v13;
	_ =	sdelay $0x9  }
0x379: {  	v63 =	vld [tilespmem:$0x1FDA0];
	_ =	sdelay $0x2  }
0x37a: {  	v7, _, _ =	vpop (xrf1)  }
0x37b: {  	v13, _, _ =	vpop (xrf1)  }
0x37c: {  	v13 =	vmax.f32 v63, v13  }
0x37d: {  	v63 =	vmin.f32 v8, v1;
	(xrf1) =	vsort.dscd.msk.f32 $0xffff, v13, v13  }
0x37e: {  	v1 =	vmax.f32 v8, v1;
	(xrf1) =	vsort.dscd.msk.f32 $0xffff, v63, v63  }
0x37f: {  	(xrf1) =	vsort.ascd.msk.f32 $0xffff, v1, v1;
	_ =	sdelay $0x2  }
0x380: {  	v13 =	vld [tilespmem:$0x1FDB0];
	_ =	sdelay $0x3  }
0x381: {  	vm0 =	vmmov $0xf  }
0x382: {  	v18 =	vnsel vm0, $0x0, v18;
	(xrf2) =	vadd.scan.msk.f32 $0xffff, v13  }
0x383: {  	v1 =	vld [tilespmem:s24+$0x61F0];
	(xrf2) =	vadd.scan.msk.f32 $0xffff, v18  }
0x384: {  	(xrf2) =	vadd.scan.msk.f32 $0xffff, v22;
	v22 =	vld [tilespmem:$0x1FDC0];
	_ =	sdelay $0x1  }
0x385: {  	v13, _, _ =	vpop (xrf1)  }
0x386: {  	v8, _, _ =	vpop (xrf1)  }
0x387: {  	v18 =	vsel vm15, $0x0, v21;
	v63, _, _ =	vpop (xrf1)  }
0x388: {  	v1 =	vmul.f32 v1, v2;
	(xrf2) =	vadd.scan.msk.f32 $0xffff, v18;
	v18 =	vmin.f32 v22, v63  }
0x389: {  	(xrf1) =	vsort.dscd.msk.f32 $0xffff, v18, v18  }
0x38a: {  	(xrf1) =	vsort.ascd.msk.f32 $0xffff, v1, v1  }
0x38b: {  	(xrf2) =	vadd.scan.msk.f32 $0xffff, v17;
	v1 =	vnsel vm0, $0x0, v19  }
0x38c: {  	(xrf2) =	vadd.scan.msk.f32 $0xffff, v1  }
0x38d: {  	v1 =	vsel vm15, $0x0, v23;
	(xrf2) =	vadd.scan.msk.f32 $0xffff, v16  }
0x38e: {  	(xrf2) =	vadd.scan.msk.f32 $0xffff, v1;
	v1 =	vnsel vm0, $0x0, v27  }
0x38f: {  	(xrf2) =	vadd.scan.msk.f32 $0xffff, v15  }
0x390: {  	(xrf2) =	vadd.scan.msk.f32 $0xffff, v1  }
0x391: {  	v2 =	vsel vm15, $0x0, v29;
	v1, _, _ =	vpop (xrf2);
	(xrf2) =	vadd.scan.msk.f32 $0xffff, v11  }
0x392: {  	v11, _, _ =	vpop (xrf2);
	(xrf2) =	vadd.scan.msk.f32 $0xffff, v2  }
0x393: {  	v2 =	vnsel vm0, $0x0, v33;
	v15, _, _ =	vpop (xrf2);
	(xrf2) =	vadd.scan.msk.f32 $0xffff, v10  }
0x394: {  	v10, _, _ =	vpop (xrf2);
	(xrf2) =	vadd.scan.msk.f32 $0xffff, v2;
	v2 =	vsel vm15, $0x0, v42  }
0x395: {  	v16, _, _ =	vpop (xrf2)  }
0x396: {  	(xrf2) =	vadd.scan.msk.f32 $0xffff, v9;
	v9, _, _ =	vpop (xrf2)  }
0x397: {  	(xrf2) =	vadd.scan.msk.f32 $0xffff, v2;
	v2, _, _ =	vpop (xrf1)  }
0x398: {  	v18, _, _ =	vpop (xrf1)  }
0x399: {  	(xrf2) =	vadd.scan.msk.f32 $0xffff, v38;
	v38 =	vnsel vm0, $0x0, v40;
	v40 =	vmax.f32 v6, v18;
	v6 =	vmin.f32 v6, v18  }
0x39a: {  	(xrf2) =	vadd.scan.msk.f32 $0xffff, v38  }
0x39b: {  	v42, _, _ =	vpop (xrf2);
	(xrf1) =	vsort.dscd.msk.f32 $0xffff, v40, v40  }
0x39c: {  	(v2sf) =	vpush v1, $0xF;
	(xrf1) =	vsort.ascd.msk.f32 $0xffff, v6, v6;
	v6, _, _ =	vpop (xrf2)  }
0x39d: {  	v27 =	vsel vm15, $0x0, v41;
	(v2sf) =	vpush v11, $0xF;
	(xrf2) =	vadd.scan.msk.f32 $0xffff, v36;
	v63, _, _ =	vpop (xrf2)  }
0x39e: {  	(v2sf) =	vpush v15, $0xF;
	(xrf2) =	vadd.scan.msk.f32 $0xffff, v27;
	v1, _, _ =	vpop (xrf2)  }
0x39f: {  	(v2sf) =	vpush v10, $0xF;
	v29, _, _ =	vpop (xrf2)  }
0x3a0: {  	(v2sf) =	vpush v16, $0xF;
	(xrf2) =	vadd.scan.msk.f32 $0xffff, v34;
	v34 =	vnsel vm0, $0x0, v43;
	v33, _, _ =	vpop (xrf2)  }
0x3a1: {  	(v2sf) =	vpush v9, $0xF;
	(xrf2) =	vadd.scan.msk.f32 $0xffff, v34;
	v36, _, _ =	vpop (xrf2)  }
0x3a2: {  	(v2sf) =	vpush v42, $0xF;
	v40 =	vsel vm15, $0x0, v45;
	(xrf2) =	vadd.scan.msk.f32 $0xffff, v32;
	v38, _, _ =	vpop (xrf2)  }
0x3a3: {  	(v2sf) =	vpush v6, $0xF;
	(xrf2) =	vadd.scan.msk.f32 $0xffff, v40;
	v41, _, _ =	vpop (xrf2)  }
0x3a4: {  	v43 =	vnsel vm0, $0x0, v54;
	(v2sf) =	vpush v63, $0xF;
	(xrf2) =	vadd.scan.msk.f32 $0xffff, v47;
	v42, _, _ =	vpop (xrf2)  }
0x3a5: {  	(v2sf) =	vpush v1, $0xF;
	(xrf2) =	vadd.scan.msk.f32 $0xffff, v43;
	v45, _, _ =	vpop (xrf2)  }
0x3a6: {  	v3 =	vnsel vm0, $0x0, v3;
	(v2sf) =	vpush v29, $0xF;
	(xrf2) =	vadd.scan.msk.f32 $0xffff, v51;
	v51 =	vsel vm15, $0x0, v58;
	v47, _, _ =	vpop (xrf2)  }
0x3a7: {  	(v2sf) =	vpush v33, $0xF;
	(xrf2) =	vadd.scan.msk.f32 $0xffff, v51;
	v1, _, _ =	vpop (xrf2)  }
0x3a8: {  	(v2sf) =	vpush v36, $0xF;
	(xrf2) =	vadd.scan.msk.f32 $0xffff, v59;
	v54, _, _ =	vpop (xrf2)  }
0x3a9: {  	(v2sf) =	vpush v38, $0xF;
	v59 =	vld [tilespmem:$0x1FDD0];
	(xrf2) =	vadd.scan.msk.f32 $0xffff, v3;
	v3, _, _ =	vpop (xrf1)  }
0x3aa: {  	v5 =	vsel vm15, $0x0, v5;
	(v2sf) =	vpush v41, $0xF;
	v58, _, _ =	vpop (xrf1)  }
0x3ab: {  	v63 =	vmax.f32 v12, v18;
	(v2sf) =	vpush v42, $0xF;
	(xrf2) =	vadd.scan.msk.f32 $0xffff, v62;
	v62 =	vmin.f32 v12, v18;
	v12, _, _ =	vpop (xrf2)  }
0x3ac: {  	(v2sf) =	vpush v45, $0xF;
	(xrf2) =	vadd.scan.msk.f32 $0xffff, v5;
	v15, _, _ =	vpop (xrf2)  }
0x3ad: {  	(v2sf) =	vpush v47, $0xF;
	v18 =	vnsel vm0, $0x0, v55;
	(xrf2) =	vadd.scan.msk.f32 $0xffff, v57;
	v16, _, _ =	vpop (xrf2)  }
0x3ae: {  	s25 =	spop (v2sf);
	(v2sf) =	vpush v1, $0xF;
	v5 =	vmax.f32 v59, v58;
	v1, _, _ =	vpop (xrf2);
	(xrf2) =	vadd.scan.msk.f32 $0xffff, v18  }
0x3af: {  	s31 =	spop (v2sf);
	(xrf1) =	vsort.dscd.msk.f32 $0xffff, v5, v5  }
0x3b0: {  	s20 =	spop (v2sf);
	(xrf2) =	vadd.scan.msk.f32 $0xffff, v24  }
0x3b1: {  	v22 =	vsel vm15, $0x0, v31;
	s8 =	spop (v2sf);
	(v2sf) =	vpush v54, $0xF;
	(xrf1) =	vsort.dscd.msk.f32 $0xffff, v62, v62  }
0x3b2: {  	s28 =	spop (v2sf);
	(v2sf) =	vpush v12, $0xF;
	v17, _, _ =	vpop (xrf2);
	(xrf2) =	vadd.scan.msk.f32 $0xffff, v22  }
0x3b3: {  	s5 =	spop (v2sf);
	(v2sf) =	vpush v15, $0xF;
	v19, _, _ =	vpop (xrf2);
	(xrf1) =	vsort.ascd.msk.f32 $0xffff, v63, v63  }
0x3b4: {  	s4 =	spop (v2sf);
	(v2sf) =	vpush v16, $0xF;
	v21, _, _ =	vpop (xrf2);
	(xrf2) =	vadd.scan.msk.f32 $0xffff, v26  }
0x3b5: {  	s15 =	spop (v2sf);
	(v2sf) =	vpush v1, $0xF;
	v23, _, _ =	vpop (xrf2)  }
0x3b6: {  	s26 =	spop (v2sf);
	v24 =	vnsel vm0, $0x0, v53;
	(v2sf) =	vpush v17, $0xF;
	v1, _, _ =	vpop (xrf2)  }
0x3b7: {  	s1 =	spop (v2sf);
	(v2sf) =	vpush v19, $0xF;
	(xrf2) =	vadd.scan.msk.f32 $0xffff, v24;
	v26, _, _ =	vpop (xrf2)  }
0x3b8: {  	s29 =	spop (v2sf);
	(v2sf) =	vpush v21, $0xF;
	(xrf2) =	vadd.scan.msk.f32 $0xffff, v28;
	v28 =	vsel vm15, $0x0, v52;
	v27, _, _ =	vpop (xrf2)  }
0x3b9: {  	s6 =	spop (v2sf);
	(v2sf) =	vpush v23, $0xF;
	(xrf2) =	vadd.scan.msk.f32 $0xffff, v28;
	v29, _, _ =	vpop (xrf2)  }
0x3ba: {  	v32 =	vnsel vm0, $0x0, v60;
	s9 =	spop (v2sf);
	(v2sf) =	vpush v1, $0xF;
	(xrf2) =	vadd.scan.msk.f32 $0xffff, v49;
	v31, _, _ =	vpop (xrf2)  }
0x3bb: {  	s10 =	spop (v2sf);
	(v2sf) =	vpush v26, $0xF;
	(xrf2) =	vadd.scan.msk.f32 $0xffff, v32;
	v40, _, _ =	vpop (xrf2)  }
0x3bc: {  	v33 =	vsel vm15, $0x0, v56;
	s2 =	spop (v2sf);
	(v2sf) =	vpush v27, $0xF;
	(xrf2) =	vadd.scan.msk.f32 $0xffff, v48;
	v41, _, _ =	vpop (xrf2)  }
0x3bd: {  	v38 =	vld [tilespmem:$0x1FDE0];
	s14 =	spop (v2sf);
	(v2sf) =	vpush v29, $0xF;
	(xrf2) =	vadd.scan.msk.f32 $0xffff, v33;
	v43, _, _ =	vpop (xrf2)  }
0x3be: {  	v42 =	vnsel vm0, $0x0, v61;
	s30 =	spop (v2sf);
	(v2sf) =	vpush v31, $0xF;
	(xrf2) =	vadd.scan.msk.f32 $0xffff, v50;
	v45, _, _ =	vpop (xrf2)  }
0x3bf: {  	s0 =	spop (v2sf);
	(v2sf) =	vpush v40, $0xF;
	(xrf2) =	vadd.scan.msk.f32 $0xffff, v42;
	v1, _, _ =	vpop (xrf1)  }
0x3c0: {  	v46 =	vsel vm15, $0x0, v46;
	s3 =	spop (v2sf);
	(v2sf) =	vpush v41, $0xF;
	(xrf2) =	vadd.scan.msk.f32 $0xffff, v44;
	v34, _, _ =	vpop (xrf1)  }
0x3c1: {  	s24 =	sadd.f32 s31, s25;
	s7 =	spop (v2sf);
	(v2sf) =	vpush v43, $0xF;
	(xrf2) =	vadd.scan.msk.f32 $0xffff, v46;
	v36, _, _ =	vpop (xrf1)  }
0x3c2: {  	s25 =	sadd.f32 s8, s20;
	s12 =	spop (v2sf);
	(v2sf) =	vpush v45, $0xF;
	v47, _, _ =	vpop (xrf2);
	(xrf2) =	vadd.scan.msk.f32 $0xffff, v39;
	v5 =	vmin.f32 v38, v36  }
0x3c3: {  	s28 =	sadd.f32 s5, s28;
	v50 =	vnsel vm0, $0x0, v37;
	s11 =	spop (v2sf);
	v48, _, _ =	vpop (xrf2);
	(v2sf) =	vpush v47, $0xF;
	(xrf1) =	vsort.dscd.msk.f32 $0xffff, v5, v5  }
0x3c4: {  	s20 =	sadd.f32 s15, s4;
	s23 =	spop (v2sf);
	v49, _, _ =	vpop (xrf2);
	(v2sf) =	vpush v48, $0xF;
	(xrf2) =	vadd.scan.msk.f32 $0xffff, v50  }
0x3c5: {  	s24 =	sadd.f32 s25, s24;
	v53 =	vsel vm15, $0x0, v30;
	s17 =	spop (v2sf);
	v51, _, _ =	vpop (xrf2);
	(v2sf) =	vpush v49, $0xF;
	(xrf2) =	vadd.scan.msk.f32 $0xffff, v35  }
0x3c6: {  	s25 =	sadd.f32 s20, s28;
	s13 =	spop (v2sf);
	v52, _, _ =	vpop (xrf2);
	(v2sf) =	vpush v51, $0xF;
	(xrf2) =	vadd.scan.msk.f32 $0xffff, v53  }
0x3c7: {  	v4 =	vnsel vm0, $0x0, v4;
	s1 =	sadd.f32 s1, s26;
	s31 =	spop (v2sf);
	v54, _, _ =	vpop (xrf2);
	(v2sf) =	vpush v52, $0xF;
	(xrf2) =	vadd.scan.msk.f32 $0xffff, v25  }
0x3c8: {  	s20 =	sadd.f32 s6, s29;
	s8 =	spop (v2sf);
	v55, _, _ =	vpop (xrf2);
	(v2sf) =	vpush v54, $0xF;
	(xrf2) =	vadd.scan.msk.f32 $0xffff, v4  }
0x3c9: {  	v58 =	vsel vm15, $0x0, v20;
	s29 =	sadd.f32 s10, s9;
	s5 =	spop (v2sf);
	v56, _, _ =	vpop (xrf2);
	(v2sf) =	vpush v55, $0xF;
	(xrf2) =	vadd.scan.msk.f32 $0xffff, v14  }
0x3ca: {  	s1 =	sadd.f32 s20, s1;
	s4 =	spop (v2sf);
	v57, _, _ =	vpop (xrf2);
	(v2sf) =	vpush v56, $0xF;
	(xrf2) =	vadd.scan.msk.f32 $0xffff, v58  }
0x3cb: {  	v2 =	vsel vm15, $0x0, v2;
	v61 =	vnsel vm0, $0x0, v13;
	s2 =	sadd.f32 s14, s2;
	s15 =	spop (v2sf);
	v59, _, _ =	vpop (xrf2);
	(v2sf) =	vpush v57, $0xF;
	(xrf2) =	vadd.scan.msk.f32 $0xffff, v7  }
0x3cc: {  	s1 =	ssub.f32 $0.0e+00, s1;
	s28 =	spop (v2sf);
	v60, _, _ =	vpop (xrf2);
	(v2sf) =	vpush v59, $0xF;
	(xrf2) =	vadd.scan.msk.f32 $0xffff, v61  }
0x3cd: {  	s2 =	sadd.f32 s2, s29;
	v1 =	vnsel vm0, $0x0, v1;
	s26 =	spop (v2sf);
	(v2sf) =	vpush v60, $0xF;
	(xrf2) =	vadd.scan.msk.f32 $0xffff, v8;
	v63, _, _ =	vpop (xrf2)  }
0x3ce: {  	s0 =	sadd.f32 s0, s30;
	s6 =	spop (v2sf);
	(v2sf) =	vpush v63, $0xF;
	(xrf2) =	vadd.scan.msk.f32 $0xffff, v2;
	v2, _, _ =	vpop (xrf2)  }
0x3cf: {  	s3 =	sadd.f32 s7, s3;
	s9 =	spop (v2sf);
	(v2sf) =	vpush v2, $0xF;
	(xrf2) =	vadd.scan.msk.f32 $0xffff, v3;
	v2, _, _ =	vpop (xrf2)  }
0x3d0: {  	s2 =	ssub.f32 $0.0e+00, s2;
	s10 =	spop (v2sf);
	(xrf2) =	vadd.scan.msk.f32 $0xffff, v1;
	v1, _, _ =	vpop (xrf2)  }
0x3d1: {  	s11 =	sadd.f32 s11, s12;
	s14 =	spop (v2sf);
	(v2sf) =	vpush v2, $0xF;
	v62, _, _ =	vpop (xrf1)  }
0x3d2: {  	s0 =	sadd.f32 s3, s0;
	s20 =	spop (v2sf);
	(v2sf) =	vpush v1, $0xF;
	(xrf2) =	vadd.scan.msk.f32 $0xffff, v34;
	v1, _, _ =	vpop (xrf2);
	v2 =	vsel vm15, $0x0, v62  }
0x3d3: {  	s17 =	sadd.f32 s17, s23;
	(v2sf) =	vpush v1, $0xF;
	v1, _, _ =	vpop (xrf2);
	s29 =	spop (v2sf);
	(xrf2) =	vadd.scan.msk.f32 $0xffff, v2  }
0x3d4: {  	s0 =	ssub.f32 $0.0e+00, s0;
	(v2sf) =	vpush v1, $0xF;
	v1, _, _ =	vpop (xrf2);
	s7 =	spop (v2sf)  }
0x3d5: {  	s3 =	sadd.f32 s17, s11;
	(v2sf) =	vpush v1, $0xF;
	v1, _, _ =	vpop (xrf2);
	s12 =	spop (v2sf)  }
0x3d6: {  	s13 =	sadd.f32 s31, s13;
	(v2sf) =	vpush v1, $0xF;
	v1, _, _ =	vpop (xrf2);
	s23 =	spop (v2sf)  }
0x3d7: {  	s5 =	sadd.f32 s5, s8;
	(v2sf) =	vpush v1, $0xF;
	v1, _, _ =	vpop (xrf2);
	s30 =	spop (v2sf)  }
0x3d8: {  	s3 =	ssub.f32 $0.0e+00, s3;
	(v2sf) =	vpush v1, $0xF;
	v1, _, _ =	vpop (xrf2);
	s11 =	spop (v2sf)  }
0x3d9: {  	s4 =	sadd.f32 s15, s4;
	(v2sf) =	vpush v1, $0xF;
	v1, _, _ =	vpop (xrf2);
	s17 =	spop (v2sf)  }
0x3da: {  	s5 =	sadd.f32 s5, s13;
	(v2sf) =	vpush v1, $0xF;
	v1, _, _ =	vpop (xrf2);
	s8 =	spop (v2sf)  }
0x3db: {  	s26 =	sadd.f32 s26, s28;
	(v2sf) =	vpush v1, $0xF;
	v1, _, _ =	vpop (xrf2);
	s15 =	spop (v2sf)  }
0x3dc: {  	s5 =	ssub.f32 $0.0e+00, s5;
	(v2sf) =	vpush v1, $0xF;
	v1, _, _ =	vpop (xrf2);
	s28 =	spop (v2sf)  }
0x3dd: {  	s4 =	sadd.f32 s26, s4;
	s13 =	spop (v2sf);
	(v2sf) =	vpush v1, $0xF;
	v1, _, _ =	vpop (xrf2)  }
0x3de: {  	s6 =	sadd.f32 s9, s6;
	s26 =	spop (v2sf);
	(v2sf) =	vpush v1, $0xF  }
0x3df: {  	s10 =	sadd.f32 s14, s10;
	s31 =	spop (v2sf)  }
0x3e0: {  	s4 =	ssub.f32 $0.0e+00, s4;
	s14 =	spop (v2sf)  }
0x3e1: {  	s20 =	sadd.f32 s29, s20;
	s29 =	spop (v2sf)  }
0x3e2: {  	s7 =	sadd.f32 s12, s7;
	s12 =	spop (v2sf)  }
0x3e3: {  	s6 =	sadd.f32 s10, s6;
	s10 =	spop (v2sf)  }
0x3e4: {  	s7 =	sadd.f32 s7, s20;
	s20 =	spop (v2sf)  }
0x3e5: {  	s23 =	sadd.f32 s30, s23;
	s30 =	spop (v2sf)  }
0x3e6: {  	s11 =	sadd.f32 s17, s11;
	s17 =	spop (v2sf)  }
0x3e7: {  	s8 =	sadd.f32 s15, s8;
	s15 =	spop (v2sf)  }
0x3e8: {  	s13 =	sadd.f32 s13, s28;
	s28 =	spop (v2sf)  }
0x3e9: {  	s11 =	sadd.f32 s11, s23;
	s23 =	spop (v2sf)  }
0x3ea: {  	s8 =	sadd.f32 s13, s8;
	s13 =	spop (v2sf)  }
0x3eb: {  	s9 =	sadd.f32 s31, s26;
	s31 =	spop (v2sf)  }
0x3ec: {  	s14 =	sadd.f32 s29, s14;
	s29 =	spop (v2sf)  }
0x3ed: {  	s13 =	sadd.f32 s31, s13;
	s31 =	spop (v2sf)  }
0x3ee: {  	s26 =	sadd.f32 s31, s29  }
0x3ef: {  	s6 =	ssub.f32 $0.0e+00, s6  }
0x3f0: {  	s13 =	sadd.f32 s26, s13  }
0x3f1: {  	s7 =	ssub.f32 $0.0e+00, s7  }
0x3f2: {  	s13 =	ssub.f32 $0.0e+00, s13  }
0x3f3: {  	s29 =	ssub.f32 $0.0e+00, s24  }
0x3f4: {  	vm0 =	vcmask $0x300;
	s31 =	ssub.f32 $0.0e+00, s25;
	v1 =	vmov s13  }
0x3f5: {  	s11 =	ssub.f32 $0.0e+00, s11;
	v1 =	vsel vm0, s29, v1  }
0x3f6: {  	s8 =	ssub.f32 $0.0e+00, s8;
	v1 =	vsel vm1, s31, v1  }
0x3f7: {  	s9 =	sadd.f32 s14, s9;
	v1 =	vsel vm2, s1, v1  }
0x3f8: {  	s14 =	sadd.f32 s10, s12;
	v1 =	vsel vm3, s2, v1  }
0x3f9: {  	s20 =	sadd.f32 s30, s20;
	v1 =	vsel vm4, s0, v1  }
0x3fa: {  	s24 =	sadd.f32 s15, s17;
	v1 =	vsel vm5, s3, v1  }
0x3fb: {  	s25 =	sadd.f32 s23, s28;
	v1 =	vsel vm6, s5, v1  }
0x3fc: {  	v2 =	vld [tilespmem:$0x1FFF0];
	s30 =	rddreg [dreg:$0xe];
	v1 =	vsel vm7, s4, v1  }
0x3fd: {  	s26 =	sadd.f32 s25, s24;
	v1 =	vsel vm8, s6, v1  }
0x3fe: {  	s22 =	sadd.s32 $0x1, s22;
	s0 =	sadd.f32 s20, s14;
	v1 =	vsel vm9, s7, v1  }
0x3ff: {  	p0 =	sne.s32 s22, $0x8;
	s13 =	ssub.f32 $0.0e+00, s9;
	v1 =	vsel vm10, s11, v1  }
.Ltmp4:
0x400: {  	s0 =	ssub.f32 $0.0e+00, s0;
	v1 =	vsel vm11, s8, v1;
	(pc) =	sbr.rel @p0 .LBB2_3-.Ltmp4, $4  }
0x401: {  	s28 =	ssub.f32 $0.0e+00, s26;
	v1 =	vsel vm12, s13, v1  }
0x402: {  	s21 =	sadd.s32 $0x3100, s21;
	s16 =	sadd.s32 $0x3100, s16;
	s29 =	rddreg [dreg:$0xc];
	v1 =	vsel vm13, s0, v1  }
0x403: {  	s18 =	sadd.s32 $0x3100, s18;
	s19 =	sadd.s32 $0x3100, s19;
	s31 =	rddreg [dreg:$0xd];
	v1 =	vsel vm14, s28, v1  }
0x404: {  	s3 =	rddreg [dreg:$0x8];
	s5 =	sadd.s32 $0x3100, s31;
	s4 =	sadd.s32 $0x3100, s29;
	[tilespmem:v2+s30+$0x0 ss:$0x1] =	vst.idx.msk $0xffff, v1  }
0x405: {  	s1 =	rddreg [dreg:$0xa]  }
0x406: {  	s1 =	sadd.s32 $0x1, s1  }
0x407: {  	p0 =	sne.s32 s1, $0x10  }
.Ltmp5:
0x408: {  	_ = 	snop;
	(pc) =	sbr.rel @p0 .LBB2_2-.Ltmp5, $3  }
0x409: {  	_ =	sdelay $0x1  }
0x40a: {  	s2 =	rddreg [dreg:$0x9]  }
0x40b: {  	s3 =	sadd.s32 $0x310, s3;
	s2 =	sadd.s32 $0x310, s2  }
0x40c: {  	s5 =	simm.s32 $0x0;
	s0 =	rddreg [dreg:$0x5];
	s1 =	simm.s32 $0x1B900  }
0x40d: {  	[hbm4b:s0+s5] =	stream.linear.scatter [tilespmem:s1], [sflag:$0x1], $0x800, $0x38;
	[tilespmem:$0x1C100] =	vst v63  }
0x40e: {  	s1 =	simm.s32 $0x1  }
0x40f: {  	_ =	swait.ge [sflag:s1], $0x800  }
0x410: {  	s2 =	rddreg [dreg:$0x7]  }
0x411: {  	s31 =	rddreg [dreg:$0x6];
	s2 =	sadd.s32 $0x1, s2  }
0x412: {  	p0 =	sne.s32 s2, s31  }
.Ltmp6:
0x413: {  	_ = 	snop;
	(pc) =	sbr.rel @p0 .LBB2_1-.Ltmp6, $3  }
0x414: {  	_ =	sdelay $0x1  }
0x415: {  	[sflag:s1] =	ssyncset.done $0x0  }
0x416: {  	[sflag:s1] =	ssyncadd.s32 $0xFFFFF800  }
0x417: {  	_ =	sfence.sel $0x180000  }
0x418: {  	[bflag:$0x0] =	sbarrier.arrive $0xFFFF  }
0x419: {  	_ =	strace $0x90000047  }
0x41a: {  	s0 =	stileid.u32;
	[bflag:$0x2] =	sbarrier.arrive $0xFFFF  }
0x41b: {  	p0 =	sne.s32 s0, $0x0;
	s0 =	rddreg [dreg:$0x2]  }
0x41c: {  	s0 =	sadd.s32 @!p0 $0x100000, s0  }
0x41d: {  	[sflag:s0] =	ssyncadd.tile.s32 @!p0 $0x1;
	_ =	shalt  }
.Lfunc_end2:
_tile_overlayer_lowered:
.L_overlay_start_2:
0x41e: {  	(tag) =	ssettag $0x2  }
0x41f: {  	s0 =	rddreg [dreg:$0x0];
	s2 =	stileid.u32  }
0x420: {  	s1 =	rddreg [dreg:$0x1];
	p0 =	sne.s32 s2, $0x0  }
0x421: {  	s3 =	rddreg [dreg:$0x2];
	[bflag:$0x3] =	sbarrier.arrive $0xFFFF;
	s2 =	simm.s32 @!p0 $0x1C01  }
0x422: {  	[timem:s3], [sflag:s2] =	dma.local @!p0 [hbm:s0], s1  }
0x423: {  	s0 =	simm.s32 @!p0 $0x1  }
0x424: {  	_ =	swait.ge @!p0 [sflag:s0], s1  }
0x425: {  	s1 =	ssub.s32 @!p0 $0x0, s1;
	[sflag:s0] =	ssyncset.done @!p0 $0x0  }
0x426: {  	[sflag:s0] =	ssyncadd.s32 @!p0 s1  }
0x427: {  	[bflag:$0x3] =	sbarrier.arrive $0xFFFF  }
0x428: {  	_ =	shalt  }

</sc_bundles>
